<compile_context>
chip_gen: v7x
topology: tpu7x:2x2x1
jax: 0.10.2.dev20260603
libtpu: 0.0.44.dev20260713+nightly
codegen_flags: <defaults>
</compile_context>

<pallas_src>
import functools

import jax
import jax.numpy as jnp
from jax import lax
from jax.experimental import pallas as pl
from jax.experimental.pallas import tpu as pltpu
from jax.experimental.pallas import tpu_sc as plsc

N = 10000
D = 128
QD = D // 4
E = 320000
L = 100000

NPAD = 10240
CHUNK = 128
NCHUNKS = 2560
EPAD = NCHUNKS * CHUNK
CPW = NCHUNKS // 32
ROWS_PT = NPAD // 16

LPAD = 102400
PPW = LPAD // 32
PPP = 640
DCH = 32
DPH = PPW // PPP
CPP = PPP // DCH

_MESH = plsc.VectorSubcoreMesh(core_axis_name="c", subcore_axis_name="s")
_f32 = jnp.float32
_i32 = jnp.int32


def _scatter_body(xa_hbm, xb_hbm, xc_hbm, xd_hbm, src_hbm, dst_hbm,
                  acca_out, accb_out, accc_out, accd_out, degr_out,
                  src_v, dst_v, bufA, bufB, acc_sp, semA, semB):
    c = lax.axis_index("c")
    s = lax.axis_index("s")
    w = s * 2 + c

    def fill_buf(buf, val):
        vec = jnp.full((16,), val, _f32)

        def frow(r, carry):
            for k in range(QD // 16):
                buf[r, pl.ds(k * 16, 16)] = vec
            return carry
        lax.fori_loop(0, CHUNK, frow, 0)

    pltpu.sync_copy(src_hbm.at[pl.ds(w * CPW, CPW)], src_v)
    pltpu.sync_copy(dst_hbm.at[pl.ds(w * CPW, CPW)], dst_v)

    for x_hbm, acc_out in ((xa_hbm, acca_out), (xb_hbm, accb_out),
                           (xc_hbm, accc_out), (xd_hbm, accd_out),
                           (None, degr_out)):
        is_deg = x_hbm is None
        fill_buf(bufA, 0.0)
        for t in range(ROWS_PT // CHUNK):
            r0 = s * ROWS_PT + t * CHUNK
            pltpu.sync_copy(bufA, acc_sp.at[pl.ds(r0, CHUNK)])
        if is_deg:
            fill_buf(bufA, 1.0)
        plsc.subcore_barrier()

        if is_deg:
            def deg_chunk(j, carry):
                pltpu.async_copy(bufA, acc_sp.at[dst_v.at[j]],
                                 add=True, sem=semB)
                return carry
            lax.fori_loop(0, CPW, deg_chunk, 0)

            def deg_drain(j, carry):
                pltpu.make_async_copy(bufA, acc_sp.at[pl.ds(0, CHUNK)],
                                      semB).wait()
                return carry
            lax.fori_loop(0, CPW, deg_drain, 0)
        else:
            pltpu.async_copy(x_hbm.at[src_v.at[0]], bufA, semA)

            def edge_pair(j, carry):
                pltpu.async_copy(x_hbm.at[src_v.at[2 * j + 1]], bufB, semB)
                pltpu.make_async_copy(x_hbm.at[pl.ds(0, CHUNK)], bufA,
                                      semA).wait()
                pltpu.sync_copy(bufA, acc_sp.at[dst_v.at[2 * j]], add=True)

                @pl.when(2 * j + 2 < CPW)
                def _():
                    pltpu.async_copy(x_hbm.at[src_v.at[2 * j + 2]], bufA,
                                     semA)
                pltpu.make_async_copy(x_hbm.at[pl.ds(0, CHUNK)], bufB,
                                      semB).wait()
                pltpu.sync_copy(bufB, acc_sp.at[dst_v.at[2 * j + 1]],
                                add=True)
                return carry
            lax.fori_loop(0, CPW // 2, edge_pair, 0)
        plsc.subcore_barrier()

        for t in range(ROWS_PT // CHUNK):
            r0 = s * ROWS_PT + t * CHUNK
            pltpu.sync_copy(acc_sp.at[pl.ds(r0, CHUNK)], bufA)
            pltpu.sync_copy(bufA, acc_out.at[c, pl.ds(r0, CHUNK)])


_sc_scatter = functools.partial(
    pl.kernel,
    out_type=tuple(jax.ShapeDtypeStruct((2, NPAD, QD), _f32)
                   for _ in range(5)),
    mesh=_MESH,
    scratch_types=[
        pltpu.VMEM((CPW, CHUNK), _i32),
        pltpu.VMEM((CPW, CHUNK), _i32),
        pltpu.VMEM((CHUNK, QD), _f32),
        pltpu.VMEM((CHUNK, QD), _f32),
        pltpu.VMEM_SHARED((NPAD, QD), _f32),
        pltpu.SemaphoreType.DMA,
        pltpu.SemaphoreType.DMA,
    ],
    compiler_params=pltpu.CompilerParams(use_tc_tiling_on_sc=False),
)(_scatter_body)


def _dense_body(x_ref, aggp_ref, deg_ref,
                ws_ref, wn_ref, b_ref, g_ref, be_ref, flag_ref, out_ref):
    x = x_ref[...]
    deg = deg_ref[:N, :]
    inv = 1.0 / jnp.maximum(deg, 1.0)
    agg = aggp_ref[0, :N, :] + aggp_ref[1, :N, :]
    h = (jnp.dot(x, ws_ref[...], preferred_element_type=_f32)
         + jnp.dot(agg * inv, wn_ref[...], preferred_element_type=_f32)
         + b_ref[...])
    mu = jnp.mean(h, axis=0, keepdims=True)
    var = jnp.mean((h - mu) * (h - mu), axis=0, keepdims=True)
    hn = (h - mu) * lax.rsqrt(var + 1e-5) * g_ref[...] + be_ref[...]
    hn = jnp.where(flag_ref[...] > 0.0, jnp.where(hn >= 0.0, hn, 0.01 * hn),
                   hn)
    out_ref[...] = hn


def _dense_layer(x, aggp, deg_col, ws, wn, b, g, be, flag):
    return pl.pallas_call(
        _dense_body,
        out_shape=jax.ShapeDtypeStruct((N, D), _f32),
        compiler_params=pltpu.CompilerParams(
            vmem_limit_bytes=128 * 1024 * 1024),
    )(x, aggp, deg_col, ws, wn, b, g, be, flag)


def _decoder_body(h_hbm, i0_hbm, i1_hbm, pred_hbm,
                  i0_v, i1_v, bufA0, bufB0, bufA1, bufB1, outv,
                  semA0, semB0, semA1, semB1):
    c = lax.axis_index("c")
    s = lax.axis_index("s")
    w = s * 2 + c

    def start(j, bufA, bufB, semA, semB):
        pltpu.async_copy(h_hbm.at[i0_v.at[pl.ds(j * DCH, DCH)]], bufA, semA)
        pltpu.async_copy(h_hbm.at[i1_v.at[pl.ds(j * DCH, DCH)]], bufB, semB)

    def finish(j, bufA, bufB, semA, semB):
        dummy = h_hbm.at[pl.ds(0, DCH)]
        pltpu.make_async_copy(dummy, bufA, semA).wait()
        pltpu.make_async_copy(dummy, bufB, semB).wait()

        def pair_dot(p, carry3):
            acc = bufA[p, pl.ds(0, 16)] * bufB[p, pl.ds(0, 16)]
            for k in range(1, D // 16):
                acc = acc + (bufA[p, pl.ds(k * 16, 16)]
                             * bufB[p, pl.ds(k * 16, 16)])
            outv[j * DCH + p, pl.ds(0, 16)] = acc
            return carry3
        lax.fori_loop(0, DCH, pair_dot, 0)

    def phase_body(ph, carry):
        base = w * PPW + ph * PPP
        pltpu.sync_copy(i0_hbm.at[pl.ds(base, PPP)], i0_v)
        pltpu.sync_copy(i1_hbm.at[pl.ds(base, PPP)], i1_v)
        start(0, bufA0, bufB0, semA0, semB0)

        def chunk_pair(j, carry2):
            start(2 * j + 1, bufA1, bufB1, semA1, semB1)
            finish(2 * j, bufA0, bufB0, semA0, semB0)

            @pl.when(2 * j + 2 < CPP)
            def _():
                start(2 * j + 2, bufA0, bufB0, semA0, semB0)
            finish(2 * j + 1, bufA1, bufB1, semA1, semB1)
            return carry2
        lax.fori_loop(0, CPP // 2, chunk_pair, 0)
        pltpu.sync_copy(outv, pred_hbm.at[pl.ds(base, PPP)])
        return carry
    lax.fori_loop(0, DPH, phase_body, 0)


_sc_decoder = functools.partial(
    pl.kernel,
    out_type=jax.ShapeDtypeStruct((LPAD, 16), _f32),
    mesh=_MESH,
    scratch_types=[
        pltpu.VMEM((PPP,), _i32),
        pltpu.VMEM((PPP,), _i32),
        pltpu.VMEM((DCH, D), _f32),
        pltpu.VMEM((DCH, D), _f32),
        pltpu.VMEM((DCH, D), _f32),
        pltpu.VMEM((DCH, D), _f32),
        pltpu.VMEM((PPP, 16), _f32),
        pltpu.SemaphoreType.DMA,
        pltpu.SemaphoreType.DMA,
        pltpu.SemaphoreType.DMA,
        pltpu.SemaphoreType.DMA,
    ],
)(_decoder_body)


def _final_reduce_body(p2_ref, sel_ref, out_ref):
    out_ref[...] = jnp.dot(p2_ref[...], sel_ref[...],
                           preferred_element_type=_f32)


def _final_reduce(p2, sel):
    return pl.pallas_call(
        _final_reduce_body,
        out_shape=jax.ShapeDtypeStruct((LPAD // 8, 8), _f32),
    )(p2.reshape(LPAD // 8, 128), sel)


def kernel(x, edge_index, edge_label_index,
           W1_self, W1_neigh, b1, gamma1, beta1,
           W2_self, W2_neigh, b2, gamma2, beta2):
    src_p = jnp.concatenate(
        [edge_index[0], jnp.zeros((EPAD - E,), _i32)]).reshape(NCHUNKS, CHUNK)
    dst_p = jnp.concatenate(
        [edge_index[1], jnp.full((EPAD - E,), N, _i32)]).reshape(NCHUNKS, CHUNK)
    i0_p = jnp.concatenate([edge_label_index[0], jnp.zeros((LPAD - L,), _i32)])
    i1_p = jnp.concatenate([edge_label_index[1], jnp.zeros((LPAD - L,), _i32)])

    w_self = jnp.stack([W1_self, W2_self])
    w_neigh = jnp.stack([W1_neigh, W2_neigh])
    bias = jnp.stack([b1.reshape(1, D), b2.reshape(1, D)])
    gamma = jnp.stack([gamma1.reshape(1, D), gamma2.reshape(1, D)])
    beta = jnp.stack([beta1.reshape(1, D), beta2.reshape(1, D)])
    lrelu_flag = jnp.array([[[1.0]], [[0.0]]], _f32)

    def layer(i, h):
        xq = [lax.slice(h, (0, q * QD), (N, (q + 1) * QD)) for q in range(4)]
        acca, accb, accc, accd, degr = _sc_scatter(
            xq[0], xq[1], xq[2], xq[3], src_p, dst_p)
        aggp = jnp.concatenate([acca, accb, accc, accd], axis=2)
        deg_col = (degr[0, :, 0] + degr[1, :, 0]).reshape(NPAD, 1)
        return _dense_layer(h, aggp, deg_col,
                            w_self[i], w_neigh[i],
                            bias[i], gamma[i], beta[i], lrelu_flag[i])

    h2 = lax.fori_loop(0, 2, layer, x)
    pred2 = _sc_decoder(h2, i0_p, i1_p)
    sel = jnp.repeat(jnp.eye(8, dtype=_f32), 16, axis=0)
    pred_p = _final_reduce(pred2, sel)
    return pred_p.reshape(LPAD)[:L]

# --- scband reference (transcript-rebuilt; emitter-appended) ---
"""Pipeline reference for scband-hetero-gnn-103079215236 (READ-ONLY COPY).

The authoritative reference and input builder live on the scoring server;
editing this copy changes nothing except your own understanding.
"""

import jax, jax.numpy as jnp
import numpy as np

N = 10000
E = 320000
L = 100000
D = 128


def setup_inputs(seed: int = 0) -> dict:
    key = jax.random.key(seed)
    ks = jax.random.split(key, 14)
    x = jax.random.normal(ks[0], (N, D), dtype=jnp.float32)
    edge_index = jax.random.randint(ks[1], (2, E), 0, N, dtype=jnp.int32)
    edge_label_index = jax.random.randint(ks[2], (2, L), 0, N, dtype=jnp.int32)
    s = 1.0 / np.sqrt(D)
    W1_self = jax.random.normal(ks[3], (D, D), dtype=jnp.float32) * s
    W1_neigh = jax.random.normal(ks[4], (D, D), dtype=jnp.float32) * s
    b1 = jnp.zeros((D,), dtype=jnp.float32)
    gamma1 = jnp.ones((D,), dtype=jnp.float32)
    beta1 = jnp.zeros((D,), dtype=jnp.float32)
    W2_self = jax.random.normal(ks[5], (D, D), dtype=jnp.float32) * s
    W2_neigh = jax.random.normal(ks[6], (D, D), dtype=jnp.float32) * s
    b2 = jnp.zeros((D,), dtype=jnp.float32)
    gamma2 = jnp.ones((D,), dtype=jnp.float32)
    beta2 = jnp.zeros((D,), dtype=jnp.float32)
    return {
        "x": x, "edge_index": edge_index, "edge_label_index": edge_label_index,
        "W1_self": W1_self, "W1_neigh": W1_neigh, "b1": b1,
        "gamma1": gamma1, "beta1": beta1,
        "W2_self": W2_self, "W2_neigh": W2_neigh, "b2": b2,
        "gamma2": gamma2, "beta2": beta2,
    }


def _sage_conv(x, edge_index, W_self, W_neigh, b):
    # HeteroConv with a single ('n1','e1','n1') message type: mean-aggregate
    # neighbor features (scatter-add + degree normalize), then linear transform.
    src = edge_index[0]
    dst = edge_index[1]
    n = x.shape[0]
    deg = jnp.zeros((n,), dtype=x.dtype).at[dst].add(1.0)
    agg = jnp.zeros_like(x).at[dst].add(jnp.take(x, src, axis=0))
    agg = agg / jnp.clip(deg, 1.0)[:, None]
    return x @ W_self + agg @ W_neigh + b


def _batch_norm(x, gamma, beta):
    # BatchNorm1d training-mode forward: batch statistics over nodes (dim 0).
    mu = jnp.mean(x, axis=0)
    var = jnp.var(x, axis=0)
    return (x - mu) / jnp.sqrt(var + 1e-5) * gamma + beta


def reference(x, edge_index, edge_label_index,
              W1_self, W1_neigh, b1, gamma1, beta1,
              W2_self, W2_neigh, b2, gamma2, beta2):
    h = _sage_conv(x, edge_index, W1_self, W1_neigh, b1)
    h = _batch_norm(h, gamma1, beta1)
    h = jax.nn.leaky_relu(h, negative_slope=0.01)
    h = _sage_conv(h, edge_index, W2_self, W2_neigh, b2)
    h = _batch_norm(h, gamma2, beta2)
    # link-prediction decoder: dot product of endpoint embeddings of 'n1'
    nodes_first = jnp.take(h, edge_label_index[0], axis=0)
    nodes_second = jnp.take(h, edge_label_index[1], axis=0)
    pred = jnp.sum(nodes_first * nodes_second, axis=-1)
    return pred

if __name__ == "__main__":
    import jax
    _d = setup_inputs()
    print(jax.jit(kernel)(*tuple(_d.values())))

</pallas_src>

<mosaic_0001>
#map = affine_map<(d0, d1) -> (0, 0)>
#map1 = affine_map<(d0, d1) -> (0)>
module attributes {stable_mosaic.version = 14 : i64} {
  func.func @_decoder_body(%arg0: i32, %arg1: i32, %arg2: memref<10000x128xf32, #tpu.memory_space<hbm>>, %arg3: memref<102400xi32, #tpu.memory_space<hbm>>, %arg4: memref<102400xi32, #tpu.memory_space<hbm>>, %arg5: memref<102400x16xf32, #tpu.memory_space<hbm>>, %arg6: memref<640xi32, #tpu.memory_space<vmem>>, %arg7: memref<640xi32, #tpu.memory_space<vmem>>, %arg8: memref<32x128xf32, #tpu.memory_space<vmem>>, %arg9: memref<32x128xf32, #tpu.memory_space<vmem>>, %arg10: memref<32x128xf32, #tpu.memory_space<vmem>>, %arg11: memref<32x128xf32, #tpu.memory_space<vmem>>, %arg12: memref<640x16xf32, #tpu.memory_space<vmem>>, %arg13: memref<!tpu.dma_semaphore, #tpu.memory_space<semaphore_mem>>, %arg14: memref<!tpu.dma_semaphore, #tpu.memory_space<semaphore_mem>>, %arg15: memref<!tpu.dma_semaphore, #tpu.memory_space<semaphore_mem>>, %arg16: memref<!tpu.dma_semaphore, #tpu.memory_space<semaphore_mem>>) attributes {dimension_semantics = [#tpu.dimension_semantics<core_parallel>, #tpu.dimension_semantics<subcore_parallel>], iteration_bounds = array<i64: 2, 16>, scalar_prefetch = 0 : i64, scratch_operands = 11 : i64, tpu.core_type = #tpu.core_type<sc_vector_subcore>, window_params = [{transform_indices = #map}, {transform_indices = #map1}, {transform_indices = #map1}, {transform_indices = #map}]} {
    %mul3A = arith.constant 2 : i32
    %mul3A_0 = arith.muli %arg1, %mul3A : i32
    %add3A = arith.addi %mul3A_0, %arg0 : i32
    %scan3A = arith.constant 0 : i32
    %scan3A_1 = arith.constant 0 : i32
    %scan3A_2 = arith.constant 5 : i32
    %scan3A_3 = arith.addi %scan3A_1, %scan3A_2 : i32
    %scan3A_4 = arith.constant 1 : i32
    scf.for %scan3A_6 = %scan3A_1 to %scan3A_3 step %scan3A_4  : i32 {
      %mul3A_7 = arith.constant 3200 : i32
      %mul3A_8 = arith.muli %add3A, %mul3A_7 : i32
      %mul3A_9 = arith.constant 640 : i32
      %mul3A_10 = arith.muli %scan3A_6, %mul3A_9 : i32
      %add3A_11 = arith.addi %mul3A_8, %mul3A_10 : i32
      "tpu.region"() ({
        %run_scoped3A = tpu.sem_alloc : memref<!tpu.dma_semaphore, #tpu.memory_space<semaphore_mem>>
        %dma_start3A_27 = tpu.memref_slice %arg3[%add3A_11] : memref<102400xi32, #tpu.memory_space<hbm>> -> memref<640xi32, #tpu.memory_space<hbm>>
        %dma_start3A_28 = tpu.memref_slice %arg3[%add3A_11] : memref<102400xi32, #tpu.memory_space<hbm>> -> memref<640xi32, #tpu.memory_space<hbm>>
        tpu.enqueue_dma source(%dma_start3A_28 : memref<640xi32, #tpu.memory_space<hbm>>) target(%arg6 : memref<640xi32, #tpu.memory_space<vmem>>) target_semaphore(%run_scoped3A : memref<!tpu.dma_semaphore, #tpu.memory_space<semaphore_mem>>)
        %dma_wait3A = tpu.memref_slice %arg3[%add3A_11] : memref<102400xi32, #tpu.memory_space<hbm>> -> memref<640xi32, #tpu.memory_space<hbm>>
        %dma_wait3A_29 = tpu.memref_slice %arg3[%add3A_11] : memref<102400xi32, #tpu.memory_space<hbm>> -> memref<640xi32, #tpu.memory_space<hbm>>
        tpu.wait_dma2 semaphore(%run_scoped3A : memref<!tpu.dma_semaphore, #tpu.memory_space<semaphore_mem>>) src(%dma_wait3A_29 : memref<640xi32, #tpu.memory_space<hbm>>) dst(%arg6 : memref<640xi32, #tpu.memory_space<vmem>>)
        tpu.yield
      }) : () -> ()
      "tpu.region"() ({
        %run_scoped3A = tpu.sem_alloc : memref<!tpu.dma_semaphore, #tpu.memory_space<semaphore_mem>>
        %dma_start3A_27 = tpu.memref_slice %arg4[%add3A_11] : memref<102400xi32, #tpu.memory_space<hbm>> -> memref<640xi32, #tpu.memory_space<hbm>>
        %dma_start3A_28 = tpu.memref_slice %arg4[%add3A_11] : memref<102400xi32, #tpu.memory_space<hbm>> -> memref<640xi32, #tpu.memory_space<hbm>>
        tpu.enqueue_dma source(%dma_start3A_28 : memref<640xi32, #tpu.memory_space<hbm>>) target(%arg7 : memref<640xi32, #tpu.memory_space<vmem>>) target_semaphore(%run_scoped3A : memref<!tpu.dma_semaphore, #tpu.memory_space<semaphore_mem>>)
        %dma_wait3A = tpu.memref_slice %arg4[%add3A_11] : memref<102400xi32, #tpu.memory_space<hbm>> -> memref<640xi32, #tpu.memory_space<hbm>>
        %dma_wait3A_29 = tpu.memref_slice %arg4[%add3A_11] : memref<102400xi32, #tpu.memory_space<hbm>> -> memref<640xi32, #tpu.memory_space<hbm>>
        tpu.wait_dma2 semaphore(%run_scoped3A : memref<!tpu.dma_semaphore, #tpu.memory_space<semaphore_mem>>) src(%dma_wait3A_29 : memref<640xi32, #tpu.memory_space<hbm>>) dst(%arg7 : memref<640xi32, #tpu.memory_space<vmem>>)
        tpu.yield
      }) : () -> ()
      %dma_start3A = arith.constant 0 : i32
      %dma_start3A_12 = tpu.memref_slice %arg6[%dma_start3A] : memref<640xi32, #tpu.memory_space<vmem>> -> memref<32xi32, #tpu.memory_space<vmem>>
      %dma_start3A_13 = arith.constant 0 : i32
      %dma_start3A_14 = arith.constant 0 : i32
      %dma_start3A_15 = tpu.memref_slice %arg2[%dma_start3A_13, %dma_start3A_14] : memref<10000x128xf32, #tpu.memory_space<hbm>> -> memref<10000x128xf32, #tpu.memory_space<hbm>>
      tpu.enqueue_indirect_dma source(%dma_start3A_15 : memref<10000x128xf32, #tpu.memory_space<hbm>>) target(%arg8 : memref<32x128xf32, #tpu.memory_space<vmem>>) offsets(%dma_start3A_12 : memref<32xi32, #tpu.memory_space<vmem>>) semaphore(%arg13 : memref<!tpu.dma_semaphore, #tpu.memory_space<semaphore_mem>>)
      %dma_start3A_16 = arith.constant 0 : i32
      %dma_start3A_17 = tpu.memref_slice %arg7[%dma_start3A_16] : memref<640xi32, #tpu.memory_space<vmem>> -> memref<32xi32, #tpu.memory_space<vmem>>
      %dma_start3A_18 = arith.constant 0 : i32
      %dma_start3A_19 = arith.constant 0 : i32
      %dma_start3A_20 = tpu.memref_slice %arg2[%dma_start3A_18, %dma_start3A_19] : memref<10000x128xf32, #tpu.memory_space<hbm>> -> memref<10000x128xf32, #tpu.memory_space<hbm>>
      tpu.enqueue_indirect_dma source(%dma_start3A_20 : memref<10000x128xf32, #tpu.memory_space<hbm>>) target(%arg9 : memref<32x128xf32, #tpu.memory_space<vmem>>) offsets(%dma_start3A_17 : memref<32xi32, #tpu.memory_space<vmem>>) semaphore(%arg14 : memref<!tpu.dma_semaphore, #tpu.memory_space<semaphore_mem>>)
      %scan3A_21 = arith.constant 0 : i32
      %scan3A_22 = arith.constant 0 : i32
      %scan3A_23 = arith.constant 10 : i32
      %scan3A_24 = arith.addi %scan3A_22, %scan3A_23 : i32
      %scan3A_25 = arith.constant 1 : i32
      scf.for %scan3A_27 = %scan3A_22 to %scan3A_24 step %scan3A_25  : i32 {
        %mul3A_28 = arith.constant 2 : i32
        %mul3A_29 = arith.muli %mul3A_28, %scan3A_27 : i32
        %add3A_30 = arith.constant 1 : i32
        %add3A_31 = arith.addi %mul3A_29, %add3A_30 : i32
        %mul3A_32 = arith.constant 32 : i32
        %mul3A_33 = arith.muli %add3A_31, %mul3A_32 : i32
        %dma_start3A_34 = tpu.memref_slice %arg6[%mul3A_33] : memref<640xi32, #tpu.memory_space<vmem>> -> memref<32xi32, #tpu.memory_space<vmem>>
        %dma_start3A_35 = arith.constant 0 : i32
        %dma_start3A_36 = arith.constant 0 : i32
        %dma_start3A_37 = tpu.memref_slice %arg2[%dma_start3A_35, %dma_start3A_36] : memref<10000x128xf32, #tpu.memory_space<hbm>> -> memref<10000x128xf32, #tpu.memory_space<hbm>>
        tpu.enqueue_indirect_dma source(%dma_start3A_37 : memref<10000x128xf32, #tpu.memory_space<hbm>>) target(%arg10 : memref<32x128xf32, #tpu.memory_space<vmem>>) offsets(%dma_start3A_34 : memref<32xi32, #tpu.memory_space<vmem>>) semaphore(%arg15 : memref<!tpu.dma_semaphore, #tpu.memory_space<semaphore_mem>>)
        %mul3A_38 = arith.constant 32 : i32
        %mul3A_39 = arith.muli %add3A_31, %mul3A_38 : i32
        %dma_start3A_40 = tpu.memref_slice %arg7[%mul3A_39] : memref<640xi32, #tpu.memory_space<vmem>> -> memref<32xi32, #tpu.memory_space<vmem>>
        %dma_start3A_41 = arith.constant 0 : i32
        %dma_start3A_42 = arith.constant 0 : i32
        %dma_start3A_43 = tpu.memref_slice %arg2[%dma_start3A_41, %dma_start3A_42] : memref<10000x128xf32, #tpu.memory_space<hbm>> -> memref<10000x128xf32, #tpu.memory_space<hbm>>
        tpu.enqueue_indirect_dma source(%dma_start3A_43 : memref<10000x128xf32, #tpu.memory_space<hbm>>) target(%arg11 : memref<32x128xf32, #tpu.memory_space<vmem>>) offsets(%dma_start3A_40 : memref<32xi32, #tpu.memory_space<vmem>>) semaphore(%arg16 : memref<!tpu.dma_semaphore, #tpu.memory_space<semaphore_mem>>)
        %mul3A_44 = arith.constant 2 : i32
        %mul3A_45 = arith.muli %mul3A_44, %scan3A_27 : i32
        %dma_wait3A = arith.constant 0 : i32
        %dma_wait3A_46 = arith.constant 0 : i32
        %dma_wait3A_47 = tpu.memref_slice %arg2[%dma_wait3A, %dma_wait3A_46] : memref<10000x128xf32, #tpu.memory_space<hbm>> -> memref<32x128xf32, #tpu.memory_space<hbm>>
        %dma_wait3A_48 = arith.constant 0 : i32
        %dma_wait3A_49 = arith.constant 0 : i32
        %dma_wait3A_50 = tpu.memref_slice %arg2[%dma_wait3A_48, %dma_wait3A_49] : memref<10000x128xf32, #tpu.memory_space<hbm>> -> memref<32x128xf32, #tpu.memory_space<hbm>>
        tpu.wait_dma2 semaphore(%arg13 : memref<!tpu.dma_semaphore, #tpu.memory_space<semaphore_mem>>) src(%dma_wait3A_50 : memref<32x128xf32, #tpu.memory_space<hbm>>) dst(%arg8 : memref<32x128xf32, #tpu.memory_space<vmem>>)
        %dma_wait3A_51 = arith.constant 0 : i32
        %dma_wait3A_52 = arith.constant 0 : i32
        %dma_wait3A_53 = tpu.memref_slice %arg2[%dma_wait3A_51, %dma_wait3A_52] : memref<10000x128xf32, #tpu.memory_space<hbm>> -> memref<32x128xf32, #tpu.memory_space<hbm>>
        %dma_wait3A_54 = arith.constant 0 : i32
        %dma_wait3A_55 = arith.constant 0 : i32
        %dma_wait3A_56 = tpu.memref_slice %arg2[%dma_wait3A_54, %dma_wait3A_55] : memref<10000x128xf32, #tpu.memory_space<hbm>> -> memref<32x128xf32, #tpu.memory_space<hbm>>
        tpu.wait_dma2 semaphore(%arg14 : memref<!tpu.dma_semaphore, #tpu.memory_space<semaphore_mem>>) src(%dma_wait3A_56 : memref<32x128xf32, #tpu.memory_space<hbm>>) dst(%arg9 : memref<32x128xf32, #tpu.memory_space<vmem>>)
        %scan3A_57 = arith.constant 0 : i32
        %scan3A_58 = arith.constant 0 : i32
        %scan3A_59 = arith.constant 32 : i32
        %scan3A_60 = arith.addi %scan3A_58, %scan3A_59 : i32
        %scan3A_61 = arith.constant 1 : i32
        scf.for %scan3A_91 = %scan3A_58 to %scan3A_60 step %scan3A_61  : i32 {
          %get3A = arith.index_cast %scan3A_91 : i32 to index
          %get3A_92 = arith.constant 0 : index
          %get3A_93 = tpu.vector_load %arg8[%get3A, %get3A_92] {strides = array<i32>} : memref<32x128xf32, #tpu.memory_space<vmem>>, vector<1x16xf32>,
          %get3A_94 = vector.shape_cast %get3A_93 : vector<1x16xf32> to vector<16xf32>
          %get3A_95 = arith.index_cast %scan3A_91 : i32 to index
          %get3A_96 = arith.constant 0 : index
          %get3A_97 = tpu.vector_load %arg9[%get3A_95, %get3A_96] {strides = array<i32>} : memref<32x128xf32, #tpu.memory_space<vmem>>, vector<1x16xf32>,
          %get3A_98 = vector.shape_cast %get3A_97 : vector<1x16xf32> to vector<16xf32>
          %mul3A_99 = arith.mulf %get3A_94, %get3A_98 : vector<16xf32>
          %get3A_100 = arith.index_cast %scan3A_91 : i32 to index
          %get3A_101 = arith.constant 16 : index
          %get3A_102 = tpu.vector_load %arg8[%get3A_100, %get3A_101] {strides = array<i32>} : memref<32x128xf32, #tpu.memory_space<vmem>>, vector<1x16xf32>,
          %get3A_103 = vector.shape_cast %get3A_102 : vector<1x16xf32> to vector<16xf32>
          %get3A_104 = arith.index_cast %scan3A_91 : i32 to index
          %get3A_105 = arith.constant 16 : index
          %get3A_106 = tpu.vector_load %arg9[%get3A_104, %get3A_105] {strides = array<i32>} : memref<32x128xf32, #tpu.memory_space<vmem>>, vector<1x16xf32>,
          %get3A_107 = vector.shape_cast %get3A_106 : vector<1x16xf32> to vector<16xf32>
          %mul3A_108 = arith.mulf %get3A_103, %get3A_107 : vector<16xf32>
          %add3A_109 = arith.addf %mul3A_99, %mul3A_108 : vector<16xf32>
          %get3A_110 = arith.index_cast %scan3A_91 : i32 to index
          %get3A_111 = arith.constant 32 : index
          %get3A_112 = tpu.vector_load %arg8[%get3A_110, %get3A_111] {strides = array<i32>} : memref<32x128xf32, #tpu.memory_space<vmem>>, vector<1x16xf32>,
          %get3A_113 = vector.shape_cast %get3A_112 : vector<1x16xf32> to vector<16xf32>
          %get3A_114 = arith.index_cast %scan3A_91 : i32 to index
          %get3A_115 = arith.constant 32 : index
          %get3A_116 = tpu.vector_load %arg9[%get3A_114, %get3A_115] {strides = array<i32>} : memref<32x128xf32, #tpu.memory_space<vmem>>, vector<1x16xf32>,
          %get3A_117 = vector.shape_cast %get3A_116 : vector<1x16xf32> to vector<16xf32>
          %mul3A_118 = arith.mulf %get3A_113, %get3A_117 : vector<16xf32>
          %add3A_119 = arith.addf %add3A_109, %mul3A_118 : vector<16xf32>
          %get3A_120 = arith.index_cast %scan3A_91 : i32 to index
          %get3A_121 = arith.constant 48 : index
          %get3A_122 = tpu.vector_load %arg8[%get3A_120, %get3A_121] {strides = array<i32>} : memref<32x128xf32, #tpu.memory_space<vmem>>, vector<1x16xf32>,
          %get3A_123 = vector.shape_cast %get3A_122 : vector<1x16xf32> to vector<16xf32>
          %get3A_124 = arith.index_cast %scan3A_91 : i32 to index
          %get3A_125 = arith.constant 48 : index
          %get3A_126 = tpu.vector_load %arg9[%get3A_124, %get3A_125] {strides = array<i32>} : memref<32x128xf32, #tpu.memory_space<vmem>>, vector<1x16xf32>,
          %get3A_127 = vector.shape_cast %get3A_126 : vector<1x16xf32> to vector<16xf32>
          %mul3A_128 = arith.mulf %get3A_123, %get3A_127 : vector<16xf32>
          %add3A_129 = arith.addf %add3A_119, %mul3A_128 : vector<16xf32>
          %get3A_130 = arith.index_cast %scan3A_91 : i32 to index
          %get3A_131 = arith.constant 64 : index
          %get3A_132 = tpu.vector_load %arg8[%get3A_130, %get3A_131] {strides = array<i32>} : memref<32x128xf32, #tpu.memory_space<vmem>>, vector<1x16xf32>,
          %get3A_133 = vector.shape_cast %get3A_132 : vector<1x16xf32> to vector<16xf32>
          %get3A_134 = arith.index_cast %scan3A_91 : i32 to index
          %get3A_135 = arith.constant 64 : index
          %get3A_136 = tpu.vector_load %arg9[%get3A_134, %get3A_135] {strides = array<i32>} : memref<32x128xf32, #tpu.memory_space<vmem>>, vector<1x16xf32>,
          %get3A_137 = vector.shape_cast %get3A_136 : vector<1x16xf32> to vector<16xf32>
          %mul3A_138 = arith.mulf %get3A_133, %get3A_137 : vector<16xf32>
          %add3A_139 = arith.addf %add3A_129, %mul3A_138 : vector<16xf32>
          %get3A_140 = arith.index_cast %scan3A_91 : i32 to index
          %get3A_141 = arith.constant 80 : index
          %get3A_142 = tpu.vector_load %arg8[%get3A_140, %get3A_141] {strides = array<i32>} : memref<32x128xf32, #tpu.memory_space<vmem>>, vector<1x16xf32>,
          %get3A_143 = vector.shape_cast %get3A_142 : vector<1x16xf32> to vector<16xf32>
          %get3A_144 = arith.index_cast %scan3A_91 : i32 to index
          %get3A_145 = arith.constant 80 : index
          %get3A_146 = tpu.vector_load %arg9[%get3A_144, %get3A_145] {strides = array<i32>} : memref<32x128xf32, #tpu.memory_space<vmem>>, vector<1x16xf32>,
          %get3A_147 = vector.shape_cast %get3A_146 : vector<1x16xf32> to vector<16xf32>
          %mul3A_148 = arith.mulf %get3A_143, %get3A_147 : vector<16xf32>
          %add3A_149 = arith.addf %add3A_139, %mul3A_148 : vector<16xf32>
          %get3A_150 = arith.index_cast %scan3A_91 : i32 to index
          %get3A_151 = arith.constant 96 : index
          %get3A_152 = tpu.vector_load %arg8[%get3A_150, %get3A_151] {strides = array<i32>} : memref<32x128xf32, #tpu.memory_space<vmem>>, vector<1x16xf32>,
          %get3A_153 = vector.shape_cast %get3A_152 : vector<1x16xf32> to vector<16xf32>
          %get3A_154 = arith.index_cast %scan3A_91 : i32 to index
          %get3A_155 = arith.constant 96 : index
          %get3A_156 = tpu.vector_load %arg9[%get3A_154, %get3A_155] {strides = array<i32>} : memref<32x128xf32, #tpu.memory_space<vmem>>, vector<1x16xf32>,
          %get3A_157 = vector.shape_cast %get3A_156 : vector<1x16xf32> to vector<16xf32>
          %mul3A_158 = arith.mulf %get3A_153, %get3A_157 : vector<16xf32>
          %add3A_159 = arith.addf %add3A_149, %mul3A_158 : vector<16xf32>
          %get3A_160 = arith.index_cast %scan3A_91 : i32 to index
          %get3A_161 = arith.constant 112 : index
          %get3A_162 = tpu.vector_load %arg8[%get3A_160, %get3A_161] {strides = array<i32>} : memref<32x128xf32, #tpu.memory_space<vmem>>, vector<1x16xf32>,
          %get3A_163 = vector.shape_cast %get3A_162 : vector<1x16xf32> to vector<16xf32>
          %get3A_164 = arith.index_cast %scan3A_91 : i32 to index
          %get3A_165 = arith.constant 112 : index
          %get3A_166 = tpu.vector_load %arg9[%get3A_164, %get3A_165] {strides = array<i32>} : memref<32x128xf32, #tpu.memory_space<vmem>>, vector<1x16xf32>,
          %get3A_167 = vector.shape_cast %get3A_166 : vector<1x16xf32> to vector<16xf32>
          %mul3A_168 = arith.mulf %get3A_163, %get3A_167 : vector<16xf32>
          %add3A_169 = arith.addf %add3A_159, %mul3A_168 : vector<16xf32>
          %mul3A_170 = arith.constant 32 : i32
          %mul3A_171 = arith.muli %mul3A_45, %mul3A_170 : i32
          %add3A_172 = arith.addi %mul3A_171, %scan3A_91 : i32
          %swap3A = arith.index_cast %add3A_172 : i32 to index
          %swap3A_173 = arith.constant 0 : index
          %swap3A_174 = tpu.vector_load %arg12[%swap3A, %swap3A_173] {strides = array<i32>} : memref<640x16xf32, #tpu.memory_space<vmem>>, vector<1x16xf32>,
          %swap3A_175 = vector.shape_cast %swap3A_174 : vector<1x16xf32> to vector<16xf32>
          %swap3A_176 = vector.shape_cast %add3A_169 : vector<16xf32> to vector<1x16xf32>
          tpu.vector_store %arg12[%swap3A, %swap3A_173], %swap3A_176 {strides = array<i32>} : memref<640x16xf32, #tpu.memory_space<vmem>>, vector<1x16xf32>,
        }
        %scan3A_62 = arith.constant 32 : i32
        %mul3A_63 = arith.constant 2 : i32
        %mul3A_64 = arith.muli %mul3A_63, %scan3A_27 : i32
        %add3A_65 = arith.constant 2 : i32
        %add3A_66 = arith.addi %mul3A_64, %add3A_65 : i32
        %lt3A = arith.constant 20 : i32
        %lt3A_67 = arith.cmpi slt, %add3A_66, %lt3A : i32
        %convert_element_type3A = arith.extui %lt3A_67 : i1 to i32
        %cond3A = arith.constant 0 : i32
        %cond3A_68 = arith.cmpi ne, %convert_element_type3A, %cond3A : i32
        scf.if %cond3A_68 {
          %mul3A_91 = arith.constant 2 : i32
          %mul3A_92 = arith.muli %mul3A_91, %scan3A_27 : i32
          %add3A_93 = arith.constant 2 : i32
          %add3A_94 = arith.addi %mul3A_92, %add3A_93 : i32
          %mul3A_95 = arith.constant 32 : i32
          %mul3A_96 = arith.muli %add3A_94, %mul3A_95 : i32
          %dma_start3A_97 = tpu.memref_slice %arg6[%mul3A_96] : memref<640xi32, #tpu.memory_space<vmem>> -> memref<32xi32, #tpu.memory_space<vmem>>
          %dma_start3A_98 = arith.constant 0 : i32
          %dma_start3A_99 = arith.constant 0 : i32
          %dma_start3A_100 = tpu.memref_slice %arg2[%dma_start3A_98, %dma_start3A_99] : memref<10000x128xf32, #tpu.memory_space<hbm>> -> memref<10000x128xf32, #tpu.memory_space<hbm>>
          tpu.enqueue_indirect_dma source(%dma_start3A_100 : memref<10000x128xf32, #tpu.memory_space<hbm>>) target(%arg8 : memref<32x128xf32, #tpu.memory_space<vmem>>) offsets(%dma_start3A_97 : memref<32xi32, #tpu.memory_space<vmem>>) semaphore(%arg13 : memref<!tpu.dma_semaphore, #tpu.memory_space<semaphore_mem>>)
          %mul3A_101 = arith.constant 32 : i32
          %mul3A_102 = arith.muli %add3A_94, %mul3A_101 : i32
          %dma_start3A_103 = tpu.memref_slice %arg7[%mul3A_102] : memref<640xi32, #tpu.memory_space<vmem>> -> memref<32xi32, #tpu.memory_space<vmem>>
          %dma_start3A_104 = arith.constant 0 : i32
          %dma_start3A_105 = arith.constant 0 : i32
          %dma_start3A_106 = tpu.memref_slice %arg2[%dma_start3A_104, %dma_start3A_105] : memref<10000x128xf32, #tpu.memory_space<hbm>> -> memref<10000x128xf32, #tpu.memory_space<hbm>>
          tpu.enqueue_indirect_dma source(%dma_start3A_106 : memref<10000x128xf32, #tpu.memory_space<hbm>>) target(%arg9 : memref<32x128xf32, #tpu.memory_space<vmem>>) offsets(%dma_start3A_103 : memref<32xi32, #tpu.memory_space<vmem>>) semaphore(%arg14 : memref<!tpu.dma_semaphore, #tpu.memory_space<semaphore_mem>>)
        } else {
        }
        %mul3A_69 = arith.constant 2 : i32
        %mul3A_70 = arith.muli %mul3A_69, %scan3A_27 : i32
        %add3A_71 = arith.constant 1 : i32
        %add3A_72 = arith.addi %mul3A_70, %add3A_71 : i32
        %dma_wait3A_73 = arith.constant 0 : i32
        %dma_wait3A_74 = arith.constant 0 : i32
        %dma_wait3A_75 = tpu.memref_slice %arg2[%dma_wait3A_73, %dma_wait3A_74] : memref<10000x128xf32, #tpu.memory_space<hbm>> -> memref<32x128xf32, #tpu.memory_space<hbm>>
        %dma_wait3A_76 = arith.constant 0 : i32
        %dma_wait3A_77 = arith.constant 0 : i32
        %dma_wait3A_78 = tpu.memref_slice %arg2[%dma_wait3A_76, %dma_wait3A_77] : memref<10000x128xf32, #tpu.memory_space<hbm>> -> memref<32x128xf32, #tpu.memory_space<hbm>>
        tpu.wait_dma2 semaphore(%arg15 : memref<!tpu.dma_semaphore, #tpu.memory_space<semaphore_mem>>) src(%dma_wait3A_78 : memref<32x128xf32, #tpu.memory_space<hbm>>) dst(%arg10 : memref<32x128xf32, #tpu.memory_space<vmem>>)
        %dma_wait3A_79 = arith.constant 0 : i32
        %dma_wait3A_80 = arith.constant 0 : i32
        %dma_wait3A_81 = tpu.memref_slice %arg2[%dma_wait3A_79, %dma_wait3A_80] : memref<10000x128xf32, #tpu.memory_space<hbm>> -> memref<32x128xf32, #tpu.memory_space<hbm>>
        %dma_wait3A_82 = arith.constant 0 : i32
        %dma_wait3A_83 = arith.constant 0 : i32
        %dma_wait3A_84 = tpu.memref_slice %arg2[%dma_wait3A_82, %dma_wait3A_83] : memref<10000x128xf32, #tpu.memory_space<hbm>> -> memref<32x128xf32, #tpu.memory_space<hbm>>
        tpu.wait_dma2 semaphore(%arg16 : memref<!tpu.dma_semaphore, #tpu.memory_space<semaphore_mem>>) src(%dma_wait3A_84 : memref<32x128xf32, #tpu.memory_space<hbm>>) dst(%arg11 : memref<32x128xf32, #tpu.memory_space<vmem>>)
        %scan3A_85 = arith.constant 0 : i32
        %scan3A_86 = arith.constant 0 : i32
        %scan3A_87 = arith.constant 32 : i32
        %scan3A_88 = arith.addi %scan3A_86, %scan3A_87 : i32
        %scan3A_89 = arith.constant 1 : i32
        scf.for %scan3A_91 = %scan3A_86 to %scan3A_88 step %scan3A_89  : i32 {
          %get3A = arith.index_cast %scan3A_91 : i32 to index
          %get3A_92 = arith.constant 0 : index
          %get3A_93 = tpu.vector_load %arg10[%get3A, %get3A_92] {strides = array<i32>} : memref<32x128xf32, #tpu.memory_space<vmem>>, vector<1x16xf32>,
          %get3A_94 = vector.shape_cast %get3A_93 : vector<1x16xf32> to vector<16xf32>
          %get3A_95 = arith.index_cast %scan3A_91 : i32 to index
          %get3A_96 = arith.constant 0 : index
          %get3A_97 = tpu.vector_load %arg11[%get3A_95, %get3A_96] {strides = array<i32>} : memref<32x128xf32, #tpu.memory_space<vmem>>, vector<1x16xf32>,
          %get3A_98 = vector.shape_cast %get3A_97 : vector<1x16xf32> to vector<16xf32>
          %mul3A_99 = arith.mulf %get3A_94, %get3A_98 : vector<16xf32>
          %get3A_100 = arith.index_cast %scan3A_91 : i32 to index
          %get3A_101 = arith.constant 16 : index
          %get3A_102 = tpu.vector_load %arg10[%get3A_100, %get3A_101] {strides = array<i32>} : memref<32x128xf32, #tpu.memory_space<vmem>>, vector<1x16xf32>,
          %get3A_103 = vector.shape_cast %get3A_102 : vector<1x16xf32> to vector<16xf32>
          %get3A_104 = arith.index_cast %scan3A_91 : i32 to index
          %get3A_105 = arith.constant 16 : index
          %get3A_106 = tpu.vector_load %arg11[%get3A_104, %get3A_105] {strides = array<i32>} : memref<32x128xf32, #tpu.memory_space<vmem>>, vector<1x16xf32>,
          %get3A_107 = vector.shape_cast %get3A_106 : vector<1x16xf32> to vector<16xf32>
          %mul3A_108 = arith.mulf %get3A_103, %get3A_107 : vector<16xf32>
          %add3A_109 = arith.addf %mul3A_99, %mul3A_108 : vector<16xf32>
          %get3A_110 = arith.index_cast %scan3A_91 : i32 to index
          %get3A_111 = arith.constant 32 : index
          %get3A_112 = tpu.vector_load %arg10[%get3A_110, %get3A_111] {strides = array<i32>} : memref<32x128xf32, #tpu.memory_space<vmem>>, vector<1x16xf32>,
          %get3A_113 = vector.shape_cast %get3A_112 : vector<1x16xf32> to vector<16xf32>
          %get3A_114 = arith.index_cast %scan3A_91 : i32 to index
          %get3A_115 = arith.constant 32 : index
          %get3A_116 = tpu.vector_load %arg11[%get3A_114, %get3A_115] {strides = array<i32>} : memref<32x128xf32, #tpu.memory_space<vmem>>, vector<1x16xf32>,
          %get3A_117 = vector.shape_cast %get3A_116 : vector<1x16xf32> to vector<16xf32>
          %mul3A_118 = arith.mulf %get3A_113, %get3A_117 : vector<16xf32>
          %add3A_119 = arith.addf %add3A_109, %mul3A_118 : vector<16xf32>
          %get3A_120 = arith.index_cast %scan3A_91 : i32 to index
          %get3A_121 = arith.constant 48 : index
          %get3A_122 = tpu.vector_load %arg10[%get3A_120, %get3A_121] {strides = array<i32>} : memref<32x128xf32, #tpu.memory_space<vmem>>, vector<1x16xf32>,
          %get3A_123 = vector.shape_cast %get3A_122 : vector<1x16xf32> to vector<16xf32>
          %get3A_124 = arith.index_cast %scan3A_91 : i32 to index
          %get3A_125 = arith.constant 48 : index
          %get3A_126 = tpu.vector_load %arg11[%get3A_124, %get3A_125] {strides = array<i32>} : memref<32x128xf32, #tpu.memory_space<vmem>>, vector<1x16xf32>,
          %get3A_127 = vector.shape_cast %get3A_126 : vector<1x16xf32> to vector<16xf32>
          %mul3A_128 = arith.mulf %get3A_123, %get3A_127 : vector<16xf32>
          %add3A_129 = arith.addf %add3A_119, %mul3A_128 : vector<16xf32>
          %get3A_130 = arith.index_cast %scan3A_91 : i32 to index
          %get3A_131 = arith.constant 64 : index
          %get3A_132 = tpu.vector_load %arg10[%get3A_130, %get3A_131] {strides = array<i32>} : memref<32x128xf32, #tpu.memory_space<vmem>>, vector<1x16xf32>,
          %get3A_133 = vector.shape_cast %get3A_132 : vector<1x16xf32> to vector<16xf32>
          %get3A_134 = arith.index_cast %scan3A_91 : i32 to index
          %get3A_135 = arith.constant 64 : index
          %get3A_136 = tpu.vector_load %arg11[%get3A_134, %get3A_135] {strides = array<i32>} : memref<32x128xf32, #tpu.memory_space<vmem>>, vector<1x16xf32>,
          %get3A_137 = vector.shape_cast %get3A_136 : vector<1x16xf32> to vector<16xf32>
          %mul3A_138 = arith.mulf %get3A_133, %get3A_137 : vector<16xf32>
          %add3A_139 = arith.addf %add3A_129, %mul3A_138 : vector<16xf32>
          %get3A_140 = arith.index_cast %scan3A_91 : i32 to index
          %get3A_141 = arith.constant 80 : index
          %get3A_142 = tpu.vector_load %arg10[%get3A_140, %get3A_141] {strides = array<i32>} : memref<32x128xf32, #tpu.memory_space<vmem>>, vector<1x16xf32>,
          %get3A_143 = vector.shape_cast %get3A_142 : vector<1x16xf32> to vector<16xf32>
          %get3A_144 = arith.index_cast %scan3A_91 : i32 to index
          %get3A_145 = arith.constant 80 : index
          %get3A_146 = tpu.vector_load %arg11[%get3A_144, %get3A_145] {strides = array<i32>} : memref<32x128xf32, #tpu.memory_space<vmem>>, vector<1x16xf32>,
          %get3A_147 = vector.shape_cast %get3A_146 : vector<1x16xf32> to vector<16xf32>
          %mul3A_148 = arith.mulf %get3A_143, %get3A_147 : vector<16xf32>
          %add3A_149 = arith.addf %add3A_139, %mul3A_148 : vector<16xf32>
          %get3A_150 = arith.index_cast %scan3A_91 : i32 to index
          %get3A_151 = arith.constant 96 : index
          %get3A_152 = tpu.vector_load %arg10[%get3A_150, %get3A_151] {strides = array<i32>} : memref<32x128xf32, #tpu.memory_space<vmem>>, vector<1x16xf32>,
          %get3A_153 = vector.shape_cast %get3A_152 : vector<1x16xf32> to vector<16xf32>
          %get3A_154 = arith.index_cast %scan3A_91 : i32 to index
          %get3A_155 = arith.constant 96 : index
          %get3A_156 = tpu.vector_load %arg11[%get3A_154, %get3A_155] {strides = array<i32>} : memref<32x128xf32, #tpu.memory_space<vmem>>, vector<1x16xf32>,
          %get3A_157 = vector.shape_cast %get3A_156 : vector<1x16xf32> to vector<16xf32>
          %mul3A_158 = arith.mulf %get3A_153, %get3A_157 : vector<16xf32>
          %add3A_159 = arith.addf %add3A_149, %mul3A_158 : vector<16xf32>
          %get3A_160 = arith.index_cast %scan3A_91 : i32 to index
          %get3A_161 = arith.constant 112 : index
          %get3A_162 = tpu.vector_load %arg10[%get3A_160, %get3A_161] {strides = array<i32>} : memref<32x128xf32, #tpu.memory_space<vmem>>, vector<1x16xf32>,
          %get3A_163 = vector.shape_cast %get3A_162 : vector<1x16xf32> to vector<16xf32>
          %get3A_164 = arith.index_cast %scan3A_91 : i32 to index
          %get3A_165 = arith.constant 112 : index
          %get3A_166 = tpu.vector_load %arg11[%get3A_164, %get3A_165] {strides = array<i32>} : memref<32x128xf32, #tpu.memory_space<vmem>>, vector<1x16xf32>,
          %get3A_167 = vector.shape_cast %get3A_166 : vector<1x16xf32> to vector<16xf32>
          %mul3A_168 = arith.mulf %get3A_163, %get3A_167 : vector<16xf32>
          %add3A_169 = arith.addf %add3A_159, %mul3A_168 : vector<16xf32>
          %mul3A_170 = arith.constant 32 : i32
          %mul3A_171 = arith.muli %add3A_72, %mul3A_170 : i32
          %add3A_172 = arith.addi %mul3A_171, %scan3A_91 : i32
          %swap3A = arith.index_cast %add3A_172 : i32 to index
          %swap3A_173 = arith.constant 0 : index
          %swap3A_174 = tpu.vector_load %arg12[%swap3A, %swap3A_173] {strides = array<i32>} : memref<640x16xf32, #tpu.memory_space<vmem>>, vector<1x16xf32>,
          %swap3A_175 = vector.shape_cast %swap3A_174 : vector<1x16xf32> to vector<16xf32>
          %swap3A_176 = vector.shape_cast %add3A_169 : vector<16xf32> to vector<1x16xf32>
          tpu.vector_store %arg12[%swap3A, %swap3A_173], %swap3A_176 {strides = array<i32>} : memref<640x16xf32, #tpu.memory_space<vmem>>, vector<1x16xf32>,
        }
        %scan3A_90 = arith.constant 32 : i32
      }
      %scan3A_26 = arith.constant 10 : i32
      "tpu.region"() ({
        %run_scoped3A = tpu.sem_alloc : memref<!tpu.dma_semaphore, #tpu.memory_space<semaphore_mem>>
        %dma_start3A_27 = arith.constant 0 : i32
        %dma_start3A_28 = tpu.memref_slice %arg5[%add3A_11, %dma_start3A_27] : memref<102400x16xf32, #tpu.memory_space<hbm>> -> memref<640x16xf32, #tpu.memory_space<hbm>>
        %dma_start3A_29 = arith.constant 0 : i32
        %dma_start3A_30 = tpu.memref_slice %arg5[%add3A_11, %dma_start3A_29] : memref<102400x16xf32, #tpu.memory_space<hbm>> -> memref<640x16xf32, #tpu.memory_space<hbm>>
        tpu.enqueue_dma source(%arg12 : memref<640x16xf32, #tpu.memory_space<vmem>>) target(%dma_start3A_30 : memref<640x16xf32, #tpu.memory_space<hbm>>) target_semaphore(%run_scoped3A : memref<!tpu.dma_semaphore, #tpu.memory_space<semaphore_mem>>)
        %dma_wait3A = arith.constant 0 : i32
        %dma_wait3A_31 = tpu.memref_slice %arg5[%add3A_11, %dma_wait3A] : memref<102400x16xf32, #tpu.memory_space<hbm>> -> memref<640x16xf32, #tpu.memory_space<hbm>>
        %dma_wait3A_32 = arith.constant 0 : i32
        %dma_wait3A_33 = tpu.memref_slice %arg5[%add3A_11, %dma_wait3A_32] : memref<102400x16xf32, #tpu.memory_space<hbm>> -> memref<640x16xf32, #tpu.memory_space<hbm>>
        tpu.wait_dma2 semaphore(%run_scoped3A : memref<!tpu.dma_semaphore, #tpu.memory_space<semaphore_mem>>) src(%arg12 : memref<640x16xf32, #tpu.memory_space<vmem>>) dst(%dma_wait3A_33 : memref<640x16xf32, #tpu.memory_space<hbm>>)
        tpu.yield
      }) : () -> ()
    }
    %scan3A_5 = arith.constant 5 : i32
    return
  }
}

#map = affine_map<(d0, d1) -> (0, 0)>
#map1 = affine_map<(d0, d1) -> (0, 0, 0)>
module attributes {stable_mosaic.version = 14 : i64} {
  func.func @_scatter_body(%arg0: i32, %arg1: i32, %arg2: memref<10000x32xf32, #tpu.memory_space<hbm>>, %arg3: memref<10000x32xf32, #tpu.memory_space<hbm>>, %arg4: memref<10000x32xf32, #tpu.memory_space<hbm>>, %arg5: memref<10000x32xf32, #tpu.memory_space<hbm>>, %arg6: memref<2560x128xi32, #tpu.memory_space<hbm>>, %arg7: memref<2560x128xi32, #tpu.memory_space<hbm>>, %arg8: memref<2x10240x32xf32, #tpu.memory_space<hbm>>, %arg9: memref<2x10240x32xf32, #tpu.memory_space<hbm>>, %arg10: memref<2x10240x32xf32, #tpu.memory_space<hbm>>, %arg11: memref<2x10240x32xf32, #tpu.memory_space<hbm>>, %arg12: memref<2x10240x32xf32, #tpu.memory_space<hbm>>, %arg13: memref<80x128xi32, #tpu.memory_space<vmem>>, %arg14: memref<80x128xi32, #tpu.memory_space<vmem>>, %arg15: memref<128x32xf32, #tpu.memory_space<vmem>>, %arg16: memref<128x32xf32, #tpu.memory_space<vmem>>, %arg17: memref<10240x32xf32, #tpu.memory_space<vmem_shared>>, %arg18: memref<!tpu.dma_semaphore, #tpu.memory_space<semaphore_mem>>, %arg19: memref<!tpu.dma_semaphore, #tpu.memory_space<semaphore_mem>>) attributes {dimension_semantics = [#tpu.dimension_semantics<core_parallel>, #tpu.dimension_semantics<subcore_parallel>], iteration_bounds = array<i64: 2, 16>, scalar_prefetch = 0 : i64, scratch_operands = 7 : i64, tpu.core_type = #tpu.core_type<sc_vector_subcore>, window_params = [{transform_indices = #map}, {transform_indices = #map}, {transform_indices = #map}, {transform_indices = #map}, {transform_indices = #map}, {transform_indices = #map}, {transform_indices = #map1}, {transform_indices = #map1}, {transform_indices = #map1}, {transform_indices = #map1}, {transform_indices = #map1}]} {
    %mul3A = arith.constant 2 : i32
    %mul3A_0 = arith.muli %arg1, %mul3A : i32
    %add3A = arith.addi %mul3A_0, %arg0 : i32
    %mul3A_1 = arith.constant 80 : i32
    %mul3A_2 = arith.muli %add3A, %mul3A_1 : i32
    "tpu.region"() ({
      %run_scoped3A = tpu.sem_alloc : memref<!tpu.dma_semaphore, #tpu.memory_space<semaphore_mem>>
      %dma_start3A_323 = arith.constant 0 : i32
      %dma_start3A_324 = tpu.memref_slice %arg6[%mul3A_2, %dma_start3A_323] : memref<2560x128xi32, #tpu.memory_space<hbm>> -> memref<80x128xi32, #tpu.memory_space<hbm>>
      %dma_start3A_325 = arith.constant 0 : i32
      %dma_start3A_326 = tpu.memref_slice %arg6[%mul3A_2, %dma_start3A_325] : memref<2560x128xi32, #tpu.memory_space<hbm>> -> memref<80x128xi32, #tpu.memory_space<hbm>>
      tpu.enqueue_dma source(%dma_start3A_326 : memref<80x128xi32, #tpu.memory_space<hbm>>) target(%arg13 : memref<80x128xi32, #tpu.memory_space<vmem>>) target_semaphore(%run_scoped3A : memref<!tpu.dma_semaphore, #tpu.memory_space<semaphore_mem>>)
      %dma_wait3A = arith.constant 0 : i32
      %dma_wait3A_327 = tpu.memref_slice %arg6[%mul3A_2, %dma_wait3A] : memref<2560x128xi32, #tpu.memory_space<hbm>> -> memref<80x128xi32, #tpu.memory_space<hbm>>
      %dma_wait3A_328 = arith.constant 0 : i32
      %dma_wait3A_329 = tpu.memref_slice %arg6[%mul3A_2, %dma_wait3A_328] : memref<2560x128xi32, #tpu.memory_space<hbm>> -> memref<80x128xi32, #tpu.memory_space<hbm>>
      tpu.wait_dma2 semaphore(%run_scoped3A : memref<!tpu.dma_semaphore, #tpu.memory_space<semaphore_mem>>) src(%dma_wait3A_329 : memref<80x128xi32, #tpu.memory_space<hbm>>) dst(%arg13 : memref<80x128xi32, #tpu.memory_space<vmem>>)
      tpu.yield
    }) : () -> ()
    %mul3A_3 = arith.constant 80 : i32
    %mul3A_4 = arith.muli %add3A, %mul3A_3 : i32
    "tpu.region"() ({
      %run_scoped3A = tpu.sem_alloc : memref<!tpu.dma_semaphore, #tpu.memory_space<semaphore_mem>>
      %dma_start3A_323 = arith.constant 0 : i32
      %dma_start3A_324 = tpu.memref_slice %arg7[%mul3A_4, %dma_start3A_323] : memref<2560x128xi32, #tpu.memory_space<hbm>> -> memref<80x128xi32, #tpu.memory_space<hbm>>
      %dma_start3A_325 = arith.constant 0 : i32
      %dma_start3A_326 = tpu.memref_slice %arg7[%mul3A_4, %dma_start3A_325] : memref<2560x128xi32, #tpu.memory_space<hbm>> -> memref<80x128xi32, #tpu.memory_space<hbm>>
      tpu.enqueue_dma source(%dma_start3A_326 : memref<80x128xi32, #tpu.memory_space<hbm>>) target(%arg14 : memref<80x128xi32, #tpu.memory_space<vmem>>) target_semaphore(%run_scoped3A : memref<!tpu.dma_semaphore, #tpu.memory_space<semaphore_mem>>)
      %dma_wait3A = arith.constant 0 : i32
      %dma_wait3A_327 = tpu.memref_slice %arg7[%mul3A_4, %dma_wait3A] : memref<2560x128xi32, #tpu.memory_space<hbm>> -> memref<80x128xi32, #tpu.memory_space<hbm>>
      %dma_wait3A_328 = arith.constant 0 : i32
      %dma_wait3A_329 = tpu.memref_slice %arg7[%mul3A_4, %dma_wait3A_328] : memref<2560x128xi32, #tpu.memory_space<hbm>> -> memref<80x128xi32, #tpu.memory_space<hbm>>
      tpu.wait_dma2 semaphore(%run_scoped3A : memref<!tpu.dma_semaphore, #tpu.memory_space<semaphore_mem>>) src(%dma_wait3A_329 : memref<80x128xi32, #tpu.memory_space<hbm>>) dst(%arg14 : memref<80x128xi32, #tpu.memory_space<vmem>>)
      tpu.yield
    }) : () -> ()
    %broadcast_in_dim3A = arith.constant 0.000000e+00 : f32
    %broadcast_in_dim3A_5 = vector.broadcast %broadcast_in_dim3A : f32 to vector<16xf32>
    %scan3A = arith.constant 0 : i32
    %scan3A_6 = arith.constant 0 : i32
    %scan3A_7 = arith.constant 128 : i32
    %scan3A_8 = arith.addi %scan3A_6, %scan3A_7 : i32
    %scan3A_9 = arith.constant 1 : i32
    scf.for %scan3A_323 = %scan3A_6 to %scan3A_8 step %scan3A_9  : i32 {
      %swap3A = arith.index_cast %scan3A_323 : i32 to index
      %swap3A_324 = arith.constant 0 : index
      %swap3A_325 = tpu.vector_load %arg15[%swap3A, %swap3A_324] {strides = array<i32>} : memref<128x32xf32, #tpu.memory_space<vmem>>, vector<1x16xf32>,
      %swap3A_326 = vector.shape_cast %swap3A_325 : vector<1x16xf32> to vector<16xf32>
      %swap3A_327 = vector.shape_cast %broadcast_in_dim3A_5 : vector<16xf32> to vector<1x16xf32>
      tpu.vector_store %arg15[%swap3A, %swap3A_324], %swap3A_327 {strides = array<i32>} : memref<128x32xf32, #tpu.memory_space<vmem>>, vector<1x16xf32>,
      %swap3A_328 = arith.index_cast %scan3A_323 : i32 to index
      %swap3A_329 = arith.constant 16 : index
      %swap3A_330 = tpu.vector_load %arg15[%swap3A_328, %swap3A_329] {strides = array<i32>} : memref<128x32xf32, #tpu.memory_space<vmem>>, vector<1x16xf32>,
      %swap3A_331 = vector.shape_cast %swap3A_330 : vector<1x16xf32> to vector<16xf32>
      %swap3A_332 = vector.shape_cast %broadcast_in_dim3A_5 : vector<16xf32> to vector<1x16xf32>
      tpu.vector_store %arg15[%swap3A_328, %swap3A_329], %swap3A_332 {strides = array<i32>} : memref<128x32xf32, #tpu.memory_space<vmem>>, vector<1x16xf32>,
    }
    %scan3A_10 = arith.constant 128 : i32
    %mul3A_11 = arith.constant 640 : i32
    %mul3A_12 = arith.muli %arg1, %mul3A_11 : i32
    %add3A_13 = arith.constant 0 : i32
    %add3A_14 = arith.addi %mul3A_12, %add3A_13 : i32
    "tpu.region"() ({
      %run_scoped3A = tpu.sem_alloc : memref<!tpu.dma_semaphore, #tpu.memory_space<semaphore_mem>>
      %dma_start3A_323 = arith.constant 0 : i32
      %dma_start3A_324 = tpu.memref_slice %arg17[%add3A_14, %dma_start3A_323] : memref<10240x32xf32, #tpu.memory_space<vmem_shared>> -> memref<128x32xf32, #tpu.memory_space<vmem_shared>>
      %dma_start3A_325 = arith.constant 0 : i32
      %dma_start3A_326 = tpu.memref_slice %arg17[%add3A_14, %dma_start3A_325] : memref<10240x32xf32, #tpu.memory_space<vmem_shared>> -> memref<128x32xf32, #tpu.memory_space<vmem_shared>>
      tpu.enqueue_dma source(%arg15 : memref<128x32xf32, #tpu.memory_space<vmem>>) target(%dma_start3A_326 : memref<128x32xf32, #tpu.memory_space<vmem_shared>>) target_semaphore(%run_scoped3A : memref<!tpu.dma_semaphore, #tpu.memory_space<semaphore_mem>>)
      %dma_wait3A = arith.constant 0 : i32
      %dma_wait3A_327 = tpu.memref_slice %arg17[%add3A_14, %dma_wait3A] : memref<10240x32xf32, #tpu.memory_space<vmem_shared>> -> memref<128x32xf32, #tpu.memory_space<vmem_shared>>
      %dma_wait3A_328 = arith.constant 0 : i32
      %dma_wait3A_329 = tpu.memref_slice %arg17[%add3A_14, %dma_wait3A_328] : memref<10240x32xf32, #tpu.memory_space<vmem_shared>> -> memref<128x32xf32, #tpu.memory_space<vmem_shared>>
      tpu.wait_dma2 semaphore(%run_scoped3A : memref<!tpu.dma_semaphore, #tpu.memory_space<semaphore_mem>>) src(%arg15 : memref<128x32xf32, #tpu.memory_space<vmem>>) dst(%dma_wait3A_329 : memref<128x32xf32, #tpu.memory_space<vmem_shared>>)
      tpu.yield
    }) : () -> ()
    %mul3A_15 = arith.constant 640 : i32
    %mul3A_16 = arith.muli %arg1, %mul3A_15 : i32
    %add3A_17 = arith.constant 128 : i32
    %add3A_18 = arith.addi %mul3A_16, %add3A_17 : i32
    "tpu.region"() ({
      %run_scoped3A = tpu.sem_alloc : memref<!tpu.dma_semaphore, #tpu.memory_space<semaphore_mem>>
      %dma_start3A_323 = arith.constant 0 : i32
      %dma_start3A_324 = tpu.memref_slice %arg17[%add3A_18, %dma_start3A_323] : memref<10240x32xf32, #tpu.memory_space<vmem_shared>> -> memref<128x32xf32, #tpu.memory_space<vmem_shared>>
      %dma_start3A_325 = arith.constant 0 : i32
      %dma_start3A_326 = tpu.memref_slice %arg17[%add3A_18, %dma_start3A_325] : memref<10240x32xf32, #tpu.memory_space<vmem_shared>> -> memref<128x32xf32, #tpu.memory_space<vmem_shared>>
      tpu.enqueue_dma source(%arg15 : memref<128x32xf32, #tpu.memory_space<vmem>>) target(%dma_start3A_326 : memref<128x32xf32, #tpu.memory_space<vmem_shared>>) target_semaphore(%run_scoped3A : memref<!tpu.dma_semaphore, #tpu.memory_space<semaphore_mem>>)
      %dma_wait3A = arith.constant 0 : i32
      %dma_wait3A_327 = tpu.memref_slice %arg17[%add3A_18, %dma_wait3A] : memref<10240x32xf32, #tpu.memory_space<vmem_shared>> -> memref<128x32xf32, #tpu.memory_space<vmem_shared>>
      %dma_wait3A_328 = arith.constant 0 : i32
      %dma_wait3A_329 = tpu.memref_slice %arg17[%add3A_18, %dma_wait3A_328] : memref<10240x32xf32, #tpu.memory_space<vmem_shared>> -> memref<128x32xf32, #tpu.memory_space<vmem_shared>>
      tpu.wait_dma2 semaphore(%run_scoped3A : memref<!tpu.dma_semaphore, #tpu.memory_space<semaphore_mem>>) src(%arg15 : memref<128x32xf32, #tpu.memory_space<vmem>>) dst(%dma_wait3A_329 : memref<128x32xf32, #tpu.memory_space<vmem_shared>>)
      tpu.yield
    }) : () -> ()
    %mul3A_19 = arith.constant 640 : i32
    %mul3A_20 = arith.muli %arg1, %mul3A_19 : i32
    %add3A_21 = arith.constant 256 : i32
    %add3A_22 = arith.addi %mul3A_20, %add3A_21 : i32
    "tpu.region"() ({
      %run_scoped3A = tpu.sem_alloc : memref<!tpu.dma_semaphore, #tpu.memory_space<semaphore_mem>>
      %dma_start3A_323 = arith.constant 0 : i32
      %dma_start3A_324 = tpu.memref_slice %arg17[%add3A_22, %dma_start3A_323] : memref<10240x32xf32, #tpu.memory_space<vmem_shared>> -> memref<128x32xf32, #tpu.memory_space<vmem_shared>>
      %dma_start3A_325 = arith.constant 0 : i32
      %dma_start3A_326 = tpu.memref_slice %arg17[%add3A_22, %dma_start3A_325] : memref<10240x32xf32, #tpu.memory_space<vmem_shared>> -> memref<128x32xf32, #tpu.memory_space<vmem_shared>>
      tpu.enqueue_dma source(%arg15 : memref<128x32xf32, #tpu.memory_space<vmem>>) target(%dma_start3A_326 : memref<128x32xf32, #tpu.memory_space<vmem_shared>>) target_semaphore(%run_scoped3A : memref<!tpu.dma_semaphore, #tpu.memory_space<semaphore_mem>>)
      %dma_wait3A = arith.constant 0 : i32
      %dma_wait3A_327 = tpu.memref_slice %arg17[%add3A_22, %dma_wait3A] : memref<10240x32xf32, #tpu.memory_space<vmem_shared>> -> memref<128x32xf32, #tpu.memory_space<vmem_shared>>
      %dma_wait3A_328 = arith.constant 0 : i32
      %dma_wait3A_329 = tpu.memref_slice %arg17[%add3A_22, %dma_wait3A_328] : memref<10240x32xf32, #tpu.memory_space<vmem_shared>> -> memref<128x32xf32, #tpu.memory_space<vmem_shared>>
      tpu.wait_dma2 semaphore(%run_scoped3A : memref<!tpu.dma_semaphore, #tpu.memory_space<semaphore_mem>>) src(%arg15 : memref<128x32xf32, #tpu.memory_space<vmem>>) dst(%dma_wait3A_329 : memref<128x32xf32, #tpu.memory_space<vmem_shared>>)
      tpu.yield
    }) : () -> ()
    %mul3A_23 = arith.constant 640 : i32
    %mul3A_24 = arith.muli %arg1, %mul3A_23 : i32
    %add3A_25 = arith.constant 384 : i32
    %add3A_26 = arith.addi %mul3A_24, %add3A_25 : i32
    "tpu.region"() ({
      %run_scoped3A = tpu.sem_alloc : memref<!tpu.dma_semaphore, #tpu.memory_space<semaphore_mem>>
      %dma_start3A_323 = arith.constant 0 : i32
      %dma_start3A_324 = tpu.memref_slice %arg17[%add3A_26, %dma_start3A_323] : memref<10240x32xf32, #tpu.memory_space<vmem_shared>> -> memref<128x32xf32, #tpu.memory_space<vmem_shared>>
      %dma_start3A_325 = arith.constant 0 : i32
      %dma_start3A_326 = tpu.memref_slice %arg17[%add3A_26, %dma_start3A_325] : memref<10240x32xf32, #tpu.memory_space<vmem_shared>> -> memref<128x32xf32, #tpu.memory_space<vmem_shared>>
      tpu.enqueue_dma source(%arg15 : memref<128x32xf32, #tpu.memory_space<vmem>>) target(%dma_start3A_326 : memref<128x32xf32, #tpu.memory_space<vmem_shared>>) target_semaphore(%run_scoped3A : memref<!tpu.dma_semaphore, #tpu.memory_space<semaphore_mem>>)
      %dma_wait3A = arith.constant 0 : i32
      %dma_wait3A_327 = tpu.memref_slice %arg17[%add3A_26, %dma_wait3A] : memref<10240x32xf32, #tpu.memory_space<vmem_shared>> -> memref<128x32xf32, #tpu.memory_space<vmem_shared>>
      %dma_wait3A_328 = arith.constant 0 : i32
      %dma_wait3A_329 = tpu.memref_slice %arg17[%add3A_26, %dma_wait3A_328] : memref<10240x32xf32, #tpu.memory_space<vmem_shared>> -> memref<128x32xf32, #tpu.memory_space<vmem_shared>>
      tpu.wait_dma2 semaphore(%run_scoped3A : memref<!tpu.dma_semaphore, #tpu.memory_space<semaphore_mem>>) src(%arg15 : memref<128x32xf32, #tpu.memory_space<vmem>>) dst(%dma_wait3A_329 : memref<128x32xf32, #tpu.memory_space<vmem_shared>>)
      tpu.yield
    }) : () -> ()
    %mul3A_27 = arith.constant 640 : i32
    %mul3A_28 = arith.muli %arg1, %mul3A_27 : i32
    %add3A_29 = arith.constant 512 : i32
    %add3A_30 = arith.addi %mul3A_28, %add3A_29 : i32
    "tpu.region"() ({
      %run_scoped3A = tpu.sem_alloc : memref<!tpu.dma_semaphore, #tpu.memory_space<semaphore_mem>>
      %dma_start3A_323 = arith.constant 0 : i32
      %dma_start3A_324 = tpu.memref_slice %arg17[%add3A_30, %dma_start3A_323] : memref<10240x32xf32, #tpu.memory_space<vmem_shared>> -> memref<128x32xf32, #tpu.memory_space<vmem_shared>>
      %dma_start3A_325 = arith.constant 0 : i32
      %dma_start3A_326 = tpu.memref_slice %arg17[%add3A_30, %dma_start3A_325] : memref<10240x32xf32, #tpu.memory_space<vmem_shared>> -> memref<128x32xf32, #tpu.memory_space<vmem_shared>>
      tpu.enqueue_dma source(%arg15 : memref<128x32xf32, #tpu.memory_space<vmem>>) target(%dma_start3A_326 : memref<128x32xf32, #tpu.memory_space<vmem_shared>>) target_semaphore(%run_scoped3A : memref<!tpu.dma_semaphore, #tpu.memory_space<semaphore_mem>>)
      %dma_wait3A = arith.constant 0 : i32
      %dma_wait3A_327 = tpu.memref_slice %arg17[%add3A_30, %dma_wait3A] : memref<10240x32xf32, #tpu.memory_space<vmem_shared>> -> memref<128x32xf32, #tpu.memory_space<vmem_shared>>
      %dma_wait3A_328 = arith.constant 0 : i32
      %dma_wait3A_329 = tpu.memref_slice %arg17[%add3A_30, %dma_wait3A_328] : memref<10240x32xf32, #tpu.memory_space<vmem_shared>> -> memref<128x32xf32, #tpu.memory_space<vmem_shared>>
      tpu.wait_dma2 semaphore(%run_scoped3A : memref<!tpu.dma_semaphore, #tpu.memory_space<semaphore_mem>>) src(%arg15 : memref<128x32xf32, #tpu.memory_space<vmem>>) dst(%dma_wait3A_329 : memref<128x32xf32, #tpu.memory_space<vmem_shared>>)
      tpu.yield
    }) : () -> ()
    %barrier3A = arith.constant 0 : index
    tpu.barrier barrier_id(%barrier3A)
    %dma_start3A = arith.constant 0 : i32
    %dma_start3A_31 = arith.constant 0 : i32
    %dma_start3A_32 = tpu.memref_slice %arg13[%dma_start3A, %dma_start3A_31] : memref<80x128xi32, #tpu.memory_space<vmem>> -> memref<1x128xi32, #tpu.memory_space<vmem>>
    %dma_start3A_33 = tpu.memref_squeeze %dma_start3A_32 : memref<1x128xi32, #tpu.memory_space<vmem>> -> memref<128xi32, #tpu.memory_space<vmem>>
    %dma_start3A_34 = arith.constant 0 : i32
    %dma_start3A_35 = arith.constant 0 : i32
    %dma_start3A_36 = tpu.memref_slice %arg2[%dma_start3A_34, %dma_start3A_35] : memref<10000x32xf32, #tpu.memory_space<hbm>> -> memref<10000x32xf32, #tpu.memory_space<hbm>>
    tpu.enqueue_indirect_dma source(%dma_start3A_36 : memref<10000x32xf32, #tpu.memory_space<hbm>>) target(%arg15 : memref<128x32xf32, #tpu.memory_space<vmem>>) offsets(%dma_start3A_33 : memref<128xi32, #tpu.memory_space<vmem>>) semaphore(%arg18 : memref<!tpu.dma_semaphore, #tpu.memory_space<semaphore_mem>>)
    %scan3A_37 = arith.constant 0 : i32
    %scan3A_38 = arith.constant 0 : i32
    %scan3A_39 = arith.constant 40 : i32
    %scan3A_40 = arith.addi %scan3A_38, %scan3A_39 : i32
    %scan3A_41 = arith.constant 1 : i32
    scf.for %scan3A_323 = %scan3A_38 to %scan3A_40 step %scan3A_41  : i32 {
      %mul3A_324 = arith.constant 2 : i32
      %mul3A_325 = arith.muli %mul3A_324, %scan3A_323 : i32
      %add3A_326 = arith.constant 1 : i32
      %add3A_327 = arith.addi %mul3A_325, %add3A_326 : i32
      %dma_start3A_328 = arith.constant 0 : i32
      %dma_start3A_329 = tpu.memref_slice %arg13[%add3A_327, %dma_start3A_328] : memref<80x128xi32, #tpu.memory_space<vmem>> -> memref<1x128xi32, #tpu.memory_space<vmem>>
      %dma_start3A_330 = tpu.memref_squeeze %dma_start3A_329 : memref<1x128xi32, #tpu.memory_space<vmem>> -> memref<128xi32, #tpu.memory_space<vmem>>
      %dma_start3A_331 = arith.constant 0 : i32
      %dma_start3A_332 = arith.constant 0 : i32
      %dma_start3A_333 = tpu.memref_slice %arg2[%dma_start3A_331, %dma_start3A_332] : memref<10000x32xf32, #tpu.memory_space<hbm>> -> memref<10000x32xf32, #tpu.memory_space<hbm>>
      tpu.enqueue_indirect_dma source(%dma_start3A_333 : memref<10000x32xf32, #tpu.memory_space<hbm>>) target(%arg16 : memref<128x32xf32, #tpu.memory_space<vmem>>) offsets(%dma_start3A_330 : memref<128xi32, #tpu.memory_space<vmem>>) semaphore(%arg19 : memref<!tpu.dma_semaphore, #tpu.memory_space<semaphore_mem>>)
      %dma_wait3A = arith.constant 0 : i32
      %dma_wait3A_334 = arith.constant 0 : i32
      %dma_wait3A_335 = tpu.memref_slice %arg2[%dma_wait3A, %dma_wait3A_334] : memref<10000x32xf32, #tpu.memory_space<hbm>> -> memref<128x32xf32, #tpu.memory_space<hbm>>
      %dma_wait3A_336 = arith.constant 0 : i32
      %dma_wait3A_337 = arith.constant 0 : i32
      %dma_wait3A_338 = tpu.memref_slice %arg2[%dma_wait3A_336, %dma_wait3A_337] : memref<10000x32xf32, #tpu.memory_space<hbm>> -> memref<128x32xf32, #tpu.memory_space<hbm>>
      tpu.wait_dma2 semaphore(%arg18 : memref<!tpu.dma_semaphore, #tpu.memory_space<semaphore_mem>>) src(%dma_wait3A_338 : memref<128x32xf32, #tpu.memory_space<hbm>>) dst(%arg15 : memref<128x32xf32, #tpu.memory_space<vmem>>)
      %mul3A_339 = arith.constant 2 : i32
      %mul3A_340 = arith.muli %mul3A_339, %scan3A_323 : i32
      "tpu.region"() ({
        %run_scoped3A = tpu.sem_alloc : memref<!tpu.dma_semaphore, #tpu.memory_space<semaphore_mem>>
        %dma_start3A_357 = arith.constant 0 : i32
        %dma_start3A_358 = tpu.memref_slice %arg14[%mul3A_340, %dma_start3A_357] : memref<80x128xi32, #tpu.memory_space<vmem>> -> memref<1x128xi32, #tpu.memory_space<vmem>>
        %dma_start3A_359 = tpu.memref_squeeze %dma_start3A_358 : memref<1x128xi32, #tpu.memory_space<vmem>> -> memref<128xi32, #tpu.memory_space<vmem>>
        %dma_start3A_360 = arith.constant 0 : i32
        %dma_start3A_361 = arith.constant 0 : i32
        %dma_start3A_362 = tpu.memref_slice %arg17[%dma_start3A_360, %dma_start3A_361] : memref<10240x32xf32, #tpu.memory_space<vmem_shared>> -> memref<10240x32xf32, #tpu.memory_space<vmem_shared>>
        tpu.enqueue_indirect_dma source(%arg15 : memref<128x32xf32, #tpu.memory_space<vmem>>) target(%dma_start3A_362 : memref<10240x32xf32, #tpu.memory_space<vmem_shared>>) offsets(%dma_start3A_359 : memref<128xi32, #tpu.memory_space<vmem>>) semaphore(%run_scoped3A : memref<!tpu.dma_semaphore, #tpu.memory_space<semaphore_mem>>) {add = true}
        %dma_wait3A_363 = arith.constant 0 : i32
        %dma_wait3A_364 = tpu.memref_slice %arg14[%mul3A_340, %dma_wait3A_363] : memref<80x128xi32, #tpu.memory_space<vmem>> -> memref<1x128xi32, #tpu.memory_space<vmem>>
        %dma_wait3A_365 = tpu.memref_squeeze %dma_wait3A_364 : memref<1x128xi32, #tpu.memory_space<vmem>> -> memref<128xi32, #tpu.memory_space<vmem>>
        %dma_wait3A_366 = arith.constant 0 : i32
        %dma_wait3A_367 = arith.constant 0 : i32
        %dma_wait3A_368 = tpu.memref_slice %arg17[%dma_wait3A_366, %dma_wait3A_367] : memref<10240x32xf32, #tpu.memory_space<vmem_shared>> -> memref<10240x32xf32, #tpu.memory_space<vmem_shared>>
        tpu.wait_indirect_dma semaphore(%run_scoped3A : memref<!tpu.dma_semaphore, #tpu.memory_space<semaphore_mem>>) src(%arg15 : memref<128x32xf32, #tpu.memory_space<vmem>>) dst(%dma_wait3A_368 : memref<10240x32xf32, #tpu.memory_space<vmem_shared>>)
        tpu.yield
      }) : () -> ()
      %mul3A_341 = arith.constant 2 : i32
      %mul3A_342 = arith.muli %mul3A_341, %scan3A_323 : i32
      %add3A_343 = arith.constant 2 : i32
      %add3A_344 = arith.addi %mul3A_342, %add3A_343 : i32
      %lt3A = arith.constant 80 : i32
      %lt3A_345 = arith.cmpi slt, %add3A_344, %lt3A : i32
      %convert_element_type3A = arith.extui %lt3A_345 : i1 to i32
      %cond3A = arith.constant 0 : i32
      %cond3A_346 = arith.cmpi ne, %convert_element_type3A, %cond3A : i32
      scf.if %cond3A_346 {
        %mul3A_357 = arith.constant 2 : i32
        %mul3A_358 = arith.muli %mul3A_357, %scan3A_323 : i32
        %add3A_359 = arith.constant 2 : i32
        %add3A_360 = arith.addi %mul3A_358, %add3A_359 : i32
        %dma_start3A_361 = arith.constant 0 : i32
        %dma_start3A_362 = tpu.memref_slice %arg13[%add3A_360, %dma_start3A_361] : memref<80x128xi32, #tpu.memory_space<vmem>> -> memref<1x128xi32, #tpu.memory_space<vmem>>
        %dma_start3A_363 = tpu.memref_squeeze %dma_start3A_362 : memref<1x128xi32, #tpu.memory_space<vmem>> -> memref<128xi32, #tpu.memory_space<vmem>>
        %dma_start3A_364 = arith.constant 0 : i32
        %dma_start3A_365 = arith.constant 0 : i32
        %dma_start3A_366 = tpu.memref_slice %arg2[%dma_start3A_364, %dma_start3A_365] : memref<10000x32xf32, #tpu.memory_space<hbm>> -> memref<10000x32xf32, #tpu.memory_space<hbm>>
        tpu.enqueue_indirect_dma source(%dma_start3A_366 : memref<10000x32xf32, #tpu.memory_space<hbm>>) target(%arg15 : memref<128x32xf32, #tpu.memory_space<vmem>>) offsets(%dma_start3A_363 : memref<128xi32, #tpu.memory_space<vmem>>) semaphore(%arg18 : memref<!tpu.dma_semaphore, #tpu.memory_space<semaphore_mem>>)
      } else {
      }
      %dma_wait3A_347 = arith.constant 0 : i32
      %dma_wait3A_348 = arith.constant 0 : i32
      %dma_wait3A_349 = tpu.memref_slice %arg2[%dma_wait3A_347, %dma_wait3A_348] : memref<10000x32xf32, #tpu.memory_space<hbm>> -> memref<128x32xf32, #tpu.memory_space<hbm>>
      %dma_wait3A_350 = arith.constant 0 : i32
      %dma_wait3A_351 = arith.constant 0 : i32
      %dma_wait3A_352 = tpu.memref_slice %arg2[%dma_wait3A_350, %dma_wait3A_351] : memref<10000x32xf32, #tpu.memory_space<hbm>> -> memref<128x32xf32, #tpu.memory_space<hbm>>
      tpu.wait_dma2 semaphore(%arg19 : memref<!tpu.dma_semaphore, #tpu.memory_space<semaphore_mem>>) src(%dma_wait3A_352 : memref<128x32xf32, #tpu.memory_space<hbm>>) dst(%arg16 : memref<128x32xf32, #tpu.memory_space<vmem>>)
      %mul3A_353 = arith.constant 2 : i32
      %mul3A_354 = arith.muli %mul3A_353, %scan3A_323 : i32
      %add3A_355 = arith.constant 1 : i32
      %add3A_356 = arith.addi %mul3A_354, %add3A_355 : i32
      "tpu.region"() ({
        %run_scoped3A = tpu.sem_alloc : memref<!tpu.dma_semaphore, #tpu.memory_space<semaphore_mem>>
        %dma_start3A_357 = arith.constant 0 : i32
        %dma_start3A_358 = tpu.memref_slice %arg14[%add3A_356, %dma_start3A_357] : memref<80x128xi32, #tpu.memory_space<vmem>> -> memref<1x128xi32, #tpu.memory_space<vmem>>
        %dma_start3A_359 = tpu.memref_squeeze %dma_start3A_358 : memref<1x128xi32, #tpu.memory_space<vmem>> -> memref<128xi32, #tpu.memory_space<vmem>>
        %dma_start3A_360 = arith.constant 0 : i32
        %dma_start3A_361 = arith.constant 0 : i32
        %dma_start3A_362 = tpu.memref_slice %arg17[%dma_start3A_360, %dma_start3A_361] : memref<10240x32xf32, #tpu.memory_space<vmem_shared>> -> memref<10240x32xf32, #tpu.memory_space<vmem_shared>>
        tpu.enqueue_indirect_dma source(%arg16 : memref<128x32xf32, #tpu.memory_space<vmem>>) target(%dma_start3A_362 : memref<10240x32xf32, #tpu.memory_space<vmem_shared>>) offsets(%dma_start3A_359 : memref<128xi32, #tpu.memory_space<vmem>>) semaphore(%run_scoped3A : memref<!tpu.dma_semaphore, #tpu.memory_space<semaphore_mem>>) {add = true}
        %dma_wait3A_363 = arith.constant 0 : i32
        %dma_wait3A_364 = tpu.memref_slice %arg14[%add3A_356, %dma_wait3A_363] : memref<80x128xi32, #tpu.memory_space<vmem>> -> memref<1x128xi32, #tpu.memory_space<vmem>>
        %dma_wait3A_365 = tpu.memref_squeeze %dma_wait3A_364 : memref<1x128xi32, #tpu.memory_space<vmem>> -> memref<128xi32, #tpu.memory_space<vmem>>
        %dma_wait3A_366 = arith.constant 0 : i32
        %dma_wait3A_367 = arith.constant 0 : i32
        %dma_wait3A_368 = tpu.memref_slice %arg17[%dma_wait3A_366, %dma_wait3A_367] : memref<10240x32xf32, #tpu.memory_space<vmem_shared>> -> memref<10240x32xf32, #tpu.memory_space<vmem_shared>>
        tpu.wait_indirect_dma semaphore(%run_scoped3A : memref<!tpu.dma_semaphore, #tpu.memory_space<semaphore_mem>>) src(%arg16 : memref<128x32xf32, #tpu.memory_space<vmem>>) dst(%dma_wait3A_368 : memref<10240x32xf32, #tpu.memory_space<vmem_shared>>)
        tpu.yield
      }) : () -> ()
    }
    %scan3A_42 = arith.constant 40 : i32
    %barrier3A_43 = arith.constant 0 : index
    tpu.barrier barrier_id(%barrier3A_43)
    %mul3A_44 = arith.constant 640 : i32
    %mul3A_45 = arith.muli %arg1, %mul3A_44 : i32
    %add3A_46 = arith.constant 0 : i32
    %add3A_47 = arith.addi %mul3A_45, %add3A_46 : i32
    "tpu.region"() ({
      %run_scoped3A = tpu.sem_alloc : memref<!tpu.dma_semaphore, #tpu.memory_space<semaphore_mem>>
      %dma_start3A_323 = arith.constant 0 : i32
      %dma_start3A_324 = tpu.memref_slice %arg17[%add3A_47, %dma_start3A_323] : memref<10240x32xf32, #tpu.memory_space<vmem_shared>> -> memref<128x32xf32, #tpu.memory_space<vmem_shared>>
      %dma_start3A_325 = arith.constant 0 : i32
      %dma_start3A_326 = tpu.memref_slice %arg17[%add3A_47, %dma_start3A_325] : memref<10240x32xf32, #tpu.memory_space<vmem_shared>> -> memref<128x32xf32, #tpu.memory_space<vmem_shared>>
      tpu.enqueue_dma source(%dma_start3A_326 : memref<128x32xf32, #tpu.memory_space<vmem_shared>>) target(%arg15 : memref<128x32xf32, #tpu.memory_space<vmem>>) target_semaphore(%run_scoped3A : memref<!tpu.dma_semaphore, #tpu.memory_space<semaphore_mem>>)
      %dma_wait3A = arith.constant 0 : i32
      %dma_wait3A_327 = tpu.memref_slice %arg17[%add3A_47, %dma_wait3A] : memref<10240x32xf32, #tpu.memory_space<vmem_shared>> -> memref<128x32xf32, #tpu.memory_space<vmem_shared>>
      %dma_wait3A_328 = arith.constant 0 : i32
      %dma_wait3A_329 = tpu.memref_slice %arg17[%add3A_47, %dma_wait3A_328] : memref<10240x32xf32, #tpu.memory_space<vmem_shared>> -> memref<128x32xf32, #tpu.memory_space<vmem_shared>>
      tpu.wait_dma2 semaphore(%run_scoped3A : memref<!tpu.dma_semaphore, #tpu.memory_space<semaphore_mem>>) src(%dma_wait3A_329 : memref<128x32xf32, #tpu.memory_space<vmem_shared>>) dst(%arg15 : memref<128x32xf32, #tpu.memory_space<vmem>>)
      tpu.yield
    }) : () -> ()
    "tpu.region"() ({
      %run_scoped3A = tpu.sem_alloc : memref<!tpu.dma_semaphore, #tpu.memory_space<semaphore_mem>>
      %dma_start3A_323 = arith.constant 0 : i32
      %dma_start3A_324 = tpu.memref_slice %arg8[%arg0, %add3A_47, %dma_start3A_323] : memref<2x10240x32xf32, #tpu.memory_space<hbm>> -> memref<1x128x32xf32, #tpu.memory_space<hbm>>
      %dma_start3A_325 = tpu.memref_squeeze %dma_start3A_324 : memref<1x128x32xf32, #tpu.memory_space<hbm>> -> memref<128x32xf32, #tpu.memory_space<hbm>>
      %dma_start3A_326 = arith.constant 0 : i32
      %dma_start3A_327 = tpu.memref_slice %arg8[%arg0, %add3A_47, %dma_start3A_326] : memref<2x10240x32xf32, #tpu.memory_space<hbm>> -> memref<1x128x32xf32, #tpu.memory_space<hbm>>
      %dma_start3A_328 = tpu.memref_squeeze %dma_start3A_327 : memref<1x128x32xf32, #tpu.memory_space<hbm>> -> memref<128x32xf32, #tpu.memory_space<hbm>>
      tpu.enqueue_dma source(%arg15 : memref<128x32xf32, #tpu.memory_space<vmem>>) target(%dma_start3A_328 : memref<128x32xf32, #tpu.memory_space<hbm>>) target_semaphore(%run_scoped3A : memref<!tpu.dma_semaphore, #tpu.memory_space<semaphore_mem>>)
      %dma_wait3A = arith.constant 0 : i32
      %dma_wait3A_329 = tpu.memref_slice %arg8[%arg0, %add3A_47, %dma_wait3A] : memref<2x10240x32xf32, #tpu.memory_space<hbm>> -> memref<1x128x32xf32, #tpu.memory_space<hbm>>
      %dma_wait3A_330 = tpu.memref_squeeze %dma_wait3A_329 : memref<1x128x32xf32, #tpu.memory_space<hbm>> -> memref<128x32xf32, #tpu.memory_space<hbm>>
      %dma_wait3A_331 = arith.constant 0 : i32
      %dma_wait3A_332 = tpu.memref_slice %arg8[%arg0, %add3A_47, %dma_wait3A_331] : memref<2x10240x32xf32, #tpu.memory_space<hbm>> -> memref<1x128x32xf32, #tpu.memory_space<hbm>>
      %dma_wait3A_333 = tpu.memref_squeeze %dma_wait3A_332 : memref<1x128x32xf32, #tpu.memory_space<hbm>> -> memref<128x32xf32, #tpu.memory_space<hbm>>
      tpu.wait_dma2 semaphore(%run_scoped3A : memref<!tpu.dma_semaphore, #tpu.memory_space<semaphore_mem>>) src(%arg15 : memref<128x32xf32, #tpu.memory_space<vmem>>) dst(%dma_wait3A_333 : memref<128x32xf32, #tpu.memory_space<hbm>>)
      tpu.yield
    }) : () -> ()
    %mul3A_48 = arith.constant 640 : i32
    %mul3A_49 = arith.muli %arg1, %mul3A_48 : i32
    %add3A_50 = arith.constant 128 : i32
    %add3A_51 = arith.addi %mul3A_49, %add3A_50 : i32
    "tpu.region"() ({
      %run_scoped3A = tpu.sem_alloc : memref<!tpu.dma_semaphore, #tpu.memory_space<semaphore_mem>>
      %dma_start3A_323 = arith.constant 0 : i32
      %dma_start3A_324 = tpu.memref_slice %arg17[%add3A_51, %dma_start3A_323] : memref<10240x32xf32, #tpu.memory_space<vmem_shared>> -> memref<128x32xf32, #tpu.memory_space<vmem_shared>>
      %dma_start3A_325 = arith.constant 0 : i32
      %dma_start3A_326 = tpu.memref_slice %arg17[%add3A_51, %dma_start3A_325] : memref<10240x32xf32, #tpu.memory_space<vmem_shared>> -> memref<128x32xf32, #tpu.memory_space<vmem_shared>>
      tpu.enqueue_dma source(%dma_start3A_326 : memref<128x32xf32, #tpu.memory_space<vmem_shared>>) target(%arg15 : memref<128x32xf32, #tpu.memory_space<vmem>>) target_semaphore(%run_scoped3A : memref<!tpu.dma_semaphore, #tpu.memory_space<semaphore_mem>>)
      %dma_wait3A = arith.constant 0 : i32
      %dma_wait3A_327 = tpu.memref_slice %arg17[%add3A_51, %dma_wait3A] : memref<10240x32xf32, #tpu.memory_space<vmem_shared>> -> memref<128x32xf32, #tpu.memory_space<vmem_shared>>
      %dma_wait3A_328 = arith.constant 0 : i32
      %dma_wait3A_329 = tpu.memref_slice %arg17[%add3A_51, %dma_wait3A_328] : memref<10240x32xf32, #tpu.memory_space<vmem_shared>> -> memref<128x32xf32, #tpu.memory_space<vmem_shared>>
      tpu.wait_dma2 semaphore(%run_scoped3A : memref<!tpu.dma_semaphore, #tpu.memory_space<semaphore_mem>>) src(%dma_wait3A_329 : memref<128x32xf32, #tpu.memory_space<vmem_shared>>) dst(%arg15 : memref<128x32xf32, #tpu.memory_space<vmem>>)
      tpu.yield
    }) : () -> ()
    "tpu.region"() ({
      %run_scoped3A = tpu.sem_alloc : memref<!tpu.dma_semaphore, #tpu.memory_space<semaphore_mem>>
      %dma_start3A_323 = arith.constant 0 : i32
      %dma_start3A_324 = tpu.memref_slice %arg8[%arg0, %add3A_51, %dma_start3A_323] : memref<2x10240x32xf32, #tpu.memory_space<hbm>> -> memref<1x128x32xf32, #tpu.memory_space<hbm>>
      %dma_start3A_325 = tpu.memref_squeeze %dma_start3A_324 : memref<1x128x32xf32, #tpu.memory_space<hbm>> -> memref<128x32xf32, #tpu.memory_space<hbm>>
      %dma_start3A_326 = arith.constant 0 : i32
      %dma_start3A_327 = tpu.memref_slice %arg8[%arg0, %add3A_51, %dma_start3A_326] : memref<2x10240x32xf32, #tpu.memory_space<hbm>> -> memref<1x128x32xf32, #tpu.memory_space<hbm>>
      %dma_start3A_328 = tpu.memref_squeeze %dma_start3A_327 : memref<1x128x32xf32, #tpu.memory_space<hbm>> -> memref<128x32xf32, #tpu.memory_space<hbm>>
      tpu.enqueue_dma source(%arg15 : memref<128x32xf32, #tpu.memory_space<vmem>>) target(%dma_start3A_328 : memref<128x32xf32, #tpu.memory_space<hbm>>) target_semaphore(%run_scoped3A : memref<!tpu.dma_semaphore, #tpu.memory_space<semaphore_mem>>)
      %dma_wait3A = arith.constant 0 : i32
      %dma_wait3A_329 = tpu.memref_slice %arg8[%arg0, %add3A_51, %dma_wait3A] : memref<2x10240x32xf32, #tpu.memory_space<hbm>> -> memref<1x128x32xf32, #tpu.memory_space<hbm>>
      %dma_wait3A_330 = tpu.memref_squeeze %dma_wait3A_329 : memref<1x128x32xf32, #tpu.memory_space<hbm>> -> memref<128x32xf32, #tpu.memory_space<hbm>>
      %dma_wait3A_331 = arith.constant 0 : i32
      %dma_wait3A_332 = tpu.memref_slice %arg8[%arg0, %add3A_51, %dma_wait3A_331] : memref<2x10240x32xf32, #tpu.memory_space<hbm>> -> memref<1x128x32xf32, #tpu.memory_space<hbm>>
      %dma_wait3A_333 = tpu.memref_squeeze %dma_wait3A_332 : memref<1x128x32xf32, #tpu.memory_space<hbm>> -> memref<128x32xf32, #tpu.memory_space<hbm>>
      tpu.wait_dma2 semaphore(%run_scoped3A : memref<!tpu.dma_semaphore, #tpu.memory_space<semaphore_mem>>) src(%arg15 : memref<128x32xf32, #tpu.memory_space<vmem>>) dst(%dma_wait3A_333 : memref<128x32xf32, #tpu.memory_space<hbm>>)
      tpu.yield
    }) : () -> ()
    %mul3A_52 = arith.constant 640 : i32
    %mul3A_53 = arith.muli %arg1, %mul3A_52 : i32
    %add3A_54 = arith.constant 256 : i32
    %add3A_55 = arith.addi %mul3A_53, %add3A_54 : i32
    "tpu.region"() ({
      %run_scoped3A = tpu.sem_alloc : memref<!tpu.dma_semaphore, #tpu.memory_space<semaphore_mem>>
      %dma_start3A_323 = arith.constant 0 : i32
      %dma_start3A_324 = tpu.memref_slice %arg17[%add3A_55, %dma_start3A_323] : memref<10240x32xf32, #tpu.memory_space<vmem_shared>> -> memref<128x32xf32, #tpu.memory_space<vmem_shared>>
      %dma_start3A_325 = arith.constant 0 : i32
      %dma_start3A_326 = tpu.memref_slice %arg17[%add3A_55, %dma_start3A_325] : memref<10240x32xf32, #tpu.memory_space<vmem_shared>> -> memref<128x32xf32, #tpu.memory_space<vmem_shared>>
      tpu.enqueue_dma source(%dma_start3A_326 : memref<128x32xf32, #tpu.memory_space<vmem_shared>>) target(%arg15 : memref<128x32xf32, #tpu.memory_space<vmem>>) target_semaphore(%run_scoped3A : memref<!tpu.dma_semaphore, #tpu.memory_space<semaphore_mem>>)
      %dma_wait3A = arith.constant 0 : i32
      %dma_wait3A_327 = tpu.memref_slice %arg17[%add3A_55, %dma_wait3A] : memref<10240x32xf32, #tpu.memory_space<vmem_shared>> -> memref<128x32xf32, #tpu.memory_space<vmem_shared>>
      %dma_wait3A_328 = arith.constant 0 : i32
      %dma_wait3A_329 = tpu.memref_slice %arg17[%add3A_55, %dma_wait3A_328] : memref<10240x32xf32, #tpu.memory_space<vmem_shared>> -> memref<128x32xf32, #tpu.memory_space<vmem_shared>>
      tpu.wait_dma2 semaphore(%run_scoped3A : memref<!tpu.dma_semaphore, #tpu.memory_space<semaphore_mem>>) src(%dma_wait3A_329 : memref<128x32xf32, #tpu.memory_space<vmem_shared>>) dst(%arg15 : memref<128x32xf32, #tpu.memory_space<vmem>>)
      tpu.yield
    }) : () -> ()
    "tpu.region"() ({
      %run_scoped3A = tpu.sem_alloc : memref<!tpu.dma_semaphore, #tpu.memory_space<semaphore_mem>>
      %dma_start3A_323 = arith.constant 0 : i32
      %dma_start3A_324 = tpu.memref_slice %arg8[%arg0, %add3A_55, %dma_start3A_323] : memref<2x10240x32xf32, #tpu.memory_space<hbm>> -> memref<1x128x32xf32, #tpu.memory_space<hbm>>
      %dma_start3A_325 = tpu.memref_squeeze %dma_start3A_324 : memref<1x128x32xf32, #tpu.memory_space<hbm>> -> memref<128x32xf32, #tpu.memory_space<hbm>>
      %dma_start3A_326 = arith.constant 0 : i32
      %dma_start3A_327 = tpu.memref_slice %arg8[%arg0, %add3A_55, %dma_start3A_326] : memref<2x10240x32xf32, #tpu.memory_space<hbm>> -> memref<1x128x32xf32, #tpu.memory_space<hbm>>
      %dma_start3A_328 = tpu.memref_squeeze %dma_start3A_327 : memref<1x128x32xf32, #tpu.memory_space<hbm>> -> memref<128x32xf32, #tpu.memory_space<hbm>>
      tpu.enqueue_dma source(%arg15 : memref<128x32xf32, #tpu.memory_space<vmem>>) target(%dma_start3A_328 : memref<128x32xf32, #tpu.memory_space<hbm>>) target_semaphore(%run_scoped3A : memref<!tpu.dma_semaphore, #tpu.memory_space<semaphore_mem>>)
      %dma_wait3A = arith.constant 0 : i32
      %dma_wait3A_329 = tpu.memref_slice %arg8[%arg0, %add3A_55, %dma_wait3A] : memref<2x10240x32xf32, #tpu.memory_space<hbm>> -> memref<1x128x32xf32, #tpu.memory_space<hbm>>
      %dma_wait3A_330 = tpu.memref_squeeze %dma_wait3A_329 : memref<1x128x32xf32, #tpu.memory_space<hbm>> -> memref<128x32xf32, #tpu.memory_space<hbm>>
      %dma_wait3A_331 = arith.constant 0 : i32
      %dma_wait3A_332 = tpu.memref_slice %arg8[%arg0, %add3A_55, %dma_wait3A_331] : memref<2x10240x32xf32, #tpu.memory_space<hbm>> -> memref<1x128x32xf32, #tpu.memory_space<hbm>>
      %dma_wait3A_333 = tpu.memref_squeeze %dma_wait3A_332 : memref<1x128x32xf32, #tpu.memory_space<hbm>> -> memref<128x32xf32, #tpu.memory_space<hbm>>
      tpu.wait_dma2 semaphore(%run_scoped3A : memref<!tpu.dma_semaphore, #tpu.memory_space<semaphore_mem>>) src(%arg15 : memref<128x32xf32, #tpu.memory_space<vmem>>) dst(%dma_wait3A_333 : memref<128x32xf32, #tpu.memory_space<hbm>>)
      tpu.yield
    }) : () -> ()
    %mul3A_56 = arith.constant 640 : i32
    %mul3A_57 = arith.muli %arg1, %mul3A_56 : i32
    %add3A_58 = arith.constant 384 : i32
    %add3A_59 = arith.addi %mul3A_57, %add3A_58 : i32
    "tpu.region"() ({
      %run_scoped3A = tpu.sem_alloc : memref<!tpu.dma_semaphore, #tpu.memory_space<semaphore_mem>>
      %dma_start3A_323 = arith.constant 0 : i32
      %dma_start3A_324 = tpu.memref_slice %arg17[%add3A_59, %dma_start3A_323] : memref<10240x32xf32, #tpu.memory_space<vmem_shared>> -> memref<128x32xf32, #tpu.memory_space<vmem_shared>>
      %dma_start3A_325 = arith.constant 0 : i32
      %dma_start3A_326 = tpu.memref_slice %arg17[%add3A_59, %dma_start3A_325] : memref<10240x32xf32, #tpu.memory_space<vmem_shared>> -> memref<128x32xf32, #tpu.memory_space<vmem_shared>>
      tpu.enqueue_dma source(%dma_start3A_326 : memref<128x32xf32, #tpu.memory_space<vmem_shared>>) target(%arg15 : memref<128x32xf32, #tpu.memory_space<vmem>>) target_semaphore(%run_scoped3A : memref<!tpu.dma_semaphore, #tpu.memory_space<semaphore_mem>>)
      %dma_wait3A = arith.constant 0 : i32
      %dma_wait3A_327 = tpu.memref_slice %arg17[%add3A_59, %dma_wait3A] : memref<10240x32xf32, #tpu.memory_space<vmem_shared>> -> memref<128x32xf32, #tpu.memory_space<vmem_shared>>
      %dma_wait3A_328 = arith.constant 0 : i32
      %dma_wait3A_329 = tpu.memref_slice %arg17[%add3A_59, %dma_wait3A_328] : memref<10240x32xf32, #tpu.memory_space<vmem_shared>> -> memref<128x32xf32, #tpu.memory_space<vmem_shared>>
      tpu.wait_dma2 semaphore(%run_scoped3A : memref<!tpu.dma_semaphore, #tpu.memory_space<semaphore_mem>>) src(%dma_wait3A_329 : memref<128x32xf32, #tpu.memory_space<vmem_shared>>) dst(%arg15 : memref<128x32xf32, #tpu.memory_space<vmem>>)
      tpu.yield
    }) : () -> ()
    "tpu.region"() ({
      %run_scoped3A = tpu.sem_alloc : memref<!tpu.dma_semaphore, #tpu.memory_space<semaphore_mem>>
      %dma_start3A_323 = arith.constant 0 : i32
      %dma_start3A_324 = tpu.memref_slice %arg8[%arg0, %add3A_59, %dma_start3A_323] : memref<2x10240x32xf32, #tpu.memory_space<hbm>> -> memref<1x128x32xf32, #tpu.memory_space<hbm>>
      %dma_start3A_325 = tpu.memref_squeeze %dma_start3A_324 : memref<1x128x32xf32, #tpu.memory_space<hbm>> -> memref<128x32xf32, #tpu.memory_space<hbm>>
      %dma_start3A_326 = arith.constant 0 : i32
      %dma_start3A_327 = tpu.memref_slice %arg8[%arg0, %add3A_59, %dma_start3A_326] : memref<2x10240x32xf32, #tpu.memory_space<hbm>> -> memref<1x128x32xf32, #tpu.memory_space<hbm>>
      %dma_start3A_328 = tpu.memref_squeeze %dma_start3A_327 : memref<1x128x32xf32, #tpu.memory_space<hbm>> -> memref<128x32xf32, #tpu.memory_space<hbm>>
      tpu.enqueue_dma source(%arg15 : memref<128x32xf32, #tpu.memory_space<vmem>>) target(%dma_start3A_328 : memref<128x32xf32, #tpu.memory_space<hbm>>) target_semaphore(%run_scoped3A : memref<!tpu.dma_semaphore, #tpu.memory_space<semaphore_mem>>)
      %dma_wait3A = arith.constant 0 : i32
      %dma_wait3A_329 = tpu.memref_slice %arg8[%arg0, %add3A_59, %dma_wait3A] : memref<2x10240x32xf32, #tpu.memory_space<hbm>> -> memref<1x128x32xf32, #tpu.memory_space<hbm>>
      %dma_wait3A_330 = tpu.memref_squeeze %dma_wait3A_329 : memref<1x128x32xf32, #tpu.memory_space<hbm>> -> memref<128x32xf32, #tpu.memory_space<hbm>>
      %dma_wait3A_331 = arith.constant 0 : i32
      %dma_wait3A_332 = tpu.memref_slice %arg8[%arg0, %add3A_59, %dma_wait3A_331] : memref<2x10240x32xf32, #tpu.memory_space<hbm>> -> memref<1x128x32xf32, #tpu.memory_space<hbm>>
      %dma_wait3A_333 = tpu.memref_squeeze %dma_wait3A_332 : memref<1x128x32xf32, #tpu.memory_space<hbm>> -> memref<128x32xf32, #tpu.memory_space<hbm>>
      tpu.wait_dma2 semaphore(%run_scoped3A : memref<!tpu.dma_semaphore, #tpu.memory_space<semaphore_mem>>) src(%arg15 : memref<128x32xf32, #tpu.memory_space<vmem>>) dst(%dma_wait3A_333 : memref<128x32xf32, #tpu.memory_space<hbm>>)
      tpu.yield
    }) : () -> ()
    %mul3A_60 = arith.constant 640 : i32
    %mul3A_61 = arith.muli %arg1, %mul3A_60 : i32
    %add3A_62 = arith.constant 512 : i32
    %add3A_63 = arith.addi %mul3A_61, %add3A_62 : i32
    "tpu.region"() ({
      %run_scoped3A = tpu.sem_alloc : memref<!tpu.dma_semaphore, #tpu.memory_space<semaphore_mem>>
      %dma_start3A_323 = arith.constant 0 : i32
      %dma_start3A_324 = tpu.memref_slice %arg17[%add3A_63, %dma_start3A_323] : memref<10240x32xf32, #tpu.memory_space<vmem_shared>> -> memref<128x32xf32, #tpu.memory_space<vmem_shared>>
      %dma_start3A_325 = arith.constant 0 : i32
      %dma_start3A_326 = tpu.memref_slice %arg17[%add3A_63, %dma_start3A_325] : memref<10240x32xf32, #tpu.memory_space<vmem_shared>> -> memref<128x32xf32, #tpu.memory_space<vmem_shared>>
      tpu.enqueue_dma source(%dma_start3A_326 : memref<128x32xf32, #tpu.memory_space<vmem_shared>>) target(%arg15 : memref<128x32xf32, #tpu.memory_space<vmem>>) target_semaphore(%run_scoped3A : memref<!tpu.dma_semaphore, #tpu.memory_space<semaphore_mem>>)
      %dma_wait3A = arith.constant 0 : i32
      %dma_wait3A_327 = tpu.memref_slice %arg17[%add3A_63, %dma_wait3A] : memref<10240x32xf32, #tpu.memory_space<vmem_shared>> -> memref<128x32xf32, #tpu.memory_space<vmem_shared>>
      %dma_wait3A_328 = arith.constant 0 : i32
      %dma_wait3A_329 = tpu.memref_slice %arg17[%add3A_63, %dma_wait3A_328] : memref<10240x32xf32, #tpu.memory_space<vmem_shared>> -> memref<128x32xf32, #tpu.memory_space<vmem_shared>>
      tpu.wait_dma2 semaphore(%run_scoped3A : memref<!tpu.dma_semaphore, #tpu.memory_space<semaphore_mem>>) src(%dma_wait3A_329 : memref<128x32xf32, #tpu.memory_space<vmem_shared>>) dst(%arg15 : memref<128x32xf32, #tpu.memory_space<vmem>>)
      tpu.yield
    }) : () -> ()
    "tpu.region"() ({
      %run_scoped3A = tpu.sem_alloc : memref<!tpu.dma_semaphore, #tpu.memory_space<semaphore_mem>>
      %dma_start3A_323 = arith.constant 0 : i32
      %dma_start3A_324 = tpu.memref_slice %arg8[%arg0, %add3A_63, %dma_start3A_323] : memref<2x10240x32xf32, #tpu.memory_space<hbm>> -> memref<1x128x32xf32, #tpu.memory_space<hbm>>
      %dma_start3A_325 = tpu.memref_squeeze %dma_start3A_324 : memref<1x128x32xf32, #tpu.memory_space<hbm>> -> memref<128x32xf32, #tpu.memory_space<hbm>>
      %dma_start3A_326 = arith.constant 0 : i32
      %dma_start3A_327 = tpu.memref_slice %arg8[%arg0, %add3A_63, %dma_start3A_326] : memref<2x10240x32xf32, #tpu.memory_space<hbm>> -> memref<1x128x32xf32, #tpu.memory_space<hbm>>
      %dma_start3A_328 = tpu.memref_squeeze %dma_start3A_327 : memref<1x128x32xf32, #tpu.memory_space<hbm>> -> memref<128x32xf32, #tpu.memory_space<hbm>>
      tpu.enqueue_dma source(%arg15 : memref<128x32xf32, #tpu.memory_space<vmem>>) target(%dma_start3A_328 : memref<128x32xf32, #tpu.memory_space<hbm>>) target_semaphore(%run_scoped3A : memref<!tpu.dma_semaphore, #tpu.memory_space<semaphore_mem>>)
      %dma_wait3A = arith.constant 0 : i32
      %dma_wait3A_329 = tpu.memref_slice %arg8[%arg0, %add3A_63, %dma_wait3A] : memref<2x10240x32xf32, #tpu.memory_space<hbm>> -> memref<1x128x32xf32, #tpu.memory_space<hbm>>
      %dma_wait3A_330 = tpu.memref_squeeze %dma_wait3A_329 : memref<1x128x32xf32, #tpu.memory_space<hbm>> -> memref<128x32xf32, #tpu.memory_space<hbm>>
      %dma_wait3A_331 = arith.constant 0 : i32
      %dma_wait3A_332 = tpu.memref_slice %arg8[%arg0, %add3A_63, %dma_wait3A_331] : memref<2x10240x32xf32, #tpu.memory_space<hbm>> -> memref<1x128x32xf32, #tpu.memory_space<hbm>>
      %dma_wait3A_333 = tpu.memref_squeeze %dma_wait3A_332 : memref<1x128x32xf32, #tpu.memory_space<hbm>> -> memref<128x32xf32, #tpu.memory_space<hbm>>
      tpu.wait_dma2 semaphore(%run_scoped3A : memref<!tpu.dma_semaphore, #tpu.memory_space<semaphore_mem>>) src(%arg15 : memref<128x32xf32, #tpu.memory_space<vmem>>) dst(%dma_wait3A_333 : memref<128x32xf32, #tpu.memory_space<hbm>>)
      tpu.yield
    }) : () -> ()
    %broadcast_in_dim3A_64 = arith.constant 0.000000e+00 : f32
    %broadcast_in_dim3A_65 = vector.broadcast %broadcast_in_dim3A_64 : f32 to vector<16xf32>
    %scan3A_66 = arith.constant 0 : i32
    %scan3A_67 = arith.constant 0 : i32
    %scan3A_68 = arith.constant 128 : i32
    %scan3A_69 = arith.addi %scan3A_67, %scan3A_68 : i32
    %scan3A_70 = arith.constant 1 : i32
    scf.for %scan3A_323 = %scan3A_67 to %scan3A_69 step %scan3A_70  : i32 {
      %swap3A = arith.index_cast %scan3A_323 : i32 to index
      %swap3A_324 = arith.constant 0 : index
      %swap3A_325 = tpu.vector_load %arg15[%swap3A, %swap3A_324] {strides = array<i32>} : memref<128x32xf32, #tpu.memory_space<vmem>>, vector<1x16xf32>,
      %swap3A_326 = vector.shape_cast %swap3A_325 : vector<1x16xf32> to vector<16xf32>
      %swap3A_327 = vector.shape_cast %broadcast_in_dim3A_65 : vector<16xf32> to vector<1x16xf32>
      tpu.vector_store %arg15[%swap3A, %swap3A_324], %swap3A_327 {strides = array<i32>} : memref<128x32xf32, #tpu.memory_space<vmem>>, vector<1x16xf32>,
      %swap3A_328 = arith.index_cast %scan3A_323 : i32 to index
      %swap3A_329 = arith.constant 16 : index
      %swap3A_330 = tpu.vector_load %arg15[%swap3A_328, %swap3A_329] {strides = array<i32>} : memref<128x32xf32, #tpu.memory_space<vmem>>, vector<1x16xf32>,
      %swap3A_331 = vector.shape_cast %swap3A_330 : vector<1x16xf32> to vector<16xf32>
      %swap3A_332 = vector.shape_cast %broadcast_in_dim3A_65 : vector<16xf32> to vector<1x16xf32>
      tpu.vector_store %arg15[%swap3A_328, %swap3A_329], %swap3A_332 {strides = array<i32>} : memref<128x32xf32, #tpu.memory_space<vmem>>, vector<1x16xf32>,
    }
    %scan3A_71 = arith.constant 128 : i32
    %mul3A_72 = arith.constant 640 : i32
    %mul3A_73 = arith.muli %arg1, %mul3A_72 : i32
    %add3A_74 = arith.constant 0 : i32
    %add3A_75 = arith.addi %mul3A_73, %add3A_74 : i32
    "tpu.region"() ({
      %run_scoped3A = tpu.sem_alloc : memref<!tpu.dma_semaphore, #tpu.memory_space<semaphore_mem>>
      %dma_start3A_323 = arith.constant 0 : i32
      %dma_start3A_324 = tpu.memref_slice %arg17[%add3A_75, %dma_start3A_323] : memref<10240x32xf32, #tpu.memory_space<vmem_shared>> -> memref<128x32xf32, #tpu.memory_space<vmem_shared>>
      %dma_start3A_325 = arith.constant 0 : i32
      %dma_start3A_326 = tpu.memref_slice %arg17[%add3A_75, %dma_start3A_325] : memref<10240x32xf32, #tpu.memory_space<vmem_shared>> -> memref<128x32xf32, #tpu.memory_space<vmem_shared>>
      tpu.enqueue_dma source(%arg15 : memref<128x32xf32, #tpu.memory_space<vmem>>) target(%dma_start3A_326 : memref<128x32xf32, #tpu.memory_space<vmem_shared>>) target_semaphore(%run_scoped3A : memref<!tpu.dma_semaphore, #tpu.memory_space<semaphore_mem>>)
      %dma_wait3A = arith.constant 0 : i32
      %dma_wait3A_327 = tpu.memref_slice %arg17[%add3A_75, %dma_wait3A] : memref<10240x32xf32, #tpu.memory_space<vmem_shared>> -> memref<128x32xf32, #tpu.memory_space<vmem_shared>>
      %dma_wait3A_328 = arith.constant 0 : i32
      %dma_wait3A_329 = tpu.memref_slice %arg17[%add3A_75, %dma_wait3A_328] : memref<10240x32xf32, #tpu.memory_space<vmem_shared>> -> memref<128x32xf32, #tpu.memory_space<vmem_shared>>
      tpu.wait_dma2 semaphore(%run_scoped3A : memref<!tpu.dma_semaphore, #tpu.memory_space<semaphore_mem>>) src(%arg15 : memref<128x32xf32, #tpu.memory_space<vmem>>) dst(%dma_wait3A_329 : memref<128x32xf32, #tpu.memory_space<vmem_shared>>)
      tpu.yield
    }) : () -> ()
    %mul3A_76 = arith.constant 640 : i32
    %mul3A_77 = arith.muli %arg1, %mul3A_76 : i32
    %add3A_78 = arith.constant 128 : i32
    %add3A_79 = arith.addi %mul3A_77, %add3A_78 : i32
    "tpu.region"() ({
      %run_scoped3A = tpu.sem_alloc : memref<!tpu.dma_semaphore, #tpu.memory_space<semaphore_mem>>
      %dma_start3A_323 = arith.constant 0 : i32
      %dma_start3A_324 = tpu.memref_slice %arg17[%add3A_79, %dma_start3A_323] : memref<10240x32xf32, #tpu.memory_space<vmem_shared>> -> memref<128x32xf32, #tpu.memory_space<vmem_shared>>
      %dma_start3A_325 = arith.constant 0 : i32
      %dma_start3A_326 = tpu.memref_slice %arg17[%add3A_79, %dma_start3A_325] : memref<10240x32xf32, #tpu.memory_space<vmem_shared>> -> memref<128x32xf32, #tpu.memory_space<vmem_shared>>
      tpu.enqueue_dma source(%arg15 : memref<128x32xf32, #tpu.memory_space<vmem>>) target(%dma_start3A_326 : memref<128x32xf32, #tpu.memory_space<vmem_shared>>) target_semaphore(%run_scoped3A : memref<!tpu.dma_semaphore, #tpu.memory_space<semaphore_mem>>)
      %dma_wait3A = arith.constant 0 : i32
      %dma_wait3A_327 = tpu.memref_slice %arg17[%add3A_79, %dma_wait3A] : memref<10240x32xf32, #tpu.memory_space<vmem_shared>> -> memref<128x32xf32, #tpu.memory_space<vmem_shared>>
      %dma_wait3A_328 = arith.constant 0 : i32
      %dma_wait3A_329 = tpu.memref_slice %arg17[%add3A_79, %dma_wait3A_328] : memref<10240x32xf32, #tpu.memory_space<vmem_shared>> -> memref<128x32xf32, #tpu.memory_space<vmem_shared>>
      tpu.wait_dma2 semaphore(%run_scoped3A : memref<!tpu.dma_semaphore, #tpu.memory_space<semaphore_mem>>) src(%arg15 : memref<128x32xf32, #tpu.memory_space<vmem>>) dst(%dma_wait3A_329 : memref<128x32xf32, #tpu.memory_space<vmem_shared>>)
      tpu.yield
    }) : () -> ()
    %mul3A_80 = arith.constant 640 : i32
    %mul3A_81 = arith.muli %arg1, %mul3A_80 : i32
    %add3A_82 = arith.constant 256 : i32
    %add3A_83 = arith.addi %mul3A_81, %add3A_82 : i32
    "tpu.region"() ({
      %run_scoped3A = tpu.sem_alloc : memref<!tpu.dma_semaphore, #tpu.memory_space<semaphore_mem>>
      %dma_start3A_323 = arith.constant 0 : i32
      %dma_start3A_324 = tpu.memref_slice %arg17[%add3A_83, %dma_start3A_323] : memref<10240x32xf32, #tpu.memory_space<vmem_shared>> -> memref<128x32xf32, #tpu.memory_space<vmem_shared>>
      %dma_start3A_325 = arith.constant 0 : i32
      %dma_start3A_326 = tpu.memref_slice %arg17[%add3A_83, %dma_start3A_325] : memref<10240x32xf32, #tpu.memory_space<vmem_shared>> -> memref<128x32xf32, #tpu.memory_space<vmem_shared>>
      tpu.enqueue_dma source(%arg15 : memref<128x32xf32, #tpu.memory_space<vmem>>) target(%dma_start3A_326 : memref<128x32xf32, #tpu.memory_space<vmem_shared>>) target_semaphore(%run_scoped3A : memref<!tpu.dma_semaphore, #tpu.memory_space<semaphore_mem>>)
      %dma_wait3A = arith.constant 0 : i32
      %dma_wait3A_327 = tpu.memref_slice %arg17[%add3A_83, %dma_wait3A] : memref<10240x32xf32, #tpu.memory_space<vmem_shared>> -> memref<128x32xf32, #tpu.memory_space<vmem_shared>>
      %dma_wait3A_328 = arith.constant 0 : i32
      %dma_wait3A_329 = tpu.memref_slice %arg17[%add3A_83, %dma_wait3A_328] : memref<10240x32xf32, #tpu.memory_space<vmem_shared>> -> memref<128x32xf32, #tpu.memory_space<vmem_shared>>
      tpu.wait_dma2 semaphore(%run_scoped3A : memref<!tpu.dma_semaphore, #tpu.memory_space<semaphore_mem>>) src(%arg15 : memref<128x32xf32, #tpu.memory_space<vmem>>) dst(%dma_wait3A_329 : memref<128x32xf32, #tpu.memory_space<vmem_shared>>)
      tpu.yield
    }) : () -> ()
    %mul3A_84 = arith.constant 640 : i32
    %mul3A_85 = arith.muli %arg1, %mul3A_84 : i32
    %add3A_86 = arith.constant 384 : i32
    %add3A_87 = arith.addi %mul3A_85, %add3A_86 : i32
    "tpu.region"() ({
      %run_scoped3A = tpu.sem_alloc : memref<!tpu.dma_semaphore, #tpu.memory_space<semaphore_mem>>
      %dma_start3A_323 = arith.constant 0 : i32
      %dma_start3A_324 = tpu.memref_slice %arg17[%add3A_87, %dma_start3A_323] : memref<10240x32xf32, #tpu.memory_space<vmem_shared>> -> memref<128x32xf32, #tpu.memory_space<vmem_shared>>
      %dma_start3A_325 = arith.constant 0 : i32
      %dma_start3A_326 = tpu.memref_slice %arg17[%add3A_87, %dma_start3A_325] : memref<10240x32xf32, #tpu.memory_space<vmem_shared>> -> memref<128x32xf32, #tpu.memory_space<vmem_shared>>
      tpu.enqueue_dma source(%arg15 : memref<128x32xf32, #tpu.memory_space<vmem>>) target(%dma_start3A_326 : memref<128x32xf32, #tpu.memory_space<vmem_shared>>) target_semaphore(%run_scoped3A : memref<!tpu.dma_semaphore, #tpu.memory_space<semaphore_mem>>)
      %dma_wait3A = arith.constant 0 : i32
      %dma_wait3A_327 = tpu.memref_slice %arg17[%add3A_87, %dma_wait3A] : memref<10240x32xf32, #tpu.memory_space<vmem_shared>> -> memref<128x32xf32, #tpu.memory_space<vmem_shared>>
      %dma_wait3A_328 = arith.constant 0 : i32
      %dma_wait3A_329 = tpu.memref_slice %arg17[%add3A_87, %dma_wait3A_328] : memref<10240x32xf32, #tpu.memory_space<vmem_shared>> -> memref<128x32xf32, #tpu.memory_space<vmem_shared>>
      tpu.wait_dma2 semaphore(%run_scoped3A : memref<!tpu.dma_semaphore, #tpu.memory_space<semaphore_mem>>) src(%arg15 : memref<128x32xf32, #tpu.memory_space<vmem>>) dst(%dma_wait3A_329 : memref<128x32xf32, #tpu.memory_space<vmem_shared>>)
      tpu.yield
    }) : () -> ()
    %mul3A_88 = arith.constant 640 : i32
    %mul3A_89 = arith.muli %arg1, %mul3A_88 : i32
    %add3A_90 = arith.constant 512 : i32
    %add3A_91 = arith.addi %mul3A_89, %add3A_90 : i32
    "tpu.region"() ({
      %run_scoped3A = tpu.sem_alloc : memref<!tpu.dma_semaphore, #tpu.memory_space<semaphore_mem>>
      %dma_start3A_323 = arith.constant 0 : i32
      %dma_start3A_324 = tpu.memref_slice %arg17[%add3A_91, %dma_start3A_323] : memref<10240x32xf32, #tpu.memory_space<vmem_shared>> -> memref<128x32xf32, #tpu.memory_space<vmem_shared>>
      %dma_start3A_325 = arith.constant 0 : i32
      %dma_start3A_326 = tpu.memref_slice %arg17[%add3A_91, %dma_start3A_325] : memref<10240x32xf32, #tpu.memory_space<vmem_shared>> -> memref<128x32xf32, #tpu.memory_space<vmem_shared>>
      tpu.enqueue_dma source(%arg15 : memref<128x32xf32, #tpu.memory_space<vmem>>) target(%dma_start3A_326 : memref<128x32xf32, #tpu.memory_space<vmem_shared>>) target_semaphore(%run_scoped3A : memref<!tpu.dma_semaphore, #tpu.memory_space<semaphore_mem>>)
      %dma_wait3A = arith.constant 0 : i32
      %dma_wait3A_327 = tpu.memref_slice %arg17[%add3A_91, %dma_wait3A] : memref<10240x32xf32, #tpu.memory_space<vmem_shared>> -> memref<128x32xf32, #tpu.memory_space<vmem_shared>>
      %dma_wait3A_328 = arith.constant 0 : i32
      %dma_wait3A_329 = tpu.memref_slice %arg17[%add3A_91, %dma_wait3A_328] : memref<10240x32xf32, #tpu.memory_space<vmem_shared>> -> memref<128x32xf32, #tpu.memory_space<vmem_shared>>
      tpu.wait_dma2 semaphore(%run_scoped3A : memref<!tpu.dma_semaphore, #tpu.memory_space<semaphore_mem>>) src(%arg15 : memref<128x32xf32, #tpu.memory_space<vmem>>) dst(%dma_wait3A_329 : memref<128x32xf32, #tpu.memory_space<vmem_shared>>)
      tpu.yield
    }) : () -> ()
    %barrier3A_92 = arith.constant 0 : index
    tpu.barrier barrier_id(%barrier3A_92)
    %dma_start3A_93 = arith.constant 0 : i32
    %dma_start3A_94 = arith.constant 0 : i32
    %dma_start3A_95 = tpu.memref_slice %arg13[%dma_start3A_93, %dma_start3A_94] : memref<80x128xi32, #tpu.memory_space<vmem>> -> memref<1x128xi32, #tpu.memory_space<vmem>>
    %dma_start3A_96 = tpu.memref_squeeze %dma_start3A_95 : memref<1x128xi32, #tpu.memory_space<vmem>> -> memref<128xi32, #tpu.memory_space<vmem>>
    %dma_start3A_97 = arith.constant 0 : i32
    %dma_start3A_98 = arith.constant 0 : i32
    %dma_start3A_99 = tpu.memref_slice %arg3[%dma_start3A_97, %dma_start3A_98] : memref<10000x32xf32, #tpu.memory_space<hbm>> -> memref<10000x32xf32, #tpu.memory_space<hbm>>
    tpu.enqueue_indirect_dma source(%dma_start3A_99 : memref<10000x32xf32, #tpu.memory_space<hbm>>) target(%arg15 : memref<128x32xf32, #tpu.memory_space<vmem>>) offsets(%dma_start3A_96 : memref<128xi32, #tpu.memory_space<vmem>>) semaphore(%arg18 : memref<!tpu.dma_semaphore, #tpu.memory_space<semaphore_mem>>)
    %scan3A_100 = arith.constant 0 : i32
    %scan3A_101 = arith.constant 0 : i32
    %scan3A_102 = arith.constant 40 : i32
    %scan3A_103 = arith.addi %scan3A_101, %scan3A_102 : i32
    %scan3A_104 = arith.constant 1 : i32
    scf.for %scan3A_323 = %scan3A_101 to %scan3A_103 step %scan3A_104  : i32 {
      %mul3A_324 = arith.constant 2 : i32
      %mul3A_325 = arith.muli %mul3A_324, %scan3A_323 : i32
      %add3A_326 = arith.constant 1 : i32
      %add3A_327 = arith.addi %mul3A_325, %add3A_326 : i32
      %dma_start3A_328 = arith.constant 0 : i32
      %dma_start3A_329 = tpu.memref_slice %arg13[%add3A_327, %dma_start3A_328] : memref<80x128xi32, #tpu.memory_space<vmem>> -> memref<1x128xi32, #tpu.memory_space<vmem>>
      %dma_start3A_330 = tpu.memref_squeeze %dma_start3A_329 : memref<1x128xi32, #tpu.memory_space<vmem>> -> memref<128xi32, #tpu.memory_space<vmem>>
      %dma_start3A_331 = arith.constant 0 : i32
      %dma_start3A_332 = arith.constant 0 : i32
      %dma_start3A_333 = tpu.memref_slice %arg3[%dma_start3A_331, %dma_start3A_332] : memref<10000x32xf32, #tpu.memory_space<hbm>> -> memref<10000x32xf32, #tpu.memory_space<hbm>>
      tpu.enqueue_indirect_dma source(%dma_start3A_333 : memref<10000x32xf32, #tpu.memory_space<hbm>>) target(%arg16 : memref<128x32xf32, #tpu.memory_space<vmem>>) offsets(%dma_start3A_330 : memref<128xi32, #tpu.memory_space<vmem>>) semaphore(%arg19 : memref<!tpu.dma_semaphore, #tpu.memory_space<semaphore_mem>>)
      %dma_wait3A = arith.constant 0 : i32
      %dma_wait3A_334 = arith.constant 0 : i32
      %dma_wait3A_335 = tpu.memref_slice %arg3[%dma_wait3A, %dma_wait3A_334] : memref<10000x32xf32, #tpu.memory_space<hbm>> -> memref<128x32xf32, #tpu.memory_space<hbm>>
      %dma_wait3A_336 = arith.constant 0 : i32
      %dma_wait3A_337 = arith.constant 0 : i32
      %dma_wait3A_338 = tpu.memref_slice %arg3[%dma_wait3A_336, %dma_wait3A_337] : memref<10000x32xf32, #tpu.memory_space<hbm>> -> memref<128x32xf32, #tpu.memory_space<hbm>>
      tpu.wait_dma2 semaphore(%arg18 : memref<!tpu.dma_semaphore, #tpu.memory_space<semaphore_mem>>) src(%dma_wait3A_338 : memref<128x32xf32, #tpu.memory_space<hbm>>) dst(%arg15 : memref<128x32xf32, #tpu.memory_space<vmem>>)
      %mul3A_339 = arith.constant 2 : i32
      %mul3A_340 = arith.muli %mul3A_339, %scan3A_323 : i32
      "tpu.region"() ({
        %run_scoped3A = tpu.sem_alloc : memref<!tpu.dma_semaphore, #tpu.memory_space<semaphore_mem>>
        %dma_start3A_357 = arith.constant 0 : i32
        %dma_start3A_358 = tpu.memref_slice %arg14[%mul3A_340, %dma_start3A_357] : memref<80x128xi32, #tpu.memory_space<vmem>> -> memref<1x128xi32, #tpu.memory_space<vmem>>
        %dma_start3A_359 = tpu.memref_squeeze %dma_start3A_358 : memref<1x128xi32, #tpu.memory_space<vmem>> -> memref<128xi32, #tpu.memory_space<vmem>>
        %dma_start3A_360 = arith.constant 0 : i32
        %dma_start3A_361 = arith.constant 0 : i32
        %dma_start3A_362 = tpu.memref_slice %arg17[%dma_start3A_360, %dma_start3A_361] : memref<10240x32xf32, #tpu.memory_space<vmem_shared>> -> memref<10240x32xf32, #tpu.memory_space<vmem_shared>>
        tpu.enqueue_indirect_dma source(%arg15 : memref<128x32xf32, #tpu.memory_space<vmem>>) target(%dma_start3A_362 : memref<10240x32xf32, #tpu.memory_space<vmem_shared>>) offsets(%dma_start3A_359 : memref<128xi32, #tpu.memory_space<vmem>>) semaphore(%run_scoped3A : memref<!tpu.dma_semaphore, #tpu.memory_space<semaphore_mem>>) {add = true}
        %dma_wait3A_363 = arith.constant 0 : i32
        %dma_wait3A_364 = tpu.memref_slice %arg14[%mul3A_340, %dma_wait3A_363] : memref<80x128xi32, #tpu.memory_space<vmem>> -> memref<1x128xi32, #tpu.memory_space<vmem>>
        %dma_wait3A_365 = tpu.memref_squeeze %dma_wait3A_364 : memref<1x128xi32, #tpu.memory_space<vmem>> -> memref<128xi32, #tpu.memory_space<vmem>>
        %dma_wait3A_366 = arith.constant 0 : i32
        %dma_wait3A_367 = arith.constant 0 : i32
        %dma_wait3A_368 = tpu.memref_slice %arg17[%dma_wait3A_366, %dma_wait3A_367] : memref<10240x32xf32, #tpu.memory_space<vmem_shared>> -> memref<10240x32xf32, #tpu.memory_space<vmem_shared>>
        tpu.wait_indirect_dma semaphore(%run_scoped3A : memref<!tpu.dma_semaphore, #tpu.memory_space<semaphore_mem>>) src(%arg15 : memref<128x32xf32, #tpu.memory_space<vmem>>) dst(%dma_wait3A_368 : memref<10240x32xf32, #tpu.memory_space<vmem_shared>>)
        tpu.yield
      }) : () -> ()
      %mul3A_341 = arith.constant 2 : i32
      %mul3A_342 = arith.muli %mul3A_341, %scan3A_323 : i32
      %add3A_343 = arith.constant 2 : i32
      %add3A_344 = arith.addi %mul3A_342, %add3A_343 : i32
      %lt3A = arith.constant 80 : i32
      %lt3A_345 = arith.cmpi slt, %add3A_344, %lt3A : i32
      %convert_element_type3A = arith.extui %lt3A_345 : i1 to i32
      %cond3A = arith.constant 0 : i32
      %cond3A_346 = arith.cmpi ne, %convert_element_type3A, %cond3A : i32
      scf.if %cond3A_346 {
        %mul3A_357 = arith.constant 2 : i32
        %mul3A_358 = arith.muli %mul3A_357, %scan3A_323 : i32
        %add3A_359 = arith.constant 2 : i32
        %add3A_360 = arith.addi %mul3A_358, %add3A_359 : i32
        %dma_start3A_361 = arith.constant 0 : i32
        %dma_start3A_362 = tpu.memref_slice %arg13[%add3A_360, %dma_start3A_361] : memref<80x128xi32, #tpu.memory_space<vmem>> -> memref<1x128xi32, #tpu.memory_space<vmem>>
        %dma_start3A_363 = tpu.memref_squeeze %dma_start3A_362 : memref<1x128xi32, #tpu.memory_space<vmem>> -> memref<128xi32, #tpu.memory_space<vmem>>
        %dma_start3A_364 = arith.constant 0 : i32
        %dma_start3A_365 = arith.constant 0 : i32
        %dma_start3A_366 = tpu.memref_slice %arg3[%dma_start3A_364, %dma_start3A_365] : memref<10000x32xf32, #tpu.memory_space<hbm>> -> memref<10000x32xf32, #tpu.memory_space<hbm>>
        tpu.enqueue_indirect_dma source(%dma_start3A_366 : memref<10000x32xf32, #tpu.memory_space<hbm>>) target(%arg15 : memref<128x32xf32, #tpu.memory_space<vmem>>) offsets(%dma_start3A_363 : memref<128xi32, #tpu.memory_space<vmem>>) semaphore(%arg18 : memref<!tpu.dma_semaphore, #tpu.memory_space<semaphore_mem>>)
      } else {
      }
      %dma_wait3A_347 = arith.constant 0 : i32
      %dma_wait3A_348 = arith.constant 0 : i32
      %dma_wait3A_349 = tpu.memref_slice %arg3[%dma_wait3A_347, %dma_wait3A_348] : memref<10000x32xf32, #tpu.memory_space<hbm>> -> memref<128x32xf32, #tpu.memory_space<hbm>>
      %dma_wait3A_350 = arith.constant 0 : i32
      %dma_wait3A_351 = arith.constant 0 : i32
      %dma_wait3A_352 = tpu.memref_slice %arg3[%dma_wait3A_350, %dma_wait3A_351] : memref<10000x32xf32, #tpu.memory_space<hbm>> -> memref<128x32xf32, #tpu.memory_space<hbm>>
      tpu.wait_dma2 semaphore(%arg19 : memref<!tpu.dma_semaphore, #tpu.memory_space<semaphore_mem>>) src(%dma_wait3A_352 : memref<128x32xf32, #tpu.memory_space<hbm>>) dst(%arg16 : memref<128x32xf32, #tpu.memory_space<vmem>>)
      %mul3A_353 = arith.constant 2 : i32
      %mul3A_354 = arith.muli %mul3A_353, %scan3A_323 : i32
      %add3A_355 = arith.constant 1 : i32
      %add3A_356 = arith.addi %mul3A_354, %add3A_355 : i32
      "tpu.region"() ({
        %run_scoped3A = tpu.sem_alloc : memref<!tpu.dma_semaphore, #tpu.memory_space<semaphore_mem>>
        %dma_start3A_357 = arith.constant 0 : i32
        %dma_start3A_358 = tpu.memref_slice %arg14[%add3A_356, %dma_start3A_357] : memref<80x128xi32, #tpu.memory_space<vmem>> -> memref<1x128xi32, #tpu.memory_space<vmem>>
        %dma_start3A_359 = tpu.memref_squeeze %dma_start3A_358 : memref<1x128xi32, #tpu.memory_space<vmem>> -> memref<128xi32, #tpu.memory_space<vmem>>
        %dma_start3A_360 = arith.constant 0 : i32
        %dma_start3A_361 = arith.constant 0 : i32
        %dma_start3A_362 = tpu.memref_slice %arg17[%dma_start3A_360, %dma_start3A_361] : memref<10240x32xf32, #tpu.memory_space<vmem_shared>> -> memref<10240x32xf32, #tpu.memory_space<vmem_shared>>
        tpu.enqueue_indirect_dma source(%arg16 : memref<128x32xf32, #tpu.memory_space<vmem>>) target(%dma_start3A_362 : memref<10240x32xf32, #tpu.memory_space<vmem_shared>>) offsets(%dma_start3A_359 : memref<128xi32, #tpu.memory_space<vmem>>) semaphore(%run_scoped3A : memref<!tpu.dma_semaphore, #tpu.memory_space<semaphore_mem>>) {add = true}
        %dma_wait3A_363 = arith.constant 0 : i32
        %dma_wait3A_364 = tpu.memref_slice %arg14[%add3A_356, %dma_wait3A_363] : memref<80x128xi32, #tpu.memory_space<vmem>> -> memref<1x128xi32, #tpu.memory_space<vmem>>
        %dma_wait3A_365 = tpu.memref_squeeze %dma_wait3A_364 : memref<1x128xi32, #tpu.memory_space<vmem>> -> memref<128xi32, #tpu.memory_space<vmem>>
        %dma_wait3A_366 = arith.constant 0 : i32
        %dma_wait3A_367 = arith.constant 0 : i32
        %dma_wait3A_368 = tpu.memref_slice %arg17[%dma_wait3A_366, %dma_wait3A_367] : memref<10240x32xf32, #tpu.memory_space<vmem_shared>> -> memref<10240x32xf32, #tpu.memory_space<vmem_shared>>
        tpu.wait_indirect_dma semaphore(%run_scoped3A : memref<!tpu.dma_semaphore, #tpu.memory_space<semaphore_mem>>) src(%arg16 : memref<128x32xf32, #tpu.memory_space<vmem>>) dst(%dma_wait3A_368 : memref<10240x32xf32, #tpu.memory_space<vmem_shared>>)
        tpu.yield
      }) : () -> ()
    }
    %scan3A_105 = arith.constant 40 : i32
    %barrier3A_106 = arith.constant 0 : index
    tpu.barrier barrier_id(%barrier3A_106)
    %mul3A_107 = arith.constant 640 : i32
    %mul3A_108 = arith.muli %arg1, %mul3A_107 : i32
    %add3A_109 = arith.constant 0 : i32
    %add3A_110 = arith.addi %mul3A_108, %add3A_109 : i32
    "tpu.region"() ({
      %run_scoped3A = tpu.sem_alloc : memref<!tpu.dma_semaphore, #tpu.memory_space<semaphore_mem>>
      %dma_start3A_323 = arith.constant 0 : i32
      %dma_start3A_324 = tpu.memref_slice %arg17[%add3A_110, %dma_start3A_323] : memref<10240x32xf32, #tpu.memory_space<vmem_shared>> -> memref<128x32xf32, #tpu.memory_space<vmem_shared>>
      %dma_start3A_325 = arith.constant 0 : i32
      %dma_start3A_326 = tpu.memref_slice %arg17[%add3A_110, %dma_start3A_325] : memref<10240x32xf32, #tpu.memory_space<vmem_shared>> -> memref<128x32xf32, #tpu.memory_space<vmem_shared>>
      tpu.enqueue_dma source(%dma_start3A_326 : memref<128x32xf32, #tpu.memory_space<vmem_shared>>) target(%arg15 : memref<128x32xf32, #tpu.memory_space<vmem>>) target_semaphore(%run_scoped3A : memref<!tpu.dma_semaphore, #tpu.memory_space<semaphore_mem>>)
      %dma_wait3A = arith.constant 0 : i32
      %dma_wait3A_327 = tpu.memref_slice %arg17[%add3A_110, %dma_wait3A] : memref<10240x32xf32, #tpu.memory_space<vmem_shared>> -> memref<128x32xf32, #tpu.memory_space<vmem_shared>>
      %dma_wait3A_328 = arith.constant 0 : i32
      %dma_wait3A_329 = tpu.memref_slice %arg17[%add3A_110, %dma_wait3A_328] : memref<10240x32xf32, #tpu.memory_space<vmem_shared>> -> memref<128x32xf32, #tpu.memory_space<vmem_shared>>
      tpu.wait_dma2 semaphore(%run_scoped3A : memref<!tpu.dma_semaphore, #tpu.memory_space<semaphore_mem>>) src(%dma_wait3A_329 : memref<128x32xf32, #tpu.memory_space<vmem_shared>>) dst(%arg15 : memref<128x32xf32, #tpu.memory_space<vmem>>)
      tpu.yield
    }) : () -> ()
    "tpu.region"() ({
      %run_scoped3A = tpu.sem_alloc : memref<!tpu.dma_semaphore, #tpu.memory_space<semaphore_mem>>
      %dma_start3A_323 = arith.constant 0 : i32
      %dma_start3A_324 = tpu.memref_slice %arg9[%arg0, %add3A_110, %dma_start3A_323] : memref<2x10240x32xf32, #tpu.memory_space<hbm>> -> memref<1x128x32xf32, #tpu.memory_space<hbm>>
      %dma_start3A_325 = tpu.memref_squeeze %dma_start3A_324 : memref<1x128x32xf32, #tpu.memory_space<hbm>> -> memref<128x32xf32, #tpu.memory_space<hbm>>
      %dma_start3A_326 = arith.constant 0 : i32
      %dma_start3A_327 = tpu.memref_slice %arg9[%arg0, %add3A_110, %dma_start3A_326] : memref<2x10240x32xf32, #tpu.memory_space<hbm>> -> memref<1x128x32xf32, #tpu.memory_space<hbm>>
      %dma_start3A_328 = tpu.memref_squeeze %dma_start3A_327 : memref<1x128x32xf32, #tpu.memory_space<hbm>> -> memref<128x32xf32, #tpu.memory_space<hbm>>
      tpu.enqueue_dma source(%arg15 : memref<128x32xf32, #tpu.memory_space<vmem>>) target(%dma_start3A_328 : memref<128x32xf32, #tpu.memory_space<hbm>>) target_semaphore(%run_scoped3A : memref<!tpu.dma_semaphore, #tpu.memory_space<semaphore_mem>>)
      %dma_wait3A = arith.constant 0 : i32
      %dma_wait3A_329 = tpu.memref_slice %arg9[%arg0, %add3A_110, %dma_wait3A] : memref<2x10240x32xf32, #tpu.memory_space<hbm>> -> memref<1x128x32xf32, #tpu.memory_space<hbm>>
      %dma_wait3A_330 = tpu.memref_squeeze %dma_wait3A_329 : memref<1x128x32xf32, #tpu.memory_space<hbm>> -> memref<128x32xf32, #tpu.memory_space<hbm>>
      %dma_wait3A_331 = arith.constant 0 : i32
      %dma_wait3A_332 = tpu.memref_slice %arg9[%arg0, %add3A_110, %dma_wait3A_331] : memref<2x10240x32xf32, #tpu.memory_space<hbm>> -> memref<1x128x32xf32, #tpu.memory_space<hbm>>
      %dma_wait3A_333 = tpu.memref_squeeze %dma_wait3A_332 : memref<1x128x32xf32, #tpu.memory_space<hbm>> -> memref<128x32xf32, #tpu.memory_space<hbm>>
      tpu.wait_dma2 semaphore(%run_scoped3A : memref<!tpu.dma_semaphore, #tpu.memory_space<semaphore_mem>>) src(%arg15 : memref<128x32xf32, #tpu.memory_space<vmem>>) dst(%dma_wait3A_333 : memref<128x32xf32, #tpu.memory_space<hbm>>)
      tpu.yield
    }) : () -> ()
    %mul3A_111 = arith.constant 640 : i32
    %mul3A_112 = arith.muli %arg1, %mul3A_111 : i32
    %add3A_113 = arith.constant 128 : i32
    %add3A_114 = arith.addi %mul3A_112, %add3A_113 : i32
    "tpu.region"() ({
      %run_scoped3A = tpu.sem_alloc : memref<!tpu.dma_semaphore, #tpu.memory_space<semaphore_mem>>
      %dma_start3A_323 = arith.constant 0 : i32
      %dma_start3A_324 = tpu.memref_slice %arg17[%add3A_114, %dma_start3A_323] : memref<10240x32xf32, #tpu.memory_space<vmem_shared>> -> memref<128x32xf32, #tpu.memory_space<vmem_shared>>
      %dma_start3A_325 = arith.constant 0 : i32
      %dma_start3A_326 = tpu.memref_slice %arg17[%add3A_114, %dma_start3A_325] : memref<10240x32xf32, #tpu.memory_space<vmem_shared>> -> memref<128x32xf32, #tpu.memory_space<vmem_shared>>
      tpu.enqueue_dma source(%dma_start3A_326 : memref<128x32xf32, #tpu.memory_space<vmem_shared>>) target(%arg15 : memref<128x32xf32, #tpu.memory_space<vmem>>) target_semaphore(%run_scoped3A : memref<!tpu.dma_semaphore, #tpu.memory_space<semaphore_mem>>)
      %dma_wait3A = arith.constant 0 : i32
      %dma_wait3A_327 = tpu.memref_slice %arg17[%add3A_114, %dma_wait3A] : memref<10240x32xf32, #tpu.memory_space<vmem_shared>> -> memref<128x32xf32, #tpu.memory_space<vmem_shared>>
      %dma_wait3A_328 = arith.constant 0 : i32
      %dma_wait3A_329 = tpu.memref_slice %arg17[%add3A_114, %dma_wait3A_328] : memref<10240x32xf32, #tpu.memory_space<vmem_shared>> -> memref<128x32xf32, #tpu.memory_space<vmem_shared>>
      tpu.wait_dma2 semaphore(%run_scoped3A : memref<!tpu.dma_semaphore, #tpu.memory_space<semaphore_mem>>) src(%dma_wait3A_329 : memref<128x32xf32, #tpu.memory_space<vmem_shared>>) dst(%arg15 : memref<128x32xf32, #tpu.memory_space<vmem>>)
      tpu.yield
    }) : () -> ()
    "tpu.region"() ({
      %run_scoped3A = tpu.sem_alloc : memref<!tpu.dma_semaphore, #tpu.memory_space<semaphore_mem>>
      %dma_start3A_323 = arith.constant 0 : i32
      %dma_start3A_324 = tpu.memref_slice %arg9[%arg0, %add3A_114, %dma_start3A_323] : memref<2x10240x32xf32, #tpu.memory_space<hbm>> -> memref<1x128x32xf32, #tpu.memory_space<hbm>>
      %dma_start3A_325 = tpu.memref_squeeze %dma_start3A_324 : memref<1x128x32xf32, #tpu.memory_space<hbm>> -> memref<128x32xf32, #tpu.memory_space<hbm>>
      %dma_start3A_326 = arith.constant 0 : i32
      %dma_start3A_327 = tpu.memref_slice %arg9[%arg0, %add3A_114, %dma_start3A_326] : memref<2x10240x32xf32, #tpu.memory_space<hbm>> -> memref<1x128x32xf32, #tpu.memory_space<hbm>>
      %dma_start3A_328 = tpu.memref_squeeze %dma_start3A_327 : memref<1x128x32xf32, #tpu.memory_space<hbm>> -> memref<128x32xf32, #tpu.memory_space<hbm>>
      tpu.enqueue_dma source(%arg15 : memref<128x32xf32, #tpu.memory_space<vmem>>) target(%dma_start3A_328 : memref<128x32xf32, #tpu.memory_space<hbm>>) target_semaphore(%run_scoped3A : memref<!tpu.dma_semaphore, #tpu.memory_space<semaphore_mem>>)
      %dma_wait3A = arith.constant 0 : i32
      %dma_wait3A_329 = tpu.memref_slice %arg9[%arg0, %add3A_114, %dma_wait3A] : memref<2x10240x32xf32, #tpu.memory_space<hbm>> -> memref<1x128x32xf32, #tpu.memory_space<hbm>>
      %dma_wait3A_330 = tpu.memref_squeeze %dma_wait3A_329 : memref<1x128x32xf32, #tpu.memory_space<hbm>> -> memref<128x32xf32, #tpu.memory_space<hbm>>
      %dma_wait3A_331 = arith.constant 0 : i32
      %dma_wait3A_332 = tpu.memref_slice %arg9[%arg0, %add3A_114, %dma_wait3A_331] : memref<2x10240x32xf32, #tpu.memory_space<hbm>> -> memref<1x128x32xf32, #tpu.memory_space<hbm>>
      %dma_wait3A_333 = tpu.memref_squeeze %dma_wait3A_332 : memref<1x128x32xf32, #tpu.memory_space<hbm>> -> memref<128x32xf32, #tpu.memory_space<hbm>>
      tpu.wait_dma2 semaphore(%run_scoped3A : memref<!tpu.dma_semaphore, #tpu.memory_space<semaphore_mem>>) src(%arg15 : memref<128x32xf32, #tpu.memory_space<vmem>>) dst(%dma_wait3A_333 : memref<128x32xf32, #tpu.memory_space<hbm>>)
      tpu.yield
    }) : () -> ()
    %mul3A_115 = arith.constant 640 : i32
    %mul3A_116 = arith.muli %arg1, %mul3A_115 : i32
    %add3A_117 = arith.constant 256 : i32
    %add3A_118 = arith.addi %mul3A_116, %add3A_117 : i32
    "tpu.region"() ({
      %run_scoped3A = tpu.sem_alloc : memref<!tpu.dma_semaphore, #tpu.memory_space<semaphore_mem>>
      %dma_start3A_323 = arith.constant 0 : i32
      %dma_start3A_324 = tpu.memref_slice %arg17[%add3A_118, %dma_start3A_323] : memref<10240x32xf32, #tpu.memory_space<vmem_shared>> -> memref<128x32xf32, #tpu.memory_space<vmem_shared>>
      %dma_start3A_325 = arith.constant 0 : i32
      %dma_start3A_326 = tpu.memref_slice %arg17[%add3A_118, %dma_start3A_325] : memref<10240x32xf32, #tpu.memory_space<vmem_shared>> -> memref<128x32xf32, #tpu.memory_space<vmem_shared>>
      tpu.enqueue_dma source(%dma_start3A_326 : memref<128x32xf32, #tpu.memory_space<vmem_shared>>) target(%arg15 : memref<128x32xf32, #tpu.memory_space<vmem>>) target_semaphore(%run_scoped3A : memref<!tpu.dma_semaphore, #tpu.memory_space<semaphore_mem>>)
      %dma_wait3A = arith.constant 0 : i32
      %dma_wait3A_327 = tpu.memref_slice %arg17[%add3A_118, %dma_wait3A] : memref<10240x32xf32, #tpu.memory_space<vmem_shared>> -> memref<128x32xf32, #tpu.memory_space<vmem_shared>>
      %dma_wait3A_328 = arith.constant 0 : i32
      %dma_wait3A_329 = tpu.memref_slice %arg17[%add3A_118, %dma_wait3A_328] : memref<10240x32xf32, #tpu.memory_space<vmem_shared>> -> memref<128x32xf32, #tpu.memory_space<vmem_shared>>
      tpu.wait_dma2 semaphore(%run_scoped3A : memref<!tpu.dma_semaphore, #tpu.memory_space<semaphore_mem>>) src(%dma_wait3A_329 : memref<128x32xf32, #tpu.memory_space<vmem_shared>>) dst(%arg15 : memref<128x32xf32, #tpu.memory_space<vmem>>)
      tpu.yield
    }) : () -> ()
    "tpu.region"() ({
      %run_scoped3A = tpu.sem_alloc : memref<!tpu.dma_semaphore, #tpu.memory_space<semaphore_mem>>
      %dma_start3A_323 = arith.constant 0 : i32
      %dma_start3A_324 = tpu.memref_slice %arg9[%arg0, %add3A_118, %dma_start3A_323] : memref<2x10240x32xf32, #tpu.memory_space<hbm>> -> memref<1x128x32xf32, #tpu.memory_space<hbm>>
      %dma_start3A_325 = tpu.memref_squeeze %dma_start3A_324 : memref<1x128x32xf32, #tpu.memory_space<hbm>> -> memref<128x32xf32, #tpu.memory_space<hbm>>
      %dma_start3A_326 = arith.constant 0 : i32
      %dma_start3A_327 = tpu.memref_slice %arg9[%arg0, %add3A_118, %dma_start3A_326] : memref<2x10240x32xf32, #tpu.memory_space<hbm>> -> memref<1x128x32xf32, #tpu.memory_space<hbm>>
      %dma_start3A_328 = tpu.memref_squeeze %dma_start3A_327 : memref<1x128x32xf32, #tpu.memory_space<hbm>> -> memref<128x32xf32, #tpu.memory_space<hbm>>
      tpu.enqueue_dma source(%arg15 : memref<128x32xf32, #tpu.memory_space<vmem>>) target(%dma_start3A_328 : memref<128x32xf32, #tpu.memory_space<hbm>>) target_semaphore(%run_scoped3A : memref<!tpu.dma_semaphore, #tpu.memory_space<semaphore_mem>>)
      %dma_wait3A = arith.constant 0 : i32
      %dma_wait3A_329 = tpu.memref_slice %arg9[%arg0, %add3A_118, %dma_wait3A] : memref<2x10240x32xf32, #tpu.memory_space<hbm>> -> memref<1x128x32xf32, #tpu.memory_space<hbm>>
      %dma_wait3A_330 = tpu.memref_squeeze %dma_wait3A_329 : memref<1x128x32xf32, #tpu.memory_space<hbm>> -> memref<128x32xf32, #tpu.memory_space<hbm>>
      %dma_wait3A_331 = arith.constant 0 : i32
      %dma_wait3A_332 = tpu.memref_slice %arg9[%arg0, %add3A_118, %dma_wait3A_331] : memref<2x10240x32xf32, #tpu.memory_space<hbm>> -> memref<1x128x32xf32, #tpu.memory_space<hbm>>
      %dma_wait3A_333 = tpu.memref_squeeze %dma_wait3A_332 : memref<1x128x32xf32, #tpu.memory_space<hbm>> -> memref<128x32xf32, #tpu.memory_space<hbm>>
      tpu.wait_dma2 semaphore(%run_scoped3A : memref<!tpu.dma_semaphore, #tpu.memory_space<semaphore_mem>>) src(%arg15 : memref<128x32xf32, #tpu.memory_space<vmem>>) dst(%dma_wait3A_333 : memref<128x32xf32, #tpu.memory_space<hbm>>)
      tpu.yield
    }) : () -> ()
    %mul3A_119 = arith.constant 640 : i32
    %mul3A_120 = arith.muli %arg1, %mul3A_119 : i32
    %add3A_121 = arith.constant 384 : i32
    %add3A_122 = arith.addi %mul3A_120, %add3A_121 : i32
    "tpu.region"() ({
      %run_scoped3A = tpu.sem_alloc : memref<!tpu.dma_semaphore, #tpu.memory_space<semaphore_mem>>
      %dma_start3A_323 = arith.constant 0 : i32
      %dma_start3A_324 = tpu.memref_slice %arg17[%add3A_122, %dma_start3A_323] : memref<10240x32xf32, #tpu.memory_space<vmem_shared>> -> memref<128x32xf32, #tpu.memory_space<vmem_shared>>
      %dma_start3A_325 = arith.constant 0 : i32
      %dma_start3A_326 = tpu.memref_slice %arg17[%add3A_122, %dma_start3A_325] : memref<10240x32xf32, #tpu.memory_space<vmem_shared>> -> memref<128x32xf32, #tpu.memory_space<vmem_shared>>
      tpu.enqueue_dma source(%dma_start3A_326 : memref<128x32xf32, #tpu.memory_space<vmem_shared>>) target(%arg15 : memref<128x32xf32, #tpu.memory_space<vmem>>) target_semaphore(%run_scoped3A : memref<!tpu.dma_semaphore, #tpu.memory_space<semaphore_mem>>)
      %dma_wait3A = arith.constant 0 : i32
      %dma_wait3A_327 = tpu.memref_slice %arg17[%add3A_122, %dma_wait3A] : memref<10240x32xf32, #tpu.memory_space<vmem_shared>> -> memref<128x32xf32, #tpu.memory_space<vmem_shared>>
      %dma_wait3A_328 = arith.constant 0 : i32
      %dma_wait3A_329 = tpu.memref_slice %arg17[%add3A_122, %dma_wait3A_328] : memref<10240x32xf32, #tpu.memory_space<vmem_shared>> -> memref<128x32xf32, #tpu.memory_space<vmem_shared>>
      tpu.wait_dma2 semaphore(%run_scoped3A : memref<!tpu.dma_semaphore, #tpu.memory_space<semaphore_mem>>) src(%dma_wait3A_329 : memref<128x32xf32, #tpu.memory_space<vmem_shared>>) dst(%arg15 : memref<128x32xf32, #tpu.memory_space<vmem>>)
      tpu.yield
    }) : () -> ()
    "tpu.region"() ({
      %run_scoped3A = tpu.sem_alloc : memref<!tpu.dma_semaphore, #tpu.memory_space<semaphore_mem>>
      %dma_start3A_323 = arith.constant 0 : i32
      %dma_start3A_324 = tpu.memref_slice %arg9[%arg0, %add3A_122, %dma_start3A_323] : memref<2x10240x32xf32, #tpu.memory_space<hbm>> -> memref<1x128x32xf32, #tpu.memory_space<hbm>>
      %dma_start3A_325 = tpu.memref_squeeze %dma_start3A_324 : memref<1x128x32xf32, #tpu.memory_space<hbm>> -> memref<128x32xf32, #tpu.memory_space<hbm>>
      %dma_start3A_326 = arith.constant 0 : i32
      %dma_start3A_327 = tpu.memref_slice %arg9[%arg0, %add3A_122, %dma_start3A_326] : memref<2x10240x32xf32, #tpu.memory_space<hbm>> -> memref<1x128x32xf32, #tpu.memory_space<hbm>>
      %dma_start3A_328 = tpu.memref_squeeze %dma_start3A_327 : memref<1x128x32xf32, #tpu.memory_space<hbm>> -> memref<128x32xf32, #tpu.memory_space<hbm>>
      tpu.enqueue_dma source(%arg15 : memref<128x32xf32, #tpu.memory_space<vmem>>) target(%dma_start3A_328 : memref<128x32xf32, #tpu.memory_space<hbm>>) target_semaphore(%run_scoped3A : memref<!tpu.dma_semaphore, #tpu.memory_space<semaphore_mem>>)
      %dma_wait3A = arith.constant 0 : i32
      %dma_wait3A_329 = tpu.memref_slice %arg9[%arg0, %add3A_122, %dma_wait3A] : memref<2x10240x32xf32, #tpu.memory_space<hbm>> -> memref<1x128x32xf32, #tpu.memory_space<hbm>>
      %dma_wait3A_330 = tpu.memref_squeeze %dma_wait3A_329 : memref<1x128x32xf32, #tpu.memory_space<hbm>> -> memref<128x32xf32, #tpu.memory_space<hbm>>
      %dma_wait3A_331 = arith.constant 0 : i32
      %dma_wait3A_332 = tpu.memref_slice %arg9[%arg0, %add3A_122, %dma_wait3A_331] : memref<2x10240x32xf32, #tpu.memory_space<hbm>> -> memref<1x128x32xf32, #tpu.memory_space<hbm>>
      %dma_wait3A_333 = tpu.memref_squeeze %dma_wait3A_332 : memref<1x128x32xf32, #tpu.memory_space<hbm>> -> memref<128x32xf32, #tpu.memory_space<hbm>>
      tpu.wait_dma2 semaphore(%run_scoped3A : memref<!tpu.dma_semaphore, #tpu.memory_space<semaphore_mem>>) src(%arg15 : memref<128x32xf32, #tpu.memory_space<vmem>>) dst(%dma_wait3A_333 : memref<128x32xf32, #tpu.memory_space<hbm>>)
      tpu.yield
    }) : () -> ()
    %mul3A_123 = arith.constant 640 : i32
    %mul3A_124 = arith.muli %arg1, %mul3A_123 : i32
    %add3A_125 = arith.constant 512 : i32
    %add3A_126 = arith.addi %mul3A_124, %add3A_125 : i32
    "tpu.region"() ({
      %run_scoped3A = tpu.sem_alloc : memref<!tpu.dma_semaphore, #tpu.memory_space<semaphore_mem>>
      %dma_start3A_323 = arith.constant 0 : i32
      %dma_start3A_324 = tpu.memref_slice %arg17[%add3A_126, %dma_start3A_323] : memref<10240x32xf32, #tpu.memory_space<vmem_shared>> -> memref<128x32xf32, #tpu.memory_space<vmem_shared>>
      %dma_start3A_325 = arith.constant 0 : i32
      %dma_start3A_326 = tpu.memref_slice %arg17[%add3A_126, %dma_start3A_325] : memref<10240x32xf32, #tpu.memory_space<vmem_shared>> -> memref<128x32xf32, #tpu.memory_space<vmem_shared>>
      tpu.enqueue_dma source(%dma_start3A_326 : memref<128x32xf32, #tpu.memory_space<vmem_shared>>) target(%arg15 : memref<128x32xf32, #tpu.memory_space<vmem>>) target_semaphore(%run_scoped3A : memref<!tpu.dma_semaphore, #tpu.memory_space<semaphore_mem>>)
      %dma_wait3A = arith.constant 0 : i32
      %dma_wait3A_327 = tpu.memref_slice %arg17[%add3A_126, %dma_wait3A] : memref<10240x32xf32, #tpu.memory_space<vmem_shared>> -> memref<128x32xf32, #tpu.memory_space<vmem_shared>>
      %dma_wait3A_328 = arith.constant 0 : i32
      %dma_wait3A_329 = tpu.memref_slice %arg17[%add3A_126, %dma_wait3A_328] : memref<10240x32xf32, #tpu.memory_space<vmem_shared>> -> memref<128x32xf32, #tpu.memory_space<vmem_shared>>
      tpu.wait_dma2 semaphore(%run_scoped3A : memref<!tpu.dma_semaphore, #tpu.memory_space<semaphore_mem>>) src(%dma_wait3A_329 : memref<128x32xf32, #tpu.memory_space<vmem_shared>>) dst(%arg15 : memref<128x32xf32, #tpu.memory_space<vmem>>)
      tpu.yield
    }) : () -> ()
    "tpu.region"() ({
      %run_scoped3A = tpu.sem_alloc : memref<!tpu.dma_semaphore, #tpu.memory_space<semaphore_mem>>
      %dma_start3A_323 = arith.constant 0 : i32
      %dma_start3A_324 = tpu.memref_slice %arg9[%arg0, %add3A_126, %dma_start3A_323] : memref<2x10240x32xf32, #tpu.memory_space<hbm>> -> memref<1x128x32xf32, #tpu.memory_space<hbm>>
      %dma_start3A_325 = tpu.memref_squeeze %dma_start3A_324 : memref<1x128x32xf32, #tpu.memory_space<hbm>> -> memref<128x32xf32, #tpu.memory_space<hbm>>
      %dma_start3A_326 = arith.constant 0 : i32
      %dma_start3A_327 = tpu.memref_slice %arg9[%arg0, %add3A_126, %dma_start3A_326] : memref<2x10240x32xf32, #tpu.memory_space<hbm>> -> memref<1x128x32xf32, #tpu.memory_space<hbm>>
      %dma_start3A_328 = tpu.memref_squeeze %dma_start3A_327 : memref<1x128x32xf32, #tpu.memory_space<hbm>> -> memref<128x32xf32, #tpu.memory_space<hbm>>
      tpu.enqueue_dma source(%arg15 : memref<128x32xf32, #tpu.memory_space<vmem>>) target(%dma_start3A_328 : memref<128x32xf32, #tpu.memory_space<hbm>>) target_semaphore(%run_scoped3A : memref<!tpu.dma_semaphore, #tpu.memory_space<semaphore_mem>>)
      %dma_wait3A = arith.constant 0 : i32
      %dma_wait3A_329 = tpu.memref_slice %arg9[%arg0, %add3A_126, %dma_wait3A] : memref<2x10240x32xf32, #tpu.memory_space<hbm>> -> memref<1x128x32xf32, #tpu.memory_space<hbm>>
      %dma_wait3A_330 = tpu.memref_squeeze %dma_wait3A_329 : memref<1x128x32xf32, #tpu.memory_space<hbm>> -> memref<128x32xf32, #tpu.memory_space<hbm>>
      %dma_wait3A_331 = arith.constant 0 : i32
      %dma_wait3A_332 = tpu.memref_slice %arg9[%arg0, %add3A_126, %dma_wait3A_331] : memref<2x10240x32xf32, #tpu.memory_space<hbm>> -> memref<1x128x32xf32, #tpu.memory_space<hbm>>
      %dma_wait3A_333 = tpu.memref_squeeze %dma_wait3A_332 : memref<1x128x32xf32, #tpu.memory_space<hbm>> -> memref<128x32xf32, #tpu.memory_space<hbm>>
      tpu.wait_dma2 semaphore(%run_scoped3A : memref<!tpu.dma_semaphore, #tpu.memory_space<semaphore_mem>>) src(%arg15 : memref<128x32xf32, #tpu.memory_space<vmem>>) dst(%dma_wait3A_333 : memref<128x32xf32, #tpu.memory_space<hbm>>)
      tpu.yield
    }) : () -> ()
    %broadcast_in_dim3A_127 = arith.constant 0.000000e+00 : f32
    %broadcast_in_dim3A_128 = vector.broadcast %broadcast_in_dim3A_127 : f32 to vector<16xf32>
    %scan3A_129 = arith.constant 0 : i32
    %scan3A_130 = arith.constant 0 : i32
    %scan3A_131 = arith.constant 128 : i32
    %scan3A_132 = arith.addi %scan3A_130, %scan3A_131 : i32
    %scan3A_133 = arith.constant 1 : i32
    scf.for %scan3A_323 = %scan3A_130 to %scan3A_132 step %scan3A_133  : i32 {
      %swap3A = arith.index_cast %scan3A_323 : i32 to index
      %swap3A_324 = arith.constant 0 : index
      %swap3A_325 = tpu.vector_load %arg15[%swap3A, %swap3A_324] {strides = array<i32>} : memref<128x32xf32, #tpu.memory_space<vmem>>, vector<1x16xf32>,
      %swap3A_326 = vector.shape_cast %swap3A_325 : vector<1x16xf32> to vector<16xf32>
      %swap3A_327 = vector.shape_cast %broadcast_in_dim3A_128 : vector<16xf32> to vector<1x16xf32>
      tpu.vector_store %arg15[%swap3A, %swap3A_324], %swap3A_327 {strides = array<i32>} : memref<128x32xf32, #tpu.memory_space<vmem>>, vector<1x16xf32>,
      %swap3A_328 = arith.index_cast %scan3A_323 : i32 to index
      %swap3A_329 = arith.constant 16 : index
      %swap3A_330 = tpu.vector_load %arg15[%swap3A_328, %swap3A_329] {strides = array<i32>} : memref<128x32xf32, #tpu.memory_space<vmem>>, vector<1x16xf32>,
      %swap3A_331 = vector.shape_cast %swap3A_330 : vector<1x16xf32> to vector<16xf32>
      %swap3A_332 = vector.shape_cast %broadcast_in_dim3A_128 : vector<16xf32> to vector<1x16xf32>
      tpu.vector_store %arg15[%swap3A_328, %swap3A_329], %swap3A_332 {strides = array<i32>} : memref<128x32xf32, #tpu.memory_space<vmem>>, vector<1x16xf32>,
    }
    %scan3A_134 = arith.constant 128 : i32
    %mul3A_135 = arith.constant 640 : i32
    %mul3A_136 = arith.muli %arg1, %mul3A_135 : i32
    %add3A_137 = arith.constant 0 : i32
    %add3A_138 = arith.addi %mul3A_136, %add3A_137 : i32
    "tpu.region"() ({
      %run_scoped3A = tpu.sem_alloc : memref<!tpu.dma_semaphore, #tpu.memory_space<semaphore_mem>>
      %dma_start3A_323 = arith.constant 0 : i32
      %dma_start3A_324 = tpu.memref_slice %arg17[%add3A_138, %dma_start3A_323] : memref<10240x32xf32, #tpu.memory_space<vmem_shared>> -> memref<128x32xf32, #tpu.memory_space<vmem_shared>>
      %dma_start3A_325 = arith.constant 0 : i32
      %dma_start3A_326 = tpu.memref_slice %arg17[%add3A_138, %dma_start3A_325] : memref<10240x32xf32, #tpu.memory_space<vmem_shared>> -> memref<128x32xf32, #tpu.memory_space<vmem_shared>>
      tpu.enqueue_dma source(%arg15 : memref<128x32xf32, #tpu.memory_space<vmem>>) target(%dma_start3A_326 : memref<128x32xf32, #tpu.memory_space<vmem_shared>>) target_semaphore(%run_scoped3A : memref<!tpu.dma_semaphore, #tpu.memory_space<semaphore_mem>>)
      %dma_wait3A = arith.constant 0 : i32
      %dma_wait3A_327 = tpu.memref_slice %arg17[%add3A_138, %dma_wait3A] : memref<10240x32xf32, #tpu.memory_space<vmem_shared>> -> memref<128x32xf32, #tpu.memory_space<vmem_shared>>
      %dma_wait3A_328 = arith.constant 0 : i32
      %dma_wait3A_329 = tpu.memref_slice %arg17[%add3A_138, %dma_wait3A_328] : memref<10240x32xf32, #tpu.memory_space<vmem_shared>> -> memref<128x32xf32, #tpu.memory_space<vmem_shared>>
      tpu.wait_dma2 semaphore(%run_scoped3A : memref<!tpu.dma_semaphore, #tpu.memory_space<semaphore_mem>>) src(%arg15 : memref<128x32xf32, #tpu.memory_space<vmem>>) dst(%dma_wait3A_329 : memref<128x32xf32, #tpu.memory_space<vmem_shared>>)
      tpu.yield
    }) : () -> ()
    %mul3A_139 = arith.constant 640 : i32
    %mul3A_140 = arith.muli %arg1, %mul3A_139 : i32
    %add3A_141 = arith.constant 128 : i32
    %add3A_142 = arith.addi %mul3A_140, %add3A_141 : i32
    "tpu.region"() ({
      %run_scoped3A = tpu.sem_alloc : memref<!tpu.dma_semaphore, #tpu.memory_space<semaphore_mem>>
      %dma_start3A_323 = arith.constant 0 : i32
      %dma_start3A_324 = tpu.memref_slice %arg17[%add3A_142, %dma_start3A_323] : memref<10240x32xf32, #tpu.memory_space<vmem_shared>> -> memref<128x32xf32, #tpu.memory_space<vmem_shared>>
      %dma_start3A_325 = arith.constant 0 : i32
      %dma_start3A_326 = tpu.memref_slice %arg17[%add3A_142, %dma_start3A_325] : memref<10240x32xf32, #tpu.memory_space<vmem_shared>> -> memref<128x32xf32, #tpu.memory_space<vmem_shared>>
      tpu.enqueue_dma source(%arg15 : memref<128x32xf32, #tpu.memory_space<vmem>>) target(%dma_start3A_326 : memref<128x32xf32, #tpu.memory_space<vmem_shared>>) target_semaphore(%run_scoped3A : memref<!tpu.dma_semaphore, #tpu.memory_space<semaphore_mem>>)
      %dma_wait3A = arith.constant 0 : i32
      %dma_wait3A_327 = tpu.memref_slice %arg17[%add3A_142, %dma_wait3A] : memref<10240x32xf32, #tpu.memory_space<vmem_shared>> -> memref<128x32xf32, #tpu.memory_space<vmem_shared>>
      %dma_wait3A_328 = arith.constant 0 : i32
      %dma_wait3A_329 = tpu.memref_slice %arg17[%add3A_142, %dma_wait3A_328] : memref<10240x32xf32, #tpu.memory_space<vmem_shared>> -> memref<128x32xf32, #tpu.memory_space<vmem_shared>>
      tpu.wait_dma2 semaphore(%run_scoped3A : memref<!tpu.dma_semaphore, #tpu.memory_space<semaphore_mem>>) src(%arg15 : memref<128x32xf32, #tpu.memory_space<vmem>>) dst(%dma_wait3A_329 : memref<128x32xf32, #tpu.memory_space<vmem_shared>>)
      tpu.yield
    }) : () -> ()
    %mul3A_143 = arith.constant 640 : i32
    %mul3A_144 = arith.muli %arg1, %mul3A_143 : i32
    %add3A_145 = arith.constant 256 : i32
    %add3A_146 = arith.addi %mul3A_144, %add3A_145 : i32
    "tpu.region"() ({
      %run_scoped3A = tpu.sem_alloc : memref<!tpu.dma_semaphore, #tpu.memory_space<semaphore_mem>>
      %dma_start3A_323 = arith.constant 0 : i32
      %dma_start3A_324 = tpu.memref_slice %arg17[%add3A_146, %dma_start3A_323] : memref<10240x32xf32, #tpu.memory_space<vmem_shared>> -> memref<128x32xf32, #tpu.memory_space<vmem_shared>>
      %dma_start3A_325 = arith.constant 0 : i32
      %dma_start3A_326 = tpu.memref_slice %arg17[%add3A_146, %dma_start3A_325] : memref<10240x32xf32, #tpu.memory_space<vmem_shared>> -> memref<128x32xf32, #tpu.memory_space<vmem_shared>>
      tpu.enqueue_dma source(%arg15 : memref<128x32xf32, #tpu.memory_space<vmem>>) target(%dma_start3A_326 : memref<128x32xf32, #tpu.memory_space<vmem_shared>>) target_semaphore(%run_scoped3A : memref<!tpu.dma_semaphore, #tpu.memory_space<semaphore_mem>>)
      %dma_wait3A = arith.constant 0 : i32
      %dma_wait3A_327 = tpu.memref_slice %arg17[%add3A_146, %dma_wait3A] : memref<10240x32xf32, #tpu.memory_space<vmem_shared>> -> memref<128x32xf32, #tpu.memory_space<vmem_shared>>
      %dma_wait3A_328 = arith.constant 0 : i32
      %dma_wait3A_329 = tpu.memref_slice %arg17[%add3A_146, %dma_wait3A_328] : memref<10240x32xf32, #tpu.memory_space<vmem_shared>> -> memref<128x32xf32, #tpu.memory_space<vmem_shared>>
      tpu.wait_dma2 semaphore(%run_scoped3A : memref<!tpu.dma_semaphore, #tpu.memory_space<semaphore_mem>>) src(%arg15 : memref<128x32xf32, #tpu.memory_space<vmem>>) dst(%dma_wait3A_329 : memref<128x32xf32, #tpu.memory_space<vmem_shared>>)
      tpu.yield
    }) : () -> ()
    %mul3A_147 = arith.constant 640 : i32
    %mul3A_148 = arith.muli %arg1, %mul3A_147 : i32
    %add3A_149 = arith.constant 384 : i32
    %add3A_150 = arith.addi %mul3A_148, %add3A_149 : i32
    "tpu.region"() ({
      %run_scoped3A = tpu.sem_alloc : memref<!tpu.dma_semaphore, #tpu.memory_space<semaphore_mem>>
      %dma_start3A_323 = arith.constant 0 : i32
      %dma_start3A_324 = tpu.memref_slice %arg17[%add3A_150, %dma_start3A_323] : memref<10240x32xf32, #tpu.memory_space<vmem_shared>> -> memref<128x32xf32, #tpu.memory_space<vmem_shared>>
      %dma_start3A_325 = arith.constant 0 : i32
      %dma_start3A_326 = tpu.memref_slice %arg17[%add3A_150, %dma_start3A_325] : memref<10240x32xf32, #tpu.memory_space<vmem_shared>> -> memref<128x32xf32, #tpu.memory_space<vmem_shared>>
      tpu.enqueue_dma source(%arg15 : memref<128x32xf32, #tpu.memory_space<vmem>>) target(%dma_start3A_326 : memref<128x32xf32, #tpu.memory_space<vmem_shared>>) target_semaphore(%run_scoped3A : memref<!tpu.dma_semaphore, #tpu.memory_space<semaphore_mem>>)
      %dma_wait3A = arith.constant 0 : i32
      %dma_wait3A_327 = tpu.memref_slice %arg17[%add3A_150, %dma_wait3A] : memref<10240x32xf32, #tpu.memory_space<vmem_shared>> -> memref<128x32xf32, #tpu.memory_space<vmem_shared>>
      %dma_wait3A_328 = arith.constant 0 : i32
      %dma_wait3A_329 = tpu.memref_slice %arg17[%add3A_150, %dma_wait3A_328] : memref<10240x32xf32, #tpu.memory_space<vmem_shared>> -> memref<128x32xf32, #tpu.memory_space<vmem_shared>>
      tpu.wait_dma2 semaphore(%run_scoped3A : memref<!tpu.dma_semaphore, #tpu.memory_space<semaphore_mem>>) src(%arg15 : memref<128x32xf32, #tpu.memory_space<vmem>>) dst(%dma_wait3A_329 : memref<128x32xf32, #tpu.memory_space<vmem_shared>>)
      tpu.yield
    }) : () -> ()
    %mul3A_151 = arith.constant 640 : i32
    %mul3A_152 = arith.muli %arg1, %mul3A_151 : i32
    %add3A_153 = arith.constant 512 : i32
    %add3A_154 = arith.addi %mul3A_152, %add3A_153 : i32
    "tpu.region"() ({
      %run_scoped3A = tpu.sem_alloc : memref<!tpu.dma_semaphore, #tpu.memory_space<semaphore_mem>>
      %dma_start3A_323 = arith.constant 0 : i32
      %dma_start3A_324 = tpu.memref_slice %arg17[%add3A_154, %dma_start3A_323] : memref<10240x32xf32, #tpu.memory_space<vmem_shared>> -> memref<128x32xf32, #tpu.memory_space<vmem_shared>>
      %dma_start3A_325 = arith.constant 0 : i32
      %dma_start3A_326 = tpu.memref_slice %arg17[%add3A_154, %dma_start3A_325] : memref<10240x32xf32, #tpu.memory_space<vmem_shared>> -> memref<128x32xf32, #tpu.memory_space<vmem_shared>>
      tpu.enqueue_dma source(%arg15 : memref<128x32xf32, #tpu.memory_space<vmem>>) target(%dma_start3A_326 : memref<128x32xf32, #tpu.memory_space<vmem_shared>>) target_semaphore(%run_scoped3A : memref<!tpu.dma_semaphore, #tpu.memory_space<semaphore_mem>>)
      %dma_wait3A = arith.constant 0 : i32
      %dma_wait3A_327 = tpu.memref_slice %arg17[%add3A_154, %dma_wait3A] : memref<10240x32xf32, #tpu.memory_space<vmem_shared>> -> memref<128x32xf32, #tpu.memory_space<vmem_shared>>
      %dma_wait3A_328 = arith.constant 0 : i32
      %dma_wait3A_329 = tpu.memref_slice %arg17[%add3A_154, %dma_wait3A_328] : memref<10240x32xf32, #tpu.memory_space<vmem_shared>> -> memref<128x32xf32, #tpu.memory_space<vmem_shared>>
      tpu.wait_dma2 semaphore(%run_scoped3A : memref<!tpu.dma_semaphore, #tpu.memory_space<semaphore_mem>>) src(%arg15 : memref<128x32xf32, #tpu.memory_space<vmem>>) dst(%dma_wait3A_329 : memref<128x32xf32, #tpu.memory_space<vmem_shared>>)
      tpu.yield
    }) : () -> ()
    %barrier3A_155 = arith.constant 0 : index
    tpu.barrier barrier_id(%barrier3A_155)
    %dma_start3A_156 = arith.constant 0 : i32
    %dma_start3A_157 = arith.constant 0 : i32
    %dma_start3A_158 = tpu.memref_slice %arg13[%dma_start3A_156, %dma_start3A_157] : memref<80x128xi32, #tpu.memory_space<vmem>> -> memref<1x128xi32, #tpu.memory_space<vmem>>
    %dma_start3A_159 = tpu.memref_squeeze %dma_start3A_158 : memref<1x128xi32, #tpu.memory_space<vmem>> -> memref<128xi32, #tpu.memory_space<vmem>>
    %dma_start3A_160 = arith.constant 0 : i32
    %dma_start3A_161 = arith.constant 0 : i32
    %dma_start3A_162 = tpu.memref_slice %arg4[%dma_start3A_160, %dma_start3A_161] : memref<10000x32xf32, #tpu.memory_space<hbm>> -> memref<10000x32xf32, #tpu.memory_space<hbm>>
    tpu.enqueue_indirect_dma source(%dma_start3A_162 : memref<10000x32xf32, #tpu.memory_space<hbm>>) target(%arg15 : memref<128x32xf32, #tpu.memory_space<vmem>>) offsets(%dma_start3A_159 : memref<128xi32, #tpu.memory_space<vmem>>) semaphore(%arg18 : memref<!tpu.dma_semaphore, #tpu.memory_space<semaphore_mem>>)
    %scan3A_163 = arith.constant 0 : i32
    %scan3A_164 = arith.constant 0 : i32
    %scan3A_165 = arith.constant 40 : i32
    %scan3A_166 = arith.addi %scan3A_164, %scan3A_165 : i32
    %scan3A_167 = arith.constant 1 : i32
    scf.for %scan3A_323 = %scan3A_164 to %scan3A_166 step %scan3A_167  : i32 {
      %mul3A_324 = arith.constant 2 : i32
      %mul3A_325 = arith.muli %mul3A_324, %scan3A_323 : i32
      %add3A_326 = arith.constant 1 : i32
      %add3A_327 = arith.addi %mul3A_325, %add3A_326 : i32
      %dma_start3A_328 = arith.constant 0 : i32
      %dma_start3A_329 = tpu.memref_slice %arg13[%add3A_327, %dma_start3A_328] : memref<80x128xi32, #tpu.memory_space<vmem>> -> memref<1x128xi32, #tpu.memory_space<vmem>>
      %dma_start3A_330 = tpu.memref_squeeze %dma_start3A_329 : memref<1x128xi32, #tpu.memory_space<vmem>> -> memref<128xi32, #tpu.memory_space<vmem>>
      %dma_start3A_331 = arith.constant 0 : i32
      %dma_start3A_332 = arith.constant 0 : i32
      %dma_start3A_333 = tpu.memref_slice %arg4[%dma_start3A_331, %dma_start3A_332] : memref<10000x32xf32, #tpu.memory_space<hbm>> -> memref<10000x32xf32, #tpu.memory_space<hbm>>
      tpu.enqueue_indirect_dma source(%dma_start3A_333 : memref<10000x32xf32, #tpu.memory_space<hbm>>) target(%arg16 : memref<128x32xf32, #tpu.memory_space<vmem>>) offsets(%dma_start3A_330 : memref<128xi32, #tpu.memory_space<vmem>>) semaphore(%arg19 : memref<!tpu.dma_semaphore, #tpu.memory_space<semaphore_mem>>)
      %dma_wait3A = arith.constant 0 : i32
      %dma_wait3A_334 = arith.constant 0 : i32
      %dma_wait3A_335 = tpu.memref_slice %arg4[%dma_wait3A, %dma_wait3A_334] : memref<10000x32xf32, #tpu.memory_space<hbm>> -> memref<128x32xf32, #tpu.memory_space<hbm>>
      %dma_wait3A_336 = arith.constant 0 : i32
      %dma_wait3A_337 = arith.constant 0 : i32
      %dma_wait3A_338 = tpu.memref_slice %arg4[%dma_wait3A_336, %dma_wait3A_337] : memref<10000x32xf32, #tpu.memory_space<hbm>> -> memref<128x32xf32, #tpu.memory_space<hbm>>
      tpu.wait_dma2 semaphore(%arg18 : memref<!tpu.dma_semaphore, #tpu.memory_space<semaphore_mem>>) src(%dma_wait3A_338 : memref<128x32xf32, #tpu.memory_space<hbm>>) dst(%arg15 : memref<128x32xf32, #tpu.memory_space<vmem>>)
      %mul3A_339 = arith.constant 2 : i32
      %mul3A_340 = arith.muli %mul3A_339, %scan3A_323 : i32
      "tpu.region"() ({
        %run_scoped3A = tpu.sem_alloc : memref<!tpu.dma_semaphore, #tpu.memory_space<semaphore_mem>>
        %dma_start3A_357 = arith.constant 0 : i32
        %dma_start3A_358 = tpu.memref_slice %arg14[%mul3A_340, %dma_start3A_357] : memref<80x128xi32, #tpu.memory_space<vmem>> -> memref<1x128xi32, #tpu.memory_space<vmem>>
        %dma_start3A_359 = tpu.memref_squeeze %dma_start3A_358 : memref<1x128xi32, #tpu.memory_space<vmem>> -> memref<128xi32, #tpu.memory_space<vmem>>
        %dma_start3A_360 = arith.constant 0 : i32
        %dma_start3A_361 = arith.constant 0 : i32
        %dma_start3A_362 = tpu.memref_slice %arg17[%dma_start3A_360, %dma_start3A_361] : memref<10240x32xf32, #tpu.memory_space<vmem_shared>> -> memref<10240x32xf32, #tpu.memory_space<vmem_shared>>
        tpu.enqueue_indirect_dma source(%arg15 : memref<128x32xf32, #tpu.memory_space<vmem>>) target(%dma_start3A_362 : memref<10240x32xf32, #tpu.memory_space<vmem_shared>>) offsets(%dma_start3A_359 : memref<128xi32, #tpu.memory_space<vmem>>) semaphore(%run_scoped3A : memref<!tpu.dma_semaphore, #tpu.memory_space<semaphore_mem>>) {add = true}
        %dma_wait3A_363 = arith.constant 0 : i32
        %dma_wait3A_364 = tpu.memref_slice %arg14[%mul3A_340, %dma_wait3A_363] : memref<80x128xi32, #tpu.memory_space<vmem>> -> memref<1x128xi32, #tpu.memory_space<vmem>>
        %dma_wait3A_365 = tpu.memref_squeeze %dma_wait3A_364 : memref<1x128xi32, #tpu.memory_space<vmem>> -> memref<128xi32, #tpu.memory_space<vmem>>
        %dma_wait3A_366 = arith.constant 0 : i32
        %dma_wait3A_367 = arith.constant 0 : i32
        %dma_wait3A_368 = tpu.memref_slice %arg17[%dma_wait3A_366, %dma_wait3A_367] : memref<10240x32xf32, #tpu.memory_space<vmem_shared>> -> memref<10240x32xf32, #tpu.memory_space<vmem_shared>>
        tpu.wait_indirect_dma semaphore(%run_scoped3A : memref<!tpu.dma_semaphore, #tpu.memory_space<semaphore_mem>>) src(%arg15 : memref<128x32xf32, #tpu.memory_space<vmem>>) dst(%dma_wait3A_368 : memref<10240x32xf32, #tpu.memory_space<vmem_shared>>)
        tpu.yield
      }) : () -> ()
      %mul3A_341 = arith.constant 2 : i32
      %mul3A_342 = arith.muli %mul3A_341, %scan3A_323 : i32
      %add3A_343 = arith.constant 2 : i32
      %add3A_344 = arith.addi %mul3A_342, %add3A_343 : i32
      %lt3A = arith.constant 80 : i32
      %lt3A_345 = arith.cmpi slt, %add3A_344, %lt3A : i32
      %convert_element_type3A = arith.extui %lt3A_345 : i1 to i32
      %cond3A = arith.constant 0 : i32
      %cond3A_346 = arith.cmpi ne, %convert_element_type3A, %cond3A : i32
      scf.if %cond3A_346 {
        %mul3A_357 = arith.constant 2 : i32
        %mul3A_358 = arith.muli %mul3A_357, %scan3A_323 : i32
        %add3A_359 = arith.constant 2 : i32
        %add3A_360 = arith.addi %mul3A_358, %add3A_359 : i32
        %dma_start3A_361 = arith.constant 0 : i32
        %dma_start3A_362 = tpu.memref_slice %arg13[%add3A_360, %dma_start3A_361] : memref<80x128xi32, #tpu.memory_space<vmem>> -> memref<1x128xi32, #tpu.memory_space<vmem>>
        %dma_start3A_363 = tpu.memref_squeeze %dma_start3A_362 : memref<1x128xi32, #tpu.memory_space<vmem>> -> memref<128xi32, #tpu.memory_space<vmem>>
        %dma_start3A_364 = arith.constant 0 : i32
        %dma_start3A_365 = arith.constant 0 : i32
        %dma_start3A_366 = tpu.memref_slice %arg4[%dma_start3A_364, %dma_start3A_365] : memref<10000x32xf32, #tpu.memory_space<hbm>> -> memref<10000x32xf32, #tpu.memory_space<hbm>>
        tpu.enqueue_indirect_dma source(%dma_start3A_366 : memref<10000x32xf32, #tpu.memory_space<hbm>>) target(%arg15 : memref<128x32xf32, #tpu.memory_space<vmem>>) offsets(%dma_start3A_363 : memref<128xi32, #tpu.memory_space<vmem>>) semaphore(%arg18 : memref<!tpu.dma_semaphore, #tpu.memory_space<semaphore_mem>>)
      } else {
      }
      %dma_wait3A_347 = arith.constant 0 : i32
      %dma_wait3A_348 = arith.constant 0 : i32
      %dma_wait3A_349 = tpu.memref_slice %arg4[%dma_wait3A_347, %dma_wait3A_348] : memref<10000x32xf32, #tpu.memory_space<hbm>> -> memref<128x32xf32, #tpu.memory_space<hbm>>
      %dma_wait3A_350 = arith.constant 0 : i32
      %dma_wait3A_351 = arith.constant 0 : i32
      %dma_wait3A_352 = tpu.memref_slice %arg4[%dma_wait3A_350, %dma_wait3A_351] : memref<10000x32xf32, #tpu.memory_space<hbm>> -> memref<128x32xf32, #tpu.memory_space<hbm>>
      tpu.wait_dma2 semaphore(%arg19 : memref<!tpu.dma_semaphore, #tpu.memory_space<semaphore_mem>>) src(%dma_wait3A_352 : memref<128x32xf32, #tpu.memory_space<hbm>>) dst(%arg16 : memref<128x32xf32, #tpu.memory_space<vmem>>)
      %mul3A_353 = arith.constant 2 : i32
      %mul3A_354 = arith.muli %mul3A_353, %scan3A_323 : i32
      %add3A_355 = arith.constant 1 : i32
      %add3A_356 = arith.addi %mul3A_354, %add3A_355 : i32
      "tpu.region"() ({
        %run_scoped3A = tpu.sem_alloc : memref<!tpu.dma_semaphore, #tpu.memory_space<semaphore_mem>>
        %dma_start3A_357 = arith.constant 0 : i32
        %dma_start3A_358 = tpu.memref_slice %arg14[%add3A_356, %dma_start3A_357] : memref<80x128xi32, #tpu.memory_space<vmem>> -> memref<1x128xi32, #tpu.memory_space<vmem>>
        %dma_start3A_359 = tpu.memref_squeeze %dma_start3A_358 : memref<1x128xi32, #tpu.memory_space<vmem>> -> memref<128xi32, #tpu.memory_space<vmem>>
        %dma_start3A_360 = arith.constant 0 : i32
        %dma_start3A_361 = arith.constant 0 : i32
        %dma_start3A_362 = tpu.memref_slice %arg17[%dma_start3A_360, %dma_start3A_361] : memref<10240x32xf32, #tpu.memory_space<vmem_shared>> -> memref<10240x32xf32, #tpu.memory_space<vmem_shared>>
        tpu.enqueue_indirect_dma source(%arg16 : memref<128x32xf32, #tpu.memory_space<vmem>>) target(%dma_start3A_362 : memref<10240x32xf32, #tpu.memory_space<vmem_shared>>) offsets(%dma_start3A_359 : memref<128xi32, #tpu.memory_space<vmem>>) semaphore(%run_scoped3A : memref<!tpu.dma_semaphore, #tpu.memory_space<semaphore_mem>>) {add = true}
        %dma_wait3A_363 = arith.constant 0 : i32
        %dma_wait3A_364 = tpu.memref_slice %arg14[%add3A_356, %dma_wait3A_363] : memref<80x128xi32, #tpu.memory_space<vmem>> -> memref<1x128xi32, #tpu.memory_space<vmem>>
        %dma_wait3A_365 = tpu.memref_squeeze %dma_wait3A_364 : memref<1x128xi32, #tpu.memory_space<vmem>> -> memref<128xi32, #tpu.memory_space<vmem>>
        %dma_wait3A_366 = arith.constant 0 : i32
        %dma_wait3A_367 = arith.constant 0 : i32
        %dma_wait3A_368 = tpu.memref_slice %arg17[%dma_wait3A_366, %dma_wait3A_367] : memref<10240x32xf32, #tpu.memory_space<vmem_shared>> -> memref<10240x32xf32, #tpu.memory_space<vmem_shared>>
        tpu.wait_indirect_dma semaphore(%run_scoped3A : memref<!tpu.dma_semaphore, #tpu.memory_space<semaphore_mem>>) src(%arg16 : memref<128x32xf32, #tpu.memory_space<vmem>>) dst(%dma_wait3A_368 : memref<10240x32xf32, #tpu.memory_space<vmem_shared>>)
        tpu.yield
      }) : () -> ()
    }
    %scan3A_168 = arith.constant 40 : i32
    %barrier3A_169 = arith.constant 0 : index
    tpu.barrier barrier_id(%barrier3A_169)
    %mul3A_170 = arith.constant 640 : i32
    %mul3A_171 = arith.muli %arg1, %mul3A_170 : i32
    %add3A_172 = arith.constant 0 : i32
    %add3A_173 = arith.addi %mul3A_171, %add3A_172 : i32
    "tpu.region"() ({
      %run_scoped3A = tpu.sem_alloc : memref<!tpu.dma_semaphore, #tpu.memory_space<semaphore_mem>>
      %dma_start3A_323 = arith.constant 0 : i32
      %dma_start3A_324 = tpu.memref_slice %arg17[%add3A_173, %dma_start3A_323] : memref<10240x32xf32, #tpu.memory_space<vmem_shared>> -> memref<128x32xf32, #tpu.memory_space<vmem_shared>>
      %dma_start3A_325 = arith.constant 0 : i32
      %dma_start3A_326 = tpu.memref_slice %arg17[%add3A_173, %dma_start3A_325] : memref<10240x32xf32, #tpu.memory_space<vmem_shared>> -> memref<128x32xf32, #tpu.memory_space<vmem_shared>>
      tpu.enqueue_dma source(%dma_start3A_326 : memref<128x32xf32, #tpu.memory_space<vmem_shared>>) target(%arg15 : memref<128x32xf32, #tpu.memory_space<vmem>>) target_semaphore(%run_scoped3A : memref<!tpu.dma_semaphore, #tpu.memory_space<semaphore_mem>>)
      %dma_wait3A = arith.constant 0 : i32
      %dma_wait3A_327 = tpu.memref_slice %arg17[%add3A_173, %dma_wait3A] : memref<10240x32xf32, #tpu.memory_space<vmem_shared>> -> memref<128x32xf32, #tpu.memory_space<vmem_shared>>
      %dma_wait3A_328 = arith.constant 0 : i32
      %dma_wait3A_329 = tpu.memref_slice %arg17[%add3A_173, %dma_wait3A_328] : memref<10240x32xf32, #tpu.memory_space<vmem_shared>> -> memref<128x32xf32, #tpu.memory_space<vmem_shared>>
      tpu.wait_dma2 semaphore(%run_scoped3A : memref<!tpu.dma_semaphore, #tpu.memory_space<semaphore_mem>>) src(%dma_wait3A_329 : memref<128x32xf32, #tpu.memory_space<vmem_shared>>) dst(%arg15 : memref<128x32xf32, #tpu.memory_space<vmem>>)
      tpu.yield
    }) : () -> ()
    "tpu.region"() ({
      %run_scoped3A = tpu.sem_alloc : memref<!tpu.dma_semaphore, #tpu.memory_space<semaphore_mem>>
      %dma_start3A_323 = arith.constant 0 : i32
      %dma_start3A_324 = tpu.memref_slice %arg10[%arg0, %add3A_173, %dma_start3A_323] : memref<2x10240x32xf32, #tpu.memory_space<hbm>> -> memref<1x128x32xf32, #tpu.memory_space<hbm>>
      %dma_start3A_325 = tpu.memref_squeeze %dma_start3A_324 : memref<1x128x32xf32, #tpu.memory_space<hbm>> -> memref<128x32xf32, #tpu.memory_space<hbm>>
      %dma_start3A_326 = arith.constant 0 : i32
      %dma_start3A_327 = tpu.memref_slice %arg10[%arg0, %add3A_173, %dma_start3A_326] : memref<2x10240x32xf32, #tpu.memory_space<hbm>> -> memref<1x128x32xf32, #tpu.memory_space<hbm>>
      %dma_start3A_328 = tpu.memref_squeeze %dma_start3A_327 : memref<1x128x32xf32, #tpu.memory_space<hbm>> -> memref<128x32xf32, #tpu.memory_space<hbm>>
      tpu.enqueue_dma source(%arg15 : memref<128x32xf32, #tpu.memory_space<vmem>>) target(%dma_start3A_328 : memref<128x32xf32, #tpu.memory_space<hbm>>) target_semaphore(%run_scoped3A : memref<!tpu.dma_semaphore, #tpu.memory_space<semaphore_mem>>)
      %dma_wait3A = arith.constant 0 : i32
      %dma_wait3A_329 = tpu.memref_slice %arg10[%arg0, %add3A_173, %dma_wait3A] : memref<2x10240x32xf32, #tpu.memory_space<hbm>> -> memref<1x128x32xf32, #tpu.memory_space<hbm>>
      %dma_wait3A_330 = tpu.memref_squeeze %dma_wait3A_329 : memref<1x128x32xf32, #tpu.memory_space<hbm>> -> memref<128x32xf32, #tpu.memory_space<hbm>>
      %dma_wait3A_331 = arith.constant 0 : i32
      %dma_wait3A_332 = tpu.memref_slice %arg10[%arg0, %add3A_173, %dma_wait3A_331] : memref<2x10240x32xf32, #tpu.memory_space<hbm>> -> memref<1x128x32xf32, #tpu.memory_space<hbm>>
      %dma_wait3A_333 = tpu.memref_squeeze %dma_wait3A_332 : memref<1x128x32xf32, #tpu.memory_space<hbm>> -> memref<128x32xf32, #tpu.memory_space<hbm>>
      tpu.wait_dma2 semaphore(%run_scoped3A : memref<!tpu.dma_semaphore, #tpu.memory_space<semaphore_mem>>) src(%arg15 : memref<128x32xf32, #tpu.memory_space<vmem>>) dst(%dma_wait3A_333 : memref<128x32xf32, #tpu.memory_space<hbm>>)
      tpu.yield
    }) : () -> ()
    %mul3A_174 = arith.constant 640 : i32
    %mul3A_175 = arith.muli %arg1, %mul3A_174 : i32
    %add3A_176 = arith.constant 128 : i32
    %add3A_177 = arith.addi %mul3A_175, %add3A_176 : i32
    "tpu.region"() ({
      %run_scoped3A = tpu.sem_alloc : memref<!tpu.dma_semaphore, #tpu.memory_space<semaphore_mem>>
      %dma_start3A_323 = arith.constant 0 : i32
      %dma_start3A_324 = tpu.memref_slice %arg17[%add3A_177, %dma_start3A_323] : memref<10240x32xf32, #tpu.memory_space<vmem_shared>> -> memref<128x32xf32, #tpu.memory_space<vmem_shared>>
      %dma_start3A_325 = arith.constant 0 : i32
      %dma_start3A_326 = tpu.memref_slice %arg17[%add3A_177, %dma_start3A_325] : memref<10240x32xf32, #tpu.memory_space<vmem_shared>> -> memref<128x32xf32, #tpu.memory_space<vmem_shared>>
      tpu.enqueue_dma source(%dma_start3A_326 : memref<128x32xf32, #tpu.memory_space<vmem_shared>>) target(%arg15 : memref<128x32xf32, #tpu.memory_space<vmem>>) target_semaphore(%run_scoped3A : memref<!tpu.dma_semaphore, #tpu.memory_space<semaphore_mem>>)
      %dma_wait3A = arith.constant 0 : i32
      %dma_wait3A_327 = tpu.memref_slice %arg17[%add3A_177, %dma_wait3A] : memref<10240x32xf32, #tpu.memory_space<vmem_shared>> -> memref<128x32xf32, #tpu.memory_space<vmem_shared>>
      %dma_wait3A_328 = arith.constant 0 : i32
      %dma_wait3A_329 = tpu.memref_slice %arg17[%add3A_177, %dma_wait3A_328] : memref<10240x32xf32, #tpu.memory_space<vmem_shared>> -> memref<128x32xf32, #tpu.memory_space<vmem_shared>>
      tpu.wait_dma2 semaphore(%run_scoped3A : memref<!tpu.dma_semaphore, #tpu.memory_space<semaphore_mem>>) src(%dma_wait3A_329 : memref<128x32xf32, #tpu.memory_space<vmem_shared>>) dst(%arg15 : memref<128x32xf32, #tpu.memory_space<vmem>>)
      tpu.yield
    }) : () -> ()
    "tpu.region"() ({
      %run_scoped3A = tpu.sem_alloc : memref<!tpu.dma_semaphore, #tpu.memory_space<semaphore_mem>>
      %dma_start3A_323 = arith.constant 0 : i32
      %dma_start3A_324 = tpu.memref_slice %arg10[%arg0, %add3A_177, %dma_start3A_323] : memref<2x10240x32xf32, #tpu.memory_space<hbm>> -> memref<1x128x32xf32, #tpu.memory_space<hbm>>
      %dma_start3A_325 = tpu.memref_squeeze %dma_start3A_324 : memref<1x128x32xf32, #tpu.memory_space<hbm>> -> memref<128x32xf32, #tpu.memory_space<hbm>>
      %dma_start3A_326 = arith.constant 0 : i32
      %dma_start3A_327 = tpu.memref_slice %arg10[%arg0, %add3A_177, %dma_start3A_326] : memref<2x10240x32xf32, #tpu.memory_space<hbm>> -> memref<1x128x32xf32, #tpu.memory_space<hbm>>
      %dma_start3A_328 = tpu.memref_squeeze %dma_start3A_327 : memref<1x128x32xf32, #tpu.memory_space<hbm>> -> memref<128x32xf32, #tpu.memory_space<hbm>>
      tpu.enqueue_dma source(%arg15 : memref<128x32xf32, #tpu.memory_space<vmem>>) target(%dma_start3A_328 : memref<128x32xf32, #tpu.memory_space<hbm>>) target_semaphore(%run_scoped3A : memref<!tpu.dma_semaphore, #tpu.memory_space<semaphore_mem>>)
      %dma_wait3A = arith.constant 0 : i32
      %dma_wait3A_329 = tpu.memref_slice %arg10[%arg0, %add3A_177, %dma_wait3A] : memref<2x10240x32xf32, #tpu.memory_space<hbm>> -> memref<1x128x32xf32, #tpu.memory_space<hbm>>
      %dma_wait3A_330 = tpu.memref_squeeze %dma_wait3A_329 : memref<1x128x32xf32, #tpu.memory_space<hbm>> -> memref<128x32xf32, #tpu.memory_space<hbm>>
      %dma_wait3A_331 = arith.constant 0 : i32
      %dma_wait3A_332 = tpu.memref_slice %arg10[%arg0, %add3A_177, %dma_wait3A_331] : memref<2x10240x32xf32, #tpu.memory_space<hbm>> -> memref<1x128x32xf32, #tpu.memory_space<hbm>>
      %dma_wait3A_333 = tpu.memref_squeeze %dma_wait3A_332 : memref<1x128x32xf32, #tpu.memory_space<hbm>> -> memref<128x32xf32, #tpu.memory_space<hbm>>
      tpu.wait_dma2 semaphore(%run_scoped3A : memref<!tpu.dma_semaphore, #tpu.memory_space<semaphore_mem>>) src(%arg15 : memref<128x32xf32, #tpu.memory_space<vmem>>) dst(%dma_wait3A_333 : memref<128x32xf32, #tpu.memory_space<hbm>>)
      tpu.yield
    }) : () -> ()
    %mul3A_178 = arith.constant 640 : i32
    %mul3A_179 = arith.muli %arg1, %mul3A_178 : i32
    %add3A_180 = arith.constant 256 : i32
    %add3A_181 = arith.addi %mul3A_179, %add3A_180 : i32
    "tpu.region"() ({
      %run_scoped3A = tpu.sem_alloc : memref<!tpu.dma_semaphore, #tpu.memory_space<semaphore_mem>>
      %dma_start3A_323 = arith.constant 0 : i32
      %dma_start3A_324 = tpu.memref_slice %arg17[%add3A_181, %dma_start3A_323] : memref<10240x32xf32, #tpu.memory_space<vmem_shared>> -> memref<128x32xf32, #tpu.memory_space<vmem_shared>>
      %dma_start3A_325 = arith.constant 0 : i32
      %dma_start3A_326 = tpu.memref_slice %arg17[%add3A_181, %dma_start3A_325] : memref<10240x32xf32, #tpu.memory_space<vmem_shared>> -> memref<128x32xf32, #tpu.memory_space<vmem_shared>>
      tpu.enqueue_dma source(%dma_start3A_326 : memref<128x32xf32, #tpu.memory_space<vmem_shared>>) target(%arg15 : memref<128x32xf32, #tpu.memory_space<vmem>>) target_semaphore(%run_scoped3A : memref<!tpu.dma_semaphore, #tpu.memory_space<semaphore_mem>>)
      %dma_wait3A = arith.constant 0 : i32
      %dma_wait3A_327 = tpu.memref_slice %arg17[%add3A_181, %dma_wait3A] : memref<10240x32xf32, #tpu.memory_space<vmem_shared>> -> memref<128x32xf32, #tpu.memory_space<vmem_shared>>
      %dma_wait3A_328 = arith.constant 0 : i32
      %dma_wait3A_329 = tpu.memref_slice %arg17[%add3A_181, %dma_wait3A_328] : memref<10240x32xf32, #tpu.memory_space<vmem_shared>> -> memref<128x32xf32, #tpu.memory_space<vmem_shared>>
      tpu.wait_dma2 semaphore(%run_scoped3A : memref<!tpu.dma_semaphore, #tpu.memory_space<semaphore_mem>>) src(%dma_wait3A_329 : memref<128x32xf32, #tpu.memory_space<vmem_shared>>) dst(%arg15 : memref<128x32xf32, #tpu.memory_space<vmem>>)
      tpu.yield
    }) : () -> ()
    "tpu.region"() ({
      %run_scoped3A = tpu.sem_alloc : memref<!tpu.dma_semaphore, #tpu.memory_space<semaphore_mem>>
      %dma_start3A_323 = arith.constant 0 : i32
      %dma_start3A_324 = tpu.memref_slice %arg10[%arg0, %add3A_181, %dma_start3A_323] : memref<2x10240x32xf32, #tpu.memory_space<hbm>> -> memref<1x128x32xf32, #tpu.memory_space<hbm>>
      %dma_start3A_325 = tpu.memref_squeeze %dma_start3A_324 : memref<1x128x32xf32, #tpu.memory_space<hbm>> -> memref<128x32xf32, #tpu.memory_space<hbm>>
      %dma_start3A_326 = arith.constant 0 : i32
      %dma_start3A_327 = tpu.memref_slice %arg10[%arg0, %add3A_181, %dma_start3A_326] : memref<2x10240x32xf32, #tpu.memory_space<hbm>> -> memref<1x128x32xf32, #tpu.memory_space<hbm>>
      %dma_start3A_328 = tpu.memref_squeeze %dma_start3A_327 : memref<1x128x32xf32, #tpu.memory_space<hbm>> -> memref<128x32xf32, #tpu.memory_space<hbm>>
      tpu.enqueue_dma source(%arg15 : memref<128x32xf32, #tpu.memory_space<vmem>>) target(%dma_start3A_328 : memref<128x32xf32, #tpu.memory_space<hbm>>) target_semaphore(%run_scoped3A : memref<!tpu.dma_semaphore, #tpu.memory_space<semaphore_mem>>)
      %dma_wait3A = arith.constant 0 : i32
      %dma_wait3A_329 = tpu.memref_slice %arg10[%arg0, %add3A_181, %dma_wait3A] : memref<2x10240x32xf32, #tpu.memory_space<hbm>> -> memref<1x128x32xf32, #tpu.memory_space<hbm>>
      %dma_wait3A_330 = tpu.memref_squeeze %dma_wait3A_329 : memref<1x128x32xf32, #tpu.memory_space<hbm>> -> memref<128x32xf32, #tpu.memory_space<hbm>>
      %dma_wait3A_331 = arith.constant 0 : i32
      %dma_wait3A_332 = tpu.memref_slice %arg10[%arg0, %add3A_181, %dma_wait3A_331] : memref<2x10240x32xf32, #tpu.memory_space<hbm>> -> memref<1x128x32xf32, #tpu.memory_space<hbm>>
      %dma_wait3A_333 = tpu.memref_squeeze %dma_wait3A_332 : memref<1x128x32xf32, #tpu.memory_space<hbm>> -> memref<128x32xf32, #tpu.memory_space<hbm>>
      tpu.wait_dma2 semaphore(%run_scoped3A : memref<!tpu.dma_semaphore, #tpu.memory_space<semaphore_mem>>) src(%arg15 : memref<128x32xf32, #tpu.memory_space<vmem>>) dst(%dma_wait3A_333 : memref<128x32xf32, #tpu.memory_space<hbm>>)
      tpu.yield
    }) : () -> ()
    %mul3A_182 = arith.constant 640 : i32
    %mul3A_183 = arith.muli %arg1, %mul3A_182 : i32
    %add3A_184 = arith.constant 384 : i32
    %add3A_185 = arith.addi %mul3A_183, %add3A_184 : i32
    "tpu.region"() ({
      %run_scoped3A = tpu.sem_alloc : memref<!tpu.dma_semaphore, #tpu.memory_space<semaphore_mem>>
      %dma_start3A_323 = arith.constant 0 : i32
      %dma_start3A_324 = tpu.memref_slice %arg17[%add3A_185, %dma_start3A_323] : memref<10240x32xf32, #tpu.memory_space<vmem_shared>> -> memref<128x32xf32, #tpu.memory_space<vmem_shared>>
      %dma_start3A_325 = arith.constant 0 : i32
      %dma_start3A_326 = tpu.memref_slice %arg17[%add3A_185, %dma_start3A_325] : memref<10240x32xf32, #tpu.memory_space<vmem_shared>> -> memref<128x32xf32, #tpu.memory_space<vmem_shared>>
      tpu.enqueue_dma source(%dma_start3A_326 : memref<128x32xf32, #tpu.memory_space<vmem_shared>>) target(%arg15 : memref<128x32xf32, #tpu.memory_space<vmem>>) target_semaphore(%run_scoped3A : memref<!tpu.dma_semaphore, #tpu.memory_space<semaphore_mem>>)
      %dma_wait3A = arith.constant 0 : i32
      %dma_wait3A_327 = tpu.memref_slice %arg17[%add3A_185, %dma_wait3A] : memref<10240x32xf32, #tpu.memory_space<vmem_shared>> -> memref<128x32xf32, #tpu.memory_space<vmem_shared>>
      %dma_wait3A_328 = arith.constant 0 : i32
      %dma_wait3A_329 = tpu.memref_slice %arg17[%add3A_185, %dma_wait3A_328] : memref<10240x32xf32, #tpu.memory_space<vmem_shared>> -> memref<128x32xf32, #tpu.memory_space<vmem_shared>>
      tpu.wait_dma2 semaphore(%run_scoped3A : memref<!tpu.dma_semaphore, #tpu.memory_space<semaphore_mem>>) src(%dma_wait3A_329 : memref<128x32xf32, #tpu.memory_space<vmem_shared>>) dst(%arg15 : memref<128x32xf32, #tpu.memory_space<vmem>>)
      tpu.yield
    }) : () -> ()
    "tpu.region"() ({
      %run_scoped3A = tpu.sem_alloc : memref<!tpu.dma_semaphore, #tpu.memory_space<semaphore_mem>>
      %dma_start3A_323 = arith.constant 0 : i32
      %dma_start3A_324 = tpu.memref_slice %arg10[%arg0, %add3A_185, %dma_start3A_323] : memref<2x10240x32xf32, #tpu.memory_space<hbm>> -> memref<1x128x32xf32, #tpu.memory_space<hbm>>
      %dma_start3A_325 = tpu.memref_squeeze %dma_start3A_324 : memref<1x128x32xf32, #tpu.memory_space<hbm>> -> memref<128x32xf32, #tpu.memory_space<hbm>>
      %dma_start3A_326 = arith.constant 0 : i32
      %dma_start3A_327 = tpu.memref_slice %arg10[%arg0, %add3A_185, %dma_start3A_326] : memref<2x10240x32xf32, #tpu.memory_space<hbm>> -> memref<1x128x32xf32, #tpu.memory_space<hbm>>
      %dma_start3A_328 = tpu.memref_squeeze %dma_start3A_327 : memref<1x128x32xf32, #tpu.memory_space<hbm>> -> memref<128x32xf32, #tpu.memory_space<hbm>>
      tpu.enqueue_dma source(%arg15 : memref<128x32xf32, #tpu.memory_space<vmem>>) target(%dma_start3A_328 : memref<128x32xf32, #tpu.memory_space<hbm>>) target_semaphore(%run_scoped3A : memref<!tpu.dma_semaphore, #tpu.memory_space<semaphore_mem>>)
      %dma_wait3A = arith.constant 0 : i32
      %dma_wait3A_329 = tpu.memref_slice %arg10[%arg0, %add3A_185, %dma_wait3A] : memref<2x10240x32xf32, #tpu.memory_space<hbm>> -> memref<1x128x32xf32, #tpu.memory_space<hbm>>
      %dma_wait3A_330 = tpu.memref_squeeze %dma_wait3A_329 : memref<1x128x32xf32, #tpu.memory_space<hbm>> -> memref<128x32xf32, #tpu.memory_space<hbm>>
      %dma_wait3A_331 = arith.constant 0 : i32
      %dma_wait3A_332 = tpu.memref_slice %arg10[%arg0, %add3A_185, %dma_wait3A_331] : memref<2x10240x32xf32, #tpu.memory_space<hbm>> -> memref<1x128x32xf32, #tpu.memory_space<hbm>>
      %dma_wait3A_333 = tpu.memref_squeeze %dma_wait3A_332 : memref<1x128x32xf32, #tpu.memory_space<hbm>> -> memref<128x32xf32, #tpu.memory_space<hbm>>
      tpu.wait_dma2 semaphore(%run_scoped3A : memref<!tpu.dma_semaphore, #tpu.memory_space<semaphore_mem>>) src(%arg15 : memref<128x32xf32, #tpu.memory_space<vmem>>) dst(%dma_wait3A_333 : memref<128x32xf32, #tpu.memory_space<hbm>>)
      tpu.yield
    }) : () -> ()
    %mul3A_186 = arith.constant 640 : i32
    %mul3A_187 = arith.muli %arg1, %mul3A_186 : i32
    %add3A_188 = arith.constant 512 : i32
    %add3A_189 = arith.addi %mul3A_187, %add3A_188 : i32
    "tpu.region"() ({
      %run_scoped3A = tpu.sem_alloc : memref<!tpu.dma_semaphore, #tpu.memory_space<semaphore_mem>>
      %dma_start3A_323 = arith.constant 0 : i32
      %dma_start3A_324 = tpu.memref_slice %arg17[%add3A_189, %dma_start3A_323] : memref<10240x32xf32, #tpu.memory_space<vmem_shared>> -> memref<128x32xf32, #tpu.memory_space<vmem_shared>>
      %dma_start3A_325 = arith.constant 0 : i32
      %dma_start3A_326 = tpu.memref_slice %arg17[%add3A_189, %dma_start3A_325] : memref<10240x32xf32, #tpu.memory_space<vmem_shared>> -> memref<128x32xf32, #tpu.memory_space<vmem_shared>>
      tpu.enqueue_dma source(%dma_start3A_326 : memref<128x32xf32, #tpu.memory_space<vmem_shared>>) target(%arg15 : memref<128x32xf32, #tpu.memory_space<vmem>>) target_semaphore(%run_scoped3A : memref<!tpu.dma_semaphore, #tpu.memory_space<semaphore_mem>>)
      %dma_wait3A = arith.constant 0 : i32
      %dma_wait3A_327 = tpu.memref_slice %arg17[%add3A_189, %dma_wait3A] : memref<10240x32xf32, #tpu.memory_space<vmem_shared>> -> memref<128x32xf32, #tpu.memory_space<vmem_shared>>
      %dma_wait3A_328 = arith.constant 0 : i32
      %dma_wait3A_329 = tpu.memref_slice %arg17[%add3A_189, %dma_wait3A_328] : memref<10240x32xf32, #tpu.memory_space<vmem_shared>> -> memref<128x32xf32, #tpu.memory_space<vmem_shared>>
      tpu.wait_dma2 semaphore(%run_scoped3A : memref<!tpu.dma_semaphore, #tpu.memory_space<semaphore_mem>>) src(%dma_wait3A_329 : memref<128x32xf32, #tpu.memory_space<vmem_shared>>) dst(%arg15 : memref<128x32xf32, #tpu.memory_space<vmem>>)
      tpu.yield
    }) : () -> ()
    "tpu.region"() ({
      %run_scoped3A = tpu.sem_alloc : memref<!tpu.dma_semaphore, #tpu.memory_space<semaphore_mem>>
      %dma_start3A_323 = arith.constant 0 : i32
      %dma_start3A_324 = tpu.memref_slice %arg10[%arg0, %add3A_189, %dma_start3A_323] : memref<2x10240x32xf32, #tpu.memory_space<hbm>> -> memref<1x128x32xf32, #tpu.memory_space<hbm>>
      %dma_start3A_325 = tpu.memref_squeeze %dma_start3A_324 : memref<1x128x32xf32, #tpu.memory_space<hbm>> -> memref<128x32xf32, #tpu.memory_space<hbm>>
      %dma_start3A_326 = arith.constant 0 : i32
      %dma_start3A_327 = tpu.memref_slice %arg10[%arg0, %add3A_189, %dma_start3A_326] : memref<2x10240x32xf32, #tpu.memory_space<hbm>> -> memref<1x128x32xf32, #tpu.memory_space<hbm>>
      %dma_start3A_328 = tpu.memref_squeeze %dma_start3A_327 : memref<1x128x32xf32, #tpu.memory_space<hbm>> -> memref<128x32xf32, #tpu.memory_space<hbm>>
      tpu.enqueue_dma source(%arg15 : memref<128x32xf32, #tpu.memory_space<vmem>>) target(%dma_start3A_328 : memref<128x32xf32, #tpu.memory_space<hbm>>) target_semaphore(%run_scoped3A : memref<!tpu.dma_semaphore, #tpu.memory_space<semaphore_mem>>)
      %dma_wait3A = arith.constant 0 : i32
      %dma_wait3A_329 = tpu.memref_slice %arg10[%arg0, %add3A_189, %dma_wait3A] : memref<2x10240x32xf32, #tpu.memory_space<hbm>> -> memref<1x128x32xf32, #tpu.memory_space<hbm>>
      %dma_wait3A_330 = tpu.memref_squeeze %dma_wait3A_329 : memref<1x128x32xf32, #tpu.memory_space<hbm>> -> memref<128x32xf32, #tpu.memory_space<hbm>>
      %dma_wait3A_331 = arith.constant 0 : i32
      %dma_wait3A_332 = tpu.memref_slice %arg10[%arg0, %add3A_189, %dma_wait3A_331] : memref<2x10240x32xf32, #tpu.memory_space<hbm>> -> memref<1x128x32xf32, #tpu.memory_space<hbm>>
      %dma_wait3A_333 = tpu.memref_squeeze %dma_wait3A_332 : memref<1x128x32xf32, #tpu.memory_space<hbm>> -> memref<128x32xf32, #tpu.memory_space<hbm>>
      tpu.wait_dma2 semaphore(%run_scoped3A : memref<!tpu.dma_semaphore, #tpu.memory_space<semaphore_mem>>) src(%arg15 : memref<128x32xf32, #tpu.memory_space<vmem>>) dst(%dma_wait3A_333 : memref<128x32xf32, #tpu.memory_space<hbm>>)
      tpu.yield
    }) : () -> ()
    %broadcast_in_dim3A_190 = arith.constant 0.000000e+00 : f32
    %broadcast_in_dim3A_191 = vector.broadcast %broadcast_in_dim3A_190 : f32 to vector<16xf32>
    %scan3A_192 = arith.constant 0 : i32
    %scan3A_193 = arith.constant 0 : i32
    %scan3A_194 = arith.constant 128 : i32
    %scan3A_195 = arith.addi %scan3A_193, %scan3A_194 : i32
    %scan3A_196 = arith.constant 1 : i32
    scf.for %scan3A_323 = %scan3A_193 to %scan3A_195 step %scan3A_196  : i32 {
      %swap3A = arith.index_cast %scan3A_323 : i32 to index
      %swap3A_324 = arith.constant 0 : index
      %swap3A_325 = tpu.vector_load %arg15[%swap3A, %swap3A_324] {strides = array<i32>} : memref<128x32xf32, #tpu.memory_space<vmem>>, vector<1x16xf32>,
      %swap3A_326 = vector.shape_cast %swap3A_325 : vector<1x16xf32> to vector<16xf32>
      %swap3A_327 = vector.shape_cast %broadcast_in_dim3A_191 : vector<16xf32> to vector<1x16xf32>
      tpu.vector_store %arg15[%swap3A, %swap3A_324], %swap3A_327 {strides = array<i32>} : memref<128x32xf32, #tpu.memory_space<vmem>>, vector<1x16xf32>,
      %swap3A_328 = arith.index_cast %scan3A_323 : i32 to index
      %swap3A_329 = arith.constant 16 : index
      %swap3A_330 = tpu.vector_load %arg15[%swap3A_328, %swap3A_329] {strides = array<i32>} : memref<128x32xf32, #tpu.memory_space<vmem>>, vector<1x16xf32>,
      %swap3A_331 = vector.shape_cast %swap3A_330 : vector<1x16xf32> to vector<16xf32>
      %swap3A_332 = vector.shape_cast %broadcast_in_dim3A_191 : vector<16xf32> to vector<1x16xf32>
      tpu.vector_store %arg15[%swap3A_328, %swap3A_329], %swap3A_332 {strides = array<i32>} : memref<128x32xf32, #tpu.memory_space<vmem>>, vector<1x16xf32>,
    }
    %scan3A_197 = arith.constant 128 : i32
    %mul3A_198 = arith.constant 640 : i32
    %mul3A_199 = arith.muli %arg1, %mul3A_198 : i32
    %add3A_200 = arith.constant 0 : i32
    %add3A_201 = arith.addi %mul3A_199, %add3A_200 : i32
    "tpu.region"() ({
      %run_scoped3A = tpu.sem_alloc : memref<!tpu.dma_semaphore, #tpu.memory_space<semaphore_mem>>
      %dma_start3A_323 = arith.constant 0 : i32
      %dma_start3A_324 = tpu.memref_slice %arg17[%add3A_201, %dma_start3A_323] : memref<10240x32xf32, #tpu.memory_space<vmem_shared>> -> memref<128x32xf32, #tpu.memory_space<vmem_shared>>
      %dma_start3A_325 = arith.constant 0 : i32
      %dma_start3A_326 = tpu.memref_slice %arg17[%add3A_201, %dma_start3A_325] : memref<10240x32xf32, #tpu.memory_space<vmem_shared>> -> memref<128x32xf32, #tpu.memory_space<vmem_shared>>
      tpu.enqueue_dma source(%arg15 : memref<128x32xf32, #tpu.memory_space<vmem>>) target(%dma_start3A_326 : memref<128x32xf32, #tpu.memory_space<vmem_shared>>) target_semaphore(%run_scoped3A : memref<!tpu.dma_semaphore, #tpu.memory_space<semaphore_mem>>)
      %dma_wait3A = arith.constant 0 : i32
      %dma_wait3A_327 = tpu.memref_slice %arg17[%add3A_201, %dma_wait3A] : memref<10240x32xf32, #tpu.memory_space<vmem_shared>> -> memref<128x32xf32, #tpu.memory_space<vmem_shared>>
      %dma_wait3A_328 = arith.constant 0 : i32
      %dma_wait3A_329 = tpu.memref_slice %arg17[%add3A_201, %dma_wait3A_328] : memref<10240x32xf32, #tpu.memory_space<vmem_shared>> -> memref<128x32xf32, #tpu.memory_space<vmem_shared>>
      tpu.wait_dma2 semaphore(%run_scoped3A : memref<!tpu.dma_semaphore, #tpu.memory_space<semaphore_mem>>) src(%arg15 : memref<128x32xf32, #tpu.memory_space<vmem>>) dst(%dma_wait3A_329 : memref<128x32xf32, #tpu.memory_space<vmem_shared>>)
      tpu.yield
    }) : () -> ()
    %mul3A_202 = arith.constant 640 : i32
    %mul3A_203 = arith.muli %arg1, %mul3A_202 : i32
    %add3A_204 = arith.constant 128 : i32
    %add3A_205 = arith.addi %mul3A_203, %add3A_204 : i32
    "tpu.region"() ({
      %run_scoped3A = tpu.sem_alloc : memref<!tpu.dma_semaphore, #tpu.memory_space<semaphore_mem>>
      %dma_start3A_323 = arith.constant 0 : i32
      %dma_start3A_324 = tpu.memref_slice %arg17[%add3A_205, %dma_start3A_323] : memref<10240x32xf32, #tpu.memory_space<vmem_shared>> -> memref<128x32xf32, #tpu.memory_space<vmem_shared>>
      %dma_start3A_325 = arith.constant 0 : i32
      %dma_start3A_326 = tpu.memref_slice %arg17[%add3A_205, %dma_start3A_325] : memref<10240x32xf32, #tpu.memory_space<vmem_shared>> -> memref<128x32xf32, #tpu.memory_space<vmem_shared>>
      tpu.enqueue_dma source(%arg15 : memref<128x32xf32, #tpu.memory_space<vmem>>) target(%dma_start3A_326 : memref<128x32xf32, #tpu.memory_space<vmem_shared>>) target_semaphore(%run_scoped3A : memref<!tpu.dma_semaphore, #tpu.memory_space<semaphore_mem>>)
      %dma_wait3A = arith.constant 0 : i32
      %dma_wait3A_327 = tpu.memref_slice %arg17[%add3A_205, %dma_wait3A] : memref<10240x32xf32, #tpu.memory_space<vmem_shared>> -> memref<128x32xf32, #tpu.memory_space<vmem_shared>>
      %dma_wait3A_328 = arith.constant 0 : i32
      %dma_wait3A_329 = tpu.memref_slice %arg17[%add3A_205, %dma_wait3A_328] : memref<10240x32xf32, #tpu.memory_space<vmem_shared>> -> memref<128x32xf32, #tpu.memory_space<vmem_shared>>
      tpu.wait_dma2 semaphore(%run_scoped3A : memref<!tpu.dma_semaphore, #tpu.memory_space<semaphore_mem>>) src(%arg15 : memref<128x32xf32, #tpu.memory_space<vmem>>) dst(%dma_wait3A_329 : memref<128x32xf32, #tpu.memory_space<vmem_shared>>)
      tpu.yield
    }) : () -> ()
    %mul3A_206 = arith.constant 640 : i32
    %mul3A_207 = arith.muli %arg1, %mul3A_206 : i32
    %add3A_208 = arith.constant 256 : i32
    %add3A_209 = arith.addi %mul3A_207, %add3A_208 : i32
    "tpu.region"() ({
      %run_scoped3A = tpu.sem_alloc : memref<!tpu.dma_semaphore, #tpu.memory_space<semaphore_mem>>
      %dma_start3A_323 = arith.constant 0 : i32
      %dma_start3A_324 = tpu.memref_slice %arg17[%add3A_209, %dma_start3A_323] : memref<10240x32xf32, #tpu.memory_space<vmem_shared>> -> memref<128x32xf32, #tpu.memory_space<vmem_shared>>
      %dma_start3A_325 = arith.constant 0 : i32
      %dma_start3A_326 = tpu.memref_slice %arg17[%add3A_209, %dma_start3A_325] : memref<10240x32xf32, #tpu.memory_space<vmem_shared>> -> memref<128x32xf32, #tpu.memory_space<vmem_shared>>
      tpu.enqueue_dma source(%arg15 : memref<128x32xf32, #tpu.memory_space<vmem>>) target(%dma_start3A_326 : memref<128x32xf32, #tpu.memory_space<vmem_shared>>) target_semaphore(%run_scoped3A : memref<!tpu.dma_semaphore, #tpu.memory_space<semaphore_mem>>)
      %dma_wait3A = arith.constant 0 : i32
      %dma_wait3A_327 = tpu.memref_slice %arg17[%add3A_209, %dma_wait3A] : memref<10240x32xf32, #tpu.memory_space<vmem_shared>> -> memref<128x32xf32, #tpu.memory_space<vmem_shared>>
      %dma_wait3A_328 = arith.constant 0 : i32
      %dma_wait3A_329 = tpu.memref_slice %arg17[%add3A_209, %dma_wait3A_328] : memref<10240x32xf32, #tpu.memory_space<vmem_shared>> -> memref<128x32xf32, #tpu.memory_space<vmem_shared>>
      tpu.wait_dma2 semaphore(%run_scoped3A : memref<!tpu.dma_semaphore, #tpu.memory_space<semaphore_mem>>) src(%arg15 : memref<128x32xf32, #tpu.memory_space<vmem>>) dst(%dma_wait3A_329 : memref<128x32xf32, #tpu.memory_space<vmem_shared>>)
      tpu.yield
    }) : () -> ()
    %mul3A_210 = arith.constant 640 : i32
    %mul3A_211 = arith.muli %arg1, %mul3A_210 : i32
    %add3A_212 = arith.constant 384 : i32
    %add3A_213 = arith.addi %mul3A_211, %add3A_212 : i32
    "tpu.region"() ({
      %run_scoped3A = tpu.sem_alloc : memref<!tpu.dma_semaphore, #tpu.memory_space<semaphore_mem>>
      %dma_start3A_323 = arith.constant 0 : i32
      %dma_start3A_324 = tpu.memref_slice %arg17[%add3A_213, %dma_start3A_323] : memref<10240x32xf32, #tpu.memory_space<vmem_shared>> -> memref<128x32xf32, #tpu.memory_space<vmem_shared>>
      %dma_start3A_325 = arith.constant 0 : i32
      %dma_start3A_326 = tpu.memref_slice %arg17[%add3A_213, %dma_start3A_325] : memref<10240x32xf32, #tpu.memory_space<vmem_shared>> -> memref<128x32xf32, #tpu.memory_space<vmem_shared>>
      tpu.enqueue_dma source(%arg15 : memref<128x32xf32, #tpu.memory_space<vmem>>) target(%dma_start3A_326 : memref<128x32xf32, #tpu.memory_space<vmem_shared>>) target_semaphore(%run_scoped3A : memref<!tpu.dma_semaphore, #tpu.memory_space<semaphore_mem>>)
      %dma_wait3A = arith.constant 0 : i32
      %dma_wait3A_327 = tpu.memref_slice %arg17[%add3A_213, %dma_wait3A] : memref<10240x32xf32, #tpu.memory_space<vmem_shared>> -> memref<128x32xf32, #tpu.memory_space<vmem_shared>>
      %dma_wait3A_328 = arith.constant 0 : i32
      %dma_wait3A_329 = tpu.memref_slice %arg17[%add3A_213, %dma_wait3A_328] : memref<10240x32xf32, #tpu.memory_space<vmem_shared>> -> memref<128x32xf32, #tpu.memory_space<vmem_shared>>
      tpu.wait_dma2 semaphore(%run_scoped3A : memref<!tpu.dma_semaphore, #tpu.memory_space<semaphore_mem>>) src(%arg15 : memref<128x32xf32, #tpu.memory_space<vmem>>) dst(%dma_wait3A_329 : memref<128x32xf32, #tpu.memory_space<vmem_shared>>)
      tpu.yield
    }) : () -> ()
    %mul3A_214 = arith.constant 640 : i32
    %mul3A_215 = arith.muli %arg1, %mul3A_214 : i32
    %add3A_216 = arith.constant 512 : i32
    %add3A_217 = arith.addi %mul3A_215, %add3A_216 : i32
    "tpu.region"() ({
      %run_scoped3A = tpu.sem_alloc : memref<!tpu.dma_semaphore, #tpu.memory_space<semaphore_mem>>
      %dma_start3A_323 = arith.constant 0 : i32
      %dma_start3A_324 = tpu.memref_slice %arg17[%add3A_217, %dma_start3A_323] : memref<10240x32xf32, #tpu.memory_space<vmem_shared>> -> memref<128x32xf32, #tpu.memory_space<vmem_shared>>
      %dma_start3A_325 = arith.constant 0 : i32
      %dma_start3A_326 = tpu.memref_slice %arg17[%add3A_217, %dma_start3A_325] : memref<10240x32xf32, #tpu.memory_space<vmem_shared>> -> memref<128x32xf32, #tpu.memory_space<vmem_shared>>
      tpu.enqueue_dma source(%arg15 : memref<128x32xf32, #tpu.memory_space<vmem>>) target(%dma_start3A_326 : memref<128x32xf32, #tpu.memory_space<vmem_shared>>) target_semaphore(%run_scoped3A : memref<!tpu.dma_semaphore, #tpu.memory_space<semaphore_mem>>)
      %dma_wait3A = arith.constant 0 : i32
      %dma_wait3A_327 = tpu.memref_slice %arg17[%add3A_217, %dma_wait3A] : memref<10240x32xf32, #tpu.memory_space<vmem_shared>> -> memref<128x32xf32, #tpu.memory_space<vmem_shared>>
      %dma_wait3A_328 = arith.constant 0 : i32
      %dma_wait3A_329 = tpu.memref_slice %arg17[%add3A_217, %dma_wait3A_328] : memref<10240x32xf32, #tpu.memory_space<vmem_shared>> -> memref<128x32xf32, #tpu.memory_space<vmem_shared>>
      tpu.wait_dma2 semaphore(%run_scoped3A : memref<!tpu.dma_semaphore, #tpu.memory_space<semaphore_mem>>) src(%arg15 : memref<128x32xf32, #tpu.memory_space<vmem>>) dst(%dma_wait3A_329 : memref<128x32xf32, #tpu.memory_space<vmem_shared>>)
      tpu.yield
    }) : () -> ()
    %barrier3A_218 = arith.constant 0 : index
    tpu.barrier barrier_id(%barrier3A_218)
    %dma_start3A_219 = arith.constant 0 : i32
    %dma_start3A_220 = arith.constant 0 : i32
    %dma_start3A_221 = tpu.memref_slice %arg13[%dma_start3A_219, %dma_start3A_220] : memref<80x128xi32, #tpu.memory_space<vmem>> -> memref<1x128xi32, #tpu.memory_space<vmem>>
    %dma_start3A_222 = tpu.memref_squeeze %dma_start3A_221 : memref<1x128xi32, #tpu.memory_space<vmem>> -> memref<128xi32, #tpu.memory_space<vmem>>
    %dma_start3A_223 = arith.constant 0 : i32
    %dma_start3A_224 = arith.constant 0 : i32
    %dma_start3A_225 = tpu.memref_slice %arg5[%dma_start3A_223, %dma_start3A_224] : memref<10000x32xf32, #tpu.memory_space<hbm>> -> memref<10000x32xf32, #tpu.memory_space<hbm>>
    tpu.enqueue_indirect_dma source(%dma_start3A_225 : memref<10000x32xf32, #tpu.memory_space<hbm>>) target(%arg15 : memref<128x32xf32, #tpu.memory_space<vmem>>) offsets(%dma_start3A_222 : memref<128xi32, #tpu.memory_space<vmem>>) semaphore(%arg18 : memref<!tpu.dma_semaphore, #tpu.memory_space<semaphore_mem>>)
    %scan3A_226 = arith.constant 0 : i32
    %scan3A_227 = arith.constant 0 : i32
    %scan3A_228 = arith.constant 40 : i32
    %scan3A_229 = arith.addi %scan3A_227, %scan3A_228 : i32
    %scan3A_230 = arith.constant 1 : i32
    scf.for %scan3A_323 = %scan3A_227 to %scan3A_229 step %scan3A_230  : i32 {
      %mul3A_324 = arith.constant 2 : i32
      %mul3A_325 = arith.muli %mul3A_324, %scan3A_323 : i32
      %add3A_326 = arith.constant 1 : i32
      %add3A_327 = arith.addi %mul3A_325, %add3A_326 : i32
      %dma_start3A_328 = arith.constant 0 : i32
      %dma_start3A_329 = tpu.memref_slice %arg13[%add3A_327, %dma_start3A_328] : memref<80x128xi32, #tpu.memory_space<vmem>> -> memref<1x128xi32, #tpu.memory_space<vmem>>
      %dma_start3A_330 = tpu.memref_squeeze %dma_start3A_329 : memref<1x128xi32, #tpu.memory_space<vmem>> -> memref<128xi32, #tpu.memory_space<vmem>>
      %dma_start3A_331 = arith.constant 0 : i32
      %dma_start3A_332 = arith.constant 0 : i32
      %dma_start3A_333 = tpu.memref_slice %arg5[%dma_start3A_331, %dma_start3A_332] : memref<10000x32xf32, #tpu.memory_space<hbm>> -> memref<10000x32xf32, #tpu.memory_space<hbm>>
      tpu.enqueue_indirect_dma source(%dma_start3A_333 : memref<10000x32xf32, #tpu.memory_space<hbm>>) target(%arg16 : memref<128x32xf32, #tpu.memory_space<vmem>>) offsets(%dma_start3A_330 : memref<128xi32, #tpu.memory_space<vmem>>) semaphore(%arg19 : memref<!tpu.dma_semaphore, #tpu.memory_space<semaphore_mem>>)
      %dma_wait3A = arith.constant 0 : i32
      %dma_wait3A_334 = arith.constant 0 : i32
      %dma_wait3A_335 = tpu.memref_slice %arg5[%dma_wait3A, %dma_wait3A_334] : memref<10000x32xf32, #tpu.memory_space<hbm>> -> memref<128x32xf32, #tpu.memory_space<hbm>>
      %dma_wait3A_336 = arith.constant 0 : i32
      %dma_wait3A_337 = arith.constant 0 : i32
      %dma_wait3A_338 = tpu.memref_slice %arg5[%dma_wait3A_336, %dma_wait3A_337] : memref<10000x32xf32, #tpu.memory_space<hbm>> -> memref<128x32xf32, #tpu.memory_space<hbm>>
      tpu.wait_dma2 semaphore(%arg18 : memref<!tpu.dma_semaphore, #tpu.memory_space<semaphore_mem>>) src(%dma_wait3A_338 : memref<128x32xf32, #tpu.memory_space<hbm>>) dst(%arg15 : memref<128x32xf32, #tpu.memory_space<vmem>>)
      %mul3A_339 = arith.constant 2 : i32
      %mul3A_340 = arith.muli %mul3A_339, %scan3A_323 : i32
      "tpu.region"() ({
        %run_scoped3A = tpu.sem_alloc : memref<!tpu.dma_semaphore, #tpu.memory_space<semaphore_mem>>
        %dma_start3A_357 = arith.constant 0 : i32
        %dma_start3A_358 = tpu.memref_slice %arg14[%mul3A_340, %dma_start3A_357] : memref<80x128xi32, #tpu.memory_space<vmem>> -> memref<1x128xi32, #tpu.memory_space<vmem>>
        %dma_start3A_359 = tpu.memref_squeeze %dma_start3A_358 : memref<1x128xi32, #tpu.memory_space<vmem>> -> memref<128xi32, #tpu.memory_space<vmem>>
        %dma_start3A_360 = arith.constant 0 : i32
        %dma_start3A_361 = arith.constant 0 : i32
        %dma_start3A_362 = tpu.memref_slice %arg17[%dma_start3A_360, %dma_start3A_361] : memref<10240x32xf32, #tpu.memory_space<vmem_shared>> -> memref<10240x32xf32, #tpu.memory_space<vmem_shared>>
        tpu.enqueue_indirect_dma source(%arg15 : memref<128x32xf32, #tpu.memory_space<vmem>>) target(%dma_start3A_362 : memref<10240x32xf32, #tpu.memory_space<vmem_shared>>) offsets(%dma_start3A_359 : memref<128xi32, #tpu.memory_space<vmem>>) semaphore(%run_scoped3A : memref<!tpu.dma_semaphore, #tpu.memory_space<semaphore_mem>>) {add = true}
        %dma_wait3A_363 = arith.constant 0 : i32
        %dma_wait3A_364 = tpu.memref_slice %arg14[%mul3A_340, %dma_wait3A_363] : memref<80x128xi32, #tpu.memory_space<vmem>> -> memref<1x128xi32, #tpu.memory_space<vmem>>
        %dma_wait3A_365 = tpu.memref_squeeze %dma_wait3A_364 : memref<1x128xi32, #tpu.memory_space<vmem>> -> memref<128xi32, #tpu.memory_space<vmem>>
        %dma_wait3A_366 = arith.constant 0 : i32
        %dma_wait3A_367 = arith.constant 0 : i32
        %dma_wait3A_368 = tpu.memref_slice %arg17[%dma_wait3A_366, %dma_wait3A_367] : memref<10240x32xf32, #tpu.memory_space<vmem_shared>> -> memref<10240x32xf32, #tpu.memory_space<vmem_shared>>
        tpu.wait_indirect_dma semaphore(%run_scoped3A : memref<!tpu.dma_semaphore, #tpu.memory_space<semaphore_mem>>) src(%arg15 : memref<128x32xf32, #tpu.memory_space<vmem>>) dst(%dma_wait3A_368 : memref<10240x32xf32, #tpu.memory_space<vmem_shared>>)
        tpu.yield
      }) : () -> ()
      %mul3A_341 = arith.constant 2 : i32
      %mul3A_342 = arith.muli %mul3A_341, %scan3A_323 : i32
      %add3A_343 = arith.constant 2 : i32
      %add3A_344 = arith.addi %mul3A_342, %add3A_343 : i32
      %lt3A = arith.constant 80 : i32
      %lt3A_345 = arith.cmpi slt, %add3A_344, %lt3A : i32
      %convert_element_type3A = arith.extui %lt3A_345 : i1 to i32
      %cond3A = arith.constant 0 : i32
      %cond3A_346 = arith.cmpi ne, %convert_element_type3A, %cond3A : i32
      scf.if %cond3A_346 {
        %mul3A_357 = arith.constant 2 : i32
        %mul3A_358 = arith.muli %mul3A_357, %scan3A_323 : i32
        %add3A_359 = arith.constant 2 : i32
        %add3A_360 = arith.addi %mul3A_358, %add3A_359 : i32
        %dma_start3A_361 = arith.constant 0 : i32
        %dma_start3A_362 = tpu.memref_slice %arg13[%add3A_360, %dma_start3A_361] : memref<80x128xi32, #tpu.memory_space<vmem>> -> memref<1x128xi32, #tpu.memory_space<vmem>>
        %dma_start3A_363 = tpu.memref_squeeze %dma_start3A_362 : memref<1x128xi32, #tpu.memory_space<vmem>> -> memref<128xi32, #tpu.memory_space<vmem>>
        %dma_start3A_364 = arith.constant 0 : i32
        %dma_start3A_365 = arith.constant 0 : i32
        %dma_start3A_366 = tpu.memref_slice %arg5[%dma_start3A_364, %dma_start3A_365] : memref<10000x32xf32, #tpu.memory_space<hbm>> -> memref<10000x32xf32, #tpu.memory_space<hbm>>
        tpu.enqueue_indirect_dma source(%dma_start3A_366 : memref<10000x32xf32, #tpu.memory_space<hbm>>) target(%arg15 : memref<128x32xf32, #tpu.memory_space<vmem>>) offsets(%dma_start3A_363 : memref<128xi32, #tpu.memory_space<vmem>>) semaphore(%arg18 : memref<!tpu.dma_semaphore, #tpu.memory_space<semaphore_mem>>)
      } else {
      }
      %dma_wait3A_347 = arith.constant 0 : i32
      %dma_wait3A_348 = arith.constant 0 : i32
      %dma_wait3A_349 = tpu.memref_slice %arg5[%dma_wait3A_347, %dma_wait3A_348] : memref<10000x32xf32, #tpu.memory_space<hbm>> -> memref<128x32xf32, #tpu.memory_space<hbm>>
      %dma_wait3A_350 = arith.constant 0 : i32
      %dma_wait3A_351 = arith.constant 0 : i32
      %dma_wait3A_352 = tpu.memref_slice %arg5[%dma_wait3A_350, %dma_wait3A_351] : memref<10000x32xf32, #tpu.memory_space<hbm>> -> memref<128x32xf32, #tpu.memory_space<hbm>>
      tpu.wait_dma2 semaphore(%arg19 : memref<!tpu.dma_semaphore, #tpu.memory_space<semaphore_mem>>) src(%dma_wait3A_352 : memref<128x32xf32, #tpu.memory_space<hbm>>) dst(%arg16 : memref<128x32xf32, #tpu.memory_space<vmem>>)
      %mul3A_353 = arith.constant 2 : i32
      %mul3A_354 = arith.muli %mul3A_353, %scan3A_323 : i32
      %add3A_355 = arith.constant 1 : i32
      %add3A_356 = arith.addi %mul3A_354, %add3A_355 : i32
      "tpu.region"() ({
        %run_scoped3A = tpu.sem_alloc : memref<!tpu.dma_semaphore, #tpu.memory_space<semaphore_mem>>
        %dma_start3A_357 = arith.constant 0 : i32
        %dma_start3A_358 = tpu.memref_slice %arg14[%add3A_356, %dma_start3A_357] : memref<80x128xi32, #tpu.memory_space<vmem>> -> memref<1x128xi32, #tpu.memory_space<vmem>>
        %dma_start3A_359 = tpu.memref_squeeze %dma_start3A_358 : memref<1x128xi32, #tpu.memory_space<vmem>> -> memref<128xi32, #tpu.memory_space<vmem>>
        %dma_start3A_360 = arith.constant 0 : i32
        %dma_start3A_361 = arith.constant 0 : i32
        %dma_start3A_362 = tpu.memref_slice %arg17[%dma_start3A_360, %dma_start3A_361] : memref<10240x32xf32, #tpu.memory_space<vmem_shared>> -> memref<10240x32xf32, #tpu.memory_space<vmem_shared>>
        tpu.enqueue_indirect_dma source(%arg16 : memref<128x32xf32, #tpu.memory_space<vmem>>) target(%dma_start3A_362 : memref<10240x32xf32, #tpu.memory_space<vmem_shared>>) offsets(%dma_start3A_359 : memref<128xi32, #tpu.memory_space<vmem>>) semaphore(%run_scoped3A : memref<!tpu.dma_semaphore, #tpu.memory_space<semaphore_mem>>) {add = true}
        %dma_wait3A_363 = arith.constant 0 : i32
        %dma_wait3A_364 = tpu.memref_slice %arg14[%add3A_356, %dma_wait3A_363] : memref<80x128xi32, #tpu.memory_space<vmem>> -> memref<1x128xi32, #tpu.memory_space<vmem>>
        %dma_wait3A_365 = tpu.memref_squeeze %dma_wait3A_364 : memref<1x128xi32, #tpu.memory_space<vmem>> -> memref<128xi32, #tpu.memory_space<vmem>>
        %dma_wait3A_366 = arith.constant 0 : i32
        %dma_wait3A_367 = arith.constant 0 : i32
        %dma_wait3A_368 = tpu.memref_slice %arg17[%dma_wait3A_366, %dma_wait3A_367] : memref<10240x32xf32, #tpu.memory_space<vmem_shared>> -> memref<10240x32xf32, #tpu.memory_space<vmem_shared>>
        tpu.wait_indirect_dma semaphore(%run_scoped3A : memref<!tpu.dma_semaphore, #tpu.memory_space<semaphore_mem>>) src(%arg16 : memref<128x32xf32, #tpu.memory_space<vmem>>) dst(%dma_wait3A_368 : memref<10240x32xf32, #tpu.memory_space<vmem_shared>>)
        tpu.yield
      }) : () -> ()
    }
    %scan3A_231 = arith.constant 40 : i32
    %barrier3A_232 = arith.constant 0 : index
    tpu.barrier barrier_id(%barrier3A_232)
    %mul3A_233 = arith.constant 640 : i32
    %mul3A_234 = arith.muli %arg1, %mul3A_233 : i32
    %add3A_235 = arith.constant 0 : i32
    %add3A_236 = arith.addi %mul3A_234, %add3A_235 : i32
    "tpu.region"() ({
      %run_scoped3A = tpu.sem_alloc : memref<!tpu.dma_semaphore, #tpu.memory_space<semaphore_mem>>
      %dma_start3A_323 = arith.constant 0 : i32
      %dma_start3A_324 = tpu.memref_slice %arg17[%add3A_236, %dma_start3A_323] : memref<10240x32xf32, #tpu.memory_space<vmem_shared>> -> memref<128x32xf32, #tpu.memory_space<vmem_shared>>
      %dma_start3A_325 = arith.constant 0 : i32
      %dma_start3A_326 = tpu.memref_slice %arg17[%add3A_236, %dma_start3A_325] : memref<10240x32xf32, #tpu.memory_space<vmem_shared>> -> memref<128x32xf32, #tpu.memory_space<vmem_shared>>
      tpu.enqueue_dma source(%dma_start3A_326 : memref<128x32xf32, #tpu.memory_space<vmem_shared>>) target(%arg15 : memref<128x32xf32, #tpu.memory_space<vmem>>) target_semaphore(%run_scoped3A : memref<!tpu.dma_semaphore, #tpu.memory_space<semaphore_mem>>)
      %dma_wait3A = arith.constant 0 : i32
      %dma_wait3A_327 = tpu.memref_slice %arg17[%add3A_236, %dma_wait3A] : memref<10240x32xf32, #tpu.memory_space<vmem_shared>> -> memref<128x32xf32, #tpu.memory_space<vmem_shared>>
      %dma_wait3A_328 = arith.constant 0 : i32
      %dma_wait3A_329 = tpu.memref_slice %arg17[%add3A_236, %dma_wait3A_328] : memref<10240x32xf32, #tpu.memory_space<vmem_shared>> -> memref<128x32xf32, #tpu.memory_space<vmem_shared>>
      tpu.wait_dma2 semaphore(%run_scoped3A : memref<!tpu.dma_semaphore, #tpu.memory_space<semaphore_mem>>) src(%dma_wait3A_329 : memref<128x32xf32, #tpu.memory_space<vmem_shared>>) dst(%arg15 : memref<128x32xf32, #tpu.memory_space<vmem>>)
      tpu.yield
    }) : () -> ()
    "tpu.region"() ({
      %run_scoped3A = tpu.sem_alloc : memref<!tpu.dma_semaphore, #tpu.memory_space<semaphore_mem>>
      %dma_start3A_323 = arith.constant 0 : i32
      %dma_start3A_324 = tpu.memref_slice %arg11[%arg0, %add3A_236, %dma_start3A_323] : memref<2x10240x32xf32, #tpu.memory_space<hbm>> -> memref<1x128x32xf32, #tpu.memory_space<hbm>>
      %dma_start3A_325 = tpu.memref_squeeze %dma_start3A_324 : memref<1x128x32xf32, #tpu.memory_space<hbm>> -> memref<128x32xf32, #tpu.memory_space<hbm>>
      %dma_start3A_326 = arith.constant 0 : i32
      %dma_start3A_327 = tpu.memref_slice %arg11[%arg0, %add3A_236, %dma_start3A_326] : memref<2x10240x32xf32, #tpu.memory_space<hbm>> -> memref<1x128x32xf32, #tpu.memory_space<hbm>>
      %dma_start3A_328 = tpu.memref_squeeze %dma_start3A_327 : memref<1x128x32xf32, #tpu.memory_space<hbm>> -> memref<128x32xf32, #tpu.memory_space<hbm>>
      tpu.enqueue_dma source(%arg15 : memref<128x32xf32, #tpu.memory_space<vmem>>) target(%dma_start3A_328 : memref<128x32xf32, #tpu.memory_space<hbm>>) target_semaphore(%run_scoped3A : memref<!tpu.dma_semaphore, #tpu.memory_space<semaphore_mem>>)
      %dma_wait3A = arith.constant 0 : i32
      %dma_wait3A_329 = tpu.memref_slice %arg11[%arg0, %add3A_236, %dma_wait3A] : memref<2x10240x32xf32, #tpu.memory_space<hbm>> -> memref<1x128x32xf32, #tpu.memory_space<hbm>>
      %dma_wait3A_330 = tpu.memref_squeeze %dma_wait3A_329 : memref<1x128x32xf32, #tpu.memory_space<hbm>> -> memref<128x32xf32, #tpu.memory_space<hbm>>
      %dma_wait3A_331 = arith.constant 0 : i32
      %dma_wait3A_332 = tpu.memref_slice %arg11[%arg0, %add3A_236, %dma_wait3A_331] : memref<2x10240x32xf32, #tpu.memory_space<hbm>> -> memref<1x128x32xf32, #tpu.memory_space<hbm>>
      %dma_wait3A_333 = tpu.memref_squeeze %dma_wait3A_332 : memref<1x128x32xf32, #tpu.memory_space<hbm>> -> memref<128x32xf32, #tpu.memory_space<hbm>>
      tpu.wait_dma2 semaphore(%run_scoped3A : memref<!tpu.dma_semaphore, #tpu.memory_space<semaphore_mem>>) src(%arg15 : memref<128x32xf32, #tpu.memory_space<vmem>>) dst(%dma_wait3A_333 : memref<128x32xf32, #tpu.memory_space<hbm>>)
      tpu.yield
    }) : () -> ()
    %mul3A_237 = arith.constant 640 : i32
    %mul3A_238 = arith.muli %arg1, %mul3A_237 : i32
    %add3A_239 = arith.constant 128 : i32
    %add3A_240 = arith.addi %mul3A_238, %add3A_239 : i32
    "tpu.region"() ({
      %run_scoped3A = tpu.sem_alloc : memref<!tpu.dma_semaphore, #tpu.memory_space<semaphore_mem>>
      %dma_start3A_323 = arith.constant 0 : i32
      %dma_start3A_324 = tpu.memref_slice %arg17[%add3A_240, %dma_start3A_323] : memref<10240x32xf32, #tpu.memory_space<vmem_shared>> -> memref<128x32xf32, #tpu.memory_space<vmem_shared>>
      %dma_start3A_325 = arith.constant 0 : i32
      %dma_start3A_326 = tpu.memref_slice %arg17[%add3A_240, %dma_start3A_325] : memref<10240x32xf32, #tpu.memory_space<vmem_shared>> -> memref<128x32xf32, #tpu.memory_space<vmem_shared>>
      tpu.enqueue_dma source(%dma_start3A_326 : memref<128x32xf32, #tpu.memory_space<vmem_shared>>) target(%arg15 : memref<128x32xf32, #tpu.memory_space<vmem>>) target_semaphore(%run_scoped3A : memref<!tpu.dma_semaphore, #tpu.memory_space<semaphore_mem>>)
      %dma_wait3A = arith.constant 0 : i32
      %dma_wait3A_327 = tpu.memref_slice %arg17[%add3A_240, %dma_wait3A] : memref<10240x32xf32, #tpu.memory_space<vmem_shared>> -> memref<128x32xf32, #tpu.memory_space<vmem_shared>>
      %dma_wait3A_328 = arith.constant 0 : i32
      %dma_wait3A_329 = tpu.memref_slice %arg17[%add3A_240, %dma_wait3A_328] : memref<10240x32xf32, #tpu.memory_space<vmem_shared>> -> memref<128x32xf32, #tpu.memory_space<vmem_shared>>
      tpu.wait_dma2 semaphore(%run_scoped3A : memref<!tpu.dma_semaphore, #tpu.memory_space<semaphore_mem>>) src(%dma_wait3A_329 : memref<128x32xf32, #tpu.memory_space<vmem_shared>>) dst(%arg15 : memref<128x32xf32, #tpu.memory_space<vmem>>)
      tpu.yield
    }) : () -> ()
    "tpu.region"() ({
      %run_scoped3A = tpu.sem_alloc : memref<!tpu.dma_semaphore, #tpu.memory_space<semaphore_mem>>
      %dma_start3A_323 = arith.constant 0 : i32
      %dma_start3A_324 = tpu.memref_slice %arg11[%arg0, %add3A_240, %dma_start3A_323] : memref<2x10240x32xf32, #tpu.memory_space<hbm>> -> memref<1x128x32xf32, #tpu.memory_space<hbm>>
      %dma_start3A_325 = tpu.memref_squeeze %dma_start3A_324 : memref<1x128x32xf32, #tpu.memory_space<hbm>> -> memref<128x32xf32, #tpu.memory_space<hbm>>
      %dma_start3A_326 = arith.constant 0 : i32
      %dma_start3A_327 = tpu.memref_slice %arg11[%arg0, %add3A_240, %dma_start3A_326] : memref<2x10240x32xf32, #tpu.memory_space<hbm>> -> memref<1x128x32xf32, #tpu.memory_space<hbm>>
      %dma_start3A_328 = tpu.memref_squeeze %dma_start3A_327 : memref<1x128x32xf32, #tpu.memory_space<hbm>> -> memref<128x32xf32, #tpu.memory_space<hbm>>
      tpu.enqueue_dma source(%arg15 : memref<128x32xf32, #tpu.memory_space<vmem>>) target(%dma_start3A_328 : memref<128x32xf32, #tpu.memory_space<hbm>>) target_semaphore(%run_scoped3A : memref<!tpu.dma_semaphore, #tpu.memory_space<semaphore_mem>>)
      %dma_wait3A = arith.constant 0 : i32
      %dma_wait3A_329 = tpu.memref_slice %arg11[%arg0, %add3A_240, %dma_wait3A] : memref<2x10240x32xf32, #tpu.memory_space<hbm>> -> memref<1x128x32xf32, #tpu.memory_space<hbm>>
      %dma_wait3A_330 = tpu.memref_squeeze %dma_wait3A_329 : memref<1x128x32xf32, #tpu.memory_space<hbm>> -> memref<128x32xf32, #tpu.memory_space<hbm>>
      %dma_wait3A_331 = arith.constant 0 : i32
      %dma_wait3A_332 = tpu.memref_slice %arg11[%arg0, %add3A_240, %dma_wait3A_331] : memref<2x10240x32xf32, #tpu.memory_space<hbm>> -> memref<1x128x32xf32, #tpu.memory_space<hbm>>
      %dma_wait3A_333 = tpu.memref_squeeze %dma_wait3A_332 : memref<1x128x32xf32, #tpu.memory_space<hbm>> -> memref<128x32xf32, #tpu.memory_space<hbm>>
      tpu.wait_dma2 semaphore(%run_scoped3A : memref<!tpu.dma_semaphore, #tpu.memory_space<semaphore_mem>>) src(%arg15 : memref<128x32xf32, #tpu.memory_space<vmem>>) dst(%dma_wait3A_333 : memref<128x32xf32, #tpu.memory_space<hbm>>)
      tpu.yield
    }) : () -> ()
    %mul3A_241 = arith.constant 640 : i32
    %mul3A_242 = arith.muli %arg1, %mul3A_241 : i32
    %add3A_243 = arith.constant 256 : i32
    %add3A_244 = arith.addi %mul3A_242, %add3A_243 : i32
    "tpu.region"() ({
      %run_scoped3A = tpu.sem_alloc : memref<!tpu.dma_semaphore, #tpu.memory_space<semaphore_mem>>
      %dma_start3A_323 = arith.constant 0 : i32
      %dma_start3A_324 = tpu.memref_slice %arg17[%add3A_244, %dma_start3A_323] : memref<10240x32xf32, #tpu.memory_space<vmem_shared>> -> memref<128x32xf32, #tpu.memory_space<vmem_shared>>
      %dma_start3A_325 = arith.constant 0 : i32
      %dma_start3A_326 = tpu.memref_slice %arg17[%add3A_244, %dma_start3A_325] : memref<10240x32xf32, #tpu.memory_space<vmem_shared>> -> memref<128x32xf32, #tpu.memory_space<vmem_shared>>
      tpu.enqueue_dma source(%dma_start3A_326 : memref<128x32xf32, #tpu.memory_space<vmem_shared>>) target(%arg15 : memref<128x32xf32, #tpu.memory_space<vmem>>) target_semaphore(%run_scoped3A : memref<!tpu.dma_semaphore, #tpu.memory_space<semaphore_mem>>)
      %dma_wait3A = arith.constant 0 : i32
      %dma_wait3A_327 = tpu.memref_slice %arg17[%add3A_244, %dma_wait3A] : memref<10240x32xf32, #tpu.memory_space<vmem_shared>> -> memref<128x32xf32, #tpu.memory_space<vmem_shared>>
      %dma_wait3A_328 = arith.constant 0 : i32
      %dma_wait3A_329 = tpu.memref_slice %arg17[%add3A_244, %dma_wait3A_328] : memref<10240x32xf32, #tpu.memory_space<vmem_shared>> -> memref<128x32xf32, #tpu.memory_space<vmem_shared>>
      tpu.wait_dma2 semaphore(%run_scoped3A : memref<!tpu.dma_semaphore, #tpu.memory_space<semaphore_mem>>) src(%dma_wait3A_329 : memref<128x32xf32, #tpu.memory_space<vmem_shared>>) dst(%arg15 : memref<128x32xf32, #tpu.memory_space<vmem>>)
      tpu.yield
    }) : () -> ()
    "tpu.region"() ({
      %run_scoped3A = tpu.sem_alloc : memref<!tpu.dma_semaphore, #tpu.memory_space<semaphore_mem>>
      %dma_start3A_323 = arith.constant 0 : i32
      %dma_start3A_324 = tpu.memref_slice %arg11[%arg0, %add3A_244, %dma_start3A_323] : memref<2x10240x32xf32, #tpu.memory_space<hbm>> -> memref<1x128x32xf32, #tpu.memory_space<hbm>>
      %dma_start3A_325 = tpu.memref_squeeze %dma_start3A_324 : memref<1x128x32xf32, #tpu.memory_space<hbm>> -> memref<128x32xf32, #tpu.memory_space<hbm>>
      %dma_start3A_326 = arith.constant 0 : i32
      %dma_start3A_327 = tpu.memref_slice %arg11[%arg0, %add3A_244, %dma_start3A_326] : memref<2x10240x32xf32, #tpu.memory_space<hbm>> -> memref<1x128x32xf32, #tpu.memory_space<hbm>>
      %dma_start3A_328 = tpu.memref_squeeze %dma_start3A_327 : memref<1x128x32xf32, #tpu.memory_space<hbm>> -> memref<128x32xf32, #tpu.memory_space<hbm>>
      tpu.enqueue_dma source(%arg15 : memref<128x32xf32, #tpu.memory_space<vmem>>) target(%dma_start3A_328 : memref<128x32xf32, #tpu.memory_space<hbm>>) target_semaphore(%run_scoped3A : memref<!tpu.dma_semaphore, #tpu.memory_space<semaphore_mem>>)
      %dma_wait3A = arith.constant 0 : i32
      %dma_wait3A_329 = tpu.memref_slice %arg11[%arg0, %add3A_244, %dma_wait3A] : memref<2x10240x32xf32, #tpu.memory_space<hbm>> -> memref<1x128x32xf32, #tpu.memory_space<hbm>>
      %dma_wait3A_330 = tpu.memref_squeeze %dma_wait3A_329 : memref<1x128x32xf32, #tpu.memory_space<hbm>> -> memref<128x32xf32, #tpu.memory_space<hbm>>
      %dma_wait3A_331 = arith.constant 0 : i32
      %dma_wait3A_332 = tpu.memref_slice %arg11[%arg0, %add3A_244, %dma_wait3A_331] : memref<2x10240x32xf32, #tpu.memory_space<hbm>> -> memref<1x128x32xf32, #tpu.memory_space<hbm>>
      %dma_wait3A_333 = tpu.memref_squeeze %dma_wait3A_332 : memref<1x128x32xf32, #tpu.memory_space<hbm>> -> memref<128x32xf32, #tpu.memory_space<hbm>>
      tpu.wait_dma2 semaphore(%run_scoped3A : memref<!tpu.dma_semaphore, #tpu.memory_space<semaphore_mem>>) src(%arg15 : memref<128x32xf32, #tpu.memory_space<vmem>>) dst(%dma_wait3A_333 : memref<128x32xf32, #tpu.memory_space<hbm>>)
      tpu.yield
    }) : () -> ()
    %mul3A_245 = arith.constant 640 : i32
    %mul3A_246 = arith.muli %arg1, %mul3A_245 : i32
    %add3A_247 = arith.constant 384 : i32
    %add3A_248 = arith.addi %mul3A_246, %add3A_247 : i32
    "tpu.region"() ({
      %run_scoped3A = tpu.sem_alloc : memref<!tpu.dma_semaphore, #tpu.memory_space<semaphore_mem>>
      %dma_start3A_323 = arith.constant 0 : i32
      %dma_start3A_324 = tpu.memref_slice %arg17[%add3A_248, %dma_start3A_323] : memref<10240x32xf32, #tpu.memory_space<vmem_shared>> -> memref<128x32xf32, #tpu.memory_space<vmem_shared>>
      %dma_start3A_325 = arith.constant 0 : i32
      %dma_start3A_326 = tpu.memref_slice %arg17[%add3A_248, %dma_start3A_325] : memref<10240x32xf32, #tpu.memory_space<vmem_shared>> -> memref<128x32xf32, #tpu.memory_space<vmem_shared>>
      tpu.enqueue_dma source(%dma_start3A_326 : memref<128x32xf32, #tpu.memory_space<vmem_shared>>) target(%arg15 : memref<128x32xf32, #tpu.memory_space<vmem>>) target_semaphore(%run_scoped3A : memref<!tpu.dma_semaphore, #tpu.memory_space<semaphore_mem>>)
      %dma_wait3A = arith.constant 0 : i32
      %dma_wait3A_327 = tpu.memref_slice %arg17[%add3A_248, %dma_wait3A] : memref<10240x32xf32, #tpu.memory_space<vmem_shared>> -> memref<128x32xf32, #tpu.memory_space<vmem_shared>>
      %dma_wait3A_328 = arith.constant 0 : i32
      %dma_wait3A_329 = tpu.memref_slice %arg17[%add3A_248, %dma_wait3A_328] : memref<10240x32xf32, #tpu.memory_space<vmem_shared>> -> memref<128x32xf32, #tpu.memory_space<vmem_shared>>
      tpu.wait_dma2 semaphore(%run_scoped3A : memref<!tpu.dma_semaphore, #tpu.memory_space<semaphore_mem>>) src(%dma_wait3A_329 : memref<128x32xf32, #tpu.memory_space<vmem_shared>>) dst(%arg15 : memref<128x32xf32, #tpu.memory_space<vmem>>)
      tpu.yield
    }) : () -> ()
    "tpu.region"() ({
      %run_scoped3A = tpu.sem_alloc : memref<!tpu.dma_semaphore, #tpu.memory_space<semaphore_mem>>
      %dma_start3A_323 = arith.constant 0 : i32
      %dma_start3A_324 = tpu.memref_slice %arg11[%arg0, %add3A_248, %dma_start3A_323] : memref<2x10240x32xf32, #tpu.memory_space<hbm>> -> memref<1x128x32xf32, #tpu.memory_space<hbm>>
      %dma_start3A_325 = tpu.memref_squeeze %dma_start3A_324 : memref<1x128x32xf32, #tpu.memory_space<hbm>> -> memref<128x32xf32, #tpu.memory_space<hbm>>
      %dma_start3A_326 = arith.constant 0 : i32
      %dma_start3A_327 = tpu.memref_slice %arg11[%arg0, %add3A_248, %dma_start3A_326] : memref<2x10240x32xf32, #tpu.memory_space<hbm>> -> memref<1x128x32xf32, #tpu.memory_space<hbm>>
      %dma_start3A_328 = tpu.memref_squeeze %dma_start3A_327 : memref<1x128x32xf32, #tpu.memory_space<hbm>> -> memref<128x32xf32, #tpu.memory_space<hbm>>
      tpu.enqueue_dma source(%arg15 : memref<128x32xf32, #tpu.memory_space<vmem>>) target(%dma_start3A_328 : memref<128x32xf32, #tpu.memory_space<hbm>>) target_semaphore(%run_scoped3A : memref<!tpu.dma_semaphore, #tpu.memory_space<semaphore_mem>>)
      %dma_wait3A = arith.constant 0 : i32
      %dma_wait3A_329 = tpu.memref_slice %arg11[%arg0, %add3A_248, %dma_wait3A] : memref<2x10240x32xf32, #tpu.memory_space<hbm>> -> memref<1x128x32xf32, #tpu.memory_space<hbm>>
      %dma_wait3A_330 = tpu.memref_squeeze %dma_wait3A_329 : memref<1x128x32xf32, #tpu.memory_space<hbm>> -> memref<128x32xf32, #tpu.memory_space<hbm>>
      %dma_wait3A_331 = arith.constant 0 : i32
      %dma_wait3A_332 = tpu.memref_slice %arg11[%arg0, %add3A_248, %dma_wait3A_331] : memref<2x10240x32xf32, #tpu.memory_space<hbm>> -> memref<1x128x32xf32, #tpu.memory_space<hbm>>
      %dma_wait3A_333 = tpu.memref_squeeze %dma_wait3A_332 : memref<1x128x32xf32, #tpu.memory_space<hbm>> -> memref<128x32xf32, #tpu.memory_space<hbm>>
      tpu.wait_dma2 semaphore(%run_scoped3A : memref<!tpu.dma_semaphore, #tpu.memory_space<semaphore_mem>>) src(%arg15 : memref<128x32xf32, #tpu.memory_space<vmem>>) dst(%dma_wait3A_333 : memref<128x32xf32, #tpu.memory_space<hbm>>)
      tpu.yield
    }) : () -> ()
    %mul3A_249 = arith.constant 640 : i32
    %mul3A_250 = arith.muli %arg1, %mul3A_249 : i32
    %add3A_251 = arith.constant 512 : i32
    %add3A_252 = arith.addi %mul3A_250, %add3A_251 : i32
    "tpu.region"() ({
      %run_scoped3A = tpu.sem_alloc : memref<!tpu.dma_semaphore, #tpu.memory_space<semaphore_mem>>
      %dma_start3A_323 = arith.constant 0 : i32
      %dma_start3A_324 = tpu.memref_slice %arg17[%add3A_252, %dma_start3A_323] : memref<10240x32xf32, #tpu.memory_space<vmem_shared>> -> memref<128x32xf32, #tpu.memory_space<vmem_shared>>
      %dma_start3A_325 = arith.constant 0 : i32
      %dma_start3A_326 = tpu.memref_slice %arg17[%add3A_252, %dma_start3A_325] : memref<10240x32xf32, #tpu.memory_space<vmem_shared>> -> memref<128x32xf32, #tpu.memory_space<vmem_shared>>
      tpu.enqueue_dma source(%dma_start3A_326 : memref<128x32xf32, #tpu.memory_space<vmem_shared>>) target(%arg15 : memref<128x32xf32, #tpu.memory_space<vmem>>) target_semaphore(%run_scoped3A : memref<!tpu.dma_semaphore, #tpu.memory_space<semaphore_mem>>)
      %dma_wait3A = arith.constant 0 : i32
      %dma_wait3A_327 = tpu.memref_slice %arg17[%add3A_252, %dma_wait3A] : memref<10240x32xf32, #tpu.memory_space<vmem_shared>> -> memref<128x32xf32, #tpu.memory_space<vmem_shared>>
      %dma_wait3A_328 = arith.constant 0 : i32
      %dma_wait3A_329 = tpu.memref_slice %arg17[%add3A_252, %dma_wait3A_328] : memref<10240x32xf32, #tpu.memory_space<vmem_shared>> -> memref<128x32xf32, #tpu.memory_space<vmem_shared>>
      tpu.wait_dma2 semaphore(%run_scoped3A : memref<!tpu.dma_semaphore, #tpu.memory_space<semaphore_mem>>) src(%dma_wait3A_329 : memref<128x32xf32, #tpu.memory_space<vmem_shared>>) dst(%arg15 : memref<128x32xf32, #tpu.memory_space<vmem>>)
      tpu.yield
    }) : () -> ()
    "tpu.region"() ({
      %run_scoped3A = tpu.sem_alloc : memref<!tpu.dma_semaphore, #tpu.memory_space<semaphore_mem>>
      %dma_start3A_323 = arith.constant 0 : i32
      %dma_start3A_324 = tpu.memref_slice %arg11[%arg0, %add3A_252, %dma_start3A_323] : memref<2x10240x32xf32, #tpu.memory_space<hbm>> -> memref<1x128x32xf32, #tpu.memory_space<hbm>>
      %dma_start3A_325 = tpu.memref_squeeze %dma_start3A_324 : memref<1x128x32xf32, #tpu.memory_space<hbm>> -> memref<128x32xf32, #tpu.memory_space<hbm>>
      %dma_start3A_326 = arith.constant 0 : i32
      %dma_start3A_327 = tpu.memref_slice %arg11[%arg0, %add3A_252, %dma_start3A_326] : memref<2x10240x32xf32, #tpu.memory_space<hbm>> -> memref<1x128x32xf32, #tpu.memory_space<hbm>>
      %dma_start3A_328 = tpu.memref_squeeze %dma_start3A_327 : memref<1x128x32xf32, #tpu.memory_space<hbm>> -> memref<128x32xf32, #tpu.memory_space<hbm>>
      tpu.enqueue_dma source(%arg15 : memref<128x32xf32, #tpu.memory_space<vmem>>) target(%dma_start3A_328 : memref<128x32xf32, #tpu.memory_space<hbm>>) target_semaphore(%run_scoped3A : memref<!tpu.dma_semaphore, #tpu.memory_space<semaphore_mem>>)
      %dma_wait3A = arith.constant 0 : i32
      %dma_wait3A_329 = tpu.memref_slice %arg11[%arg0, %add3A_252, %dma_wait3A] : memref<2x10240x32xf32, #tpu.memory_space<hbm>> -> memref<1x128x32xf32, #tpu.memory_space<hbm>>
      %dma_wait3A_330 = tpu.memref_squeeze %dma_wait3A_329 : memref<1x128x32xf32, #tpu.memory_space<hbm>> -> memref<128x32xf32, #tpu.memory_space<hbm>>
      %dma_wait3A_331 = arith.constant 0 : i32
      %dma_wait3A_332 = tpu.memref_slice %arg11[%arg0, %add3A_252, %dma_wait3A_331] : memref<2x10240x32xf32, #tpu.memory_space<hbm>> -> memref<1x128x32xf32, #tpu.memory_space<hbm>>
      %dma_wait3A_333 = tpu.memref_squeeze %dma_wait3A_332 : memref<1x128x32xf32, #tpu.memory_space<hbm>> -> memref<128x32xf32, #tpu.memory_space<hbm>>
      tpu.wait_dma2 semaphore(%run_scoped3A : memref<!tpu.dma_semaphore, #tpu.memory_space<semaphore_mem>>) src(%arg15 : memref<128x32xf32, #tpu.memory_space<vmem>>) dst(%dma_wait3A_333 : memref<128x32xf32, #tpu.memory_space<hbm>>)
      tpu.yield
    }) : () -> ()
    %broadcast_in_dim3A_253 = arith.constant 0.000000e+00 : f32
    %broadcast_in_dim3A_254 = vector.broadcast %broadcast_in_dim3A_253 : f32 to vector<16xf32>
    %scan3A_255 = arith.constant 0 : i32
    %scan3A_256 = arith.constant 0 : i32
    %scan3A_257 = arith.constant 128 : i32
    %scan3A_258 = arith.addi %scan3A_256, %scan3A_257 : i32
    %scan3A_259 = arith.constant 1 : i32
    scf.for %scan3A_323 = %scan3A_256 to %scan3A_258 step %scan3A_259  : i32 {
      %swap3A = arith.index_cast %scan3A_323 : i32 to index
      %swap3A_324 = arith.constant 0 : index
      %swap3A_325 = tpu.vector_load %arg15[%swap3A, %swap3A_324] {strides = array<i32>} : memref<128x32xf32, #tpu.memory_space<vmem>>, vector<1x16xf32>,
      %swap3A_326 = vector.shape_cast %swap3A_325 : vector<1x16xf32> to vector<16xf32>
      %swap3A_327 = vector.shape_cast %broadcast_in_dim3A_254 : vector<16xf32> to vector<1x16xf32>
      tpu.vector_store %arg15[%swap3A, %swap3A_324], %swap3A_327 {strides = array<i32>} : memref<128x32xf32, #tpu.memory_space<vmem>>, vector<1x16xf32>,
      %swap3A_328 = arith.index_cast %scan3A_323 : i32 to index
      %swap3A_329 = arith.constant 16 : index
      %swap3A_330 = tpu.vector_load %arg15[%swap3A_328, %swap3A_329] {strides = array<i32>} : memref<128x32xf32, #tpu.memory_space<vmem>>, vector<1x16xf32>,
      %swap3A_331 = vector.shape_cast %swap3A_330 : vector<1x16xf32> to vector<16xf32>
      %swap3A_332 = vector.shape_cast %broadcast_in_dim3A_254 : vector<16xf32> to vector<1x16xf32>
      tpu.vector_store %arg15[%swap3A_328, %swap3A_329], %swap3A_332 {strides = array<i32>} : memref<128x32xf32, #tpu.memory_space<vmem>>, vector<1x16xf32>,
    }
    %scan3A_260 = arith.constant 128 : i32
    %mul3A_261 = arith.constant 640 : i32
    %mul3A_262 = arith.muli %arg1, %mul3A_261 : i32
    %add3A_263 = arith.constant 0 : i32
    %add3A_264 = arith.addi %mul3A_262, %add3A_263 : i32
    "tpu.region"() ({
      %run_scoped3A = tpu.sem_alloc : memref<!tpu.dma_semaphore, #tpu.memory_space<semaphore_mem>>
      %dma_start3A_323 = arith.constant 0 : i32
      %dma_start3A_324 = tpu.memref_slice %arg17[%add3A_264, %dma_start3A_323] : memref<10240x32xf32, #tpu.memory_space<vmem_shared>> -> memref<128x32xf32, #tpu.memory_space<vmem_shared>>
      %dma_start3A_325 = arith.constant 0 : i32
      %dma_start3A_326 = tpu.memref_slice %arg17[%add3A_264, %dma_start3A_325] : memref<10240x32xf32, #tpu.memory_space<vmem_shared>> -> memref<128x32xf32, #tpu.memory_space<vmem_shared>>
      tpu.enqueue_dma source(%arg15 : memref<128x32xf32, #tpu.memory_space<vmem>>) target(%dma_start3A_326 : memref<128x32xf32, #tpu.memory_space<vmem_shared>>) target_semaphore(%run_scoped3A : memref<!tpu.dma_semaphore, #tpu.memory_space<semaphore_mem>>)
      %dma_wait3A = arith.constant 0 : i32
      %dma_wait3A_327 = tpu.memref_slice %arg17[%add3A_264, %dma_wait3A] : memref<10240x32xf32, #tpu.memory_space<vmem_shared>> -> memref<128x32xf32, #tpu.memory_space<vmem_shared>>
      %dma_wait3A_328 = arith.constant 0 : i32
      %dma_wait3A_329 = tpu.memref_slice %arg17[%add3A_264, %dma_wait3A_328] : memref<10240x32xf32, #tpu.memory_space<vmem_shared>> -> memref<128x32xf32, #tpu.memory_space<vmem_shared>>
      tpu.wait_dma2 semaphore(%run_scoped3A : memref<!tpu.dma_semaphore, #tpu.memory_space<semaphore_mem>>) src(%arg15 : memref<128x32xf32, #tpu.memory_space<vmem>>) dst(%dma_wait3A_329 : memref<128x32xf32, #tpu.memory_space<vmem_shared>>)
      tpu.yield
    }) : () -> ()
    %mul3A_265 = arith.constant 640 : i32
    %mul3A_266 = arith.muli %arg1, %mul3A_265 : i32
    %add3A_267 = arith.constant 128 : i32
    %add3A_268 = arith.addi %mul3A_266, %add3A_267 : i32
    "tpu.region"() ({
      %run_scoped3A = tpu.sem_alloc : memref<!tpu.dma_semaphore, #tpu.memory_space<semaphore_mem>>
      %dma_start3A_323 = arith.constant 0 : i32
      %dma_start3A_324 = tpu.memref_slice %arg17[%add3A_268, %dma_start3A_323] : memref<10240x32xf32, #tpu.memory_space<vmem_shared>> -> memref<128x32xf32, #tpu.memory_space<vmem_shared>>
      %dma_start3A_325 = arith.constant 0 : i32
      %dma_start3A_326 = tpu.memref_slice %arg17[%add3A_268, %dma_start3A_325] : memref<10240x32xf32, #tpu.memory_space<vmem_shared>> -> memref<128x32xf32, #tpu.memory_space<vmem_shared>>
      tpu.enqueue_dma source(%arg15 : memref<128x32xf32, #tpu.memory_space<vmem>>) target(%dma_start3A_326 : memref<128x32xf32, #tpu.memory_space<vmem_shared>>) target_semaphore(%run_scoped3A : memref<!tpu.dma_semaphore, #tpu.memory_space<semaphore_mem>>)
      %dma_wait3A = arith.constant 0 : i32
      %dma_wait3A_327 = tpu.memref_slice %arg17[%add3A_268, %dma_wait3A] : memref<10240x32xf32, #tpu.memory_space<vmem_shared>> -> memref<128x32xf32, #tpu.memory_space<vmem_shared>>
      %dma_wait3A_328 = arith.constant 0 : i32
      %dma_wait3A_329 = tpu.memref_slice %arg17[%add3A_268, %dma_wait3A_328] : memref<10240x32xf32, #tpu.memory_space<vmem_shared>> -> memref<128x32xf32, #tpu.memory_space<vmem_shared>>
      tpu.wait_dma2 semaphore(%run_scoped3A : memref<!tpu.dma_semaphore, #tpu.memory_space<semaphore_mem>>) src(%arg15 : memref<128x32xf32, #tpu.memory_space<vmem>>) dst(%dma_wait3A_329 : memref<128x32xf32, #tpu.memory_space<vmem_shared>>)
      tpu.yield
    }) : () -> ()
    %mul3A_269 = arith.constant 640 : i32
    %mul3A_270 = arith.muli %arg1, %mul3A_269 : i32
    %add3A_271 = arith.constant 256 : i32
    %add3A_272 = arith.addi %mul3A_270, %add3A_271 : i32
    "tpu.region"() ({
      %run_scoped3A = tpu.sem_alloc : memref<!tpu.dma_semaphore, #tpu.memory_space<semaphore_mem>>
      %dma_start3A_323 = arith.constant 0 : i32
      %dma_start3A_324 = tpu.memref_slice %arg17[%add3A_272, %dma_start3A_323] : memref<10240x32xf32, #tpu.memory_space<vmem_shared>> -> memref<128x32xf32, #tpu.memory_space<vmem_shared>>
      %dma_start3A_325 = arith.constant 0 : i32
      %dma_start3A_326 = tpu.memref_slice %arg17[%add3A_272, %dma_start3A_325] : memref<10240x32xf32, #tpu.memory_space<vmem_shared>> -> memref<128x32xf32, #tpu.memory_space<vmem_shared>>
      tpu.enqueue_dma source(%arg15 : memref<128x32xf32, #tpu.memory_space<vmem>>) target(%dma_start3A_326 : memref<128x32xf32, #tpu.memory_space<vmem_shared>>) target_semaphore(%run_scoped3A : memref<!tpu.dma_semaphore, #tpu.memory_space<semaphore_mem>>)
      %dma_wait3A = arith.constant 0 : i32
      %dma_wait3A_327 = tpu.memref_slice %arg17[%add3A_272, %dma_wait3A] : memref<10240x32xf32, #tpu.memory_space<vmem_shared>> -> memref<128x32xf32, #tpu.memory_space<vmem_shared>>
      %dma_wait3A_328 = arith.constant 0 : i32
      %dma_wait3A_329 = tpu.memref_slice %arg17[%add3A_272, %dma_wait3A_328] : memref<10240x32xf32, #tpu.memory_space<vmem_shared>> -> memref<128x32xf32, #tpu.memory_space<vmem_shared>>
      tpu.wait_dma2 semaphore(%run_scoped3A : memref<!tpu.dma_semaphore, #tpu.memory_space<semaphore_mem>>) src(%arg15 : memref<128x32xf32, #tpu.memory_space<vmem>>) dst(%dma_wait3A_329 : memref<128x32xf32, #tpu.memory_space<vmem_shared>>)
      tpu.yield
    }) : () -> ()
    %mul3A_273 = arith.constant 640 : i32
    %mul3A_274 = arith.muli %arg1, %mul3A_273 : i32
    %add3A_275 = arith.constant 384 : i32
    %add3A_276 = arith.addi %mul3A_274, %add3A_275 : i32
    "tpu.region"() ({
      %run_scoped3A = tpu.sem_alloc : memref<!tpu.dma_semaphore, #tpu.memory_space<semaphore_mem>>
      %dma_start3A_323 = arith.constant 0 : i32
      %dma_start3A_324 = tpu.memref_slice %arg17[%add3A_276, %dma_start3A_323] : memref<10240x32xf32, #tpu.memory_space<vmem_shared>> -> memref<128x32xf32, #tpu.memory_space<vmem_shared>>
      %dma_start3A_325 = arith.constant 0 : i32
      %dma_start3A_326 = tpu.memref_slice %arg17[%add3A_276, %dma_start3A_325] : memref<10240x32xf32, #tpu.memory_space<vmem_shared>> -> memref<128x32xf32, #tpu.memory_space<vmem_shared>>
      tpu.enqueue_dma source(%arg15 : memref<128x32xf32, #tpu.memory_space<vmem>>) target(%dma_start3A_326 : memref<128x32xf32, #tpu.memory_space<vmem_shared>>) target_semaphore(%run_scoped3A : memref<!tpu.dma_semaphore, #tpu.memory_space<semaphore_mem>>)
      %dma_wait3A = arith.constant 0 : i32
      %dma_wait3A_327 = tpu.memref_slice %arg17[%add3A_276, %dma_wait3A] : memref<10240x32xf32, #tpu.memory_space<vmem_shared>> -> memref<128x32xf32, #tpu.memory_space<vmem_shared>>
      %dma_wait3A_328 = arith.constant 0 : i32
      %dma_wait3A_329 = tpu.memref_slice %arg17[%add3A_276, %dma_wait3A_328] : memref<10240x32xf32, #tpu.memory_space<vmem_shared>> -> memref<128x32xf32, #tpu.memory_space<vmem_shared>>
      tpu.wait_dma2 semaphore(%run_scoped3A : memref<!tpu.dma_semaphore, #tpu.memory_space<semaphore_mem>>) src(%arg15 : memref<128x32xf32, #tpu.memory_space<vmem>>) dst(%dma_wait3A_329 : memref<128x32xf32, #tpu.memory_space<vmem_shared>>)
      tpu.yield
    }) : () -> ()
    %mul3A_277 = arith.constant 640 : i32
    %mul3A_278 = arith.muli %arg1, %mul3A_277 : i32
    %add3A_279 = arith.constant 512 : i32
    %add3A_280 = arith.addi %mul3A_278, %add3A_279 : i32
    "tpu.region"() ({
      %run_scoped3A = tpu.sem_alloc : memref<!tpu.dma_semaphore, #tpu.memory_space<semaphore_mem>>
      %dma_start3A_323 = arith.constant 0 : i32
      %dma_start3A_324 = tpu.memref_slice %arg17[%add3A_280, %dma_start3A_323] : memref<10240x32xf32, #tpu.memory_space<vmem_shared>> -> memref<128x32xf32, #tpu.memory_space<vmem_shared>>
      %dma_start3A_325 = arith.constant 0 : i32
      %dma_start3A_326 = tpu.memref_slice %arg17[%add3A_280, %dma_start3A_325] : memref<10240x32xf32, #tpu.memory_space<vmem_shared>> -> memref<128x32xf32, #tpu.memory_space<vmem_shared>>
      tpu.enqueue_dma source(%arg15 : memref<128x32xf32, #tpu.memory_space<vmem>>) target(%dma_start3A_326 : memref<128x32xf32, #tpu.memory_space<vmem_shared>>) target_semaphore(%run_scoped3A : memref<!tpu.dma_semaphore, #tpu.memory_space<semaphore_mem>>)
      %dma_wait3A = arith.constant 0 : i32
      %dma_wait3A_327 = tpu.memref_slice %arg17[%add3A_280, %dma_wait3A] : memref<10240x32xf32, #tpu.memory_space<vmem_shared>> -> memref<128x32xf32, #tpu.memory_space<vmem_shared>>
      %dma_wait3A_328 = arith.constant 0 : i32
      %dma_wait3A_329 = tpu.memref_slice %arg17[%add3A_280, %dma_wait3A_328] : memref<10240x32xf32, #tpu.memory_space<vmem_shared>> -> memref<128x32xf32, #tpu.memory_space<vmem_shared>>
      tpu.wait_dma2 semaphore(%run_scoped3A : memref<!tpu.dma_semaphore, #tpu.memory_space<semaphore_mem>>) src(%arg15 : memref<128x32xf32, #tpu.memory_space<vmem>>) dst(%dma_wait3A_329 : memref<128x32xf32, #tpu.memory_space<vmem_shared>>)
      tpu.yield
    }) : () -> ()
    %broadcast_in_dim3A_281 = arith.constant 1.000000e+00 : f32
    %broadcast_in_dim3A_282 = vector.broadcast %broadcast_in_dim3A_281 : f32 to vector<16xf32>
    %scan3A_283 = arith.constant 0 : i32
    %scan3A_284 = arith.constant 0 : i32
    %scan3A_285 = arith.constant 128 : i32
    %scan3A_286 = arith.addi %scan3A_284, %scan3A_285 : i32
    %scan3A_287 = arith.constant 1 : i32
    scf.for %scan3A_323 = %scan3A_284 to %scan3A_286 step %scan3A_287  : i32 {
      %swap3A = arith.index_cast %scan3A_323 : i32 to index
      %swap3A_324 = arith.constant 0 : index
      %swap3A_325 = tpu.vector_load %arg15[%swap3A, %swap3A_324] {strides = array<i32>} : memref<128x32xf32, #tpu.memory_space<vmem>>, vector<1x16xf32>,
      %swap3A_326 = vector.shape_cast %swap3A_325 : vector<1x16xf32> to vector<16xf32>
      %swap3A_327 = vector.shape_cast %broadcast_in_dim3A_282 : vector<16xf32> to vector<1x16xf32>
      tpu.vector_store %arg15[%swap3A, %swap3A_324], %swap3A_327 {strides = array<i32>} : memref<128x32xf32, #tpu.memory_space<vmem>>, vector<1x16xf32>,
      %swap3A_328 = arith.index_cast %scan3A_323 : i32 to index
      %swap3A_329 = arith.constant 16 : index
      %swap3A_330 = tpu.vector_load %arg15[%swap3A_328, %swap3A_329] {strides = array<i32>} : memref<128x32xf32, #tpu.memory_space<vmem>>, vector<1x16xf32>,
      %swap3A_331 = vector.shape_cast %swap3A_330 : vector<1x16xf32> to vector<16xf32>
      %swap3A_332 = vector.shape_cast %broadcast_in_dim3A_282 : vector<16xf32> to vector<1x16xf32>
      tpu.vector_store %arg15[%swap3A_328, %swap3A_329], %swap3A_332 {strides = array<i32>} : memref<128x32xf32, #tpu.memory_space<vmem>>, vector<1x16xf32>,
    }
    %scan3A_288 = arith.constant 128 : i32
    %barrier3A_289 = arith.constant 0 : index
    tpu.barrier barrier_id(%barrier3A_289)
    %scan3A_290 = arith.constant 0 : i32
    %scan3A_291 = arith.constant 0 : i32
    %scan3A_292 = arith.constant 80 : i32
    %scan3A_293 = arith.addi %scan3A_291, %scan3A_292 : i32
    %scan3A_294 = arith.constant 1 : i32
    scf.for %scan3A_323 = %scan3A_291 to %scan3A_293 step %scan3A_294  : i32 {
      %dma_start3A_324 = arith.constant 0 : i32
      %dma_start3A_325 = tpu.memref_slice %arg14[%scan3A_323, %dma_start3A_324] : memref<80x128xi32, #tpu.memory_space<vmem>> -> memref<1x128xi32, #tpu.memory_space<vmem>>
      %dma_start3A_326 = tpu.memref_squeeze %dma_start3A_325 : memref<1x128xi32, #tpu.memory_space<vmem>> -> memref<128xi32, #tpu.memory_space<vmem>>
      %dma_start3A_327 = arith.constant 0 : i32
      %dma_start3A_328 = arith.constant 0 : i32
      %dma_start3A_329 = tpu.memref_slice %arg17[%dma_start3A_327, %dma_start3A_328] : memref<10240x32xf32, #tpu.memory_space<vmem_shared>> -> memref<10240x32xf32, #tpu.memory_space<vmem_shared>>
      tpu.enqueue_indirect_dma source(%arg15 : memref<128x32xf32, #tpu.memory_space<vmem>>) target(%dma_start3A_329 : memref<10240x32xf32, #tpu.memory_space<vmem_shared>>) offsets(%dma_start3A_326 : memref<128xi32, #tpu.memory_space<vmem>>) semaphore(%arg19 : memref<!tpu.dma_semaphore, #tpu.memory_space<semaphore_mem>>) {add = true}
    }
    %scan3A_295 = arith.constant 80 : i32
    %scan3A_296 = arith.constant 0 : i32
    %scan3A_297 = arith.constant 0 : i32
    %scan3A_298 = arith.constant 80 : i32
    %scan3A_299 = arith.addi %scan3A_297, %scan3A_298 : i32
    %scan3A_300 = arith.constant 1 : i32
    scf.for %scan3A_323 = %scan3A_297 to %scan3A_299 step %scan3A_300  : i32 {
      %dma_wait3A = arith.constant 0 : i32
      %dma_wait3A_324 = arith.constant 0 : i32
      %dma_wait3A_325 = tpu.memref_slice %arg17[%dma_wait3A, %dma_wait3A_324] : memref<10240x32xf32, #tpu.memory_space<vmem_shared>> -> memref<128x32xf32, #tpu.memory_space<vmem_shared>>
      %dma_wait3A_326 = arith.constant 0 : i32
      %dma_wait3A_327 = arith.constant 0 : i32
      %dma_wait3A_328 = tpu.memref_slice %arg17[%dma_wait3A_326, %dma_wait3A_327] : memref<10240x32xf32, #tpu.memory_space<vmem_shared>> -> memref<128x32xf32, #tpu.memory_space<vmem_shared>>
      tpu.wait_dma2 semaphore(%arg19 : memref<!tpu.dma_semaphore, #tpu.memory_space<semaphore_mem>>) src(%arg15 : memref<128x32xf32, #tpu.memory_space<vmem>>) dst(%dma_wait3A_328 : memref<128x32xf32, #tpu.memory_space<vmem_shared>>)
    }
    %scan3A_301 = arith.constant 80 : i32
    %barrier3A_302 = arith.constant 0 : index
    tpu.barrier barrier_id(%barrier3A_302)
    %mul3A_303 = arith.constant 640 : i32
    %mul3A_304 = arith.muli %arg1, %mul3A_303 : i32
    %add3A_305 = arith.constant 0 : i32
    %add3A_306 = arith.addi %mul3A_304, %add3A_305 : i32
    "tpu.region"() ({
      %run_scoped3A = tpu.sem_alloc : memref<!tpu.dma_semaphore, #tpu.memory_space<semaphore_mem>>
      %dma_start3A_323 = arith.constant 0 : i32
      %dma_start3A_324 = tpu.memref_slice %arg17[%add3A_306, %dma_start3A_323] : memref<10240x32xf32, #tpu.memory_space<vmem_shared>> -> memref<128x32xf32, #tpu.memory_space<vmem_shared>>
      %dma_start3A_325 = arith.constant 0 : i32
      %dma_start3A_326 = tpu.memref_slice %arg17[%add3A_306, %dma_start3A_325] : memref<10240x32xf32, #tpu.memory_space<vmem_shared>> -> memref<128x32xf32, #tpu.memory_space<vmem_shared>>
      tpu.enqueue_dma source(%dma_start3A_326 : memref<128x32xf32, #tpu.memory_space<vmem_shared>>) target(%arg15 : memref<128x32xf32, #tpu.memory_space<vmem>>) target_semaphore(%run_scoped3A : memref<!tpu.dma_semaphore, #tpu.memory_space<semaphore_mem>>)
      %dma_wait3A = arith.constant 0 : i32
      %dma_wait3A_327 = tpu.memref_slice %arg17[%add3A_306, %dma_wait3A] : memref<10240x32xf32, #tpu.memory_space<vmem_shared>> -> memref<128x32xf32, #tpu.memory_space<vmem_shared>>
      %dma_wait3A_328 = arith.constant 0 : i32
      %dma_wait3A_329 = tpu.memref_slice %arg17[%add3A_306, %dma_wait3A_328] : memref<10240x32xf32, #tpu.memory_space<vmem_shared>> -> memref<128x32xf32, #tpu.memory_space<vmem_shared>>
      tpu.wait_dma2 semaphore(%run_scoped3A : memref<!tpu.dma_semaphore, #tpu.memory_space<semaphore_mem>>) src(%dma_wait3A_329 : memref<128x32xf32, #tpu.memory_space<vmem_shared>>) dst(%arg15 : memref<128x32xf32, #tpu.memory_space<vmem>>)
      tpu.yield
    }) : () -> ()
    "tpu.region"() ({
      %run_scoped3A = tpu.sem_alloc : memref<!tpu.dma_semaphore, #tpu.memory_space<semaphore_mem>>
      %dma_start3A_323 = arith.constant 0 : i32
      %dma_start3A_324 = tpu.memref_slice %arg12[%arg0, %add3A_306, %dma_start3A_323] : memref<2x10240x32xf32, #tpu.memory_space<hbm>> -> memref<1x128x32xf32, #tpu.memory_space<hbm>>
      %dma_start3A_325 = tpu.memref_squeeze %dma_start3A_324 : memref<1x128x32xf32, #tpu.memory_space<hbm>> -> memref<128x32xf32, #tpu.memory_space<hbm>>
      %dma_start3A_326 = arith.constant 0 : i32
      %dma_start3A_327 = tpu.memref_slice %arg12[%arg0, %add3A_306, %dma_start3A_326] : memref<2x10240x32xf32, #tpu.memory_space<hbm>> -> memref<1x128x32xf32, #tpu.memory_space<hbm>>
      %dma_start3A_328 = tpu.memref_squeeze %dma_start3A_327 : memref<1x128x32xf32, #tpu.memory_space<hbm>> -> memref<128x32xf32, #tpu.memory_space<hbm>>
      tpu.enqueue_dma source(%arg15 : memref<128x32xf32, #tpu.memory_space<vmem>>) target(%dma_start3A_328 : memref<128x32xf32, #tpu.memory_space<hbm>>) target_semaphore(%run_scoped3A : memref<!tpu.dma_semaphore, #tpu.memory_space<semaphore_mem>>)
      %dma_wait3A = arith.constant 0 : i32
      %dma_wait3A_329 = tpu.memref_slice %arg12[%arg0, %add3A_306, %dma_wait3A] : memref<2x10240x32xf32, #tpu.memory_space<hbm>> -> memref<1x128x32xf32, #tpu.memory_space<hbm>>
      %dma_wait3A_330 = tpu.memref_squeeze %dma_wait3A_329 : memref<1x128x32xf32, #tpu.memory_space<hbm>> -> memref<128x32xf32, #tpu.memory_space<hbm>>
      %dma_wait3A_331 = arith.constant 0 : i32
      %dma_wait3A_332 = tpu.memref_slice %arg12[%arg0, %add3A_306, %dma_wait3A_331] : memref<2x10240x32xf32, #tpu.memory_space<hbm>> -> memref<1x128x32xf32, #tpu.memory_space<hbm>>
      %dma_wait3A_333 = tpu.memref_squeeze %dma_wait3A_332 : memref<1x128x32xf32, #tpu.memory_space<hbm>> -> memref<128x32xf32, #tpu.memory_space<hbm>>
      tpu.wait_dma2 semaphore(%run_scoped3A : memref<!tpu.dma_semaphore, #tpu.memory_space<semaphore_mem>>) src(%arg15 : memref<128x32xf32, #tpu.memory_space<vmem>>) dst(%dma_wait3A_333 : memref<128x32xf32, #tpu.memory_space<hbm>>)
      tpu.yield
    }) : () -> ()
    %mul3A_307 = arith.constant 640 : i32
    %mul3A_308 = arith.muli %arg1, %mul3A_307 : i32
    %add3A_309 = arith.constant 128 : i32
    %add3A_310 = arith.addi %mul3A_308, %add3A_309 : i32
    "tpu.region"() ({
      %run_scoped3A = tpu.sem_alloc : memref<!tpu.dma_semaphore, #tpu.memory_space<semaphore_mem>>
      %dma_start3A_323 = arith.constant 0 : i32
      %dma_start3A_324 = tpu.memref_slice %arg17[%add3A_310, %dma_start3A_323] : memref<10240x32xf32, #tpu.memory_space<vmem_shared>> -> memref<128x32xf32, #tpu.memory_space<vmem_shared>>
      %dma_start3A_325 = arith.constant 0 : i32
      %dma_start3A_326 = tpu.memref_slice %arg17[%add3A_310, %dma_start3A_325] : memref<10240x32xf32, #tpu.memory_space<vmem_shared>> -> memref<128x32xf32, #tpu.memory_space<vmem_shared>>
      tpu.enqueue_dma source(%dma_start3A_326 : memref<128x32xf32, #tpu.memory_space<vmem_shared>>) target(%arg15 : memref<128x32xf32, #tpu.memory_space<vmem>>) target_semaphore(%run_scoped3A : memref<!tpu.dma_semaphore, #tpu.memory_space<semaphore_mem>>)
      %dma_wait3A = arith.constant 0 : i32
      %dma_wait3A_327 = tpu.memref_slice %arg17[%add3A_310, %dma_wait3A] : memref<10240x32xf32, #tpu.memory_space<vmem_shared>> -> memref<128x32xf32, #tpu.memory_space<vmem_shared>>
      %dma_wait3A_328 = arith.constant 0 : i32
      %dma_wait3A_329 = tpu.memref_slice %arg17[%add3A_310, %dma_wait3A_328] : memref<10240x32xf32, #tpu.memory_space<vmem_shared>> -> memref<128x32xf32, #tpu.memory_space<vmem_shared>>
      tpu.wait_dma2 semaphore(%run_scoped3A : memref<!tpu.dma_semaphore, #tpu.memory_space<semaphore_mem>>) src(%dma_wait3A_329 : memref<128x32xf32, #tpu.memory_space<vmem_shared>>) dst(%arg15 : memref<128x32xf32, #tpu.memory_space<vmem>>)
      tpu.yield
    }) : () -> ()
    "tpu.region"() ({
      %run_scoped3A = tpu.sem_alloc : memref<!tpu.dma_semaphore, #tpu.memory_space<semaphore_mem>>
      %dma_start3A_323 = arith.constant 0 : i32
      %dma_start3A_324 = tpu.memref_slice %arg12[%arg0, %add3A_310, %dma_start3A_323] : memref<2x10240x32xf32, #tpu.memory_space<hbm>> -> memref<1x128x32xf32, #tpu.memory_space<hbm>>
      %dma_start3A_325 = tpu.memref_squeeze %dma_start3A_324 : memref<1x128x32xf32, #tpu.memory_space<hbm>> -> memref<128x32xf32, #tpu.memory_space<hbm>>
      %dma_start3A_326 = arith.constant 0 : i32
      %dma_start3A_327 = tpu.memref_slice %arg12[%arg0, %add3A_310, %dma_start3A_326] : memref<2x10240x32xf32, #tpu.memory_space<hbm>> -> memref<1x128x32xf32, #tpu.memory_space<hbm>>
      %dma_start3A_328 = tpu.memref_squeeze %dma_start3A_327 : memref<1x128x32xf32, #tpu.memory_space<hbm>> -> memref<128x32xf32, #tpu.memory_space<hbm>>
      tpu.enqueue_dma source(%arg15 : memref<128x32xf32, #tpu.memory_space<vmem>>) target(%dma_start3A_328 : memref<128x32xf32, #tpu.memory_space<hbm>>) target_semaphore(%run_scoped3A : memref<!tpu.dma_semaphore, #tpu.memory_space<semaphore_mem>>)
      %dma_wait3A = arith.constant 0 : i32
      %dma_wait3A_329 = tpu.memref_slice %arg12[%arg0, %add3A_310, %dma_wait3A] : memref<2x10240x32xf32, #tpu.memory_space<hbm>> -> memref<1x128x32xf32, #tpu.memory_space<hbm>>
      %dma_wait3A_330 = tpu.memref_squeeze %dma_wait3A_329 : memref<1x128x32xf32, #tpu.memory_space<hbm>> -> memref<128x32xf32, #tpu.memory_space<hbm>>
      %dma_wait3A_331 = arith.constant 0 : i32
      %dma_wait3A_332 = tpu.memref_slice %arg12[%arg0, %add3A_310, %dma_wait3A_331] : memref<2x10240x32xf32, #tpu.memory_space<hbm>> -> memref<1x128x32xf32, #tpu.memory_space<hbm>>
      %dma_wait3A_333 = tpu.memref_squeeze %dma_wait3A_332 : memref<1x128x32xf32, #tpu.memory_space<hbm>> -> memref<128x32xf32, #tpu.memory_space<hbm>>
      tpu.wait_dma2 semaphore(%run_scoped3A : memref<!tpu.dma_semaphore, #tpu.memory_space<semaphore_mem>>) src(%arg15 : memref<128x32xf32, #tpu.memory_space<vmem>>) dst(%dma_wait3A_333 : memref<128x32xf32, #tpu.memory_space<hbm>>)
      tpu.yield
    }) : () -> ()
    %mul3A_311 = arith.constant 640 : i32
    %mul3A_312 = arith.muli %arg1, %mul3A_311 : i32
    %add3A_313 = arith.constant 256 : i32
    %add3A_314 = arith.addi %mul3A_312, %add3A_313 : i32
    "tpu.region"() ({
      %run_scoped3A = tpu.sem_alloc : memref<!tpu.dma_semaphore, #tpu.memory_space<semaphore_mem>>
      %dma_start3A_323 = arith.constant 0 : i32
      %dma_start3A_324 = tpu.memref_slice %arg17[%add3A_314, %dma_start3A_323] : memref<10240x32xf32, #tpu.memory_space<vmem_shared>> -> memref<128x32xf32, #tpu.memory_space<vmem_shared>>
      %dma_start3A_325 = arith.constant 0 : i32
      %dma_start3A_326 = tpu.memref_slice %arg17[%add3A_314, %dma_start3A_325] : memref<10240x32xf32, #tpu.memory_space<vmem_shared>> -> memref<128x32xf32, #tpu.memory_space<vmem_shared>>
      tpu.enqueue_dma source(%dma_start3A_326 : memref<128x32xf32, #tpu.memory_space<vmem_shared>>) target(%arg15 : memref<128x32xf32, #tpu.memory_space<vmem>>) target_semaphore(%run_scoped3A : memref<!tpu.dma_semaphore, #tpu.memory_space<semaphore_mem>>)
      %dma_wait3A = arith.constant 0 : i32
      %dma_wait3A_327 = tpu.memref_slice %arg17[%add3A_314, %dma_wait3A] : memref<10240x32xf32, #tpu.memory_space<vmem_shared>> -> memref<128x32xf32, #tpu.memory_space<vmem_shared>>
      %dma_wait3A_328 = arith.constant 0 : i32
      %dma_wait3A_329 = tpu.memref_slice %arg17[%add3A_314, %dma_wait3A_328] : memref<10240x32xf32, #tpu.memory_space<vmem_shared>> -> memref<128x32xf32, #tpu.memory_space<vmem_shared>>
      tpu.wait_dma2 semaphore(%run_scoped3A : memref<!tpu.dma_semaphore, #tpu.memory_space<semaphore_mem>>) src(%dma_wait3A_329 : memref<128x32xf32, #tpu.memory_space<vmem_shared>>) dst(%arg15 : memref<128x32xf32, #tpu.memory_space<vmem>>)
      tpu.yield
    }) : () -> ()
    "tpu.region"() ({
      %run_scoped3A = tpu.sem_alloc : memref<!tpu.dma_semaphore, #tpu.memory_space<semaphore_mem>>
      %dma_start3A_323 = arith.constant 0 : i32
      %dma_start3A_324 = tpu.memref_slice %arg12[%arg0, %add3A_314, %dma_start3A_323] : memref<2x10240x32xf32, #tpu.memory_space<hbm>> -> memref<1x128x32xf32, #tpu.memory_space<hbm>>
      %dma_start3A_325 = tpu.memref_squeeze %dma_start3A_324 : memref<1x128x32xf32, #tpu.memory_space<hbm>> -> memref<128x32xf32, #tpu.memory_space<hbm>>
      %dma_start3A_326 = arith.constant 0 : i32
      %dma_start3A_327 = tpu.memref_slice %arg12[%arg0, %add3A_314, %dma_start3A_326] : memref<2x10240x32xf32, #tpu.memory_space<hbm>> -> memref<1x128x32xf32, #tpu.memory_space<hbm>>
      %dma_start3A_328 = tpu.memref_squeeze %dma_start3A_327 : memref<1x128x32xf32, #tpu.memory_space<hbm>> -> memref<128x32xf32, #tpu.memory_space<hbm>>
      tpu.enqueue_dma source(%arg15 : memref<128x32xf32, #tpu.memory_space<vmem>>) target(%dma_start3A_328 : memref<128x32xf32, #tpu.memory_space<hbm>>) target_semaphore(%run_scoped3A : memref<!tpu.dma_semaphore, #tpu.memory_space<semaphore_mem>>)
      %dma_wait3A = arith.constant 0 : i32
      %dma_wait3A_329 = tpu.memref_slice %arg12[%arg0, %add3A_314, %dma_wait3A] : memref<2x10240x32xf32, #tpu.memory_space<hbm>> -> memref<1x128x32xf32, #tpu.memory_space<hbm>>
      %dma_wait3A_330 = tpu.memref_squeeze %dma_wait3A_329 : memref<1x128x32xf32, #tpu.memory_space<hbm>> -> memref<128x32xf32, #tpu.memory_space<hbm>>
      %dma_wait3A_331 = arith.constant 0 : i32
      %dma_wait3A_332 = tpu.memref_slice %arg12[%arg0, %add3A_314, %dma_wait3A_331] : memref<2x10240x32xf32, #tpu.memory_space<hbm>> -> memref<1x128x32xf32, #tpu.memory_space<hbm>>
      %dma_wait3A_333 = tpu.memref_squeeze %dma_wait3A_332 : memref<1x128x32xf32, #tpu.memory_space<hbm>> -> memref<128x32xf32, #tpu.memory_space<hbm>>
      tpu.wait_dma2 semaphore(%run_scoped3A : memref<!tpu.dma_semaphore, #tpu.memory_space<semaphore_mem>>) src(%arg15 : memref<128x32xf32, #tpu.memory_space<vmem>>) dst(%dma_wait3A_333 : memref<128x32xf32, #tpu.memory_space<hbm>>)
      tpu.yield
    }) : () -> ()
    %mul3A_315 = arith.constant 640 : i32
    %mul3A_316 = arith.muli %arg1, %mul3A_315 : i32
    %add3A_317 = arith.constant 384 : i32
    %add3A_318 = arith.addi %mul3A_316, %add3A_317 : i32
    "tpu.region"() ({
      %run_scoped3A = tpu.sem_alloc : memref<!tpu.dma_semaphore, #tpu.memory_space<semaphore_mem>>
      %dma_start3A_323 = arith.constant 0 : i32
      %dma_start3A_324 = tpu.memref_slice %arg17[%add3A_318, %dma_start3A_323] : memref<10240x32xf32, #tpu.memory_space<vmem_shared>> -> memref<128x32xf32, #tpu.memory_space<vmem_shared>>
      %dma_start3A_325 = arith.constant 0 : i32
      %dma_start3A_326 = tpu.memref_slice %arg17[%add3A_318, %dma_start3A_325] : memref<10240x32xf32, #tpu.memory_space<vmem_shared>> -> memref<128x32xf32, #tpu.memory_space<vmem_shared>>
      tpu.enqueue_dma source(%dma_start3A_326 : memref<128x32xf32, #tpu.memory_space<vmem_shared>>) target(%arg15 : memref<128x32xf32, #tpu.memory_space<vmem>>) target_semaphore(%run_scoped3A : memref<!tpu.dma_semaphore, #tpu.memory_space<semaphore_mem>>)
      %dma_wait3A = arith.constant 0 : i32
      %dma_wait3A_327 = tpu.memref_slice %arg17[%add3A_318, %dma_wait3A] : memref<10240x32xf32, #tpu.memory_space<vmem_shared>> -> memref<128x32xf32, #tpu.memory_space<vmem_shared>>
      %dma_wait3A_328 = arith.constant 0 : i32
      %dma_wait3A_329 = tpu.memref_slice %arg17[%add3A_318, %dma_wait3A_328] : memref<10240x32xf32, #tpu.memory_space<vmem_shared>> -> memref<128x32xf32, #tpu.memory_space<vmem_shared>>
      tpu.wait_dma2 semaphore(%run_scoped3A : memref<!tpu.dma_semaphore, #tpu.memory_space<semaphore_mem>>) src(%dma_wait3A_329 : memref<128x32xf32, #tpu.memory_space<vmem_shared>>) dst(%arg15 : memref<128x32xf32, #tpu.memory_space<vmem>>)
      tpu.yield
    }) : () -> ()
    "tpu.region"() ({
      %run_scoped3A = tpu.sem_alloc : memref<!tpu.dma_semaphore, #tpu.memory_space<semaphore_mem>>
      %dma_start3A_323 = arith.constant 0 : i32
      %dma_start3A_324 = tpu.memref_slice %arg12[%arg0, %add3A_318, %dma_start3A_323] : memref<2x10240x32xf32, #tpu.memory_space<hbm>> -> memref<1x128x32xf32, #tpu.memory_space<hbm>>
      %dma_start3A_325 = tpu.memref_squeeze %dma_start3A_324 : memref<1x128x32xf32, #tpu.memory_space<hbm>> -> memref<128x32xf32, #tpu.memory_space<hbm>>
      %dma_start3A_326 = arith.constant 0 : i32
      %dma_start3A_327 = tpu.memref_slice %arg12[%arg0, %add3A_318, %dma_start3A_326] : memref<2x10240x32xf32, #tpu.memory_space<hbm>> -> memref<1x128x32xf32, #tpu.memory_space<hbm>>
      %dma_start3A_328 = tpu.memref_squeeze %dma_start3A_327 : memref<1x128x32xf32, #tpu.memory_space<hbm>> -> memref<128x32xf32, #tpu.memory_space<hbm>>
      tpu.enqueue_dma source(%arg15 : memref<128x32xf32, #tpu.memory_space<vmem>>) target(%dma_start3A_328 : memref<128x32xf32, #tpu.memory_space<hbm>>) target_semaphore(%run_scoped3A : memref<!tpu.dma_semaphore, #tpu.memory_space<semaphore_mem>>)
      %dma_wait3A = arith.constant 0 : i32
      %dma_wait3A_329 = tpu.memref_slice %arg12[%arg0, %add3A_318, %dma_wait3A] : memref<2x10240x32xf32, #tpu.memory_space<hbm>> -> memref<1x128x32xf32, #tpu.memory_space<hbm>>
      %dma_wait3A_330 = tpu.memref_squeeze %dma_wait3A_329 : memref<1x128x32xf32, #tpu.memory_space<hbm>> -> memref<128x32xf32, #tpu.memory_space<hbm>>
      %dma_wait3A_331 = arith.constant 0 : i32
      %dma_wait3A_332 = tpu.memref_slice %arg12[%arg0, %add3A_318, %dma_wait3A_331] : memref<2x10240x32xf32, #tpu.memory_space<hbm>> -> memref<1x128x32xf32, #tpu.memory_space<hbm>>
      %dma_wait3A_333 = tpu.memref_squeeze %dma_wait3A_332 : memref<1x128x32xf32, #tpu.memory_space<hbm>> -> memref<128x32xf32, #tpu.memory_space<hbm>>
      tpu.wait_dma2 semaphore(%run_scoped3A : memref<!tpu.dma_semaphore, #tpu.memory_space<semaphore_mem>>) src(%arg15 : memref<128x32xf32, #tpu.memory_space<vmem>>) dst(%dma_wait3A_333 : memref<128x32xf32, #tpu.memory_space<hbm>>)
      tpu.yield
    }) : () -> ()
    %mul3A_319 = arith.constant 640 : i32
    %mul3A_320 = arith.muli %arg1, %mul3A_319 : i32
    %add3A_321 = arith.constant 512 : i32
    %add3A_322 = arith.addi %mul3A_320, %add3A_321 : i32
    "tpu.region"() ({
      %run_scoped3A = tpu.sem_alloc : memref<!tpu.dma_semaphore, #tpu.memory_space<semaphore_mem>>
      %dma_start3A_323 = arith.constant 0 : i32
      %dma_start3A_324 = tpu.memref_slice %arg17[%add3A_322, %dma_start3A_323] : memref<10240x32xf32, #tpu.memory_space<vmem_shared>> -> memref<128x32xf32, #tpu.memory_space<vmem_shared>>
      %dma_start3A_325 = arith.constant 0 : i32
      %dma_start3A_326 = tpu.memref_slice %arg17[%add3A_322, %dma_start3A_325] : memref<10240x32xf32, #tpu.memory_space<vmem_shared>> -> memref<128x32xf32, #tpu.memory_space<vmem_shared>>
      tpu.enqueue_dma source(%dma_start3A_326 : memref<128x32xf32, #tpu.memory_space<vmem_shared>>) target(%arg15 : memref<128x32xf32, #tpu.memory_space<vmem>>) target_semaphore(%run_scoped3A : memref<!tpu.dma_semaphore, #tpu.memory_space<semaphore_mem>>)
      %dma_wait3A = arith.constant 0 : i32
      %dma_wait3A_327 = tpu.memref_slice %arg17[%add3A_322, %dma_wait3A] : memref<10240x32xf32, #tpu.memory_space<vmem_shared>> -> memref<128x32xf32, #tpu.memory_space<vmem_shared>>
      %dma_wait3A_328 = arith.constant 0 : i32
      %dma_wait3A_329 = tpu.memref_slice %arg17[%add3A_322, %dma_wait3A_328] : memref<10240x32xf32, #tpu.memory_space<vmem_shared>> -> memref<128x32xf32, #tpu.memory_space<vmem_shared>>
      tpu.wait_dma2 semaphore(%run_scoped3A : memref<!tpu.dma_semaphore, #tpu.memory_space<semaphore_mem>>) src(%dma_wait3A_329 : memref<128x32xf32, #tpu.memory_space<vmem_shared>>) dst(%arg15 : memref<128x32xf32, #tpu.memory_space<vmem>>)
      tpu.yield
    }) : () -> ()
    "tpu.region"() ({
      %run_scoped3A = tpu.sem_alloc : memref<!tpu.dma_semaphore, #tpu.memory_space<semaphore_mem>>
      %dma_start3A_323 = arith.constant 0 : i32
      %dma_start3A_324 = tpu.memref_slice %arg12[%arg0, %add3A_322, %dma_start3A_323] : memref<2x10240x32xf32, #tpu.memory_space<hbm>> -> memref<1x128x32xf32, #tpu.memory_space<hbm>>
      %dma_start3A_325 = tpu.memref_squeeze %dma_start3A_324 : memref<1x128x32xf32, #tpu.memory_space<hbm>> -> memref<128x32xf32, #tpu.memory_space<hbm>>
      %dma_start3A_326 = arith.constant 0 : i32
      %dma_start3A_327 = tpu.memref_slice %arg12[%arg0, %add3A_322, %dma_start3A_326] : memref<2x10240x32xf32, #tpu.memory_space<hbm>> -> memref<1x128x32xf32, #tpu.memory_space<hbm>>
      %dma_start3A_328 = tpu.memref_squeeze %dma_start3A_327 : memref<1x128x32xf32, #tpu.memory_space<hbm>> -> memref<128x32xf32, #tpu.memory_space<hbm>>
      tpu.enqueue_dma source(%arg15 : memref<128x32xf32, #tpu.memory_space<vmem>>) target(%dma_start3A_328 : memref<128x32xf32, #tpu.memory_space<hbm>>) target_semaphore(%run_scoped3A : memref<!tpu.dma_semaphore, #tpu.memory_space<semaphore_mem>>)
      %dma_wait3A = arith.constant 0 : i32
      %dma_wait3A_329 = tpu.memref_slice %arg12[%arg0, %add3A_322, %dma_wait3A] : memref<2x10240x32xf32, #tpu.memory_space<hbm>> -> memref<1x128x32xf32, #tpu.memory_space<hbm>>
      %dma_wait3A_330 = tpu.memref_squeeze %dma_wait3A_329 : memref<1x128x32xf32, #tpu.memory_space<hbm>> -> memref<128x32xf32, #tpu.memory_space<hbm>>
      %dma_wait3A_331 = arith.constant 0 : i32
      %dma_wait3A_332 = tpu.memref_slice %arg12[%arg0, %add3A_322, %dma_wait3A_331] : memref<2x10240x32xf32, #tpu.memory_space<hbm>> -> memref<1x128x32xf32, #tpu.memory_space<hbm>>
      %dma_wait3A_333 = tpu.memref_squeeze %dma_wait3A_332 : memref<1x128x32xf32, #tpu.memory_space<hbm>> -> memref<128x32xf32, #tpu.memory_space<hbm>>
      tpu.wait_dma2 semaphore(%run_scoped3A : memref<!tpu.dma_semaphore, #tpu.memory_space<semaphore_mem>>) src(%arg15 : memref<128x32xf32, #tpu.memory_space<vmem>>) dst(%dma_wait3A_333 : memref<128x32xf32, #tpu.memory_space<hbm>>)
      tpu.yield
    }) : () -> ()
    return
  }
}

module attributes {stable_mosaic.version = 14 : i64} {
  func.func @_dense_body(%arg0: memref<10000x128xf32, #tpu.memory_space<vmem>>, %arg1: memref<2x10240x128xf32, #tpu.memory_space<vmem>>, %arg2: memref<10240x1xf32, #tpu.memory_space<vmem>>, %arg3: memref<128x128xf32, #tpu.memory_space<vmem>>, %arg4: memref<128x128xf32, #tpu.memory_space<vmem>>, %arg5: memref<1x128xf32, #tpu.memory_space<vmem>>, %arg6: memref<1x128xf32, #tpu.memory_space<vmem>>, %arg7: memref<1x128xf32, #tpu.memory_space<vmem>>, %arg8: memref<1x1xf32, #tpu.memory_space<vmem>>, %arg9: memref<10000x128xf32, #tpu.memory_space<vmem>>) attributes {dimension_semantics = [], scalar_prefetch = 0 : i64, scratch_operands = 0 : i64, tpu.core_type = #tpu.core_type<tc>} {
    %get3A = arith.constant 0 : index
    %get3A_0 = arith.constant 0 : index
    %get3A_1 = vector.load %arg0[%get3A, %get3A_0] : memref<10000x128xf32, #tpu.memory_space<vmem>>, vector<10000x128xf32>
    %get3A_2 = arith.constant 0 : index
    %get3A_3 = arith.constant 0 : index
    %get3A_4 = vector.load %arg2[%get3A_2, %get3A_3] : memref<10240x1xf32, #tpu.memory_space<vmem>>, vector<10000x1xf32>
    %max3A = arith.constant 1.000000e+00 : f32
    %max3A_5 = vector.broadcast %max3A : f32 to vector<10000x1xf32>
    %max3A_6 = arith.maximumf %get3A_4, %max3A_5 : vector<10000x1xf32>
    %div3A = arith.constant 1.000000e+00 : f32
    %div3A_7 = vector.broadcast %div3A : f32 to vector<10000x1xf32>
    %div3A_8 = arith.divf %div3A_7, %max3A_6 : vector<10000x1xf32>
    %get3A_9 = arith.constant 0 : index
    %get3A_10 = arith.constant 0 : index
    %get3A_11 = arith.constant 0 : index
    %get3A_12 = vector.load %arg1[%get3A_9, %get3A_10, %get3A_11] : memref<2x10240x128xf32, #tpu.memory_space<vmem>>, vector<1x10000x128xf32>
    %get3A_13 = vector.shape_cast %get3A_12 : vector<1x10000x128xf32> to vector<10000x128xf32>
    %get3A_14 = arith.constant 1 : index
    %get3A_15 = arith.constant 0 : index
    %get3A_16 = arith.constant 0 : index
    %get3A_17 = vector.load %arg1[%get3A_14, %get3A_15, %get3A_16] : memref<2x10240x128xf32, #tpu.memory_space<vmem>>, vector<1x10000x128xf32>
    %get3A_18 = vector.shape_cast %get3A_17 : vector<1x10000x128xf32> to vector<10000x128xf32>
    %add3A = arith.addf %get3A_13, %get3A_18 : vector<10000x128xf32>
    %get3A_19 = arith.constant 0 : index
    %get3A_20 = arith.constant 0 : index
    %get3A_21 = vector.load %arg3[%get3A_19, %get3A_20] : memref<128x128xf32, #tpu.memory_space<vmem>>, vector<128x128xf32>
    %dot_general3A = arith.constant dense<0.000000e+00> : vector<10000x128xf32>
    %dot_general3A_22 = tpu.matmul %get3A_1, %get3A_21, %dot_general3A {dimension_numbers = #tpu.dot_dimension_numbers<[1], [0], [0], [1], [0, 0, 1, 1], [], []>, transpose_lhs_hint = false} : vector<10000x128xf32>, vector<128x128xf32>, vector<10000x128xf32> -> vector<10000x128xf32>
    %mul3A = vector.broadcast %div3A_8 : vector<10000x1xf32> to vector<10000x128xf32>
    %mul3A_23 = arith.mulf %add3A, %mul3A : vector<10000x128xf32>
    %get3A_24 = arith.constant 0 : index
    %get3A_25 = arith.constant 0 : index
    %get3A_26 = vector.load %arg4[%get3A_24, %get3A_25] : memref<128x128xf32, #tpu.memory_space<vmem>>, vector<128x128xf32>
    %dot_general3A_27 = arith.constant dense<0.000000e+00> : vector<10000x128xf32>
    %dot_general3A_28 = tpu.matmul %mul3A_23, %get3A_26, %dot_general3A_27 {dimension_numbers = #tpu.dot_dimension_numbers<[1], [0], [0], [1], [0, 0, 1, 1], [], []>, transpose_lhs_hint = false} : vector<10000x128xf32>, vector<128x128xf32>, vector<10000x128xf32> -> vector<10000x128xf32>
    %add3A_29 = arith.addf %dot_general3A_22, %dot_general3A_28 : vector<10000x128xf32>
    %get3A_30 = arith.constant 0 : index
    %get3A_31 = arith.constant 0 : index
    %get3A_32 = vector.load %arg5[%get3A_30, %get3A_31] : memref<1x128xf32, #tpu.memory_space<vmem>>, vector<1x128xf32>
    %add3A_33 = vector.broadcast %get3A_32 : vector<1x128xf32> to vector<10000x128xf32>
    %add3A_34 = arith.addf %add3A_29, %add3A_33 : vector<10000x128xf32>
    %reduce_sum3A = arith.constant dense<0.000000e+00> : vector<128xf32>
    %reduce_sum3A_35 = vector.multi_reduction <add>, %add3A_34, %reduce_sum3A [0] : vector<10000x128xf32> to vector<128xf32>
    %broadcast_in_dim3A = vector.shape_cast %reduce_sum3A_35 : vector<128xf32> to vector<1x128xf32>
    %div3A_36 = arith.constant 1.000000e+04 : f32
    %div3A_37 = vector.broadcast %div3A_36 : f32 to vector<1x128xf32>
    %div3A_38 = arith.divf %broadcast_in_dim3A, %div3A_37 : vector<1x128xf32>
    %sub3A = vector.broadcast %div3A_38 : vector<1x128xf32> to vector<10000x128xf32>
    %sub3A_39 = arith.subf %add3A_34, %sub3A : vector<10000x128xf32>
    %sub3A_40 = vector.broadcast %div3A_38 : vector<1x128xf32> to vector<10000x128xf32>
    %sub3A_41 = arith.subf %add3A_34, %sub3A_40 : vector<10000x128xf32>
    %mul3A_42 = arith.mulf %sub3A_39, %sub3A_41 : vector<10000x128xf32>
    %reduce_sum3A_43 = arith.constant dense<0.000000e+00> : vector<128xf32>
    %reduce_sum3A_44 = vector.multi_reduction <add>, %mul3A_42, %reduce_sum3A_43 [0] : vector<10000x128xf32> to vector<128xf32>
    %broadcast_in_dim3A_45 = vector.shape_cast %reduce_sum3A_44 : vector<128xf32> to vector<1x128xf32>
    %div3A_46 = arith.constant 1.000000e+04 : f32
    %div3A_47 = vector.broadcast %div3A_46 : f32 to vector<1x128xf32>
    %div3A_48 = arith.divf %broadcast_in_dim3A_45, %div3A_47 : vector<1x128xf32>
    %sub3A_49 = vector.broadcast %div3A_38 : vector<1x128xf32> to vector<10000x128xf32>
    %sub3A_50 = arith.subf %add3A_34, %sub3A_49 : vector<10000x128xf32>
    %add3A_51 = arith.constant 9.99999974E-6 : f32
    %add3A_52 = vector.broadcast %add3A_51 : f32 to vector<1x128xf32>
    %add3A_53 = arith.addf %div3A_48, %add3A_52 : vector<1x128xf32>
    %rsqrt3A = math.rsqrt %add3A_53 : vector<1x128xf32>
    %mul3A_54 = vector.broadcast %rsqrt3A : vector<1x128xf32> to vector<10000x128xf32>
    %mul3A_55 = arith.mulf %sub3A_50, %mul3A_54 : vector<10000x128xf32>
    %get3A_56 = arith.constant 0 : index
    %get3A_57 = arith.constant 0 : index
    %get3A_58 = vector.load %arg6[%get3A_56, %get3A_57] : memref<1x128xf32, #tpu.memory_space<vmem>>, vector<1x128xf32>
    %mul3A_59 = vector.broadcast %get3A_58 : vector<1x128xf32> to vector<10000x128xf32>
    %mul3A_60 = arith.mulf %mul3A_55, %mul3A_59 : vector<10000x128xf32>
    %get3A_61 = arith.constant 0 : index
    %get3A_62 = arith.constant 0 : index
    %get3A_63 = vector.load %arg7[%get3A_61, %get3A_62] : memref<1x128xf32, #tpu.memory_space<vmem>>, vector<1x128xf32>
    %add3A_64 = vector.broadcast %get3A_63 : vector<1x128xf32> to vector<10000x128xf32>
    %add3A_65 = arith.addf %mul3A_60, %add3A_64 : vector<10000x128xf32>
    %get3A_66 = arith.constant 0 : index
    %get3A_67 = arith.constant 0 : index
    %get3A_68 = vector.load %arg8[%get3A_66, %get3A_67] : memref<1x1xf32, #tpu.memory_space<vmem>>, vector<1x1xf32>
    %gt3A = arith.constant 0.000000e+00 : f32
    %gt3A_69 = vector.broadcast %gt3A : f32 to vector<1x1xf32>
    %gt3A_70 = arith.cmpf ogt, %get3A_68, %gt3A_69 : vector<1x1xf32>
    %ge3A = arith.constant 0.000000e+00 : f32
    %ge3A_71 = vector.broadcast %ge3A : f32 to vector<10000x128xf32>
    %ge3A_72 = arith.cmpf oge, %add3A_65, %ge3A_71 : vector<10000x128xf32>
    %mul3A_73 = arith.constant 0.00999999977 : f32
    %mul3A_74 = vector.broadcast %mul3A_73 : f32 to vector<10000x128xf32>
    %mul3A_75 = arith.mulf %mul3A_74, %add3A_65 : vector<10000x128xf32>
    %select_n3A = arith.select %ge3A_72, %add3A_65, %mul3A_75 : vector<10000x128xi1>, vector<10000x128xf32>
    %broadcast_in_dim3A_76 = vector.shape_cast %gt3A_70 : vector<1x1xi1> to vector<1x1xi1>
    %broadcast_in_dim3A_77 = vector.broadcast %broadcast_in_dim3A_76 : vector<1x1xi1> to vector<10000x128xi1>
    %select_n3A_78 = arith.select %broadcast_in_dim3A_77, %select_n3A, %add3A_65 : vector<10000x128xi1>, vector<10000x128xf32>
    %swap3A = arith.constant 0 : index
    %swap3A_79 = arith.constant 0 : index
    %swap3A_80 = vector.load %arg9[%swap3A, %swap3A_79] : memref<10000x128xf32, #tpu.memory_space<vmem>>, vector<10000x128xf32>
    tpu.vector_store %arg9[%swap3A, %swap3A_79], %select_n3A_78 {strides = array<i32>} : memref<10000x128xf32, #tpu.memory_space<vmem>>, vector<10000x128xf32>,
    return
  }
}

module attributes {stable_mosaic.version = 14 : i64} {
  func.func @_final_reduce_body(%arg0: memref<12800x128xf32, #tpu.memory_space<vmem>>, %arg1: memref<128x8xf32, #tpu.memory_space<vmem>>, %arg2: memref<12800x8xf32, #tpu.memory_space<vmem>>) attributes {dimension_semantics = [], scalar_prefetch = 0 : i64, scratch_operands = 0 : i64, tpu.core_type = #tpu.core_type<tc>} {
    %get3A = arith.constant 0 : index
    %get3A_0 = arith.constant 0 : index
    %get3A_1 = vector.load %arg0[%get3A, %get3A_0] : memref<12800x128xf32, #tpu.memory_space<vmem>>, vector<12800x128xf32>
    %get3A_2 = arith.constant 0 : index
    %get3A_3 = arith.constant 0 : index
    %get3A_4 = vector.load %arg1[%get3A_2, %get3A_3] : memref<128x8xf32, #tpu.memory_space<vmem>>, vector<128x8xf32>
    %dot_general3A = arith.constant dense<0.000000e+00> : vector<12800x8xf32>
    %dot_general3A_5 = tpu.matmul %get3A_1, %get3A_4, %dot_general3A {dimension_numbers = #tpu.dot_dimension_numbers<[1], [0], [0], [1], [0, 0, 1, 1], [], []>, transpose_lhs_hint = false} : vector<12800x128xf32>, vector<128x8xf32>, vector<12800x8xf32> -> vector<12800x8xf32>
    %swap3A = arith.constant 0 : index
    %swap3A_6 = arith.constant 0 : index
    %swap3A_7 = vector.load %arg2[%swap3A, %swap3A_6] : memref<12800x8xf32, #tpu.memory_space<vmem>>, vector<12800x8xf32>
    tpu.vector_store %arg2[%swap3A, %swap3A_6], %dot_general3A_5 {strides = array<i32>} : memref<12800x8xf32, #tpu.memory_space<vmem>>, vector<12800x8xf32>,
    return
  }
}

</mosaic_0001>

<sc_bundles>
// kernel: closed_call.19.cloned.1.call-start
scs
__scs_entry_jumppad:
0x0: {  	(pc) =	sbr.rel $0x88, $3  }
0x1: {  	(tag) =	ssettag $0x0;
	lr =	simm.s32 $0x1  }
0x2: {  	[smem:$0x3F94] =	sst lr;
	_ =	strace $0xD0000000  }
0x3: {  	_ = 	snop  }
0x4: {  	_ = 	snop  }
0x5: {  	_ = 	snop  }
0x6: {  	_ = 	snop  }
0x7: {  	_ = 	snop  }
__scs_overlays_trampoline_lowered:
0x8: {  	[smem:$0x3FA3] =	sst s0  }
0x9: {  	[smem:$0x3FA4] =	sst s1  }
0xa: {  	[smem:$0x3FA5] =	sst s2  }
0xb: {  	[smem:$0x3FA6] =	sst s3  }
0xc: {  	[smem:$0x3FA7] =	sst s4  }
0xd: {  	[smem:$0x3FA8] =	sst s5  }
0xe: {  	[smem:$0x3FA9] =	sst s6  }
0xf: {  	[smem:$0x3FAA] =	sst s7  }
0x10: {  	[smem:$0x3FAB] =	sst s8  }
0x11: {  	[smem:$0x3FAC] =	sst s9;
	s0 =	simm.s32 @!p0 $0x0  }
0x12: {  	s1 =	sld [smem:$0x3F92];
	s0 =	simm.s32 @p0 $0x1  }
0x13: {  	[smem:$0x3FAD] =	sst s0;
	s0 =	simm.s32 @!p1 $0x0  }
0x14: {  	s2 =	sld [smem:$0x3F91];
	s0 =	simm.s32 @p1 $0x1  }
0x15: {  	[smem:$0x3FAE] =	sst s0;
	s0 =	simm.s32 @!p2 $0x0  }
0x16: {  	s3 =	sld [smem:$0x3FDB];
	s0 =	simm.s32 @p2 $0x1  }
0x17: {  	s4 =	simm.s32 $0x1BF5;
	[smem:$0x3FB0] =	sst s0  }
0x18: {  	s0 =	sld [smem:$0x3F93];
	_ =	swait.ge [sflag:s4], $0x0  }
0x19: {  	s7 =	sld [smem:$0x3F94]  }
0x1a: {  	s8 =	sadd.s32 $0xFFFFE003, lr  }
0x1b: {  	s9 =	sadd.s32 $0xFFFFFEF7, lr;
	s5 =	simm.s32 $0xFFFFFFFF;
	p2 =	slt.u32 s8, $0xFFFFF086  }
0x1c: {  	p1 =	slt.u32 s9, $0xF7A;
	s5 =	simm.s32 @!p2 $0x0  }
0x1d: {  	s5 =	simm.s32 @p1 $0x1;
	p0 =	seq.s32 s7, s2  }
0x1e: {  	s7 =	smul.u32 @!p0 $0xF7A, s2;
	p2 =	seq.s32 @!p0 s5, $0x0  }
0x1f: {  	s9 =	smul.u32 $0xF7A, s1;
	s8 =	simm.s32 @!p0 $0x1BF5;
	p2 =	por !p2, p0  }
0x20: {  	[sflag:s8] =	ssyncset.s32 @!p0 $0xFFFFF086;
	s6 =	sadd.s32 @!p0 s3, s7;
	s7 =	simm.s32 @!p0 $0x108  }
0x21: {  	s3 =	sadd.s32 s3, s9;
	s6 =	sadd.s32 @!p0 $0x88, s6;
	s7 =	simm.s32 @p2 $0x1082  }
0x22: {  	[simem:s7], [sflag:s8] =	dma.local @!p0 [hbm:s6], $0xF7A  }
0x23: {  	s9 =	sor.u32 $0xD0000000, s2;
	s6 =	simm.s32 $0x108;
	_ =	swait.ge @!p0 [sflag:s8], $0x0  }
0x24: {  	s3 =	sadd.s32 $0x88, s3;
	s6 =	simm.s32 @!p1 $0x1082;
	[sflag:s4] =	ssyncset.s32 $0xFFFFF086  }
0x25: {  	[simem:s6], [sflag:s4] =	dma.local [hbm:s3], $0xF7A  }
0x26: {  	[smem:$0x3F94] =	sst s1;
	(tag) =	ssettag s2;
	_ =	strace s9  }
0x27: {  	s1 =	sld [smem:$0x3FA4]  }
0x28: {  	s2 =	sld [smem:$0x3FA5]  }
0x29: {  	s4 =	sld [smem:$0x3FA7]  }
0x2a: {  	p0 =	seq.s32 s5, $0x0;
	s5 =	sld [smem:$0x3FA8]  }
0x2b: {  	s6 =	sld [smem:$0x3FA9]  }
0x2c: {  	s7 =	sld [smem:$0x3FAA]  }
0x2d: {  	s3 =	simm.s32 $0x108;
	s8 =	sld [smem:$0x3FAB]  }
0x2e: {  	s3 =	simm.s32 @!p0 $0x1082;
	s9 =	sld [smem:$0x3FAC]  }
0x2f: {  	lr =	sadd.s32 s0, s3;
	s0 =	sld [smem:$0x3FA3]  }
0x30: {  	s3 =	sld [smem:$0x3FA6]  }
0x31: {  	[smem:$0x3FAF] =	sst s10  }
0x32: {  	s10 =	sld [smem:$0x3FAD];
	_ =	sdelay $0x3  }
0x33: {  	p0 =	seq.s32 s10, $0x1;
	s10 =	sld [smem:$0x3FAF];
	_ =	sdelay $0x3  }
0x34: {  	[smem:$0x3FAF] =	sst s10  }
0x35: {  	s10 =	sld [smem:$0x3FAE];
	_ =	sdelay $0x3  }
0x36: {  	p1 =	seq.s32 s10, $0x1;
	s10 =	sld [smem:$0x3FAF];
	_ =	sdelay $0x3  }
0x37: {  	[smem:$0x3FAF] =	sst s10  }
0x38: {  	s10 =	sld [smem:$0x3FB0]  }
0x39: {  	_ = 	snop;
	(pc) =	sbr.ind lr, $3  }
0x3a: {  	_ = 	snop  }
0x3b: {  	_ = 	snop  }
0x3c: {  	p2 =	seq.s32 s10, $0x1;
	s10 =	sld [smem:$0x3FAF]  }
0x3d: {  	_ =	shalt  }
0x3e: {  	_ =	shalt  }
0x3f: {  	_ =	shalt  }
0x40: {  	_ =	shalt  }
0x41: {  	_ =	shalt  }
0x42: {  	_ =	shalt  }
0x43: {  	_ =	shalt  }
0x44: {  	_ =	shalt  }
0x45: {  	_ =	shalt  }
0x46: {  	_ =	shalt  }
0x47: {  	_ =	shalt  }
0x48: {  	_ =	shalt  }
0x49: {  	_ =	shalt  }
0x4a: {  	_ =	shalt  }
0x4b: {  	_ =	shalt  }
0x4c: {  	_ =	shalt  }
0x4d: {  	_ =	shalt  }
0x4e: {  	_ =	shalt  }
0x4f: {  	_ =	shalt  }
0x50: {  	_ =	shalt  }
0x51: {  	_ =	shalt  }
0x52: {  	_ =	shalt  }
0x53: {  	_ =	shalt  }
0x54: {  	_ =	shalt  }
0x55: {  	_ =	shalt  }
0x56: {  	_ =	shalt  }
0x57: {  	_ =	shalt  }
0x58: {  	_ =	shalt  }
0x59: {  	_ =	shalt  }
0x5a: {  	_ =	shalt  }
0x5b: {  	_ =	shalt  }
0x5c: {  	_ =	shalt  }
0x5d: {  	_ =	shalt  }
0x5e: {  	_ =	shalt  }
0x5f: {  	_ =	shalt  }
0x60: {  	_ =	shalt  }
0x61: {  	_ =	shalt  }
0x62: {  	_ =	shalt  }
0x63: {  	_ =	shalt  }
0x64: {  	_ =	shalt  }
0x65: {  	_ =	shalt  }
0x66: {  	_ =	shalt  }
0x67: {  	_ =	shalt  }
0x68: {  	_ =	shalt  }
0x69: {  	_ =	shalt  }
0x6a: {  	_ =	shalt  }
0x6b: {  	_ =	shalt  }
0x6c: {  	_ =	shalt  }
0x6d: {  	_ =	shalt  }
0x6e: {  	_ =	shalt  }
0x6f: {  	_ =	shalt  }
0x70: {  	_ =	shalt  }
0x71: {  	_ =	shalt  }
0x72: {  	_ =	shalt  }
0x73: {  	_ =	shalt  }
0x74: {  	_ =	shalt  }
0x75: {  	_ =	shalt  }
0x76: {  	_ =	shalt  }
0x77: {  	_ =	shalt  }
0x78: {  	_ =	shalt  }
0x79: {  	_ =	shalt  }
0x7a: {  	_ =	shalt  }
0x7b: {  	_ =	shalt  }
0x7c: {  	_ =	shalt  }
0x7d: {  	_ =	shalt  }
0x7e: {  	_ =	shalt  }
0x7f: {  	_ =	shalt  }
0x80: {  	_ =	shalt  }
0x81: {  	_ =	shalt  }
0x82: {  	_ =	shalt  }
0x83: {  	_ =	shalt  }
0x84: {  	_ =	shalt  }
0x85: {  	_ =	shalt  }
0x86: {  	_ =	shalt  }
0x87: {  	_ =	shalt  }
.Lfunc_end0:
.L_simem_size_0:
called_computation_lowered:
.L_overlay_start_0:
0x88: {  	s2 =	sld [smem:$0x3FD9]  }
0x89: {  	s3 =	sld [smem:$0x3FFE];
	_ =	sdelay $0x1  }
0x8a: {  	s1 =	srdreg.scid  }
0x8b: {  	s0 =	sand.u32 $0x1, s1  }
0x8c: {  	s16 =	sshll.u32 s0, $0xA;
	s2 =	sadd.s32 s3, s2  }
0x8d: {  	s2 =	sadd.s32 s2, s16  }
0x8e: {  	[smem:$0x3FBB] =	sst s2  }
0x8f: {  	_ = 	snop  }
0x90: {  	(tm) =	ssettm $0x1  }
0x91: {  	s17 =	sld [smem:$0x3FFB];
	_ =	sdelay $0x3  }
0x92: {  	_ =	strace s17  }
0x93: {  	s2 =	sld [smem:$0x3FFC];
	_ =	sdelay $0x3  }
0x94: {  	_ =	strace s2  }
0x95: {  	s2 =	sld [smem:$0x3FFD];
	_ =	sdelay $0x3  }
0x96: {  	_ =	strace s2  }
0x97: {  	_ =	strace $0x8FFFFFFF  }
0x98: {  	s18 =	sld [smem:$0x3FDB];
	_ =	sdelay $0x1  }
0x99: {  	s19 =	simm.s32 $_scs_section_size  }
0x9a: {  	s4 =	simm.s32 $_size__tile_overlayer_lowered;
	s5 =	simm.s32 $_tile_overlayer_lowered  }
0x9b: {  	s22 =	simm.s32 $0x1BFF;
	s21 =	sshll.u32 s5, $0x1;
	s2 =	sadd.s32 s19, s18  }
0x9c: {  	s6 =	simm.s32 $0x0;
	s20 =	sshll.u32 s4, $0x1;
	s4 =	sadd.s32 s21, s2  }
0x9d: {  	[timem:s6], [sflag:s22] =	dma.local [hbm:s4], s20  }
0x9e: {  	_ =	swait.ge [sflag:s22], s20  }
0x9f: {  	s3 =	ssub.s32 $0x0, s20;
	[sflag:s22] =	ssyncset.done $0x0  }
0xa0: {  	[sflag:s22] =	ssyncadd.s32 s3;
	_ =	sdelay $0x1  }
0xa1: {  	s23 =	simm.s32 $0x1B8B  }
0xa2: {  	_ =	swait.ge [sflag:s23], $0x1  }
0xa3: {  	[sflag:s23] =	ssyncset.done $0x0  }
0xa4: {  	s25 =	simm.s32 $0x1B8E;
	s24 =	sld [smem:$0x3FFE];
	[sflag:s23] =	ssyncadd.s32 $0xFFFFFFFF  }
0xa5: {  	s26 =	simm.s32 $execute0_lowered;
	[smem:$0x3FD2] =	sst s25  }
0xa6: {  	s4 =	sshll.u32 s26, $0x1;
	_ =	strace $0x80000049;
	[dreg:$0x1] =	wrdreg $0xFFFFFFFF  }
0xa7: {  	s28 =	simm.s32 $_size_execute0_lowered;
	s2 =	sadd.s32 s2, s4;
	[dreg:$0x0] =	wrdreg $0x0  }
0xa8: {  	s4 =	sshll.u32 s28, $0x1;
	[dreg:$0x2] =	wrdreg s2  }
0xa9: {  	[dreg:$0x3] =	wrdreg s4  }
0xaa: {  	[dreg:$0x4] =	wrdreg $0xC0  }
0xab: {  	_ =	task [dreg:s6], $0x5FFFF  }
0xac: {  	[dreg:$0x1] =	wrdreg $0xFFFFFFFF  }
0xad: {  	[dreg:$0x0] =	wrdreg $0x60  }
0xae: {  	[dreg:$0x2] =	wrdreg s24  }
0xaf: {  	[dreg:$0x3] =	wrdreg $0x70000  }
0xb0: {  	[dreg:$0x4] =	wrdreg $0x9  }
0xb1: {  	_ =	task.clear_ibuf [dreg:s6], $0x5FFFF;
	_ =	strace $0x90000049  }
0xb2: {  	s29 =	simm.s32 $0x9;
	_ =	strace $0x8000004B  }
0xb3: {  	_ =	swait.ge [sflag:s29], $0x1  }
0xb4: {  	[sflag:s29] =	ssyncadd.s32 $0xFFFFFFFF  }
0xb5: {  	_ =	strace $0x9000004B  }
0xb6: {  	_ =	sfence  }
0xb7: {  	s30 =	sld [smem:$0x0];
	_ =	sdelay $0x2  }
0xb8: {  	s31 =	sshll.u32 s1, $0xD;
	s1 =	sshrl.u32 s1, $0x2  }
0xb9: {  	s3 =	sand.u32 $0x4000, s31;
	s1 =	sadd.s32 s1, s30  }
0xba: {  	s0 =	sor.u32 s3, s0;
	s1 =	sshll.u32 s1, $0x11  }
0xbb: {  	s0 =	sor.u32 s1, s0  }
0xbc: {  	s0 =	sadd.s32 $0x8F2B, s0  }
0xbd: {  	[sflag:s0] =	ssyncadd.remote.s32 $0x1  }
0xbe: {  	_ =	sfence.sel $0xFFFF  }
0xbf: {  	[dreg:$0x0] =	wrdreg $0xFFFFFFFF;
	(pc) =	sbr.abs _section_cstart, $3  }
0xc0: {  	[dreg:$0x1] =	wrdreg $0xFFFFFFFF  }
0xc1: {  	_ =	task.clear_ibuf [dreg:s6], $0x2FFFF;
	_ =	strace $0x9FFFFFFF  }
0xc2: {  	(tm) =	ssettm $0x7FFFFFFF  }
0xc3: {  	_ =	shalt  }
tec
execute0_lowered:
.L_overlay_start_1:
0x0: {  	(tag) =	ssettag $0x1  }
0x1: {  	s0 =	srdreg.scid  }
0x2: {  	s7 =	stileid.u32;
	s3 =	rddreg [dreg:$0x0];
	s1 =	simm.s32 $0x0  }
0x3: {  	s0 =	sand.u32 $0x1, s0;
	s2 =	sshll.u32 s7, $0x1;
	[smem:$0x7FF] =	sst s1  }
0x4: {  	s4 =	sadd.s32 $0xD0000, s3;
	s5 =	sadd.s32 $0xBC000, s3;
	s7 =	smul.u32 $0x5000, s7  }
0x5: {  	s2 =	sor.u32 s0, s2;
	s6 =	ssub.s32 $0x2, s0;
	s0 =	smul.u32 $0x50000, s0  }
0x6: {  	s8 =	sadd.s32 $0xA8000, s3;
	s9 =	sshrl.u32 s6, $0x1;
	s10 =	sadd.s32 $0x2000, s7  }
0x7: {  	s11 =	sadd.s32 $0x3000, s7;
	s14 =	sadd.s32 $0x4000, s7;
	s12 =	sadd.s32 s7, s0  }
0x8: {  	s9 =	ssub.s32 s6, s9;
	s16 =	sadd.s32 s0, s11;
	s12 =	sshrl.u32 s12, $0x3  }
0x9: {  	s6 =	sadd.s32 $0x1000, s7;
	s16 =	sshrl.u32 s16, $0x3;
	s15 =	sadd.s32 s4, s12  }
0xa: {  	s25 =	sadd.s32 s0, s10;
	s26 =	sadd.s32 s4, s16;
	[dreg:$0x3] =	wrdreg s15  }
0xb: {  	s13 =	sadd.s32 s0, s6;
	s20 =	sadd.s32 s5, s16;
	[dreg:$0x6] =	wrdreg s26  }
0xc: {  	s13 =	sshrl.u32 s13, $0x3;
	s23 =	sadd.s32 s8, s12;
	[dreg:$0xb] =	wrdreg s20  }
0xd: {  	s0 =	sadd.s32 s0, s14;
	s24 =	sadd.s32 s4, s13;
	[dreg:$0xd] =	wrdreg s23  }
0xe: {  	s0 =	sshrl.u32 s0, $0x3;
	s18 =	sadd.s32 s5, s13;
	[dreg:$0x4] =	wrdreg s24  }
0xf: {  	s21 =	sadd.s32 s5, s0;
	[dreg:$0x9] =	wrdreg s18  }
0x10: {  	s15 =	sshrl.u32 s25, $0x3;
	s26 =	sadd.s32 s8, s16;
	[dreg:$0xc] =	wrdreg s21  }
0x11: {  	s17 =	sadd.s32 s4, s15;
	[dreg:$0x10] =	wrdreg s26  }
0x12: {  	s4 =	sadd.s32 s4, s0;
	[dreg:$0x5] =	wrdreg s17  }
0x13: {  	s19 =	sadd.s32 s5, s15;
	[dreg:$0x7] =	wrdreg s4  }
0x14: {  	s24 =	sadd.s32 s8, s13;
	[dreg:$0xa] =	wrdreg s19  }
0x15: {  	s25 =	sadd.s32 s8, s15;
	[dreg:$0xe] =	wrdreg s24  }
0x16: {  	s22 =	sadd.s32 $0x94000, s3;
	s8 =	sadd.s32 s8, s0;
	[dreg:$0xf] =	wrdreg s25  }
0x17: {  	s30 =	sadd.s32 $0x6C800, s3;
	s18 =	sadd.s32 s22, s12;
	[dreg:$0x11] =	wrdreg s8  }
0x18: {  	s2 =	smul.u32 $0x500, s2;
	s20 =	sadd.s32 s22, s15;
	[dreg:$0x12] =	wrdreg s18  }
0x19: {  	s31 =	sadd.s32 $0x76600, s3;
	s21 =	sadd.s32 s22, s16;
	[dreg:$0x14] =	wrdreg s20  }
0x1a: {  	s9 =	smax.u32 s9, $0x1;
	s26 =	sadd.s32 s2, s3;
	[dreg:$0x15] =	wrdreg s21  }
0x1b: {  	s17 =	sadd.s32 s5, s12;
	s19 =	sadd.s32 s22, s13;
	s24 =	rddreg [dreg:$0x1]  }
0x1c: {  	s4 =	sadd.s32 s22, s0;
	s20 =	sadd.s32 $0x80400, s3;
	[dreg:$0x8] =	wrdreg s17  }
0x1d: {  	s2 =	sadd.s32 $0x3A000, s26;
	s18 =	simm.s32 $0x4F80;
	[dreg:$0x13] =	wrdreg s19  }
0x1e: {  	s17 =	sadd.s32 $0xE4000, s3;
	[dreg:$0x16] =	wrdreg s4;
	s4 =	sadd.s32 s7, s24  }
0x1f: {  	s5 =	sadd.s32 s6, s24;
	s6 =	sadd.s32 s10, s24;
	s7 =	sadd.s32 s11, s24  }
0x20: {  	s8 =	sadd.s32 s14, s24;
	s10 =	simm.s32 $0x3;
	s11 =	simm.s32 $0x5000  }
0x21: {  	s14 =	simm.s32 $0x1;
	s19 =	simm.s32 $0x0;
	s22 =	sadd.s32 s17, s12  }
0x22: {  	s23 =	sadd.s32 s17, s13;
	s25 =	sadd.s32 s17, s15;
	s28 =	sadd.s32 s17, s16  }
0x23: {  	s29 =	sadd.s32 s17, s0;
	s0 =	sadd.s32 $0x8A200, s3;
	[dreg:$0x17] =	wrdreg s22  }
0x24: {  	s3 =	sadd.s32 $0x30000, s26;
	s12 =	simm.s32 $0x80;
	[dreg:$0x18] =	wrdreg s23  }
0x25: {  	s13 =	simm.s32 $0x6000;
	s15 =	simm.s32 $0x2;
	[dreg:$0x19] =	wrdreg s25  }
0x26: {  	v0 =	vimm.f32 $0.0e+00;
	v1 =	vimm.f32 $1.000000000e+00;
	s16 =	simm.s32 $0x2780;
	s17 =	simm.s32 $0x4F00;
	_ =	strace $0x8000004A  }
.LBB2_1:
0x27: {  	[tilespmem:s1], [sflag:$0x3] =	stream.linear.gather [hbm4b:s2+s1], $0x2800, $0x38;
	[tilespmem:$0xC000] =	vst v63  }
0x28: {  	_ =	swait.ge [sflag:s10], $0x2800  }
0x29: {  	[sflag:s10] =	ssyncset.done $0x0  }
0x2a: {  	s21 =	simm.s32 $0x2800;
	[sflag:s10] =	ssyncadd.s32 $0xFFFFD800  }
0x2b: {  	[tilespmem:s21], [sflag:$0x3] =	stream.linear.gather [hbm4b:s3+s1], $0x2800, $0x38;
	[tilespmem:$0xC000] =	vst v63  }
0x2c: {  	_ =	swait.ge [sflag:s10], $0x2800  }
0x2d: {  	[sflag:s10] =	ssyncset.done $0x0  }
0x2e: {  	s22 =	simm.s32 $0x0;
	s21 =	simm.s32 $0x80;
	[sflag:s10] =	ssyncadd.s32 $0xFFFFD800  }
.LBB2_2:
0x2f: {  	p0 =	sne.s32 s21, $0x3F80;
	[tilespmem:s22+$0x5000] =	vst v0;
	s23 =	smov.u32 s21;
	s21 =	sadd.s32 $0x80, s21  }
.Ltmp0:
0x30: {  	[tilespmem:s22+$0x5010] =	vst v0;
	(pc) =	sbr.rel @p0 .LBB2_2-.Ltmp0, $2  }
0x31: {  	_ =	sdelay $0x2  }
0x32: {  	s22 =	sshra.s32 s23, $0x2  }
0x33: {  	[tilespmem:s22+$0x5000] =	vst v0  }
0x34: {  	[tilespmem:s22+$0x5010] =	vst v0  }
0x35: {  	[spmem:s4] =	stream.linear.scatter [tilespmem:s11], [sflag:$0x3], $0x1000, $0x38;
	[tilespmem:$0xC000] =	vst v63  }
0x36: {  	_ =	swait.ge [sflag:s10], $0x1000  }
0x37: {  	[sflag:s10] =	ssyncset.done $0x0  }
0x38: {  	[sflag:s10] =	ssyncadd.s32 $0xFFFFF000  }
0x39: {  	[spmem:s5] =	stream.linear.scatter [tilespmem:s11], [sflag:$0x3], $0x1000, $0x38;
	[tilespmem:$0xC000] =	vst v63  }
0x3a: {  	_ =	swait.ge [sflag:s10], $0x1000  }
0x3b: {  	[sflag:s10] =	ssyncset.done $0x0  }
0x3c: {  	[sflag:s10] =	ssyncadd.s32 $0xFFFFF000  }
0x3d: {  	[spmem:s6] =	stream.linear.scatter [tilespmem:s11], [sflag:$0x3], $0x1000, $0x38;
	[tilespmem:$0xC000] =	vst v63  }
0x3e: {  	_ =	swait.ge [sflag:s10], $0x1000  }
0x3f: {  	[sflag:s10] =	ssyncset.done $0x0  }
0x40: {  	[sflag:s10] =	ssyncadd.s32 $0xFFFFF000  }
0x41: {  	[spmem:s7] =	stream.linear.scatter [tilespmem:s11], [sflag:$0x3], $0x1000, $0x38;
	[tilespmem:$0xC000] =	vst v63  }
0x42: {  	_ =	swait.ge [sflag:s10], $0x1000  }
0x43: {  	[sflag:s10] =	ssyncset.done $0x0  }
0x44: {  	[sflag:s10] =	ssyncadd.s32 $0xFFFFF000  }
0x45: {  	[spmem:s8] =	stream.linear.scatter [tilespmem:s11], [sflag:$0x3], $0x1000, $0x38;
	[tilespmem:$0xC000] =	vst v63  }
0x46: {  	_ =	swait.ge [sflag:s10], $0x1000  }
0x47: {  	[sflag:s10] =	ssyncset.done $0x0  }
0x48: {  	[sflag:s10] =	ssyncadd.s32 $0xFFFFF000  }
0x49: {  	s21 =	simm.s32 $0x0;
	[bflag:$0x0] =	sbarrier.arrive $0xFFFF  }
0x4a: {  	[tilespmem:s11], [sflag:$0x1] =	stream.indirect.gather [hbm4b:s30+s12], $0x20, s21, s12, $0xb8;
	[tilespmem:$0xC000] =	vst v63  }
0x4b: {  	s22 =	simm.s32 $0x80  }
0x4c: {  	[tilespmem:s13], [sflag:$0x2] =	stream.indirect.gather [hbm4b:s30+s12], $0x20, s22, s12, $0xb8;
	[tilespmem:$0xC000] =	vst v63  }
0x4d: {  	_ =	swait.ge [sflag:s14], $0x1000  }
0x4e: {  	[sflag:s14] =	ssyncset.done $0x0  }
0x4f: {  	s23 =	simm.s32 $0x2800;
	[sflag:s14] =	ssyncadd.s32 $0xFFFFF000  }
0x50: {  	[spmem:s24] =	stream.indirect.scatter.add.f32 [tilespmem:s11], [sflag:$0x3], $0x20, s23, s12, $0xb8;
	[tilespmem:$0xC000] =	vst v63  }
0x51: {  	_ =	swait.ge [sflag:s10], $0x1000  }
0x52: {  	[sflag:s10] =	ssyncset.done $0x0  }
0x53: {  	s25 =	simm.s32 $0x100;
	[sflag:s10] =	ssyncadd.s32 $0xFFFFF000  }
0x54: {  	[tilespmem:s11], [sflag:$0x1] =	stream.indirect.gather [hbm4b:s30+s12], $0x20, s25, s12, $0xb8;
	[tilespmem:$0xC000] =	vst v63  }
0x55: {  	_ =	swait.ge [sflag:s15], $0x1000  }
0x56: {  	[sflag:s15] =	ssyncset.done $0x0  }
0x57: {  	s26 =	simm.s32 $0x2880;
	[sflag:s15] =	ssyncadd.s32 $0xFFFFF000  }
0x58: {  	[spmem:s24] =	stream.indirect.scatter.add.f32 [tilespmem:s13], [sflag:$0x3], $0x20, s26, s12, $0xb8;
	[tilespmem:$0xC000] =	vst v63  }
0x59: {  	_ =	swait.ge [sflag:s10], $0x1000  }
0x5a: {  	s21 =	simm.s32 $0x100;
	s22 =	simm.s32 $0x800;
	[sflag:s10] =	ssyncset.done $0x0  }
.LBB2_4:
0x5b: {  	s23 =	sadd.s32 $0x80, s21  }
0x5c: {  	[sflag:s10] =	ssyncadd.s32 $0xFFFFF000;
	s25 =	smov.u32 s22;
	s26 =	sadd.s32 $0x400, s22  }
0x5d: {  	[tilespmem:s13], [sflag:$0x2] =	stream.indirect.gather [hbm4b:s30+s12], $0x20, s23, s12, $0xb8;
	[tilespmem:$0xC000] =	vst v63  }
0x5e: {  	p0 =	sne.s32 s22, $0x9800;
	_ =	swait.ge [sflag:s14], $0x1000  }
0x5f: {  	[sflag:s14] =	ssyncset.done $0x0  }
0x60: {  	s22 =	sadd.s32 $0x2800, s21;
	[sflag:s14] =	ssyncadd.s32 $0xFFFFF000  }
0x61: {  	[spmem:s24] =	stream.indirect.scatter.add.f32 [tilespmem:s11], [sflag:$0x3], $0x20, s22, s12, $0xb8;
	[tilespmem:$0xC000] =	vst v63  }
0x62: {  	_ =	swait.ge [sflag:s10], $0x1000  }
0x63: {  	[sflag:s10] =	ssyncset.done $0x0  }
0x64: {  	s22 =	sadd.s32 $0x100, s21;
	[sflag:s10] =	ssyncadd.s32 $0xFFFFF000  }
0x65: {  	[tilespmem:s11], [sflag:$0x1] =	stream.indirect.gather [hbm4b:s30+s12], $0x20, s22, s12, $0xb8;
	[tilespmem:$0xC000] =	vst v63  }
0x66: {  	_ =	swait.ge [sflag:s15], $0x1000  }
.Ltmp1:
0x67: {  	[sflag:s15] =	ssyncset.done $0x0;
	(pc) =	sbr.rel @p0 .LBB2_4-.Ltmp1, $4  }
0x68: {  	s21 =	sadd.s32 $0x2880, s21;
	[sflag:s15] =	ssyncadd.s32 $0xFFFFF000  }
0x69: {  	[spmem:s24] =	stream.indirect.scatter.add.f32 [tilespmem:s13], [sflag:$0x3], $0x20, s21, s12, $0xb8;
	[tilespmem:$0xC000] =	vst v63  }
0x6a: {  	_ =	swait.ge [sflag:s10], $0x1000  }
0x6b: {  	s22 =	smov.u32 s26;
	s21 =	sshra.s32 s25, $0x2;
	[sflag:s10] =	ssyncset.done $0x0  }
0x6c: {  	s22 =	sadd.s32 $0x80, s21;
	[sflag:s10] =	ssyncadd.s32 $0xFFFFF000  }
0x6d: {  	[tilespmem:s13], [sflag:$0x2] =	stream.indirect.gather [hbm4b:s30+s12], $0x20, s22, s12, $0xb8;
	[tilespmem:$0xC000] =	vst v63  }
0x6e: {  	_ =	swait.ge [sflag:s14], $0x1000  }
0x6f: {  	[sflag:s14] =	ssyncset.done $0x0  }
0x70: {  	s25 =	sadd.s32 $0x2800, s21;
	[sflag:s14] =	ssyncadd.s32 $0xFFFFF000  }
0x71: {  	[spmem:s24] =	stream.indirect.scatter.add.f32 [tilespmem:s11], [sflag:$0x3], $0x20, s25, s12, $0xb8;
	[tilespmem:$0xC000] =	vst v63  }
0x72: {  	_ =	swait.ge [sflag:s10], $0x1000  }
0x73: {  	[sflag:s10] =	ssyncset.done $0x0  }
0x74: {  	s26 =	sadd.s32 $0x100, s21;
	[sflag:s10] =	ssyncadd.s32 $0xFFFFF000  }
0x75: {  	[tilespmem:s11], [sflag:$0x1] =	stream.indirect.gather [hbm4b:s30+s12], $0x20, s26, s12, $0xb8;
	[tilespmem:$0xC000] =	vst v63  }
0x76: {  	_ =	swait.ge [sflag:s15], $0x1000  }
0x77: {  	[sflag:s15] =	ssyncset.done $0x0  }
0x78: {  	s23 =	sadd.s32 $0x2880, s21;
	[sflag:s15] =	ssyncadd.s32 $0xFFFFF000  }
0x79: {  	[spmem:s24] =	stream.indirect.scatter.add.f32 [tilespmem:s13], [sflag:$0x3], $0x20, s23, s12, $0xb8;
	[tilespmem:$0xC000] =	vst v63  }
0x7a: {  	_ =	swait.ge [sflag:s10], $0x1000  }
0x7b: {  	[sflag:s10] =	ssyncset.done $0x0  }
0x7c: {  	[sflag:s10] =	ssyncadd.s32 $0xFFFFF000  }
0x7d: {  	[tilespmem:s13], [sflag:$0x2] =	stream.indirect.gather [hbm4b:s30+s12], $0x20, s16, s12, $0xb8;
	[tilespmem:$0xC000] =	vst v63  }
0x7e: {  	_ =	swait.ge [sflag:s14], $0x1000  }
0x7f: {  	[sflag:s14] =	ssyncset.done $0x0  }
0x80: {  	[sflag:s14] =	ssyncadd.s32 $0xFFFFF000  }
0x81: {  	[spmem:s24] =	stream.indirect.scatter.add.f32 [tilespmem:s11], [sflag:$0x3], $0x20, s17, s12, $0xb8;
	[tilespmem:$0xC000] =	vst v63  }
0x82: {  	_ =	swait.ge [sflag:s10], $0x1000  }
0x83: {  	[sflag:s10] =	ssyncset.done $0x0  }
0x84: {  	[sflag:s10] =	ssyncadd.s32 $0xFFFFF000  }
0x85: {  	_ =	swait.ge [sflag:s15], $0x1000  }
0x86: {  	[sflag:s15] =	ssyncset.done $0x0  }
0x87: {  	[sflag:s15] =	ssyncadd.s32 $0xFFFFF000  }
0x88: {  	[spmem:s24] =	stream.indirect.scatter.add.f32 [tilespmem:s13], [sflag:$0x3], $0x20, s18, s12, $0xb8;
	[tilespmem:$0xC000] =	vst v63  }
0x89: {  	_ =	swait.ge [sflag:s10], $0x1000  }
0x8a: {  	[sflag:s10] =	ssyncset.done $0x0  }
0x8b: {  	[sflag:s10] =	ssyncadd.s32 $0xFFFFF000  }
0x8c: {  	[bflag:$0x0] =	sbarrier.arrive $0xFFFF  }
0x8d: {  	[tilespmem:s11], [sflag:$0x3] =	stream.linear.gather [spmem:s4], $0x1000, $0x38;
	[tilespmem:$0xC000] =	vst v63  }
0x8e: {  	_ =	swait.ge [sflag:s10], $0x1000  }
0x8f: {  	[sflag:s10] =	ssyncset.done $0x0  }
0x90: {  	s21 =	simm.s32 $0x0;
	s25 =	rddreg [dreg:$0x3];
	[sflag:s10] =	ssyncadd.s32 $0xFFFFF000  }
0x91: {  	[hbm4b:s25+s21] =	stream.linear.scatter [tilespmem:s11], [sflag:$0x3], $0x1000, $0x38;
	[tilespmem:$0xC000] =	vst v63  }
0x92: {  	_ =	swait.ge [sflag:s10], $0x1000  }
0x93: {  	[sflag:s10] =	ssyncset.done $0x0  }
0x94: {  	[sflag:s10] =	ssyncadd.s32 $0xFFFFF000  }
0x95: {  	[tilespmem:s11], [sflag:$0x3] =	stream.linear.gather [spmem:s5], $0x1000, $0x38;
	[tilespmem:$0xC000] =	vst v63  }
0x96: {  	_ =	swait.ge [sflag:s10], $0x1000  }
0x97: {  	[sflag:s10] =	ssyncset.done $0x0  }
0x98: {  	s26 =	rddreg [dreg:$0x4];
	[sflag:s10] =	ssyncadd.s32 $0xFFFFF000  }
0x99: {  	[hbm4b:s26+s21] =	stream.linear.scatter [tilespmem:s11], [sflag:$0x3], $0x1000, $0x38;
	[tilespmem:$0xC000] =	vst v63  }
0x9a: {  	_ =	swait.ge [sflag:s10], $0x1000  }
0x9b: {  	[sflag:s10] =	ssyncset.done $0x0  }
0x9c: {  	[sflag:s10] =	ssyncadd.s32 $0xFFFFF000  }
0x9d: {  	[tilespmem:s11], [sflag:$0x3] =	stream.linear.gather [spmem:s6], $0x1000, $0x38;
	[tilespmem:$0xC000] =	vst v63  }
0x9e: {  	_ =	swait.ge [sflag:s10], $0x1000  }
0x9f: {  	[sflag:s10] =	ssyncset.done $0x0  }
0xa0: {  	s23 =	rddreg [dreg:$0x5];
	[sflag:s10] =	ssyncadd.s32 $0xFFFFF000  }
0xa1: {  	[hbm4b:s23+s21] =	stream.linear.scatter [tilespmem:s11], [sflag:$0x3], $0x1000, $0x38;
	[tilespmem:$0xC000] =	vst v63  }
0xa2: {  	_ =	swait.ge [sflag:s10], $0x1000  }
0xa3: {  	[sflag:s10] =	ssyncset.done $0x0  }
0xa4: {  	[sflag:s10] =	ssyncadd.s32 $0xFFFFF000  }
0xa5: {  	[tilespmem:s11], [sflag:$0x3] =	stream.linear.gather [spmem:s7], $0x1000, $0x38;
	[tilespmem:$0xC000] =	vst v63  }
0xa6: {  	_ =	swait.ge [sflag:s10], $0x1000  }
0xa7: {  	[sflag:s10] =	ssyncset.done $0x0  }
0xa8: {  	s25 =	rddreg [dreg:$0x6];
	[sflag:s10] =	ssyncadd.s32 $0xFFFFF000  }
0xa9: {  	[hbm4b:s25+s21] =	stream.linear.scatter [tilespmem:s11], [sflag:$0x3], $0x1000, $0x38;
	[tilespmem:$0xC000] =	vst v63  }
0xaa: {  	_ =	swait.ge [sflag:s10], $0x1000  }
0xab: {  	[sflag:s10] =	ssyncset.done $0x0  }
0xac: {  	[sflag:s10] =	ssyncadd.s32 $0xFFFFF000  }
0xad: {  	[tilespmem:s11], [sflag:$0x3] =	stream.linear.gather [spmem:s8], $0x1000, $0x38;
	[tilespmem:$0xC000] =	vst v63  }
0xae: {  	_ =	swait.ge [sflag:s10], $0x1000  }
0xaf: {  	[sflag:s10] =	ssyncset.done $0x0  }
0xb0: {  	s26 =	rddreg [dreg:$0x7];
	[sflag:s10] =	ssyncadd.s32 $0xFFFFF000  }
0xb1: {  	[hbm4b:s26+s21] =	stream.linear.scatter [tilespmem:s11], [sflag:$0x3], $0x1000, $0x38;
	[tilespmem:$0xC000] =	vst v63  }
0xb2: {  	_ =	swait.ge [sflag:s10], $0x1000  }
0xb3: {  	[sflag:s10] =	ssyncset.done $0x0  }
0xb4: {  	s22 =	simm.s32 $0x0;
	s21 =	simm.s32 $0x80;
	[sflag:s10] =	ssyncadd.s32 $0xFFFFF000  }
.LBB2_6:
0xb5: {  	p0 =	sne.s32 s21, $0x3F80;
	[tilespmem:s22+$0x5000] =	vst v0;
	s23 =	smov.u32 s21;
	s21 =	sadd.s32 $0x80, s21  }
.Ltmp2:
0xb6: {  	[tilespmem:s22+$0x5010] =	vst v0;
	(pc) =	sbr.rel @p0 .LBB2_6-.Ltmp2, $2  }
0xb7: {  	_ =	sdelay $0x2  }
0xb8: {  	s22 =	sshra.s32 s23, $0x2  }
0xb9: {  	[tilespmem:s22+$0x5000] =	vst v0  }
0xba: {  	[tilespmem:s22+$0x5010] =	vst v0  }
0xbb: {  	[spmem:s4] =	stream.linear.scatter [tilespmem:s11], [sflag:$0x3], $0x1000, $0x38;
	[tilespmem:$0xC000] =	vst v63  }
0xbc: {  	_ =	swait.ge [sflag:s10], $0x1000  }
0xbd: {  	[sflag:s10] =	ssyncset.done $0x0  }
0xbe: {  	[sflag:s10] =	ssyncadd.s32 $0xFFFFF000  }
0xbf: {  	[spmem:s5] =	stream.linear.scatter [tilespmem:s11], [sflag:$0x3], $0x1000, $0x38;
	[tilespmem:$0xC000] =	vst v63  }
0xc0: {  	_ =	swait.ge [sflag:s10], $0x1000  }
0xc1: {  	[sflag:s10] =	ssyncset.done $0x0  }
0xc2: {  	[sflag:s10] =	ssyncadd.s32 $0xFFFFF000  }
0xc3: {  	[spmem:s6] =	stream.linear.scatter [tilespmem:s11], [sflag:$0x3], $0x1000, $0x38;
	[tilespmem:$0xC000] =	vst v63  }
0xc4: {  	_ =	swait.ge [sflag:s10], $0x1000  }
0xc5: {  	[sflag:s10] =	ssyncset.done $0x0  }
0xc6: {  	[sflag:s10] =	ssyncadd.s32 $0xFFFFF000  }
0xc7: {  	[spmem:s7] =	stream.linear.scatter [tilespmem:s11], [sflag:$0x3], $0x1000, $0x38;
	[tilespmem:$0xC000] =	vst v63  }
0xc8: {  	_ =	swait.ge [sflag:s10], $0x1000  }
0xc9: {  	[sflag:s10] =	ssyncset.done $0x0  }
0xca: {  	[sflag:s10] =	ssyncadd.s32 $0xFFFFF000  }
0xcb: {  	[spmem:s8] =	stream.linear.scatter [tilespmem:s11], [sflag:$0x3], $0x1000, $0x38;
	[tilespmem:$0xC000] =	vst v63  }
0xcc: {  	_ =	swait.ge [sflag:s10], $0x1000  }
0xcd: {  	[sflag:s10] =	ssyncset.done $0x0  }
0xce: {  	[sflag:s10] =	ssyncadd.s32 $0xFFFFF000  }
0xcf: {  	s21 =	simm.s32 $0x0;
	[bflag:$0x0] =	sbarrier.arrive $0xFFFF  }
0xd0: {  	[tilespmem:s11], [sflag:$0x1] =	stream.indirect.gather [hbm4b:s31+s12], $0x20, s21, s12, $0xb8;
	[tilespmem:$0xC000] =	vst v63  }
0xd1: {  	s22 =	simm.s32 $0x80  }
0xd2: {  	[tilespmem:s13], [sflag:$0x2] =	stream.indirect.gather [hbm4b:s31+s12], $0x20, s22, s12, $0xb8;
	[tilespmem:$0xC000] =	vst v63  }
0xd3: {  	_ =	swait.ge [sflag:s14], $0x1000  }
0xd4: {  	[sflag:s14] =	ssyncset.done $0x0  }
0xd5: {  	s23 =	simm.s32 $0x2800;
	[sflag:s14] =	ssyncadd.s32 $0xFFFFF000  }
0xd6: {  	[spmem:s24] =	stream.indirect.scatter.add.f32 [tilespmem:s11], [sflag:$0x3], $0x20, s23, s12, $0xb8;
	[tilespmem:$0xC000] =	vst v63  }
0xd7: {  	_ =	swait.ge [sflag:s10], $0x1000  }
0xd8: {  	[sflag:s10] =	ssyncset.done $0x0  }
0xd9: {  	s25 =	simm.s32 $0x100;
	[sflag:s10] =	ssyncadd.s32 $0xFFFFF000  }
0xda: {  	[tilespmem:s11], [sflag:$0x1] =	stream.indirect.gather [hbm4b:s31+s12], $0x20, s25, s12, $0xb8;
	[tilespmem:$0xC000] =	vst v63  }
0xdb: {  	_ =	swait.ge [sflag:s15], $0x1000  }
0xdc: {  	[sflag:s15] =	ssyncset.done $0x0  }
0xdd: {  	s26 =	simm.s32 $0x2880;
	[sflag:s15] =	ssyncadd.s32 $0xFFFFF000  }
0xde: {  	[spmem:s24] =	stream.indirect.scatter.add.f32 [tilespmem:s13], [sflag:$0x3], $0x20, s26, s12, $0xb8;
	[tilespmem:$0xC000] =	vst v63  }
0xdf: {  	_ =	swait.ge [sflag:s10], $0x1000  }
0xe0: {  	s21 =	simm.s32 $0x100;
	s22 =	simm.s32 $0x800;
	[sflag:s10] =	ssyncset.done $0x0  }
.LBB2_8:
0xe1: {  	s23 =	sadd.s32 $0x80, s21  }
0xe2: {  	[sflag:s10] =	ssyncadd.s32 $0xFFFFF000;
	s25 =	smov.u32 s22;
	s26 =	sadd.s32 $0x400, s22  }
0xe3: {  	[tilespmem:s13], [sflag:$0x2] =	stream.indirect.gather [hbm4b:s31+s12], $0x20, s23, s12, $0xb8;
	[tilespmem:$0xC000] =	vst v63  }
0xe4: {  	p0 =	sne.s32 s22, $0x9800;
	_ =	swait.ge [sflag:s14], $0x1000  }
0xe5: {  	[sflag:s14] =	ssyncset.done $0x0  }
0xe6: {  	s22 =	sadd.s32 $0x2800, s21;
	[sflag:s14] =	ssyncadd.s32 $0xFFFFF000  }
0xe7: {  	[spmem:s24] =	stream.indirect.scatter.add.f32 [tilespmem:s11], [sflag:$0x3], $0x20, s22, s12, $0xb8;
	[tilespmem:$0xC000] =	vst v63  }
0xe8: {  	_ =	swait.ge [sflag:s10], $0x1000  }
0xe9: {  	[sflag:s10] =	ssyncset.done $0x0  }
0xea: {  	s22 =	sadd.s32 $0x100, s21;
	[sflag:s10] =	ssyncadd.s32 $0xFFFFF000  }
0xeb: {  	[tilespmem:s11], [sflag:$0x1] =	stream.indirect.gather [hbm4b:s31+s12], $0x20, s22, s12, $0xb8;
	[tilespmem:$0xC000] =	vst v63  }
0xec: {  	_ =	swait.ge [sflag:s15], $0x1000  }
.Ltmp3:
0xed: {  	[sflag:s15] =	ssyncset.done $0x0;
	(pc) =	sbr.rel @p0 .LBB2_8-.Ltmp3, $4  }
0xee: {  	s21 =	sadd.s32 $0x2880, s21;
	[sflag:s15] =	ssyncadd.s32 $0xFFFFF000  }
0xef: {  	[spmem:s24] =	stream.indirect.scatter.add.f32 [tilespmem:s13], [sflag:$0x3], $0x20, s21, s12, $0xb8;
	[tilespmem:$0xC000] =	vst v63  }
0xf0: {  	_ =	swait.ge [sflag:s10], $0x1000  }
0xf1: {  	s22 =	smov.u32 s26;
	s21 =	sshra.s32 s25, $0x2;
	[sflag:s10] =	ssyncset.done $0x0  }
0xf2: {  	s22 =	sadd.s32 $0x80, s21;
	[sflag:s10] =	ssyncadd.s32 $0xFFFFF000  }
0xf3: {  	[tilespmem:s13], [sflag:$0x2] =	stream.indirect.gather [hbm4b:s31+s12], $0x20, s22, s12, $0xb8;
	[tilespmem:$0xC000] =	vst v63  }
0xf4: {  	_ =	swait.ge [sflag:s14], $0x1000  }
0xf5: {  	[sflag:s14] =	ssyncset.done $0x0  }
0xf6: {  	s25 =	sadd.s32 $0x2800, s21;
	[sflag:s14] =	ssyncadd.s32 $0xFFFFF000  }
0xf7: {  	[spmem:s24] =	stream.indirect.scatter.add.f32 [tilespmem:s11], [sflag:$0x3], $0x20, s25, s12, $0xb8;
	[tilespmem:$0xC000] =	vst v63  }
0xf8: {  	_ =	swait.ge [sflag:s10], $0x1000  }
0xf9: {  	[sflag:s10] =	ssyncset.done $0x0  }
0xfa: {  	s26 =	sadd.s32 $0x100, s21;
	[sflag:s10] =	ssyncadd.s32 $0xFFFFF000  }
0xfb: {  	[tilespmem:s11], [sflag:$0x1] =	stream.indirect.gather [hbm4b:s31+s12], $0x20, s26, s12, $0xb8;
	[tilespmem:$0xC000] =	vst v63  }
0xfc: {  	_ =	swait.ge [sflag:s15], $0x1000  }
0xfd: {  	[sflag:s15] =	ssyncset.done $0x0  }
0xfe: {  	s23 =	sadd.s32 $0x2880, s21;
	[sflag:s15] =	ssyncadd.s32 $0xFFFFF000  }
0xff: {  	[spmem:s24] =	stream.indirect.scatter.add.f32 [tilespmem:s13], [sflag:$0x3], $0x20, s23, s12, $0xb8;
	[tilespmem:$0xC000] =	vst v63  }
0x100: {  	_ =	swait.ge [sflag:s10], $0x1000  }
0x101: {  	[sflag:s10] =	ssyncset.done $0x0  }
0x102: {  	[sflag:s10] =	ssyncadd.s32 $0xFFFFF000  }
0x103: {  	[tilespmem:s13], [sflag:$0x2] =	stream.indirect.gather [hbm4b:s31+s12], $0x20, s16, s12, $0xb8;
	[tilespmem:$0xC000] =	vst v63  }
0x104: {  	_ =	swait.ge [sflag:s14], $0x1000  }
0x105: {  	[sflag:s14] =	ssyncset.done $0x0  }
0x106: {  	[sflag:s14] =	ssyncadd.s32 $0xFFFFF000  }
0x107: {  	[spmem:s24] =	stream.indirect.scatter.add.f32 [tilespmem:s11], [sflag:$0x3], $0x20, s17, s12, $0xb8;
	[tilespmem:$0xC000] =	vst v63  }
0x108: {  	_ =	swait.ge [sflag:s10], $0x1000  }
0x109: {  	[sflag:s10] =	ssyncset.done $0x0  }
0x10a: {  	[sflag:s10] =	ssyncadd.s32 $0xFFFFF000  }
0x10b: {  	_ =	swait.ge [sflag:s15], $0x1000  }
0x10c: {  	[sflag:s15] =	ssyncset.done $0x0  }
0x10d: {  	[sflag:s15] =	ssyncadd.s32 $0xFFFFF000  }
0x10e: {  	[spmem:s24] =	stream.indirect.scatter.add.f32 [tilespmem:s13], [sflag:$0x3], $0x20, s18, s12, $0xb8;
	[tilespmem:$0xC000] =	vst v63  }
0x10f: {  	_ =	swait.ge [sflag:s10], $0x1000  }
0x110: {  	[sflag:s10] =	ssyncset.done $0x0  }
0x111: {  	[sflag:s10] =	ssyncadd.s32 $0xFFFFF000  }
0x112: {  	[bflag:$0x0] =	sbarrier.arrive $0xFFFF  }
0x113: {  	[tilespmem:s11], [sflag:$0x3] =	stream.linear.gather [spmem:s4], $0x1000, $0x38;
	[tilespmem:$0xC000] =	vst v63  }
0x114: {  	_ =	swait.ge [sflag:s10], $0x1000  }
0x115: {  	[sflag:s10] =	ssyncset.done $0x0  }
0x116: {  	s21 =	simm.s32 $0x0;
	s25 =	rddreg [dreg:$0x8];
	[sflag:s10] =	ssyncadd.s32 $0xFFFFF000  }
0x117: {  	[hbm4b:s25+s21] =	stream.linear.scatter [tilespmem:s11], [sflag:$0x3], $0x1000, $0x38;
	[tilespmem:$0xC000] =	vst v63  }
0x118: {  	_ =	swait.ge [sflag:s10], $0x1000  }
0x119: {  	[sflag:s10] =	ssyncset.done $0x0  }
0x11a: {  	[sflag:s10] =	ssyncadd.s32 $0xFFFFF000  }
0x11b: {  	[tilespmem:s11], [sflag:$0x3] =	stream.linear.gather [spmem:s5], $0x1000, $0x38;
	[tilespmem:$0xC000] =	vst v63  }
0x11c: {  	_ =	swait.ge [sflag:s10], $0x1000  }
0x11d: {  	[sflag:s10] =	ssyncset.done $0x0  }
0x11e: {  	s26 =	rddreg [dreg:$0x9];
	[sflag:s10] =	ssyncadd.s32 $0xFFFFF000  }
0x11f: {  	[hbm4b:s26+s21] =	stream.linear.scatter [tilespmem:s11], [sflag:$0x3], $0x1000, $0x38;
	[tilespmem:$0xC000] =	vst v63  }
0x120: {  	_ =	swait.ge [sflag:s10], $0x1000  }
0x121: {  	[sflag:s10] =	ssyncset.done $0x0  }
0x122: {  	[sflag:s10] =	ssyncadd.s32 $0xFFFFF000  }
0x123: {  	[tilespmem:s11], [sflag:$0x3] =	stream.linear.gather [spmem:s6], $0x1000, $0x38;
	[tilespmem:$0xC000] =	vst v63  }
0x124: {  	_ =	swait.ge [sflag:s10], $0x1000  }
0x125: {  	[sflag:s10] =	ssyncset.done $0x0  }
0x126: {  	s23 =	rddreg [dreg:$0xa];
	[sflag:s10] =	ssyncadd.s32 $0xFFFFF000  }
0x127: {  	[hbm4b:s23+s21] =	stream.linear.scatter [tilespmem:s11], [sflag:$0x3], $0x1000, $0x38;
	[tilespmem:$0xC000] =	vst v63  }
0x128: {  	_ =	swait.ge [sflag:s10], $0x1000  }
0x129: {  	[sflag:s10] =	ssyncset.done $0x0  }
0x12a: {  	[sflag:s10] =	ssyncadd.s32 $0xFFFFF000  }
0x12b: {  	[tilespmem:s11], [sflag:$0x3] =	stream.linear.gather [spmem:s7], $0x1000, $0x38;
	[tilespmem:$0xC000] =	vst v63  }
0x12c: {  	_ =	swait.ge [sflag:s10], $0x1000  }
0x12d: {  	[sflag:s10] =	ssyncset.done $0x0  }
0x12e: {  	s25 =	rddreg [dreg:$0xb];
	[sflag:s10] =	ssyncadd.s32 $0xFFFFF000  }
0x12f: {  	[hbm4b:s25+s21] =	stream.linear.scatter [tilespmem:s11], [sflag:$0x3], $0x1000, $0x38;
	[tilespmem:$0xC000] =	vst v63  }
0x130: {  	_ =	swait.ge [sflag:s10], $0x1000  }
0x131: {  	[sflag:s10] =	ssyncset.done $0x0  }
0x132: {  	[sflag:s10] =	ssyncadd.s32 $0xFFFFF000  }
0x133: {  	[tilespmem:s11], [sflag:$0x3] =	stream.linear.gather [spmem:s8], $0x1000, $0x38;
	[tilespmem:$0xC000] =	vst v63  }
0x134: {  	_ =	swait.ge [sflag:s10], $0x1000  }
0x135: {  	[sflag:s10] =	ssyncset.done $0x0  }
0x136: {  	s26 =	rddreg [dreg:$0xc];
	[sflag:s10] =	ssyncadd.s32 $0xFFFFF000  }
0x137: {  	[hbm4b:s26+s21] =	stream.linear.scatter [tilespmem:s11], [sflag:$0x3], $0x1000, $0x38;
	[tilespmem:$0xC000] =	vst v63  }
0x138: {  	_ =	swait.ge [sflag:s10], $0x1000  }
0x139: {  	[sflag:s10] =	ssyncset.done $0x0  }
0x13a: {  	s22 =	simm.s32 $0x0;
	s21 =	simm.s32 $0x80;
	[sflag:s10] =	ssyncadd.s32 $0xFFFFF000  }
.LBB2_10:
0x13b: {  	p0 =	sne.s32 s21, $0x3F80;
	[tilespmem:s22+$0x5000] =	vst v0;
	s23 =	smov.u32 s21;
	s21 =	sadd.s32 $0x80, s21  }
.Ltmp4:
0x13c: {  	[tilespmem:s22+$0x5010] =	vst v0;
	(pc) =	sbr.rel @p0 .LBB2_10-.Ltmp4, $2  }
0x13d: {  	_ =	sdelay $0x2  }
0x13e: {  	s22 =	sshra.s32 s23, $0x2  }
0x13f: {  	[tilespmem:s22+$0x5000] =	vst v0  }
0x140: {  	[tilespmem:s22+$0x5010] =	vst v0  }
0x141: {  	[spmem:s4] =	stream.linear.scatter [tilespmem:s11], [sflag:$0x3], $0x1000, $0x38;
	[tilespmem:$0xC000] =	vst v63  }
0x142: {  	_ =	swait.ge [sflag:s10], $0x1000  }
0x143: {  	[sflag:s10] =	ssyncset.done $0x0  }
0x144: {  	[sflag:s10] =	ssyncadd.s32 $0xFFFFF000  }
0x145: {  	[spmem:s5] =	stream.linear.scatter [tilespmem:s11], [sflag:$0x3], $0x1000, $0x38;
	[tilespmem:$0xC000] =	vst v63  }
0x146: {  	_ =	swait.ge [sflag:s10], $0x1000  }
0x147: {  	[sflag:s10] =	ssyncset.done $0x0  }
0x148: {  	[sflag:s10] =	ssyncadd.s32 $0xFFFFF000  }
0x149: {  	[spmem:s6] =	stream.linear.scatter [tilespmem:s11], [sflag:$0x3], $0x1000, $0x38;
	[tilespmem:$0xC000] =	vst v63  }
0x14a: {  	_ =	swait.ge [sflag:s10], $0x1000  }
0x14b: {  	[sflag:s10] =	ssyncset.done $0x0  }
0x14c: {  	[sflag:s10] =	ssyncadd.s32 $0xFFFFF000  }
0x14d: {  	[spmem:s7] =	stream.linear.scatter [tilespmem:s11], [sflag:$0x3], $0x1000, $0x38;
	[tilespmem:$0xC000] =	vst v63  }
0x14e: {  	_ =	swait.ge [sflag:s10], $0x1000  }
0x14f: {  	[sflag:s10] =	ssyncset.done $0x0  }
0x150: {  	[sflag:s10] =	ssyncadd.s32 $0xFFFFF000  }
0x151: {  	[spmem:s8] =	stream.linear.scatter [tilespmem:s11], [sflag:$0x3], $0x1000, $0x38;
	[tilespmem:$0xC000] =	vst v63  }
0x152: {  	_ =	swait.ge [sflag:s10], $0x1000  }
0x153: {  	[sflag:s10] =	ssyncset.done $0x0  }
0x154: {  	[sflag:s10] =	ssyncadd.s32 $0xFFFFF000  }
0x155: {  	s21 =	simm.s32 $0x0;
	[bflag:$0x0] =	sbarrier.arrive $0xFFFF  }
0x156: {  	[tilespmem:s11], [sflag:$0x1] =	stream.indirect.gather [hbm4b:s20+s12], $0x20, s21, s12, $0xb8;
	[tilespmem:$0xC000] =	vst v63  }
0x157: {  	s22 =	simm.s32 $0x80  }
0x158: {  	[tilespmem:s13], [sflag:$0x2] =	stream.indirect.gather [hbm4b:s20+s12], $0x20, s22, s12, $0xb8;
	[tilespmem:$0xC000] =	vst v63  }
0x159: {  	_ =	swait.ge [sflag:s14], $0x1000  }
0x15a: {  	[sflag:s14] =	ssyncset.done $0x0  }
0x15b: {  	s23 =	simm.s32 $0x2800;
	[sflag:s14] =	ssyncadd.s32 $0xFFFFF000  }
0x15c: {  	[spmem:s24] =	stream.indirect.scatter.add.f32 [tilespmem:s11], [sflag:$0x3], $0x20, s23, s12, $0xb8;
	[tilespmem:$0xC000] =	vst v63  }
0x15d: {  	_ =	swait.ge [sflag:s10], $0x1000  }
0x15e: {  	[sflag:s10] =	ssyncset.done $0x0  }
0x15f: {  	s25 =	simm.s32 $0x100;
	[sflag:s10] =	ssyncadd.s32 $0xFFFFF000  }
0x160: {  	[tilespmem:s11], [sflag:$0x1] =	stream.indirect.gather [hbm4b:s20+s12], $0x20, s25, s12, $0xb8;
	[tilespmem:$0xC000] =	vst v63  }
0x161: {  	_ =	swait.ge [sflag:s15], $0x1000  }
0x162: {  	[sflag:s15] =	ssyncset.done $0x0  }
0x163: {  	s26 =	simm.s32 $0x2880;
	[sflag:s15] =	ssyncadd.s32 $0xFFFFF000  }
0x164: {  	[spmem:s24] =	stream.indirect.scatter.add.f32 [tilespmem:s13], [sflag:$0x3], $0x20, s26, s12, $0xb8;
	[tilespmem:$0xC000] =	vst v63  }
0x165: {  	_ =	swait.ge [sflag:s10], $0x1000  }
0x166: {  	s21 =	simm.s32 $0x100;
	s22 =	simm.s32 $0x800;
	[sflag:s10] =	ssyncset.done $0x0  }
.LBB2_12:
0x167: {  	s23 =	sadd.s32 $0x80, s21  }
0x168: {  	[sflag:s10] =	ssyncadd.s32 $0xFFFFF000;
	s25 =	smov.u32 s22;
	s26 =	sadd.s32 $0x400, s22  }
0x169: {  	[tilespmem:s13], [sflag:$0x2] =	stream.indirect.gather [hbm4b:s20+s12], $0x20, s23, s12, $0xb8;
	[tilespmem:$0xC000] =	vst v63  }
0x16a: {  	p0 =	sne.s32 s22, $0x9800;
	_ =	swait.ge [sflag:s14], $0x1000  }
0x16b: {  	[sflag:s14] =	ssyncset.done $0x0  }
0x16c: {  	s22 =	sadd.s32 $0x2800, s21;
	[sflag:s14] =	ssyncadd.s32 $0xFFFFF000  }
0x16d: {  	[spmem:s24] =	stream.indirect.scatter.add.f32 [tilespmem:s11], [sflag:$0x3], $0x20, s22, s12, $0xb8;
	[tilespmem:$0xC000] =	vst v63  }
0x16e: {  	_ =	swait.ge [sflag:s10], $0x1000  }
0x16f: {  	[sflag:s10] =	ssyncset.done $0x0  }
0x170: {  	s22 =	sadd.s32 $0x100, s21;
	[sflag:s10] =	ssyncadd.s32 $0xFFFFF000  }
0x171: {  	[tilespmem:s11], [sflag:$0x1] =	stream.indirect.gather [hbm4b:s20+s12], $0x20, s22, s12, $0xb8;
	[tilespmem:$0xC000] =	vst v63  }
0x172: {  	_ =	swait.ge [sflag:s15], $0x1000  }
.Ltmp5:
0x173: {  	[sflag:s15] =	ssyncset.done $0x0;
	(pc) =	sbr.rel @p0 .LBB2_12-.Ltmp5, $4  }
0x174: {  	s21 =	sadd.s32 $0x2880, s21;
	[sflag:s15] =	ssyncadd.s32 $0xFFFFF000  }
0x175: {  	[spmem:s24] =	stream.indirect.scatter.add.f32 [tilespmem:s13], [sflag:$0x3], $0x20, s21, s12, $0xb8;
	[tilespmem:$0xC000] =	vst v63  }
0x176: {  	_ =	swait.ge [sflag:s10], $0x1000  }
0x177: {  	s22 =	smov.u32 s26;
	s21 =	sshra.s32 s25, $0x2;
	[sflag:s10] =	ssyncset.done $0x0  }
0x178: {  	s22 =	sadd.s32 $0x80, s21;
	[sflag:s10] =	ssyncadd.s32 $0xFFFFF000  }
0x179: {  	[tilespmem:s13], [sflag:$0x2] =	stream.indirect.gather [hbm4b:s20+s12], $0x20, s22, s12, $0xb8;
	[tilespmem:$0xC000] =	vst v63  }
0x17a: {  	_ =	swait.ge [sflag:s14], $0x1000  }
0x17b: {  	[sflag:s14] =	ssyncset.done $0x0  }
0x17c: {  	s25 =	sadd.s32 $0x2800, s21;
	[sflag:s14] =	ssyncadd.s32 $0xFFFFF000  }
0x17d: {  	[spmem:s24] =	stream.indirect.scatter.add.f32 [tilespmem:s11], [sflag:$0x3], $0x20, s25, s12, $0xb8;
	[tilespmem:$0xC000] =	vst v63  }
0x17e: {  	_ =	swait.ge [sflag:s10], $0x1000  }
0x17f: {  	[sflag:s10] =	ssyncset.done $0x0  }
0x180: {  	s26 =	sadd.s32 $0x100, s21;
	[sflag:s10] =	ssyncadd.s32 $0xFFFFF000  }
0x181: {  	[tilespmem:s11], [sflag:$0x1] =	stream.indirect.gather [hbm4b:s20+s12], $0x20, s26, s12, $0xb8;
	[tilespmem:$0xC000] =	vst v63  }
0x182: {  	_ =	swait.ge [sflag:s15], $0x1000  }
0x183: {  	[sflag:s15] =	ssyncset.done $0x0  }
0x184: {  	s23 =	sadd.s32 $0x2880, s21;
	[sflag:s15] =	ssyncadd.s32 $0xFFFFF000  }
0x185: {  	[spmem:s24] =	stream.indirect.scatter.add.f32 [tilespmem:s13], [sflag:$0x3], $0x20, s23, s12, $0xb8;
	[tilespmem:$0xC000] =	vst v63  }
0x186: {  	_ =	swait.ge [sflag:s10], $0x1000  }
0x187: {  	[sflag:s10] =	ssyncset.done $0x0  }
0x188: {  	[sflag:s10] =	ssyncadd.s32 $0xFFFFF000  }
0x189: {  	[tilespmem:s13], [sflag:$0x2] =	stream.indirect.gather [hbm4b:s20+s12], $0x20, s16, s12, $0xb8;
	[tilespmem:$0xC000] =	vst v63  }
0x18a: {  	_ =	swait.ge [sflag:s14], $0x1000  }
0x18b: {  	[sflag:s14] =	ssyncset.done $0x0  }
0x18c: {  	[sflag:s14] =	ssyncadd.s32 $0xFFFFF000  }
0x18d: {  	[spmem:s24] =	stream.indirect.scatter.add.f32 [tilespmem:s11], [sflag:$0x3], $0x20, s17, s12, $0xb8;
	[tilespmem:$0xC000] =	vst v63  }
0x18e: {  	_ =	swait.ge [sflag:s10], $0x1000  }
0x18f: {  	[sflag:s10] =	ssyncset.done $0x0  }
0x190: {  	[sflag:s10] =	ssyncadd.s32 $0xFFFFF000  }
0x191: {  	_ =	swait.ge [sflag:s15], $0x1000  }
0x192: {  	[sflag:s15] =	ssyncset.done $0x0  }
0x193: {  	[sflag:s15] =	ssyncadd.s32 $0xFFFFF000  }
0x194: {  	[spmem:s24] =	stream.indirect.scatter.add.f32 [tilespmem:s13], [sflag:$0x3], $0x20, s18, s12, $0xb8;
	[tilespmem:$0xC000] =	vst v63  }
0x195: {  	_ =	swait.ge [sflag:s10], $0x1000  }
0x196: {  	[sflag:s10] =	ssyncset.done $0x0  }
0x197: {  	[sflag:s10] =	ssyncadd.s32 $0xFFFFF000  }
0x198: {  	[bflag:$0x0] =	sbarrier.arrive $0xFFFF  }
0x199: {  	[tilespmem:s11], [sflag:$0x3] =	stream.linear.gather [spmem:s4], $0x1000, $0x38;
	[tilespmem:$0xC000] =	vst v63  }
0x19a: {  	_ =	swait.ge [sflag:s10], $0x1000  }
0x19b: {  	[sflag:s10] =	ssyncset.done $0x0  }
0x19c: {  	s21 =	simm.s32 $0x0;
	s25 =	rddreg [dreg:$0xd];
	[sflag:s10] =	ssyncadd.s32 $0xFFFFF000  }
0x19d: {  	[hbm4b:s25+s21] =	stream.linear.scatter [tilespmem:s11], [sflag:$0x3], $0x1000, $0x38;
	[tilespmem:$0xC000] =	vst v63  }
0x19e: {  	_ =	swait.ge [sflag:s10], $0x1000  }
0x19f: {  	[sflag:s10] =	ssyncset.done $0x0  }
0x1a0: {  	[sflag:s10] =	ssyncadd.s32 $0xFFFFF000  }
0x1a1: {  	[tilespmem:s11], [sflag:$0x3] =	stream.linear.gather [spmem:s5], $0x1000, $0x38;
	[tilespmem:$0xC000] =	vst v63  }
0x1a2: {  	_ =	swait.ge [sflag:s10], $0x1000  }
0x1a3: {  	[sflag:s10] =	ssyncset.done $0x0  }
0x1a4: {  	s26 =	rddreg [dreg:$0xe];
	[sflag:s10] =	ssyncadd.s32 $0xFFFFF000  }
0x1a5: {  	[hbm4b:s26+s21] =	stream.linear.scatter [tilespmem:s11], [sflag:$0x3], $0x1000, $0x38;
	[tilespmem:$0xC000] =	vst v63  }
0x1a6: {  	_ =	swait.ge [sflag:s10], $0x1000  }
0x1a7: {  	[sflag:s10] =	ssyncset.done $0x0  }
0x1a8: {  	[sflag:s10] =	ssyncadd.s32 $0xFFFFF000  }
0x1a9: {  	[tilespmem:s11], [sflag:$0x3] =	stream.linear.gather [spmem:s6], $0x1000, $0x38;
	[tilespmem:$0xC000] =	vst v63  }
0x1aa: {  	_ =	swait.ge [sflag:s10], $0x1000  }
0x1ab: {  	[sflag:s10] =	ssyncset.done $0x0  }
0x1ac: {  	s23 =	rddreg [dreg:$0xf];
	[sflag:s10] =	ssyncadd.s32 $0xFFFFF000  }
0x1ad: {  	[hbm4b:s23+s21] =	stream.linear.scatter [tilespmem:s11], [sflag:$0x3], $0x1000, $0x38;
	[tilespmem:$0xC000] =	vst v63  }
0x1ae: {  	_ =	swait.ge [sflag:s10], $0x1000  }
0x1af: {  	[sflag:s10] =	ssyncset.done $0x0  }
0x1b0: {  	[sflag:s10] =	ssyncadd.s32 $0xFFFFF000  }
0x1b1: {  	[tilespmem:s11], [sflag:$0x3] =	stream.linear.gather [spmem:s7], $0x1000, $0x38;
	[tilespmem:$0xC000] =	vst v63  }
0x1b2: {  	_ =	swait.ge [sflag:s10], $0x1000  }
0x1b3: {  	[sflag:s10] =	ssyncset.done $0x0  }
0x1b4: {  	s25 =	rddreg [dreg:$0x10];
	[sflag:s10] =	ssyncadd.s32 $0xFFFFF000  }
0x1b5: {  	[hbm4b:s25+s21] =	stream.linear.scatter [tilespmem:s11], [sflag:$0x3], $0x1000, $0x38;
	[tilespmem:$0xC000] =	vst v63  }
0x1b6: {  	_ =	swait.ge [sflag:s10], $0x1000  }
0x1b7: {  	[sflag:s10] =	ssyncset.done $0x0  }
0x1b8: {  	[sflag:s10] =	ssyncadd.s32 $0xFFFFF000  }
0x1b9: {  	[tilespmem:s11], [sflag:$0x3] =	stream.linear.gather [spmem:s8], $0x1000, $0x38;
	[tilespmem:$0xC000] =	vst v63  }
0x1ba: {  	_ =	swait.ge [sflag:s10], $0x1000  }
0x1bb: {  	[sflag:s10] =	ssyncset.done $0x0  }
0x1bc: {  	s26 =	rddreg [dreg:$0x11];
	[sflag:s10] =	ssyncadd.s32 $0xFFFFF000  }
0x1bd: {  	[hbm4b:s26+s21] =	stream.linear.scatter [tilespmem:s11], [sflag:$0x3], $0x1000, $0x38;
	[tilespmem:$0xC000] =	vst v63  }
0x1be: {  	_ =	swait.ge [sflag:s10], $0x1000  }
0x1bf: {  	[sflag:s10] =	ssyncset.done $0x0  }
0x1c0: {  	s22 =	simm.s32 $0x0;
	s21 =	simm.s32 $0x80;
	[sflag:s10] =	ssyncadd.s32 $0xFFFFF000  }
.LBB2_14:
0x1c1: {  	p0 =	sne.s32 s21, $0x3F80;
	[tilespmem:s22+$0x5000] =	vst v0;
	s23 =	smov.u32 s21;
	s21 =	sadd.s32 $0x80, s21  }
.Ltmp6:
0x1c2: {  	[tilespmem:s22+$0x5010] =	vst v0;
	(pc) =	sbr.rel @p0 .LBB2_14-.Ltmp6, $2  }
0x1c3: {  	_ =	sdelay $0x2  }
0x1c4: {  	s22 =	sshra.s32 s23, $0x2  }
0x1c5: {  	[tilespmem:s22+$0x5000] =	vst v0  }
0x1c6: {  	[tilespmem:s22+$0x5010] =	vst v0  }
0x1c7: {  	[spmem:s4] =	stream.linear.scatter [tilespmem:s11], [sflag:$0x3], $0x1000, $0x38;
	[tilespmem:$0xC000] =	vst v63  }
0x1c8: {  	_ =	swait.ge [sflag:s10], $0x1000  }
0x1c9: {  	[sflag:s10] =	ssyncset.done $0x0  }
0x1ca: {  	[sflag:s10] =	ssyncadd.s32 $0xFFFFF000  }
0x1cb: {  	[spmem:s5] =	stream.linear.scatter [tilespmem:s11], [sflag:$0x3], $0x1000, $0x38;
	[tilespmem:$0xC000] =	vst v63  }
0x1cc: {  	_ =	swait.ge [sflag:s10], $0x1000  }
0x1cd: {  	[sflag:s10] =	ssyncset.done $0x0  }
0x1ce: {  	[sflag:s10] =	ssyncadd.s32 $0xFFFFF000  }
0x1cf: {  	[spmem:s6] =	stream.linear.scatter [tilespmem:s11], [sflag:$0x3], $0x1000, $0x38;
	[tilespmem:$0xC000] =	vst v63  }
0x1d0: {  	_ =	swait.ge [sflag:s10], $0x1000  }
0x1d1: {  	[sflag:s10] =	ssyncset.done $0x0  }
0x1d2: {  	[sflag:s10] =	ssyncadd.s32 $0xFFFFF000  }
0x1d3: {  	[spmem:s7] =	stream.linear.scatter [tilespmem:s11], [sflag:$0x3], $0x1000, $0x38;
	[tilespmem:$0xC000] =	vst v63  }
0x1d4: {  	_ =	swait.ge [sflag:s10], $0x1000  }
0x1d5: {  	[sflag:s10] =	ssyncset.done $0x0  }
0x1d6: {  	[sflag:s10] =	ssyncadd.s32 $0xFFFFF000  }
0x1d7: {  	[spmem:s8] =	stream.linear.scatter [tilespmem:s11], [sflag:$0x3], $0x1000, $0x38;
	[tilespmem:$0xC000] =	vst v63  }
0x1d8: {  	_ =	swait.ge [sflag:s10], $0x1000  }
0x1d9: {  	[sflag:s10] =	ssyncset.done $0x0  }
0x1da: {  	[sflag:s10] =	ssyncadd.s32 $0xFFFFF000  }
0x1db: {  	s21 =	simm.s32 $0x0;
	[bflag:$0x0] =	sbarrier.arrive $0xFFFF  }
0x1dc: {  	[tilespmem:s11], [sflag:$0x1] =	stream.indirect.gather [hbm4b:s0+s12], $0x20, s21, s12, $0xb8;
	[tilespmem:$0xC000] =	vst v63  }
0x1dd: {  	s22 =	simm.s32 $0x80  }
0x1de: {  	[tilespmem:s13], [sflag:$0x2] =	stream.indirect.gather [hbm4b:s0+s12], $0x20, s22, s12, $0xb8;
	[tilespmem:$0xC000] =	vst v63  }
0x1df: {  	_ =	swait.ge [sflag:s14], $0x1000  }
0x1e0: {  	[sflag:s14] =	ssyncset.done $0x0  }
0x1e1: {  	s23 =	simm.s32 $0x2800;
	[sflag:s14] =	ssyncadd.s32 $0xFFFFF000  }
0x1e2: {  	[spmem:s24] =	stream.indirect.scatter.add.f32 [tilespmem:s11], [sflag:$0x3], $0x20, s23, s12, $0xb8;
	[tilespmem:$0xC000] =	vst v63  }
0x1e3: {  	_ =	swait.ge [sflag:s10], $0x1000  }
0x1e4: {  	[sflag:s10] =	ssyncset.done $0x0  }
0x1e5: {  	s25 =	simm.s32 $0x100;
	[sflag:s10] =	ssyncadd.s32 $0xFFFFF000  }
0x1e6: {  	[tilespmem:s11], [sflag:$0x1] =	stream.indirect.gather [hbm4b:s0+s12], $0x20, s25, s12, $0xb8;
	[tilespmem:$0xC000] =	vst v63  }
0x1e7: {  	_ =	swait.ge [sflag:s15], $0x1000  }
0x1e8: {  	[sflag:s15] =	ssyncset.done $0x0  }
0x1e9: {  	s26 =	simm.s32 $0x2880;
	[sflag:s15] =	ssyncadd.s32 $0xFFFFF000  }
0x1ea: {  	[spmem:s24] =	stream.indirect.scatter.add.f32 [tilespmem:s13], [sflag:$0x3], $0x20, s26, s12, $0xb8;
	[tilespmem:$0xC000] =	vst v63  }
0x1eb: {  	_ =	swait.ge [sflag:s10], $0x1000  }
0x1ec: {  	s21 =	simm.s32 $0x100;
	s22 =	simm.s32 $0x800;
	[sflag:s10] =	ssyncset.done $0x0  }
.LBB2_16:
0x1ed: {  	s23 =	sadd.s32 $0x80, s21  }
0x1ee: {  	[sflag:s10] =	ssyncadd.s32 $0xFFFFF000;
	s25 =	smov.u32 s22;
	s26 =	sadd.s32 $0x400, s22  }
0x1ef: {  	[tilespmem:s13], [sflag:$0x2] =	stream.indirect.gather [hbm4b:s0+s12], $0x20, s23, s12, $0xb8;
	[tilespmem:$0xC000] =	vst v63  }
0x1f0: {  	p0 =	sne.s32 s22, $0x9800;
	_ =	swait.ge [sflag:s14], $0x1000  }
0x1f1: {  	[sflag:s14] =	ssyncset.done $0x0  }
0x1f2: {  	s22 =	sadd.s32 $0x2800, s21;
	[sflag:s14] =	ssyncadd.s32 $0xFFFFF000  }
0x1f3: {  	[spmem:s24] =	stream.indirect.scatter.add.f32 [tilespmem:s11], [sflag:$0x3], $0x20, s22, s12, $0xb8;
	[tilespmem:$0xC000] =	vst v63  }
0x1f4: {  	_ =	swait.ge [sflag:s10], $0x1000  }
0x1f5: {  	[sflag:s10] =	ssyncset.done $0x0  }
0x1f6: {  	s22 =	sadd.s32 $0x100, s21;
	[sflag:s10] =	ssyncadd.s32 $0xFFFFF000  }
0x1f7: {  	[tilespmem:s11], [sflag:$0x1] =	stream.indirect.gather [hbm4b:s0+s12], $0x20, s22, s12, $0xb8;
	[tilespmem:$0xC000] =	vst v63  }
0x1f8: {  	_ =	swait.ge [sflag:s15], $0x1000  }
.Ltmp7:
0x1f9: {  	[sflag:s15] =	ssyncset.done $0x0;
	(pc) =	sbr.rel @p0 .LBB2_16-.Ltmp7, $4  }
0x1fa: {  	s21 =	sadd.s32 $0x2880, s21;
	[sflag:s15] =	ssyncadd.s32 $0xFFFFF000  }
0x1fb: {  	[spmem:s24] =	stream.indirect.scatter.add.f32 [tilespmem:s13], [sflag:$0x3], $0x20, s21, s12, $0xb8;
	[tilespmem:$0xC000] =	vst v63  }
0x1fc: {  	_ =	swait.ge [sflag:s10], $0x1000  }
0x1fd: {  	s22 =	smov.u32 s26;
	s21 =	sshra.s32 s25, $0x2;
	[sflag:s10] =	ssyncset.done $0x0  }
0x1fe: {  	s22 =	sadd.s32 $0x80, s21;
	[sflag:s10] =	ssyncadd.s32 $0xFFFFF000  }
0x1ff: {  	[tilespmem:s13], [sflag:$0x2] =	stream.indirect.gather [hbm4b:s0+s12], $0x20, s22, s12, $0xb8;
	[tilespmem:$0xC000] =	vst v63  }
0x200: {  	_ =	swait.ge [sflag:s14], $0x1000  }
0x201: {  	[sflag:s14] =	ssyncset.done $0x0  }
0x202: {  	s25 =	sadd.s32 $0x2800, s21;
	[sflag:s14] =	ssyncadd.s32 $0xFFFFF000  }
0x203: {  	[spmem:s24] =	stream.indirect.scatter.add.f32 [tilespmem:s11], [sflag:$0x3], $0x20, s25, s12, $0xb8;
	[tilespmem:$0xC000] =	vst v63  }
0x204: {  	_ =	swait.ge [sflag:s10], $0x1000  }
0x205: {  	[sflag:s10] =	ssyncset.done $0x0  }
0x206: {  	s26 =	sadd.s32 $0x100, s21;
	[sflag:s10] =	ssyncadd.s32 $0xFFFFF000  }
0x207: {  	[tilespmem:s11], [sflag:$0x1] =	stream.indirect.gather [hbm4b:s0+s12], $0x20, s26, s12, $0xb8;
	[tilespmem:$0xC000] =	vst v63  }
0x208: {  	_ =	swait.ge [sflag:s15], $0x1000  }
0x209: {  	[sflag:s15] =	ssyncset.done $0x0  }
0x20a: {  	s23 =	sadd.s32 $0x2880, s21;
	[sflag:s15] =	ssyncadd.s32 $0xFFFFF000  }
0x20b: {  	[spmem:s24] =	stream.indirect.scatter.add.f32 [tilespmem:s13], [sflag:$0x3], $0x20, s23, s12, $0xb8;
	[tilespmem:$0xC000] =	vst v63  }
0x20c: {  	_ =	swait.ge [sflag:s10], $0x1000  }
0x20d: {  	[sflag:s10] =	ssyncset.done $0x0  }
0x20e: {  	[sflag:s10] =	ssyncadd.s32 $0xFFFFF000  }
0x20f: {  	[tilespmem:s13], [sflag:$0x2] =	stream.indirect.gather [hbm4b:s0+s12], $0x20, s16, s12, $0xb8;
	[tilespmem:$0xC000] =	vst v63  }
0x210: {  	_ =	swait.ge [sflag:s14], $0x1000  }
0x211: {  	[sflag:s14] =	ssyncset.done $0x0  }
0x212: {  	[sflag:s14] =	ssyncadd.s32 $0xFFFFF000  }
0x213: {  	[spmem:s24] =	stream.indirect.scatter.add.f32 [tilespmem:s11], [sflag:$0x3], $0x20, s17, s12, $0xb8;
	[tilespmem:$0xC000] =	vst v63  }
0x214: {  	_ =	swait.ge [sflag:s10], $0x1000  }
0x215: {  	[sflag:s10] =	ssyncset.done $0x0  }
0x216: {  	[sflag:s10] =	ssyncadd.s32 $0xFFFFF000  }
0x217: {  	_ =	swait.ge [sflag:s15], $0x1000  }
0x218: {  	[sflag:s15] =	ssyncset.done $0x0  }
0x219: {  	[sflag:s15] =	ssyncadd.s32 $0xFFFFF000  }
0x21a: {  	[spmem:s24] =	stream.indirect.scatter.add.f32 [tilespmem:s13], [sflag:$0x3], $0x20, s18, s12, $0xb8;
	[tilespmem:$0xC000] =	vst v63  }
0x21b: {  	_ =	swait.ge [sflag:s10], $0x1000  }
0x21c: {  	[sflag:s10] =	ssyncset.done $0x0  }
0x21d: {  	[sflag:s10] =	ssyncadd.s32 $0xFFFFF000  }
0x21e: {  	[bflag:$0x0] =	sbarrier.arrive $0xFFFF  }
0x21f: {  	[tilespmem:s11], [sflag:$0x3] =	stream.linear.gather [spmem:s4], $0x1000, $0x38;
	[tilespmem:$0xC000] =	vst v63  }
0x220: {  	_ =	swait.ge [sflag:s10], $0x1000  }
0x221: {  	[sflag:s10] =	ssyncset.done $0x0  }
0x222: {  	s21 =	simm.s32 $0x0;
	s25 =	rddreg [dreg:$0x12];
	[sflag:s10] =	ssyncadd.s32 $0xFFFFF000  }
0x223: {  	[hbm4b:s25+s21] =	stream.linear.scatter [tilespmem:s11], [sflag:$0x3], $0x1000, $0x38;
	[tilespmem:$0xC000] =	vst v63  }
0x224: {  	_ =	swait.ge [sflag:s10], $0x1000  }
0x225: {  	[sflag:s10] =	ssyncset.done $0x0  }
0x226: {  	[sflag:s10] =	ssyncadd.s32 $0xFFFFF000  }
0x227: {  	[tilespmem:s11], [sflag:$0x3] =	stream.linear.gather [spmem:s5], $0x1000, $0x38;
	[tilespmem:$0xC000] =	vst v63  }
0x228: {  	_ =	swait.ge [sflag:s10], $0x1000  }
0x229: {  	[sflag:s10] =	ssyncset.done $0x0  }
0x22a: {  	s26 =	rddreg [dreg:$0x13];
	[sflag:s10] =	ssyncadd.s32 $0xFFFFF000  }
0x22b: {  	[hbm4b:s26+s21] =	stream.linear.scatter [tilespmem:s11], [sflag:$0x3], $0x1000, $0x38;
	[tilespmem:$0xC000] =	vst v63  }
0x22c: {  	_ =	swait.ge [sflag:s10], $0x1000  }
0x22d: {  	[sflag:s10] =	ssyncset.done $0x0  }
0x22e: {  	[sflag:s10] =	ssyncadd.s32 $0xFFFFF000  }
0x22f: {  	[tilespmem:s11], [sflag:$0x3] =	stream.linear.gather [spmem:s6], $0x1000, $0x38;
	[tilespmem:$0xC000] =	vst v63  }
0x230: {  	_ =	swait.ge [sflag:s10], $0x1000  }
0x231: {  	[sflag:s10] =	ssyncset.done $0x0  }
0x232: {  	s23 =	rddreg [dreg:$0x14];
	[sflag:s10] =	ssyncadd.s32 $0xFFFFF000  }
0x233: {  	[hbm4b:s23+s21] =	stream.linear.scatter [tilespmem:s11], [sflag:$0x3], $0x1000, $0x38;
	[tilespmem:$0xC000] =	vst v63  }
0x234: {  	_ =	swait.ge [sflag:s10], $0x1000  }
0x235: {  	[sflag:s10] =	ssyncset.done $0x0  }
0x236: {  	[sflag:s10] =	ssyncadd.s32 $0xFFFFF000  }
0x237: {  	[tilespmem:s11], [sflag:$0x3] =	stream.linear.gather [spmem:s7], $0x1000, $0x38;
	[tilespmem:$0xC000] =	vst v63  }
0x238: {  	_ =	swait.ge [sflag:s10], $0x1000  }
0x239: {  	[sflag:s10] =	ssyncset.done $0x0  }
0x23a: {  	s25 =	rddreg [dreg:$0x15];
	[sflag:s10] =	ssyncadd.s32 $0xFFFFF000  }
0x23b: {  	[hbm4b:s25+s21] =	stream.linear.scatter [tilespmem:s11], [sflag:$0x3], $0x1000, $0x38;
	[tilespmem:$0xC000] =	vst v63  }
0x23c: {  	_ =	swait.ge [sflag:s10], $0x1000  }
0x23d: {  	[sflag:s10] =	ssyncset.done $0x0  }
0x23e: {  	[sflag:s10] =	ssyncadd.s32 $0xFFFFF000  }
0x23f: {  	[tilespmem:s11], [sflag:$0x3] =	stream.linear.gather [spmem:s8], $0x1000, $0x38;
	[tilespmem:$0xC000] =	vst v63  }
0x240: {  	_ =	swait.ge [sflag:s10], $0x1000  }
0x241: {  	[sflag:s10] =	ssyncset.done $0x0  }
0x242: {  	s26 =	rddreg [dreg:$0x16];
	[sflag:s10] =	ssyncadd.s32 $0xFFFFF000  }
0x243: {  	[hbm4b:s26+s21] =	stream.linear.scatter [tilespmem:s11], [sflag:$0x3], $0x1000, $0x38;
	[tilespmem:$0xC000] =	vst v63  }
0x244: {  	_ =	swait.ge [sflag:s10], $0x1000  }
0x245: {  	[sflag:s10] =	ssyncset.done $0x0  }
0x246: {  	s22 =	simm.s32 $0x0;
	s21 =	simm.s32 $0x80;
	[sflag:s10] =	ssyncadd.s32 $0xFFFFF000  }
.LBB2_18:
0x247: {  	p0 =	sne.s32 s21, $0x3F80;
	[tilespmem:s22+$0x5000] =	vst v0;
	s23 =	smov.u32 s21;
	s21 =	sadd.s32 $0x80, s21  }
.Ltmp8:
0x248: {  	[tilespmem:s22+$0x5010] =	vst v0;
	(pc) =	sbr.rel @p0 .LBB2_18-.Ltmp8, $2  }
0x249: {  	_ =	sdelay $0x2  }
0x24a: {  	s22 =	sshra.s32 s23, $0x2  }
0x24b: {  	[tilespmem:s22+$0x5000] =	vst v0  }
0x24c: {  	[tilespmem:s22+$0x5010] =	vst v0  }
0x24d: {  	[spmem:s4] =	stream.linear.scatter [tilespmem:s11], [sflag:$0x3], $0x1000, $0x38;
	[tilespmem:$0xC000] =	vst v63  }
0x24e: {  	_ =	swait.ge [sflag:s10], $0x1000  }
0x24f: {  	[sflag:s10] =	ssyncset.done $0x0  }
0x250: {  	[sflag:s10] =	ssyncadd.s32 $0xFFFFF000  }
0x251: {  	[spmem:s5] =	stream.linear.scatter [tilespmem:s11], [sflag:$0x3], $0x1000, $0x38;
	[tilespmem:$0xC000] =	vst v63  }
0x252: {  	_ =	swait.ge [sflag:s10], $0x1000  }
0x253: {  	[sflag:s10] =	ssyncset.done $0x0  }
0x254: {  	[sflag:s10] =	ssyncadd.s32 $0xFFFFF000  }
0x255: {  	[spmem:s6] =	stream.linear.scatter [tilespmem:s11], [sflag:$0x3], $0x1000, $0x38;
	[tilespmem:$0xC000] =	vst v63  }
0x256: {  	_ =	swait.ge [sflag:s10], $0x1000  }
0x257: {  	[sflag:s10] =	ssyncset.done $0x0  }
0x258: {  	[sflag:s10] =	ssyncadd.s32 $0xFFFFF000  }
0x259: {  	[spmem:s7] =	stream.linear.scatter [tilespmem:s11], [sflag:$0x3], $0x1000, $0x38;
	[tilespmem:$0xC000] =	vst v63  }
0x25a: {  	_ =	swait.ge [sflag:s10], $0x1000  }
0x25b: {  	[sflag:s10] =	ssyncset.done $0x0  }
0x25c: {  	[sflag:s10] =	ssyncadd.s32 $0xFFFFF000  }
0x25d: {  	[spmem:s8] =	stream.linear.scatter [tilespmem:s11], [sflag:$0x3], $0x1000, $0x38;
	[tilespmem:$0xC000] =	vst v63  }
0x25e: {  	_ =	swait.ge [sflag:s10], $0x1000  }
0x25f: {  	[sflag:s10] =	ssyncset.done $0x0  }
0x260: {  	s21 =	simm.s32 $0x80;
	s22 =	simm.s32 $0x0;
	[sflag:s10] =	ssyncadd.s32 $0xFFFFF000  }
.LBB2_20:
0x261: {  	p0 =	sne.s32 s21, $0x3F80;
	[tilespmem:s22+$0x5000] =	vst v1;
	s23 =	smov.u32 s21;
	s21 =	sadd.s32 $0x80, s21  }
.Ltmp9:
0x262: {  	[tilespmem:s22+$0x5010] =	vst v1;
	(pc) =	sbr.rel @p0 .LBB2_20-.Ltmp9, $2  }
0x263: {  	_ =	sdelay $0x2  }
0x264: {  	s22 =	sshra.s32 s23, $0x2  }
0x265: {  	[tilespmem:s22+$0x5000] =	vst v1  }
0x266: {  	[tilespmem:s22+$0x5010] =	vst v1  }
0x267: {  	s21 =	simm.s32 $0x0;
	[bflag:$0x0] =	sbarrier.arrive $0xFFFF  }
.LBB2_22:
0x268: {  	p0 =	sne.s32 s21, $0x9E00  }
.Ltmp10:
0x269: {  	_ = 	snop;
	(pc) =	sbr.rel @p0 .LBB2_22-.Ltmp10, $4  }
0x26a: {  	_ = 	snop  }
0x26b: {  	s22 =	sshra.s32 s21, $0x2  }
0x26c: {  	s21 =	sadd.s32 $0x200, s21;
	s22 =	sadd.s32 $0x2800, s22  }
0x26d: {  	[spmem:s24] =	stream.indirect.scatter.add.f32 [tilespmem:s11], [sflag:$0x2], $0x20, s22, s12, $0xb8;
	[tilespmem:$0xC000] =	vst v63  }
0x26e: {  	_ =	swait.ge [sflag:s15], $0x1000  }
0x26f: {  	s21 =	simm.s32 $0x4F;
	[sflag:s15] =	ssyncset.done $0x0  }
.LBB2_24:
0x270: {  	p0 =	sne.s32 s21, $0x1;
	s21 =	sadd.s32 $0xFFFFFFFF, s21;
	[sflag:s15] =	ssyncadd.s32 $0xFFFFF000  }
.Ltmp11:
0x271: {  	(pc) =	sbr.rel @p0 .LBB2_24-.Ltmp11, $3  }
0x272: {  	_ =	sdelay $0x1  }
0x273: {  	_ =	swait.ge [sflag:s15], $0x1000  }
0x274: {  	[sflag:s15] =	ssyncset.done $0x0  }
0x275: {  	[sflag:s15] =	ssyncadd.s32 $0xFFFFF000  }
0x276: {  	[bflag:$0x0] =	sbarrier.arrive $0xFFFF  }
0x277: {  	[tilespmem:s11], [sflag:$0x3] =	stream.linear.gather [spmem:s4], $0x1000, $0x38;
	[tilespmem:$0xC000] =	vst v63  }
0x278: {  	_ =	swait.ge [sflag:s10], $0x1000  }
0x279: {  	[sflag:s10] =	ssyncset.done $0x0  }
0x27a: {  	s21 =	rddreg [dreg:$0x17];
	[sflag:s10] =	ssyncadd.s32 $0xFFFFF000  }
0x27b: {  	[hbm4b:s21+s1] =	stream.linear.scatter [tilespmem:s11], [sflag:$0x3], $0x1000, $0x38;
	[tilespmem:$0xC000] =	vst v63  }
0x27c: {  	_ =	swait.ge [sflag:s10], $0x1000  }
0x27d: {  	[sflag:s10] =	ssyncset.done $0x0  }
0x27e: {  	[sflag:s10] =	ssyncadd.s32 $0xFFFFF000  }
0x27f: {  	[tilespmem:s11], [sflag:$0x3] =	stream.linear.gather [spmem:s5], $0x1000, $0x38;
	[tilespmem:$0xC000] =	vst v63  }
0x280: {  	_ =	swait.ge [sflag:s10], $0x1000  }
0x281: {  	[sflag:s10] =	ssyncset.done $0x0  }
0x282: {  	s25 =	rddreg [dreg:$0x18];
	[sflag:s10] =	ssyncadd.s32 $0xFFFFF000  }
0x283: {  	[hbm4b:s25+s1] =	stream.linear.scatter [tilespmem:s11], [sflag:$0x3], $0x1000, $0x38;
	[tilespmem:$0xC000] =	vst v63  }
0x284: {  	_ =	swait.ge [sflag:s10], $0x1000  }
0x285: {  	[sflag:s10] =	ssyncset.done $0x0  }
0x286: {  	[sflag:s10] =	ssyncadd.s32 $0xFFFFF000  }
0x287: {  	[tilespmem:s11], [sflag:$0x3] =	stream.linear.gather [spmem:s6], $0x1000, $0x38;
	[tilespmem:$0xC000] =	vst v63  }
0x288: {  	_ =	swait.ge [sflag:s10], $0x1000  }
0x289: {  	[sflag:s10] =	ssyncset.done $0x0  }
0x28a: {  	s26 =	rddreg [dreg:$0x19];
	[sflag:s10] =	ssyncadd.s32 $0xFFFFF000  }
0x28b: {  	[hbm4b:s26+s1] =	stream.linear.scatter [tilespmem:s11], [sflag:$0x3], $0x1000, $0x38;
	[tilespmem:$0xC000] =	vst v63  }
0x28c: {  	_ =	swait.ge [sflag:s10], $0x1000  }
0x28d: {  	[sflag:s10] =	ssyncset.done $0x0  }
0x28e: {  	[sflag:s10] =	ssyncadd.s32 $0xFFFFF000  }
0x28f: {  	[tilespmem:s11], [sflag:$0x3] =	stream.linear.gather [spmem:s7], $0x1000, $0x38;
	[tilespmem:$0xC000] =	vst v63  }
0x290: {  	_ =	swait.ge [sflag:s10], $0x1000  }
0x291: {  	[sflag:s10] =	ssyncset.done $0x0  }
0x292: {  	[sflag:s10] =	ssyncadd.s32 $0xFFFFF000  }
0x293: {  	[hbm4b:s28+s1] =	stream.linear.scatter [tilespmem:s11], [sflag:$0x3], $0x1000, $0x38;
	[tilespmem:$0xC000] =	vst v63  }
0x294: {  	_ =	swait.ge [sflag:s10], $0x1000  }
0x295: {  	[sflag:s10] =	ssyncset.done $0x0  }
0x296: {  	[sflag:s10] =	ssyncadd.s32 $0xFFFFF000  }
0x297: {  	[tilespmem:s11], [sflag:$0x3] =	stream.linear.gather [spmem:s8], $0x1000, $0x38;
	[tilespmem:$0xC000] =	vst v63  }
0x298: {  	s19 =	sadd.s32 $0x1, s19;
	_ =	swait.ge [sflag:s10], $0x1000  }
0x299: {  	p0 =	sne.s32 s19, s9;
	[sflag:s10] =	ssyncset.done $0x0  }
.Ltmp12:
0x29a: {  	[sflag:s10] =	ssyncadd.s32 $0xFFFFF000;
	(pc) =	sbr.rel @p0 .LBB2_1-.Ltmp12, $4  }
0x29b: {  	[hbm4b:s29+s1] =	stream.linear.scatter [tilespmem:s11], [sflag:$0x3], $0x1000, $0x38;
	[tilespmem:$0xC000] =	vst v63  }
0x29c: {  	_ =	swait.ge [sflag:s10], $0x1000  }
0x29d: {  	[sflag:s10] =	ssyncset.done $0x0  }
0x29e: {  	[sflag:s10] =	ssyncadd.s32 $0xFFFFF000  }
0x29f: {  	_ =	sfence.sel $0x180000  }
0x2a0: {  	[bflag:$0x0] =	sbarrier.arrive $0xFFFF  }
0x2a1: {  	_ =	strace $0x9000004A  }
0x2a2: {  	s0 =	stileid.u32;
	[bflag:$0x2] =	sbarrier.arrive $0xFFFF  }
0x2a3: {  	p0 =	sne.s32 s0, $0x0;
	s0 =	rddreg [dreg:$0x2]  }
0x2a4: {  	s0 =	sadd.s32 @!p0 $0x100000, s0  }
0x2a5: {  	[sflag:s0] =	ssyncadd.tile.s32 @!p0 $0x1;
	_ =	shalt  }
.Lfunc_end2:
_tile_overlayer_lowered:
.L_overlay_start_2:
0x2a6: {  	(tag) =	ssettag $0x2  }
0x2a7: {  	s0 =	rddreg [dreg:$0x0];
	s2 =	stileid.u32  }
0x2a8: {  	s1 =	rddreg [dreg:$0x1];
	p0 =	sne.s32 s2, $0x0  }
0x2a9: {  	s3 =	rddreg [dreg:$0x2];
	[bflag:$0x3] =	sbarrier.arrive $0xFFFF;
	s2 =	simm.s32 @!p0 $0x1C03  }
0x2aa: {  	[timem:s3], [sflag:s2] =	dma.local @!p0 [hbm:s0], s1  }
0x2ab: {  	s0 =	simm.s32 @!p0 $0x3  }
0x2ac: {  	_ =	swait.ge @!p0 [sflag:s0], s1  }
0x2ad: {  	s1 =	ssub.s32 @!p0 $0x0, s1;
	[sflag:s0] =	ssyncset.done @!p0 $0x0  }
0x2ae: {  	[sflag:s0] =	ssyncadd.s32 @!p0 s1  }
0x2af: {  	[bflag:$0x3] =	sbarrier.arrive $0xFFFF  }
0x2b0: {  	_ =	shalt  }

// kernel: kernel.4.cloned.1.call-start
scs
__scs_entry_jumppad:
0x0: {  	(pc) =	sbr.rel $0x88, $3  }
0x1: {  	(tag) =	ssettag $0x0;
	lr =	simm.s32 $0x1  }
0x2: {  	[smem:$0x3F94] =	sst lr;
	_ =	strace $0xD0000000  }
0x3: {  	_ = 	snop  }
0x4: {  	_ = 	snop  }
0x5: {  	_ = 	snop  }
0x6: {  	_ = 	snop  }
0x7: {  	_ = 	snop  }
__scs_overlays_trampoline_lowered:
0x8: {  	[smem:$0x3FA3] =	sst s0  }
0x9: {  	[smem:$0x3FA4] =	sst s1  }
0xa: {  	[smem:$0x3FA5] =	sst s2  }
0xb: {  	[smem:$0x3FA6] =	sst s3  }
0xc: {  	[smem:$0x3FA7] =	sst s4  }
0xd: {  	[smem:$0x3FA8] =	sst s5  }
0xe: {  	[smem:$0x3FA9] =	sst s6  }
0xf: {  	[smem:$0x3FAA] =	sst s7  }
0x10: {  	[smem:$0x3FAB] =	sst s8  }
0x11: {  	[smem:$0x3FAC] =	sst s9;
	s0 =	simm.s32 @!p0 $0x0  }
0x12: {  	s1 =	sld [smem:$0x3F92];
	s0 =	simm.s32 @p0 $0x1  }
0x13: {  	[smem:$0x3FAD] =	sst s0;
	s0 =	simm.s32 @!p1 $0x0  }
0x14: {  	s2 =	sld [smem:$0x3F91];
	s0 =	simm.s32 @p1 $0x1  }
0x15: {  	[smem:$0x3FAE] =	sst s0;
	s0 =	simm.s32 @!p2 $0x0  }
0x16: {  	s3 =	sld [smem:$0x3FDB];
	s0 =	simm.s32 @p2 $0x1  }
0x17: {  	s4 =	simm.s32 $0x1BF5;
	[smem:$0x3FB0] =	sst s0  }
0x18: {  	s0 =	sld [smem:$0x3F93];
	_ =	swait.ge [sflag:s4], $0x0  }
0x19: {  	s7 =	sld [smem:$0x3F94]  }
0x1a: {  	s8 =	sadd.s32 $0xFFFFE003, lr  }
0x1b: {  	s9 =	sadd.s32 $0xFFFFFEF7, lr;
	s5 =	simm.s32 $0xFFFFFFFF;
	p2 =	slt.u32 s8, $0xFFFFF086  }
0x1c: {  	p1 =	slt.u32 s9, $0xF7A;
	s5 =	simm.s32 @!p2 $0x0  }
0x1d: {  	s5 =	simm.s32 @p1 $0x1;
	p0 =	seq.s32 s7, s2  }
0x1e: {  	s7 =	smul.u32 @!p0 $0xF7A, s2;
	p2 =	seq.s32 @!p0 s5, $0x0  }
0x1f: {  	s9 =	smul.u32 $0xF7A, s1;
	s8 =	simm.s32 @!p0 $0x1BF5;
	p2 =	por !p2, p0  }
0x20: {  	[sflag:s8] =	ssyncset.s32 @!p0 $0xFFFFF086;
	s6 =	sadd.s32 @!p0 s3, s7;
	s7 =	simm.s32 @!p0 $0x108  }
0x21: {  	s3 =	sadd.s32 s3, s9;
	s6 =	sadd.s32 @!p0 $0x88, s6;
	s7 =	simm.s32 @p2 $0x1082  }
0x22: {  	[simem:s7], [sflag:s8] =	dma.local @!p0 [hbm:s6], $0xF7A  }
0x23: {  	s9 =	sor.u32 $0xD0000000, s2;
	s6 =	simm.s32 $0x108;
	_ =	swait.ge @!p0 [sflag:s8], $0x0  }
0x24: {  	s3 =	sadd.s32 $0x88, s3;
	s6 =	simm.s32 @!p1 $0x1082;
	[sflag:s4] =	ssyncset.s32 $0xFFFFF086  }
0x25: {  	[simem:s6], [sflag:s4] =	dma.local [hbm:s3], $0xF7A  }
0x26: {  	[smem:$0x3F94] =	sst s1;
	(tag) =	ssettag s2;
	_ =	strace s9  }
0x27: {  	s1 =	sld [smem:$0x3FA4]  }
0x28: {  	s2 =	sld [smem:$0x3FA5]  }
0x29: {  	s4 =	sld [smem:$0x3FA7]  }
0x2a: {  	p0 =	seq.s32 s5, $0x0;
	s5 =	sld [smem:$0x3FA8]  }
0x2b: {  	s6 =	sld [smem:$0x3FA9]  }
0x2c: {  	s7 =	sld [smem:$0x3FAA]  }
0x2d: {  	s3 =	simm.s32 $0x108;
	s8 =	sld [smem:$0x3FAB]  }
0x2e: {  	s3 =	simm.s32 @!p0 $0x1082;
	s9 =	sld [smem:$0x3FAC]  }
0x2f: {  	lr =	sadd.s32 s0, s3;
	s0 =	sld [smem:$0x3FA3]  }
0x30: {  	s3 =	sld [smem:$0x3FA6]  }
0x31: {  	[smem:$0x3FAF] =	sst s10  }
0x32: {  	s10 =	sld [smem:$0x3FAD];
	_ =	sdelay $0x3  }
0x33: {  	p0 =	seq.s32 s10, $0x1;
	s10 =	sld [smem:$0x3FAF];
	_ =	sdelay $0x3  }
0x34: {  	[smem:$0x3FAF] =	sst s10  }
0x35: {  	s10 =	sld [smem:$0x3FAE];
	_ =	sdelay $0x3  }
0x36: {  	p1 =	seq.s32 s10, $0x1;
	s10 =	sld [smem:$0x3FAF];
	_ =	sdelay $0x3  }
0x37: {  	[smem:$0x3FAF] =	sst s10  }
0x38: {  	s10 =	sld [smem:$0x3FB0]  }
0x39: {  	_ = 	snop;
	(pc) =	sbr.ind lr, $3  }
0x3a: {  	_ = 	snop  }
0x3b: {  	_ = 	snop  }
0x3c: {  	p2 =	seq.s32 s10, $0x1;
	s10 =	sld [smem:$0x3FAF]  }
0x3d: {  	_ =	shalt  }
0x3e: {  	_ =	shalt  }
0x3f: {  	_ =	shalt  }
0x40: {  	_ =	shalt  }
0x41: {  	_ =	shalt  }
0x42: {  	_ =	shalt  }
0x43: {  	_ =	shalt  }
0x44: {  	_ =	shalt  }
0x45: {  	_ =	shalt  }
0x46: {  	_ =	shalt  }
0x47: {  	_ =	shalt  }
0x48: {  	_ =	shalt  }
0x49: {  	_ =	shalt  }
0x4a: {  	_ =	shalt  }
0x4b: {  	_ =	shalt  }
0x4c: {  	_ =	shalt  }
0x4d: {  	_ =	shalt  }
0x4e: {  	_ =	shalt  }
0x4f: {  	_ =	shalt  }
0x50: {  	_ =	shalt  }
0x51: {  	_ =	shalt  }
0x52: {  	_ =	shalt  }
0x53: {  	_ =	shalt  }
0x54: {  	_ =	shalt  }
0x55: {  	_ =	shalt  }
0x56: {  	_ =	shalt  }
0x57: {  	_ =	shalt  }
0x58: {  	_ =	shalt  }
0x59: {  	_ =	shalt  }
0x5a: {  	_ =	shalt  }
0x5b: {  	_ =	shalt  }
0x5c: {  	_ =	shalt  }
0x5d: {  	_ =	shalt  }
0x5e: {  	_ =	shalt  }
0x5f: {  	_ =	shalt  }
0x60: {  	_ =	shalt  }
0x61: {  	_ =	shalt  }
0x62: {  	_ =	shalt  }
0x63: {  	_ =	shalt  }
0x64: {  	_ =	shalt  }
0x65: {  	_ =	shalt  }
0x66: {  	_ =	shalt  }
0x67: {  	_ =	shalt  }
0x68: {  	_ =	shalt  }
0x69: {  	_ =	shalt  }
0x6a: {  	_ =	shalt  }
0x6b: {  	_ =	shalt  }
0x6c: {  	_ =	shalt  }
0x6d: {  	_ =	shalt  }
0x6e: {  	_ =	shalt  }
0x6f: {  	_ =	shalt  }
0x70: {  	_ =	shalt  }
0x71: {  	_ =	shalt  }
0x72: {  	_ =	shalt  }
0x73: {  	_ =	shalt  }
0x74: {  	_ =	shalt  }
0x75: {  	_ =	shalt  }
0x76: {  	_ =	shalt  }
0x77: {  	_ =	shalt  }
0x78: {  	_ =	shalt  }
0x79: {  	_ =	shalt  }
0x7a: {  	_ =	shalt  }
0x7b: {  	_ =	shalt  }
0x7c: {  	_ =	shalt  }
0x7d: {  	_ =	shalt  }
0x7e: {  	_ =	shalt  }
0x7f: {  	_ =	shalt  }
0x80: {  	_ =	shalt  }
0x81: {  	_ =	shalt  }
0x82: {  	_ =	shalt  }
0x83: {  	_ =	shalt  }
0x84: {  	_ =	shalt  }
0x85: {  	_ =	shalt  }
0x86: {  	_ =	shalt  }
0x87: {  	_ =	shalt  }
.Lfunc_end0:
.L_simem_size_0:
called_computation.1_lowered:
.L_overlay_start_0:
0x88: {  	s2 =	sld [smem:$0x3FD9]  }
0x89: {  	s3 =	sld [smem:$0x3FFE];
	_ =	sdelay $0x1  }
0x8a: {  	s1 =	srdreg.scid  }
0x8b: {  	s0 =	sand.u32 $0x1, s1  }
0x8c: {  	s16 =	sshll.u32 s0, $0xA;
	s2 =	sadd.s32 s3, s2  }
0x8d: {  	s2 =	sadd.s32 s2, s16  }
0x8e: {  	[smem:$0x3FBB] =	sst s2  }
0x8f: {  	_ = 	snop  }
0x90: {  	(tm) =	ssettm $0x1  }
0x91: {  	s17 =	sld [smem:$0x3FFB];
	_ =	sdelay $0x3  }
0x92: {  	_ =	strace s17  }
0x93: {  	s2 =	sld [smem:$0x3FFC];
	_ =	sdelay $0x3  }
0x94: {  	_ =	strace s2  }
0x95: {  	s2 =	sld [smem:$0x3FFD];
	_ =	sdelay $0x3  }
0x96: {  	_ =	strace s2  }
0x97: {  	_ =	strace $0x8FFFFFFF  }
0x98: {  	s18 =	sld [smem:$0x3FDB];
	_ =	sdelay $0x1  }
0x99: {  	s19 =	simm.s32 $_scs_section_size  }
0x9a: {  	s4 =	simm.s32 $_size__tile_overlayer_lowered;
	s5 =	simm.s32 $_tile_overlayer_lowered  }
0x9b: {  	s22 =	simm.s32 $0x1BFF;
	s21 =	sshll.u32 s5, $0x1;
	s2 =	sadd.s32 s19, s18  }
0x9c: {  	s6 =	simm.s32 $0x0;
	s20 =	sshll.u32 s4, $0x1;
	s4 =	sadd.s32 s21, s2  }
0x9d: {  	[timem:s6], [sflag:s22] =	dma.local [hbm:s4], s20  }
0x9e: {  	_ =	swait.ge [sflag:s22], s20  }
0x9f: {  	s3 =	ssub.s32 $0x0, s20;
	[sflag:s22] =	ssyncset.done $0x0  }
0xa0: {  	[sflag:s22] =	ssyncadd.s32 s3;
	_ =	sdelay $0x1  }
0xa1: {  	s23 =	simm.s32 $0x1B8B  }
0xa2: {  	_ =	swait.ge [sflag:s23], $0x1  }
0xa3: {  	[sflag:s23] =	ssyncset.done $0x0  }
0xa4: {  	s25 =	simm.s32 $0x1B8E;
	s24 =	sld [smem:$0x3FFE];
	[sflag:s23] =	ssyncadd.s32 $0xFFFFFFFF  }
0xa5: {  	s26 =	simm.s32 $execute0_lowered;
	[smem:$0x3FD2] =	sst s25  }
0xa6: {  	s4 =	sshll.u32 s26, $0x1;
	_ =	strace $0x80000046;
	[dreg:$0x1] =	wrdreg $0xFFFFFFFF  }
0xa7: {  	s28 =	simm.s32 $_size_execute0_lowered;
	s2 =	sadd.s32 s2, s4;
	[dreg:$0x0] =	wrdreg $0x0  }
0xa8: {  	s4 =	sshll.u32 s28, $0x1;
	[dreg:$0x2] =	wrdreg s2  }
0xa9: {  	[dreg:$0x3] =	wrdreg s4  }
0xaa: {  	[dreg:$0x4] =	wrdreg $0xC0  }
0xab: {  	_ =	task [dreg:s6], $0x5FFFF  }
0xac: {  	[dreg:$0x1] =	wrdreg $0xFFFFFFFF  }
0xad: {  	[dreg:$0x0] =	wrdreg $0x60  }
0xae: {  	[dreg:$0x2] =	wrdreg s24  }
0xaf: {  	[dreg:$0x3] =	wrdreg $0x9  }
0xb0: {  	_ =	task.clear_ibuf [dreg:s6], $0x4FFFF;
	_ =	strace $0x90000046  }
0xb1: {  	s29 =	simm.s32 $0x9;
	_ =	strace $0x80000048  }
0xb2: {  	_ =	swait.ge [sflag:s29], $0x1  }
0xb3: {  	[sflag:s29] =	ssyncadd.s32 $0xFFFFFFFF  }
0xb4: {  	_ =	strace $0x90000048  }
0xb5: {  	_ =	sfence  }
0xb6: {  	s30 =	sld [smem:$0x0];
	_ =	sdelay $0x2  }
0xb7: {  	s31 =	sshll.u32 s1, $0xD;
	s1 =	sshrl.u32 s1, $0x2  }
0xb8: {  	s3 =	sand.u32 $0x4000, s31;
	s1 =	sadd.s32 s1, s30  }
0xb9: {  	s0 =	sor.u32 s3, s0;
	s1 =	sshll.u32 s1, $0x11  }
0xba: {  	s0 =	sor.u32 s1, s0  }
0xbb: {  	s0 =	sadd.s32 $0x8F2B, s0  }
0xbc: {  	[sflag:s0] =	ssyncadd.remote.s32 $0x1  }
0xbd: {  	_ =	sfence.sel $0xFFFF  }
0xbe: {  	[dreg:$0x0] =	wrdreg $0xFFFFFFFF;
	(pc) =	sbr.abs _section_cstart, $3  }
0xbf: {  	[dreg:$0x1] =	wrdreg $0xFFFFFFFF  }
0xc0: {  	_ =	task.clear_ibuf [dreg:s6], $0x2FFFF;
	_ =	strace $0x9FFFFFFF  }
0xc1: {  	(tm) =	ssettm $0x7FFFFFFF  }
tec
execute0_lowered:
.L_overlay_start_1:
0x0: {  	(tag) =	ssettag $0x1  }
0x1: {  	s6 =	rddreg [dreg:$0x0]  }
0x2: {  	s0 =	rddreg [dreg:$0x1]  }
0x3: {  	s1 =	simm.s32 $0x0;
	s2 =	srdreg.scid;
	s11 =	simm.s32 $0x20  }
0x4: {  	s12 =	simm.s32 $0x500;
	s13 =	simm.s32 $0x1500;
	s14 =	simm.s32 $0x2500  }
0x5: {  	s15 =	simm.s32 $0x3500;
	s16 =	simm.s32 $0x1;
	s17 =	simm.s32 $0x2  }
0x6: {  	s18 =	simm.s32 $0x3;
	s19 =	simm.s32 $0x4;
	s20 =	simm.s32 $0x4500  }
0x7: {  	s21 =	simm.s32 $0x0;
	[smem:$0x7FF] =	sst s1;
	s3 =	sadd.s32 $0x2800, s6  }
0x8: {  	s7 =	sand.u32 $0x1, s2;
	s4 =	sadd.s32 $0x29C00, s6;
	s2 =	stileid.u32  }
0x9: {  	s5 =	sadd.s32 $0x2CE00, s6;
	s6 =	sadd.s32 $0x30000, s6;
	s8 =	ssub.s32 $0x2, s7  }
0xa: {  	_ =	strace $0x80000047;
	s10 =	sshll.u32 s2, $0x1;
	s9 =	sshrl.u32 s8, $0x1  }
0xb: {  	s7 =	sor.u32 s7, s10;
	s10 =	simm.s32 $0x280;
	s8 =	ssub.s32 s8, s9  }
0xc: {  	s7 =	smul.u32 $0xC80, s7;
	s9 =	simm.s32 $0x5;
	s8 =	smax.u32 s8, $0x1  }
.LBB2_1:
0xd: {  	s22 =	simm.s32 $0x0  }
.LBB2_2:
0xe: {  	s23 =	smul.u32 $0x280, s22;
	_ =	sdelay $0x1  }
0xf: {  	s23 =	sadd.s32 s7, s23  }
0x10: {  	s25 =	sshrl.u32 s23, $0x3  }
0x11: {  	s24 =	simm.s32 $0x0;
	s26 =	sadd.s32 s4, s25  }
0x12: {  	[tilespmem:s24], [sflag:$0x5] =	stream.linear.gather [hbm4b:s26+s24], $0x280, $0x38;
	[tilespmem:$0x18500] =	vst v63  }
0x13: {  	_ =	swait.ge [sflag:s9], $0x280  }
0x14: {  	[sflag:s9] =	ssyncset.done $0x0  }
0x15: {  	s25 =	sadd.s32 s5, s25;
	[sflag:s9] =	ssyncadd.s32 $0xFFFFFD80  }
0x16: {  	[tilespmem:s10], [sflag:$0x5] =	stream.linear.gather [hbm4b:s25+s24], $0x280, $0x38;
	[tilespmem:$0x18500] =	vst v63  }
0x17: {  	_ =	swait.ge [sflag:s9], $0x280  }
0x18: {  	[sflag:s9] =	ssyncset.done $0x0  }
0x19: {  	[sflag:s9] =	ssyncadd.s32 $0xFFFFFD80  }
0x1a: {  	[tilespmem:s12], [sflag:$0x1] =	stream.indirect.gather [hbm4b:s3+s11], $0x80, s24, s11, $0xb8;
	[tilespmem:$0x18500] =	vst v63  }
0x1b: {  	s26 =	simm.s32 $0x5500;
	s25 =	simm.s32 $0x4500  }
0x1c: {  	[tilespmem:s13], [sflag:$0x2] =	stream.indirect.gather [hbm4b:s3+s11], $0x80, s10, s11, $0xb8;
	[tilespmem:$0x18500] =	vst v63  }
.LBB2_3:
0x1d: {  	s28 =	sshll.u32 s24, $0x6  }
0x1e: {  	s29 =	sor.u32 $0x20, s28  }
0x1f: {  	[tilespmem:s14], [sflag:$0x3] =	stream.indirect.gather [hbm4b:s3+s11], $0x80, s29, s11, $0xb8;
	[tilespmem:$0x18500] =	vst v63  }
0x20: {  	s29 =	sadd.s32 $0x2A0, s28  }
0x21: {  	[tilespmem:s15], [sflag:$0x4] =	stream.indirect.gather [hbm4b:s3+s11], $0x80, s29, s11, $0xb8;
	[tilespmem:$0x18500] =	vst v63  }
0x22: {  	_ =	swait.ge [sflag:s16], $0x1000  }
0x23: {  	[sflag:s16] =	ssyncset.done $0x0  }
0x24: {  	[sflag:s16] =	ssyncadd.s32 $0xFFFFF000  }
0x25: {  	_ =	swait.ge [sflag:s17], $0x1000  }
0x26: {  	[sflag:s17] =	ssyncset.done $0x0  }
0x27: {  	s29 =	simm.s32 $0x0;
	[sflag:s17] =	ssyncadd.s32 $0xFFFFF000  }
0x28: {  	v1 =	vld [tilespmem:s29+$0x1500]  }
0x29: {  	v2 =	vld [tilespmem:s29+$0x500]  }
0x2a: {  	v0 =	vmov s25;
	s30 =	simm.s32 $0x200;
	v3 =	vld [tilespmem:s29+$0x510]  }
.LBB2_4:
0x2b: {  	p0 =	sne.s32 s30, $0x3E00;
	v4 =	vld [tilespmem:s29+$0x1510]  }
0x2c: {  	v5 =	vld [tilespmem:s29+$0x520]  }
0x2d: {  	v6 =	vld [tilespmem:s29+$0x1520]  }
0x2e: {  	v7 =	vld [tilespmem:s29+$0x530]  }
0x2f: {  	v8 =	vld [tilespmem:s29+$0x1530]  }
0x30: {  	v1 =	vmul.f32 v1, v2;
	v2 =	vmul.f32 v4, v3;
	v3 =	vld [tilespmem:s29+$0x540]  }
0x31: {  	v4 =	vld [tilespmem:s29+$0x1540]  }
0x32: {  	v1 =	vadd.f32 v2, v1;
	v2 =	vmul.f32 v6, v5;
	v5 =	vld [tilespmem:s29+$0x550]  }
0x33: {  	v6 =	vld [tilespmem:s29+$0x1550]  }
0x34: {  	v1 =	vadd.f32 v2, v1;
	v2 =	vmul.f32 v8, v7;
	v7 =	vld [tilespmem:s29+$0x560]  }
0x35: {  	v8 =	vld [tilespmem:s29+$0x1560]  }
0x36: {  	v1 =	vadd.f32 v2, v1;
	v2 =	vmul.f32 v4, v3;
	v3 =	vld [tilespmem:s29+$0x570]  }
0x37: {  	v4 =	vld [tilespmem:s29+$0x1570]  }
0x38: {  	v1 =	vadd.f32 v2, v1;
	v2 =	vmul.f32 v6, v5;
	_ =	sdelay $0x1  }
0x39: {  	v1 =	vadd.f32 v2, v1;
	v2 =	vmul.f32 v8, v7;
	_ =	sdelay $0x1  }
0x3a: {  	v1 =	vadd.f32 v2, v1;
	v2 =	vmul.f32 v4, v3;
	_ =	sdelay $0x1  }
0x3b: {  	v1 =	vadd.f32 v2, v1  }
.Ltmp0:
0x3c: {  	(pc) =	sbr.rel @p0 .LBB2_4-.Ltmp0, $4  }
0x3d: {  	[tilespmem:v0+s29+$0x0 ss:$0x1] =	vst.idx.msk $0xffff, v1;
	s29 =	sshra.s32 s30, $0x2  }
0x3e: {  	v1 =	vld [tilespmem:s29+$0x1500]  }
0x3f: {  	v2 =	vld [tilespmem:s29+$0x500]  }
0x40: {  	s30 =	sadd.s32 $0x200, s30;
	v3 =	vld [tilespmem:s29+$0x510]  }
0x41: {  	v4 =	vld [tilespmem:s29+$0x1510]  }
0x42: {  	v5 =	vld [tilespmem:s29+$0x520]  }
0x43: {  	v6 =	vld [tilespmem:s29+$0x1520]  }
0x44: {  	v7 =	vld [tilespmem:s29+$0x530]  }
0x45: {  	v8 =	vld [tilespmem:s29+$0x1530]  }
0x46: {  	v1 =	vmul.f32 v1, v2;
	v2 =	vmul.f32 v4, v3;
	v3 =	vld [tilespmem:s29+$0x540]  }
0x47: {  	v4 =	vld [tilespmem:s29+$0x1540]  }
0x48: {  	v61 =	vld [tilespmem:s29+$0x1550];
	v1 =	vadd.f32 v2, v1;
	v2 =	vmul.f32 v6, v5  }
0x49: {  	v5 =	vld [tilespmem:s29+$0x550]  }
0x4a: {  	v62 =	vld [tilespmem:s29+$0x560];
	v1 =	vadd.f32 v2, v1;
	v2 =	vmul.f32 v8, v7  }
0x4b: {  	v63 =	vld [tilespmem:s29+$0x1560]  }
0x4c: {  	v1 =	vadd.f32 v2, v1;
	v2 =	vmul.f32 v4, v3;
	v3 =	vld [tilespmem:s29+$0x570]  }
0x4d: {  	v4 =	vld [tilespmem:s29+$0x1570]  }
0x4e: {  	v1 =	vadd.f32 v2, v1;
	v2 =	vmul.f32 v61, v5;
	_ =	sdelay $0x1  }
0x4f: {  	v1 =	vadd.f32 v2, v1;
	v2 =	vmul.f32 v63, v62;
	_ =	sdelay $0x1  }
0x50: {  	v1 =	vadd.f32 v2, v1;
	v2 =	vmul.f32 v4, v3;
	_ =	sdelay $0x1  }
0x51: {  	v1 =	vadd.f32 v2, v1  }
0x52: {  	p0 =	seq.s32 s24, $0x9  }
0x53: {  	s30 =	simm.s32 @!p0 $0x20;
	s31 =	simm.s32 @!p0 $0x500;
	[tilespmem:v0+s29+$0x0 ss:$0x1] =	vst.idx.msk $0xffff, v1;
	s29 =	sadd.s32 @!p0 $0x40, s28  }
0x54: {  	[tilespmem:s31], [sflag:$0x1] =	stream.indirect.gather @!p0 [hbm4b:s3+s30], $0x80, s29, s30, $0xb8;
	[tilespmem:$0x18500] =	vst v63  }
0x55: {  	s28 =	sadd.s32 @!p0 $0x2C0, s28;
	s29 =	simm.s32 @!p0 $0x1500  }
0x56: {  	[tilespmem:s29], [sflag:$0x2] =	stream.indirect.gather @!p0 [hbm4b:s3+s30], $0x80, s28, s30, $0xb8;
	[tilespmem:$0x18500] =	vst v63  }
0x57: {  	_ =	swait.ge [sflag:s18], $0x1000  }
0x58: {  	[sflag:s18] =	ssyncset.done $0x0  }
0x59: {  	[sflag:s18] =	ssyncadd.s32 $0xFFFFF000  }
0x5a: {  	_ =	swait.ge [sflag:s19], $0x1000  }
0x5b: {  	[sflag:s19] =	ssyncset.done $0x0  }
0x5c: {  	s28 =	simm.s32 $0x0;
	[sflag:s19] =	ssyncadd.s32 $0xFFFFF000  }
0x5d: {  	v1 =	vld [tilespmem:s28+$0x3500]  }
0x5e: {  	v2 =	vld [tilespmem:s28+$0x2500]  }
0x5f: {  	v0 =	vmov s26;
	s29 =	simm.s32 $0x200;
	v3 =	vld [tilespmem:s28+$0x2510]  }
.LBB2_6:
0x60: {  	p0 =	sne.s32 s29, $0x3E00;
	v4 =	vld [tilespmem:s28+$0x3510]  }
0x61: {  	v5 =	vld [tilespmem:s28+$0x2520]  }
0x62: {  	v6 =	vld [tilespmem:s28+$0x3520]  }
0x63: {  	v7 =	vld [tilespmem:s28+$0x2530]  }
0x64: {  	v8 =	vld [tilespmem:s28+$0x3530]  }
0x65: {  	v1 =	vmul.f32 v1, v2;
	v2 =	vmul.f32 v4, v3;
	v3 =	vld [tilespmem:s28+$0x2540]  }
0x66: {  	v4 =	vld [tilespmem:s28+$0x3540]  }
0x67: {  	v1 =	vadd.f32 v2, v1;
	v2 =	vmul.f32 v6, v5;
	v5 =	vld [tilespmem:s28+$0x2550]  }
0x68: {  	v6 =	vld [tilespmem:s28+$0x3550]  }
0x69: {  	v1 =	vadd.f32 v2, v1;
	v2 =	vmul.f32 v8, v7;
	v7 =	vld [tilespmem:s28+$0x2560]  }
0x6a: {  	v8 =	vld [tilespmem:s28+$0x3560]  }
0x6b: {  	v1 =	vadd.f32 v2, v1;
	v2 =	vmul.f32 v4, v3;
	v3 =	vld [tilespmem:s28+$0x2570]  }
0x6c: {  	v4 =	vld [tilespmem:s28+$0x3570]  }
0x6d: {  	v1 =	vadd.f32 v2, v1;
	v2 =	vmul.f32 v6, v5;
	_ =	sdelay $0x1  }
0x6e: {  	v1 =	vadd.f32 v2, v1;
	v2 =	vmul.f32 v8, v7;
	_ =	sdelay $0x1  }
0x6f: {  	v1 =	vadd.f32 v2, v1;
	v2 =	vmul.f32 v4, v3;
	_ =	sdelay $0x1  }
0x70: {  	v1 =	vadd.f32 v2, v1  }
.Ltmp1:
0x71: {  	(pc) =	sbr.rel @p0 .LBB2_6-.Ltmp1, $4  }
0x72: {  	[tilespmem:v0+s28+$0x0 ss:$0x1] =	vst.idx.msk $0xffff, v1;
	s28 =	sshra.s32 s29, $0x2  }
0x73: {  	v1 =	vld [tilespmem:s28+$0x3500]  }
0x74: {  	v2 =	vld [tilespmem:s28+$0x2500]  }
0x75: {  	s29 =	sadd.s32 $0x200, s29;
	v3 =	vld [tilespmem:s28+$0x2510]  }
0x76: {  	v4 =	vld [tilespmem:s28+$0x3510]  }
0x77: {  	v5 =	vld [tilespmem:s28+$0x2520]  }
0x78: {  	v6 =	vld [tilespmem:s28+$0x3520]  }
0x79: {  	v7 =	vld [tilespmem:s28+$0x2530]  }
0x7a: {  	v8 =	vld [tilespmem:s28+$0x3530]  }
0x7b: {  	v50 =	vld [tilespmem:s28+$0x2540];
	v1 =	vmul.f32 v1, v2;
	v49 =	vmul.f32 v4, v3  }
0x7c: {  	v51 =	vld [tilespmem:s28+$0x3540]  }
0x7d: {  	v53 =	vld [tilespmem:s28+$0x2550];
	v52 =	vmul.f32 v6, v5;
	v1 =	vadd.f32 v49, v1  }
0x7e: {  	v54 =	vld [tilespmem:s28+$0x3550]  }
0x7f: {  	v56 =	vld [tilespmem:s28+$0x2560];
	v55 =	vmul.f32 v8, v7;
	v1 =	vadd.f32 v52, v1  }
0x80: {  	v57 =	vld [tilespmem:s28+$0x3560]  }
0x81: {  	v59 =	vld [tilespmem:s28+$0x2570];
	v58 =	vmul.f32 v51, v50;
	v1 =	vadd.f32 v55, v1  }
0x82: {  	v60 =	vld [tilespmem:s28+$0x3570]  }
0x83: {  	v61 =	vmul.f32 v54, v53;
	v1 =	vadd.f32 v58, v1;
	_ =	sdelay $0x1  }
0x84: {  	s24 =	sadd.s32 $0x1, s24;
	v62 =	vmul.f32 v57, v56;
	v1 =	vadd.f32 v61, v1  }
0x85: {  	p0 =	sne.s32 s24, $0xA  }
.Ltmp2:
0x86: {  	v63 =	vmul.f32 v60, v59;
	v1 =	vadd.f32 v62, v1;
	(pc) =	sbr.rel @p0 .LBB2_3-.Ltmp2, $3  }
0x87: {  	_ = 	snop  }
0x88: {  	v1 =	vadd.f32 v63, v1;
	_ =	sdelay $0x1  }
0x89: {  	s25 =	sadd.s32 $0x2000, s25;
	s26 =	sadd.s32 $0x2000, s26;
	[tilespmem:v0+s28+$0x0 ss:$0x1] =	vst.idx.msk $0xffff, v1  }
0x8a: {  	s22 =	sadd.s32 $0x1, s22  }
0x8b: {  	s23 =	sshll.u32 s23, $0x4;
	p0 =	sne.s32 s22, $0x5  }
.Ltmp3:
0x8c: {  	s23 =	sadd.s32 s6, s23;
	(pc) =	sbr.rel @p0 .LBB2_2-.Ltmp3, $4  }
0x8d: {  	[hbm4b:s23+s1] =	stream.linear.scatter [tilespmem:s20], [sflag:$0x5], $0x14000, $0x38;
	[tilespmem:$0x18500] =	vst v63  }
0x8e: {  	_ =	swait.ge [sflag:s9], $0x14000  }
0x8f: {  	[sflag:s9] =	ssyncset.done $0x0  }
0x90: {  	[sflag:s9] =	ssyncadd.s32 $0xFFFEC000  }
0x91: {  	s21 =	sadd.s32 $0x1, s21  }
0x92: {  	p0 =	sne.s32 s21, s8  }
.Ltmp4:
0x93: {  	_ = 	snop;
	(pc) =	sbr.rel @p0 .LBB2_1-.Ltmp4, $1  }
0x94: {  	_ =	sdelay $0x3  }
0x95: {  	_ =	sfence.sel $0x180000  }
0x96: {  	[bflag:$0x0] =	sbarrier.arrive $0xFFFF  }
0x97: {  	p0 =	sne.s32 s2, $0x0;
	_ =	strace $0x90000047  }
0x98: {  	s0 =	sadd.s32 @!p0 $0x100000, s0;
	[bflag:$0x2] =	sbarrier.arrive $0xFFFF  }
0x99: {  	[sflag:s0] =	ssyncadd.tile.s32 @!p0 $0x1;
	_ =	shalt  }
.Lfunc_end2:
_tile_overlayer_lowered:
.L_overlay_start_2:
0x9a: {  	(tag) =	ssettag $0x2  }
0x9b: {  	s0 =	rddreg [dreg:$0x0];
	s2 =	stileid.u32  }
0x9c: {  	s1 =	rddreg [dreg:$0x1];
	p0 =	sne.s32 s2, $0x0  }
0x9d: {  	s3 =	rddreg [dreg:$0x2];
	[bflag:$0x3] =	sbarrier.arrive $0xFFFF;
	s2 =	simm.s32 @!p0 $0x1C05  }
0x9e: {  	[timem:s3], [sflag:s2] =	dma.local @!p0 [hbm:s0], s1  }
0x9f: {  	s0 =	simm.s32 @!p0 $0x5  }
0xa0: {  	_ =	swait.ge @!p0 [sflag:s0], s1  }
0xa1: {  	s1 =	ssub.s32 @!p0 $0x0, s1;
	[sflag:s0] =	ssyncset.done @!p0 $0x0  }
0xa2: {  	[sflag:s0] =	ssyncadd.s32 @!p0 s1  }
0xa3: {  	[bflag:$0x3] =	sbarrier.arrive $0xFFFF  }
0xa4: {  	_ =	shalt  }

</sc_bundles>
